<compile_context>
chip_gen: v7x
topology: tpu7x:2x2x1
jax: 0.10.2.dev20260603
libtpu: 0.0.44.dev20260713+nightly
codegen_flags: <defaults>
</compile_context>

<pallas_src>
import functools

import jax
import jax.numpy as jnp
from jax import lax
from jax.experimental import pallas as pl
from jax.experimental.pallas import tpu as pltpu
from jax.experimental.pallas import tpu_sc as plsc

NUM_CLASSES = 1_000_000
HIDDEN = 64
BATCH = 16384
NUM_CORES = 2
NUM_SUBCORES = 16
NUM_WORKERS = NUM_CORES * NUM_SUBCORES
B_PER_W = BATCH // NUM_WORKERS
NUM_GROUPS = (NUM_CLASSES + 127) // 128
G_PER_W = (NUM_GROUPS + NUM_WORKERS - 1) // NUM_WORKERS
OWN_CAP = 784
DEPTH = 3

_mesh = plsc.VectorSubcoreMesh(core_axis_name="c", subcore_axis_name="s")


@functools.partial(
    pl.kernel,
    mesh=_mesh,
    out_type=jax.ShapeDtypeStruct((BATCH, 1, 128), jnp.float32),
    scratch_types=[
        pltpu.VMEM((OWN_CAP + 16,), jnp.int32),
        pltpu.VMEM((OWN_CAP + 16,), jnp.int32),
        pltpu.VMEM((OWN_CAP + 16,), jnp.int32),
        pltpu.VMEM((OWN_CAP + 16,), jnp.int32),
        pltpu.VMEM((128,), jnp.int32),
        pltpu.VMEM((32,), jnp.int32),
        pltpu.VMEM((256,), jnp.int32),
        pltpu.VMEM((272,), jnp.int32),
        pltpu.VMEM((DEPTH, 8, 8, 128), jnp.float32),
        pltpu.VMEM((OWN_CAP, 1, 128), jnp.float32),
        pltpu.SemaphoreType.DMA,
        pltpu.SemaphoreType.DMA,
        pltpu.SemaphoreType.DMA,
        pltpu.SemaphoreType.DMA,
    ],
    compiler_params=pltpu.CompilerParams(needs_layout_passes=False),
)
def _sc_gather_rows(
    labels_hbm, table_hbm, rows_hbm,
    own_g, own_pv, sort_g, sort_pv, mem_pv, bstart, bitmap, glist, col_v, rowst, s0, s1, s2, srow,
):
    wid = lax.axis_index("s") * NUM_CORES + lax.axis_index("c")
    g_lo = wid * G_PER_W
    g_hi = jnp.minimum(g_lo + G_PER_W, NUM_GROUPS)
    lanes = lax.iota(jnp.int32, 16)
    zeros16 = jnp.zeros((16,), jnp.int32)
    fsems = [s0, s1, s2]

    pltpu.sync_copy(labels_hbm, rowst.at[pl.ds(0, BATCH // 128)])
    for t in range(16):
        bitmap[pl.ds(t * 16, 16)] = zeros16

    def scan(i, cur):
        lab_f = rowst[i >> 3, 0, pl.ds((i & 7) * 16, 16)]
        lab = plsc.bitcast(lab_f, jnp.int32)
        g = lab >> 7
        mask = (g >= g_lo) & (g < g_hi)
        pos = i * 16 + lanes
        pv = (pos << 7) | (lab & 127)
        plsc.store_compressed(own_g.at[pl.ds(cur, 16)], g, mask=mask)
        plsc.store_compressed(own_pv.at[pl.ds(cur, 16)], pv, mask=mask)
        slot = jnp.clip(g - g_lo, 0, 255)
        plsc.store_scatter(bitmap, [slot], jnp.ones((16,), jnp.int32), mask=mask)
        return cur + plsc.all_reduce_population_count(mask)[0]

    cnt = lax.fori_loop(0, BATCH // 16, scan, jnp.int32(0))
    own_g[pl.ds(cnt, 16)] = jnp.full((16,), -1, jnp.int32)
    kchunks0 = (cnt + 15) >> 4

    bcur = jnp.int32(0)
    bst_parts = []
    for b in range(16):
        b_sp = jnp.full((16,), b, jnp.int32)
        bst_parts.append(jnp.where(lanes == b, jnp.broadcast_to(bcur, (16,)), 0))

        def bscan(k, cur2, b_sp=b_sp):
            chunk = own_g[pl.ds(k * 16, 16)]
            mask = ((chunk - g_lo) >> 4) == b_sp
            mask = mask & (chunk >= 0)
            pvc = own_pv[pl.ds(k * 16, 16)]
            plsc.store_compressed(sort_g.at[pl.ds(cur2, 16)], chunk, mask=mask)
            plsc.store_compressed(sort_pv.at[pl.ds(cur2, 16)], pvc, mask=mask)
            return cur2 + plsc.all_reduce_population_count(mask)[0]

        bcur = lax.fori_loop(0, kchunks0, bscan, bcur)
    bst_vec = bst_parts[0]
    for part in bst_parts[1:]:
        bst_vec = bst_vec | part
    bstart[pl.ds(0, 16)] = bst_vec
    bstart[pl.ds(16, 16)] = jnp.broadcast_to(bcur, (16,))
    sort_g[pl.ds(bcur, 16)] = jnp.full((16,), -1, jnp.int32)

    def compress(t, gcur):
        chunk = bitmap[pl.ds(t * 16, 16)]
        mask = chunk > 0
        plsc.store_compressed(glist.at[pl.ds(gcur, 16)], g_lo + t * 16 + lanes, mask=mask)
        return gcur + plsc.all_reduce_population_count(mask)[0]

    gcnt = lax.fori_loop(0, 16, compress, jnp.int32(0))
    gmax = jnp.maximum(gcnt - 1, 0)

    def fire(idx, slot):
        gi = plsc.load_gather(
            glist, [jnp.broadcast_to(jnp.minimum(idx, gmax), (16,)).astype(jnp.int32)]
        )
        gc = jnp.clip(gi[0], 0, NUM_GROUPS - 1)
        pltpu.async_copy(
            table_hbm.at[:, :, pl.ds(pl.multiple_of(gc * 128, 128), 128)],
            col_v.at[slot], fsems[slot],
        )

    for k in range(DEPTH):
        fire(jnp.int32(k), k)


    def process(idx, slot, rowidx):
        pltpu.make_async_copy(
            table_hbm.at[:, :, pl.ds(0, 128)], col_v.at[slot], fsems[slot]
        ).wait()
        gi_sp = plsc.load_gather(
            glist, [jnp.broadcast_to(jnp.minimum(idx, gmax), (16,)).astype(jnp.int32)]
        )
        slot_sp = jnp.full((16,), slot, jnp.int32)
        bidx = (jnp.clip(gi_sp[0], g_lo, g_hi - 1) - g_lo) >> 4
        bs = plsc.load_gather(bstart, [jnp.broadcast_to(bidx, (16,)).astype(jnp.int32)])[0]
        be = plsc.load_gather(
            bstart, [jnp.broadcast_to(bidx + 1, (16,)).astype(jnp.int32)]
        )[0]

        def mscan(k, mcur):
            chunk = sort_g[pl.ds(k * 16, 16)]
            mask = chunk == gi_sp
            pvc = sort_pv[pl.ds(k * 16, 16)]
            plsc.store_compressed(mem_pv.at[pl.ds(mcur, 16)], pvc, mask=mask)
            return mcur + plsc.all_reduce_population_count(mask)[0]

        mcnt = lax.fori_loop(bs >> 4, (be + 15) >> 4, mscan, jnp.int32(0))

        def member(m, ridx):
            pv_sp = plsc.load_gather(mem_pv, [jnp.broadcast_to(m, (16,)).astype(jnp.int32)])
            m_sp = pv_sp & 127
            p = jnp.clip(pv_sp[0] >> 7, 0, BATCH - 1)
            for c in range(4):
                r_ids = (c * 16 + lanes) >> 3
                h8_ids = (c * 16 + lanes) & 7
                vals = plsc.load_gather(col_v, [slot_sp, r_ids, h8_ids, m_sp])
                rowst[ridx, 0, pl.ds(c * 16, 16)] = vals
            pltpu.async_copy(rowst.at[pl.ds(ridx, 1)], rows_hbm.at[pl.ds(p, 1)], srow)
            return ridx + 1

        rowidx = lax.fori_loop(0, mcnt, member, rowidx)
        fire(idx + DEPTH, slot)
        return rowidx

    def per_round(it, carry):
        rowidx = carry
        for k in range(DEPTH):
            rowidx = process(it * DEPTH + k, k, rowidx)
        return rowidx

    nrounds = (gcnt + DEPTH - 1) // DEPTH
    total_rows = lax.fori_loop(0, nrounds, per_round, jnp.int32(0))

    for k in range(DEPTH):
        pltpu.make_async_copy(
            table_hbm.at[:, :, pl.ds(0, 128)], col_v.at[k], fsems[k]
        ).wait()

    def drain(m, carry):
        pltpu.make_async_copy(
            rows_hbm.at[pl.ds(0, 1)], rowst.at[pl.ds(0, 1)], srow
        ).wait()
        return carry

    lax.fori_loop(0, total_rows, drain, jnp.int32(0))


def kernel(labels, embedding_table):
    table3 = embedding_table.T.reshape(8, 8, NUM_CLASSES)
    labels_f = lax.bitcast_convert_type(labels.astype(jnp.int32), jnp.float32)
    labels3 = labels_f.reshape(BATCH // 128, 1, 128)
    rows = _sc_gather_rows(labels3, table3)
    return rows.reshape(BATCH, 128)[:, :HIDDEN]

# --- scband reference (transcript-rebuilt; emitter-appended) ---
"""Pipeline reference for scband-label-embedding-154618823401 (READ-ONLY COPY).

The authoritative reference and input builder live on the scoring server;
editing this copy changes nothing except your own understanding.
"""

import jax, jax.numpy as jnp
import numpy as np

NUM_CLASSES = 1000000
HIDDEN_SIZE = 64
DROPOUT_PROB = 0.0
BATCH = 16384

def setup_inputs(seed: int = 0) -> dict:
    key = jax.random.key(seed)
    k1, k2 = jax.random.split(key)
    labels = jax.random.randint(k1, (BATCH,), 0, NUM_CLASSES, dtype=jnp.int64) if jax.config.jax_enable_x64 else jax.random.randint(k1, (BATCH,), 0, NUM_CLASSES, dtype=jnp.int32)
    # embedding table: num_classes + use_cfg_embedding rows; dropout_prob=0.0 -> no cfg row
    use_cfg = 1 if DROPOUT_PROB > 0 else 0
    embedding_table = jax.random.normal(k2, (NUM_CLASSES + use_cfg, HIDDEN_SIZE), dtype=jnp.float32)
    return {"labels": labels, "embedding_table": embedding_table}

def reference(labels, embedding_table):
    # LabelEmbedding.forward: dropout_prob=0.0 and force_drop_ids=None, so no token_drop.
    # Pure embedding lookup.
    embeddings = jnp.take(embedding_table, labels, axis=0)
    return embeddings

if __name__ == "__main__":
    import jax
    _d = setup_inputs()
    print(jax.jit(kernel)(*tuple(_d.values())))

</pallas_src>

<mosaic_0001>
#map = affine_map<(d0, d1) -> (0, 0, 0)>
module attributes {stable_mosaic.version = 14 : i64} {
  func.func @_sc_gather_rows(%arg0: i32, %arg1: i32, %arg2: memref<128x1x128xf32, #tpu.memory_space<hbm>>, %arg3: memref<8x8x1000000xf32, #tpu.memory_space<hbm>>, %arg4: memref<16384x1x128xf32, #tpu.memory_space<hbm>>, %arg5: memref<800xi32, #tpu.memory_space<vmem>>, %arg6: memref<800xi32, #tpu.memory_space<vmem>>, %arg7: memref<800xi32, #tpu.memory_space<vmem>>, %arg8: memref<800xi32, #tpu.memory_space<vmem>>, %arg9: memref<128xi32, #tpu.memory_space<vmem>>, %arg10: memref<32xi32, #tpu.memory_space<vmem>>, %arg11: memref<256xi32, #tpu.memory_space<vmem>>, %arg12: memref<272xi32, #tpu.memory_space<vmem>>, %arg13: memref<3x8x8x128xf32, #tpu.memory_space<vmem>>, %arg14: memref<784x1x128xf32, #tpu.memory_space<vmem>>, %arg15: memref<!tpu.dma_semaphore, #tpu.memory_space<semaphore_mem>>, %arg16: memref<!tpu.dma_semaphore, #tpu.memory_space<semaphore_mem>>, %arg17: memref<!tpu.dma_semaphore, #tpu.memory_space<semaphore_mem>>, %arg18: memref<!tpu.dma_semaphore, #tpu.memory_space<semaphore_mem>>) attributes {dimension_semantics = [#tpu.dimension_semantics<core_parallel>, #tpu.dimension_semantics<subcore_parallel>], iteration_bounds = array<i64: 2, 16>, scalar_prefetch = 0 : i64, scratch_operands = 14 : i64, tpu.core_type = #tpu.core_type<sc_vector_subcore>, window_params = [{transform_indices = #map}, {transform_indices = #map}, {transform_indices = #map}]} {
    %mul3A = arith.constant 2 : i32
    %mul3A_0 = arith.muli %arg1, %mul3A : i32
    %add3A = arith.addi %mul3A_0, %arg0 : i32
    %mul3A_1 = arith.constant 245 : i32
    %mul3A_2 = arith.muli %add3A, %mul3A_1 : i32
    %add3A_3 = arith.constant 245 : i32
    %add3A_4 = arith.addi %mul3A_2, %add3A_3 : i32
    %min3A = arith.constant 7813 : i32
    %min3A_5 = arith.minsi %add3A_4, %min3A : i32
    %iota3A = tpu.iota {dimensions = array<i32: 0>} : vector<16xi32>
    %broadcast_in_dim3A = arith.constant 0 : i32
    %broadcast_in_dim3A_6 = vector.broadcast %broadcast_in_dim3A : i32 to vector<16xi32>
    "tpu.region"() ({
      %run_scoped3A = tpu.sem_alloc : memref<!tpu.dma_semaphore, #tpu.memory_space<semaphore_mem>>
      %dma_start3A_587 = arith.constant 0 : i32
      %dma_start3A_588 = arith.constant 0 : i32
      %dma_start3A_589 = arith.constant 0 : i32
      %dma_start3A_590 = tpu.memref_slice %arg14[%dma_start3A_587, %dma_start3A_588, %dma_start3A_589] : memref<784x1x128xf32, #tpu.memory_space<vmem>> -> memref<128x1x128xf32, #tpu.memory_space<vmem>>
      %dma_start3A_591 = arith.constant 0 : i32
      %dma_start3A_592 = arith.constant 0 : i32
      %dma_start3A_593 = arith.constant 0 : i32
      %dma_start3A_594 = tpu.memref_slice %arg14[%dma_start3A_591, %dma_start3A_592, %dma_start3A_593] : memref<784x1x128xf32, #tpu.memory_space<vmem>> -> memref<128x1x128xf32, #tpu.memory_space<vmem>>
      tpu.enqueue_dma source(%arg2 : memref<128x1x128xf32, #tpu.memory_space<hbm>>) target(%dma_start3A_594 : memref<128x1x128xf32, #tpu.memory_space<vmem>>) target_semaphore(%run_scoped3A : memref<!tpu.dma_semaphore, #tpu.memory_space<semaphore_mem>>)
      %dma_wait3A_595 = arith.constant 0 : i32
      %dma_wait3A_596 = arith.constant 0 : i32
      %dma_wait3A_597 = arith.constant 0 : i32
      %dma_wait3A_598 = tpu.memref_slice %arg14[%dma_wait3A_595, %dma_wait3A_596, %dma_wait3A_597] : memref<784x1x128xf32, #tpu.memory_space<vmem>> -> memref<128x1x128xf32, #tpu.memory_space<vmem>>
      %dma_wait3A_599 = arith.constant 0 : i32
      %dma_wait3A_600 = arith.constant 0 : i32
      %dma_wait3A_601 = arith.constant 0 : i32
      %dma_wait3A_602 = tpu.memref_slice %arg14[%dma_wait3A_599, %dma_wait3A_600, %dma_wait3A_601] : memref<784x1x128xf32, #tpu.memory_space<vmem>> -> memref<128x1x128xf32, #tpu.memory_space<vmem>>
      tpu.wait_dma2 semaphore(%run_scoped3A : memref<!tpu.dma_semaphore, #tpu.memory_space<semaphore_mem>>) src(%arg2 : memref<128x1x128xf32, #tpu.memory_space<hbm>>) dst(%dma_wait3A_602 : memref<128x1x128xf32, #tpu.memory_space<vmem>>)
      tpu.yield
    }) : () -> ()
    %swap3A = arith.constant 0 : index
    %swap3A_7 = tpu.vector_load %arg11[%swap3A] {strides = array<i32>} : memref<256xi32, #tpu.memory_space<vmem>>, vector<16xi32>,
    tpu.vector_store %arg11[%swap3A], %broadcast_in_dim3A_6 {strides = array<i32>} : memref<256xi32, #tpu.memory_space<vmem>>, vector<16xi32>,
    %swap3A_8 = arith.constant 16 : index
    %swap3A_9 = tpu.vector_load %arg11[%swap3A_8] {strides = array<i32>} : memref<256xi32, #tpu.memory_space<vmem>>, vector<16xi32>,
    tpu.vector_store %arg11[%swap3A_8], %broadcast_in_dim3A_6 {strides = array<i32>} : memref<256xi32, #tpu.memory_space<vmem>>, vector<16xi32>,
    %swap3A_10 = arith.constant 32 : index
    %swap3A_11 = tpu.vector_load %arg11[%swap3A_10] {strides = array<i32>} : memref<256xi32, #tpu.memory_space<vmem>>, vector<16xi32>,
    tpu.vector_store %arg11[%swap3A_10], %broadcast_in_dim3A_6 {strides = array<i32>} : memref<256xi32, #tpu.memory_space<vmem>>, vector<16xi32>,
    %swap3A_12 = arith.constant 48 : index
    %swap3A_13 = tpu.vector_load %arg11[%swap3A_12] {strides = array<i32>} : memref<256xi32, #tpu.memory_space<vmem>>, vector<16xi32>,
    tpu.vector_store %arg11[%swap3A_12], %broadcast_in_dim3A_6 {strides = array<i32>} : memref<256xi32, #tpu.memory_space<vmem>>, vector<16xi32>,
    %swap3A_14 = arith.constant 64 : index
    %swap3A_15 = tpu.vector_load %arg11[%swap3A_14] {strides = array<i32>} : memref<256xi32, #tpu.memory_space<vmem>>, vector<16xi32>,
    tpu.vector_store %arg11[%swap3A_14], %broadcast_in_dim3A_6 {strides = array<i32>} : memref<256xi32, #tpu.memory_space<vmem>>, vector<16xi32>,
    %swap3A_16 = arith.constant 80 : index
    %swap3A_17 = tpu.vector_load %arg11[%swap3A_16] {strides = array<i32>} : memref<256xi32, #tpu.memory_space<vmem>>, vector<16xi32>,
    tpu.vector_store %arg11[%swap3A_16], %broadcast_in_dim3A_6 {strides = array<i32>} : memref<256xi32, #tpu.memory_space<vmem>>, vector<16xi32>,
    %swap3A_18 = arith.constant 96 : index
    %swap3A_19 = tpu.vector_load %arg11[%swap3A_18] {strides = array<i32>} : memref<256xi32, #tpu.memory_space<vmem>>, vector<16xi32>,
    tpu.vector_store %arg11[%swap3A_18], %broadcast_in_dim3A_6 {strides = array<i32>} : memref<256xi32, #tpu.memory_space<vmem>>, vector<16xi32>,
    %swap3A_20 = arith.constant 112 : index
    %swap3A_21 = tpu.vector_load %arg11[%swap3A_20] {strides = array<i32>} : memref<256xi32, #tpu.memory_space<vmem>>, vector<16xi32>,
    tpu.vector_store %arg11[%swap3A_20], %broadcast_in_dim3A_6 {strides = array<i32>} : memref<256xi32, #tpu.memory_space<vmem>>, vector<16xi32>,
    %swap3A_22 = arith.constant 128 : index
    %swap3A_23 = tpu.vector_load %arg11[%swap3A_22] {strides = array<i32>} : memref<256xi32, #tpu.memory_space<vmem>>, vector<16xi32>,
    tpu.vector_store %arg11[%swap3A_22], %broadcast_in_dim3A_6 {strides = array<i32>} : memref<256xi32, #tpu.memory_space<vmem>>, vector<16xi32>,
    %swap3A_24 = arith.constant 144 : index
    %swap3A_25 = tpu.vector_load %arg11[%swap3A_24] {strides = array<i32>} : memref<256xi32, #tpu.memory_space<vmem>>, vector<16xi32>,
    tpu.vector_store %arg11[%swap3A_24], %broadcast_in_dim3A_6 {strides = array<i32>} : memref<256xi32, #tpu.memory_space<vmem>>, vector<16xi32>,
    %swap3A_26 = arith.constant 160 : index
    %swap3A_27 = tpu.vector_load %arg11[%swap3A_26] {strides = array<i32>} : memref<256xi32, #tpu.memory_space<vmem>>, vector<16xi32>,
    tpu.vector_store %arg11[%swap3A_26], %broadcast_in_dim3A_6 {strides = array<i32>} : memref<256xi32, #tpu.memory_space<vmem>>, vector<16xi32>,
    %swap3A_28 = arith.constant 176 : index
    %swap3A_29 = tpu.vector_load %arg11[%swap3A_28] {strides = array<i32>} : memref<256xi32, #tpu.memory_space<vmem>>, vector<16xi32>,
    tpu.vector_store %arg11[%swap3A_28], %broadcast_in_dim3A_6 {strides = array<i32>} : memref<256xi32, #tpu.memory_space<vmem>>, vector<16xi32>,
    %swap3A_30 = arith.constant 192 : index
    %swap3A_31 = tpu.vector_load %arg11[%swap3A_30] {strides = array<i32>} : memref<256xi32, #tpu.memory_space<vmem>>, vector<16xi32>,
    tpu.vector_store %arg11[%swap3A_30], %broadcast_in_dim3A_6 {strides = array<i32>} : memref<256xi32, #tpu.memory_space<vmem>>, vector<16xi32>,
    %swap3A_32 = arith.constant 208 : index
    %swap3A_33 = tpu.vector_load %arg11[%swap3A_32] {strides = array<i32>} : memref<256xi32, #tpu.memory_space<vmem>>, vector<16xi32>,
    tpu.vector_store %arg11[%swap3A_32], %broadcast_in_dim3A_6 {strides = array<i32>} : memref<256xi32, #tpu.memory_space<vmem>>, vector<16xi32>,
    %swap3A_34 = arith.constant 224 : index
    %swap3A_35 = tpu.vector_load %arg11[%swap3A_34] {strides = array<i32>} : memref<256xi32, #tpu.memory_space<vmem>>, vector<16xi32>,
    tpu.vector_store %arg11[%swap3A_34], %broadcast_in_dim3A_6 {strides = array<i32>} : memref<256xi32, #tpu.memory_space<vmem>>, vector<16xi32>,
    %swap3A_36 = arith.constant 240 : index
    %swap3A_37 = tpu.vector_load %arg11[%swap3A_36] {strides = array<i32>} : memref<256xi32, #tpu.memory_space<vmem>>, vector<16xi32>,
    tpu.vector_store %arg11[%swap3A_36], %broadcast_in_dim3A_6 {strides = array<i32>} : memref<256xi32, #tpu.memory_space<vmem>>, vector<16xi32>,
    %scan3A = arith.constant 0 : i32
    %scan3A_38 = arith.constant 0 : i32
    %scan3A_39 = arith.constant 1024 : i32
    %scan3A_40 = arith.addi %scan3A_38, %scan3A_39 : i32
    %scan3A_41 = arith.constant 1 : i32
    %scan3A_42 = scf.for %scan3A_587 = %scan3A_38 to %scan3A_40 step %scan3A_41 iter_args(%scan3A_588 = %scan3A) -> (i32)  : i32 {
      %shift_right_arithmetic3A_589 = arith.constant 3 : i32
      %shift_right_arithmetic3A_590 = arith.shrsi %scan3A_587, %shift_right_arithmetic3A_589 : i32
      %and3A_591 = arith.constant 7 : i32
      %and3A_592 = arith.andi %scan3A_587, %and3A_591 : i32
      %mul3A_593 = arith.constant 16 : i32
      %mul3A_594 = arith.muli %and3A_592, %mul3A_593 : i32
      %get3A = arith.constant 0 : i32
      %get3A_595 = arith.index_cast %shift_right_arithmetic3A_590 : i32 to index
      %get3A_596 = arith.index_cast %get3A : i32 to index
      %get3A_597 = arith.index_cast %mul3A_594 : i32 to index
      %get3A_598 = tpu.vector_load %arg14[%get3A_595, %get3A_596, %get3A_597] {strides = array<i32>} : memref<784x1x128xf32, #tpu.memory_space<vmem>>, vector<16xf32>,
      %bitcast3A = vector.bitcast %get3A_598 : vector<16xf32> to vector<16xi32>
      %shift_right_arithmetic3A_599 = arith.constant 7 : i32
      %shift_right_arithmetic3A_600 = vector.broadcast %shift_right_arithmetic3A_599 : i32 to vector<16xi32>
      %shift_right_arithmetic3A_601 = arith.shrsi %bitcast3A, %shift_right_arithmetic3A_600 : vector<16xi32>
      %ge3A = vector.broadcast %mul3A_2 : i32 to vector<16xi32>
      %ge3A_602 = arith.cmpi sge, %shift_right_arithmetic3A_601, %ge3A : vector<16xi32>
      %lt3A = vector.broadcast %min3A_5 : i32 to vector<16xi32>
      %lt3A_603 = arith.cmpi slt, %shift_right_arithmetic3A_601, %lt3A : vector<16xi32>
      %and3A_604 = arith.andi %ge3A_602, %lt3A_603 : vector<16xi1>
      %mul3A_605 = arith.constant 16 : i32
      %mul3A_606 = arith.muli %scan3A_587, %mul3A_605 : i32
      %add3A_607 = vector.broadcast %mul3A_606 : i32 to vector<16xi32>
      %add3A_608 = arith.addi %add3A_607, %iota3A : vector<16xi32>
      %shift_left3A = arith.constant 7 : i32
      %shift_left3A_609 = vector.broadcast %shift_left3A : i32 to vector<16xi32>
      %shift_left3A_610 = arith.shli %add3A_608, %shift_left3A_609 : vector<16xi32>
      %and3A_611 = arith.constant 127 : i32
      %and3A_612 = vector.broadcast %and3A_611 : i32 to vector<16xi32>
      %and3A_613 = arith.andi %bitcast3A, %and3A_612 : vector<16xi32>
      %or3A_614 = arith.ori %shift_left3A_610, %and3A_613 : vector<16xi32>
      %swap3A_615 = arith.index_cast %scan3A_588 : i32 to index
      %swap3A_616 = tpu.vector_load %arg5[%swap3A_615] masked %and3A_604 {strides = array<i32>} : memref<800xi32, #tpu.memory_space<vmem>>, vector<16xi32>, vector<16xi1>
      tpu.vector_store %arg5[%swap3A_615], %shift_right_arithmetic3A_601 masked %and3A_604 {strides = array<i32>} : memref<800xi32, #tpu.memory_space<vmem>>, vector<16xi32>, vector<16xi1>
      %swap3A_617 = arith.index_cast %scan3A_588 : i32 to index
      %swap3A_618 = tpu.vector_load %arg6[%swap3A_617] masked %and3A_604 {strides = array<i32>} : memref<800xi32, #tpu.memory_space<vmem>>, vector<16xi32>, vector<16xi1>
      tpu.vector_store %arg6[%swap3A_617], %or3A_614 masked %and3A_604 {strides = array<i32>} : memref<800xi32, #tpu.memory_space<vmem>>, vector<16xi32>, vector<16xi1>
      %sub3A_619 = vector.broadcast %mul3A_2 : i32 to vector<16xi32>
      %sub3A_620 = arith.subi %shift_right_arithmetic3A_601, %sub3A_619 : vector<16xi32>
      %jit3A_621 = arith.constant 0 : i32
      %jit3A_622 = arith.constant 255 : i32
      %max3A_623 = vector.broadcast %jit3A_621 : i32 to vector<16xi32>
      %max3A_624 = arith.maxsi %max3A_623, %sub3A_620 : vector<16xi32>
      %min3A_625 = vector.broadcast %jit3A_622 : i32 to vector<16xi32>
      %min3A_626 = arith.minsi %min3A_625, %max3A_624 : vector<16xi32>
      %broadcast_in_dim3A_627 = arith.constant 1 : i32
      %broadcast_in_dim3A_628 = vector.broadcast %broadcast_in_dim3A_627 : i32 to vector<16xi32>
      tpu.vector_store_idx %arg11[%min3A_626], %broadcast_in_dim3A_628 masked %and3A_604 : memref<256xi32, #tpu.memory_space<vmem>>[vector<16xi32>], vector<16xi32>, vector<16xi1>
      %all_reduce_population_count3A = tpu.all_reduce %and3A_604 {dim = 0 : i64, kind = #tpu.reduction_kind<sum>} : vector<16xi1> -> vector<16xi32>
      %slice3A_629 = vector.extract_strided_slice %all_reduce_population_count3A {offsets = [0], sizes = [1], strides = [1]} : vector<16xi32> to vector<1xi32>
      %squeeze3A_630 = vector.extract %slice3A_629[0] : i32 from vector<1xi32>
      %add3A_631 = arith.addi %scan3A_588, %squeeze3A_630 : i32
      scf.yield %add3A_631 : i32
    }
    %scan3A_43 = arith.constant 1024 : i32
    %broadcast_in_dim3A_44 = arith.constant -1 : i32
    %broadcast_in_dim3A_45 = vector.broadcast %broadcast_in_dim3A_44 : i32 to vector<16xi32>
    %swap3A_46 = arith.index_cast %scan3A_42 : i32 to index
    %swap3A_47 = tpu.vector_load %arg5[%swap3A_46] {strides = array<i32>} : memref<800xi32, #tpu.memory_space<vmem>>, vector<16xi32>,
    tpu.vector_store %arg5[%swap3A_46], %broadcast_in_dim3A_45 {strides = array<i32>} : memref<800xi32, #tpu.memory_space<vmem>>, vector<16xi32>,
    %add3A_48 = arith.constant 15 : i32
    %add3A_49 = arith.addi %scan3A_42, %add3A_48 : i32
    %shift_right_arithmetic3A = arith.constant 4 : i32
    %shift_right_arithmetic3A_50 = arith.shrsi %add3A_49, %shift_right_arithmetic3A : i32
    %broadcast_in_dim3A_51 = arith.constant 0 : i32
    %broadcast_in_dim3A_52 = vector.broadcast %broadcast_in_dim3A_51 : i32 to vector<16xi32>
    %eq3A = arith.constant 0 : i32
    %eq3A_53 = vector.broadcast %eq3A : i32 to vector<16xi32>
    %eq3A_54 = arith.cmpi eq, %iota3A, %eq3A_53 : vector<16xi32>
    %broadcast_in_dim3A_55 = arith.constant 0 : i32
    %broadcast_in_dim3A_56 = vector.broadcast %broadcast_in_dim3A_55 : i32 to vector<16xi32>
    %jit3A = arith.constant 0 : i32
    %broadcast_in_dim3A_57 = vector.broadcast %jit3A : i32 to vector<16xi32>
    %select_n3A = arith.select %eq3A_54, %broadcast_in_dim3A_56, %broadcast_in_dim3A_57 : vector<16xi1>, vector<16xi32>
    %while3A = arith.constant 0 : i32
    %while3A_58 = arith.constant 0 : i32
    %while3A_59 = arith.subi %shift_right_arithmetic3A_50, %while3A : i32
    %while3A_60 = arith.addi %while3A, %while3A_59 : i32
    %while3A_61 = arith.constant 1 : i32
    %while3A_62 = arith.divsi %while3A_59, %while3A_61 : i32
    %while3A_63 = arith.muli %while3A_62, %while3A_61 : i32
    %while3A_64 = arith.addi %while3A, %while3A_63 : i32
    %while3A_65 = arith.constant 1 : i32
    %while3A_66 = scf.for %while3A_587 = %while3A to %while3A_64 step %while3A_65 iter_args(%while3A_588 = %while3A_58) -> (i32)  : i32 {
      %mul3A_589 = arith.constant 16 : i32
      %mul3A_590 = arith.muli %while3A_587, %mul3A_589 : i32
      %get3A = arith.index_cast %mul3A_590 : i32 to index
      %get3A_591 = tpu.vector_load %arg5[%get3A] {strides = array<i32>} : memref<800xi32, #tpu.memory_space<vmem>>, vector<16xi32>,
      %sub3A_592 = vector.broadcast %mul3A_2 : i32 to vector<16xi32>
      %sub3A_593 = arith.subi %get3A_591, %sub3A_592 : vector<16xi32>
      %shift_right_arithmetic3A_594 = arith.constant 4 : i32
      %shift_right_arithmetic3A_595 = vector.broadcast %shift_right_arithmetic3A_594 : i32 to vector<16xi32>
      %shift_right_arithmetic3A_596 = arith.shrsi %sub3A_593, %shift_right_arithmetic3A_595 : vector<16xi32>
      %eq3A_597 = arith.cmpi eq, %shift_right_arithmetic3A_596, %broadcast_in_dim3A_52 : vector<16xi32>
      %ge3A = arith.constant 0 : i32
      %ge3A_598 = vector.broadcast %ge3A : i32 to vector<16xi32>
      %ge3A_599 = arith.cmpi sge, %get3A_591, %ge3A_598 : vector<16xi32>
      %and3A_600 = arith.andi %eq3A_597, %ge3A_599 : vector<16xi1>
      %mul3A_601 = arith.constant 16 : i32
      %mul3A_602 = arith.muli %while3A_587, %mul3A_601 : i32
      %get3A_603 = arith.index_cast %mul3A_602 : i32 to index
      %get3A_604 = tpu.vector_load %arg6[%get3A_603] {strides = array<i32>} : memref<800xi32, #tpu.memory_space<vmem>>, vector<16xi32>,
      %swap3A_605 = arith.index_cast %while3A_588 : i32 to index
      %swap3A_606 = tpu.vector_load %arg7[%swap3A_605] masked %and3A_600 {strides = array<i32>} : memref<800xi32, #tpu.memory_space<vmem>>, vector<16xi32>, vector<16xi1>
      tpu.vector_store %arg7[%swap3A_605], %get3A_591 masked %and3A_600 {strides = array<i32>} : memref<800xi32, #tpu.memory_space<vmem>>, vector<16xi32>, vector<16xi1>
      %swap3A_607 = arith.index_cast %while3A_588 : i32 to index
      %swap3A_608 = tpu.vector_load %arg8[%swap3A_607] masked %and3A_600 {strides = array<i32>} : memref<800xi32, #tpu.memory_space<vmem>>, vector<16xi32>, vector<16xi1>
      tpu.vector_store %arg8[%swap3A_607], %get3A_604 masked %and3A_600 {strides = array<i32>} : memref<800xi32, #tpu.memory_space<vmem>>, vector<16xi32>, vector<16xi1>
      %all_reduce_population_count3A = tpu.all_reduce %and3A_600 {dim = 0 : i64, kind = #tpu.reduction_kind<sum>} : vector<16xi1> -> vector<16xi32>
      %slice3A_609 = vector.extract_strided_slice %all_reduce_population_count3A {offsets = [0], sizes = [1], strides = [1]} : vector<16xi32> to vector<1xi32>
      %squeeze3A_610 = vector.extract %slice3A_609[0] : i32 from vector<1xi32>
      %add3A_611 = arith.addi %while3A_588, %squeeze3A_610 : i32
      scf.yield %add3A_611 : i32
    }
    %while3A_67 = arith.constant 1 : i32
    %while3A_68 = scf.for %while3A_587 = %while3A_64 to %while3A_60 step %while3A_67 iter_args(%while3A_588 = %while3A_66) -> (i32)  : i32 {
      %mul3A_589 = arith.constant 16 : i32
      %mul3A_590 = arith.muli %while3A_587, %mul3A_589 : i32
      %get3A = arith.index_cast %mul3A_590 : i32 to index
      %get3A_591 = tpu.vector_load %arg5[%get3A] {strides = array<i32>} : memref<800xi32, #tpu.memory_space<vmem>>, vector<16xi32>,
      %sub3A_592 = vector.broadcast %mul3A_2 : i32 to vector<16xi32>
      %sub3A_593 = arith.subi %get3A_591, %sub3A_592 : vector<16xi32>
      %shift_right_arithmetic3A_594 = arith.constant 4 : i32
      %shift_right_arithmetic3A_595 = vector.broadcast %shift_right_arithmetic3A_594 : i32 to vector<16xi32>
      %shift_right_arithmetic3A_596 = arith.shrsi %sub3A_593, %shift_right_arithmetic3A_595 : vector<16xi32>
      %eq3A_597 = arith.cmpi eq, %shift_right_arithmetic3A_596, %broadcast_in_dim3A_52 : vector<16xi32>
      %ge3A = arith.constant 0 : i32
      %ge3A_598 = vector.broadcast %ge3A : i32 to vector<16xi32>
      %ge3A_599 = arith.cmpi sge, %get3A_591, %ge3A_598 : vector<16xi32>
      %and3A_600 = arith.andi %eq3A_597, %ge3A_599 : vector<16xi1>
      %mul3A_601 = arith.constant 16 : i32
      %mul3A_602 = arith.muli %while3A_587, %mul3A_601 : i32
      %get3A_603 = arith.index_cast %mul3A_602 : i32 to index
      %get3A_604 = tpu.vector_load %arg6[%get3A_603] {strides = array<i32>} : memref<800xi32, #tpu.memory_space<vmem>>, vector<16xi32>,
      %swap3A_605 = arith.index_cast %while3A_588 : i32 to index
      %swap3A_606 = tpu.vector_load %arg7[%swap3A_605] masked %and3A_600 {strides = array<i32>} : memref<800xi32, #tpu.memory_space<vmem>>, vector<16xi32>, vector<16xi1>
      tpu.vector_store %arg7[%swap3A_605], %get3A_591 masked %and3A_600 {strides = array<i32>} : memref<800xi32, #tpu.memory_space<vmem>>, vector<16xi32>, vector<16xi1>
      %swap3A_607 = arith.index_cast %while3A_588 : i32 to index
      %swap3A_608 = tpu.vector_load %arg8[%swap3A_607] masked %and3A_600 {strides = array<i32>} : memref<800xi32, #tpu.memory_space<vmem>>, vector<16xi32>, vector<16xi1>
      tpu.vector_store %arg8[%swap3A_607], %get3A_604 masked %and3A_600 {strides = array<i32>} : memref<800xi32, #tpu.memory_space<vmem>>, vector<16xi32>, vector<16xi1>
      %all_reduce_population_count3A = tpu.all_reduce %and3A_600 {dim = 0 : i64, kind = #tpu.reduction_kind<sum>} : vector<16xi1> -> vector<16xi32>
      %slice3A_609 = vector.extract_strided_slice %all_reduce_population_count3A {offsets = [0], sizes = [1], strides = [1]} : vector<16xi32> to vector<1xi32>
      %squeeze3A_610 = vector.extract %slice3A_609[0] : i32 from vector<1xi32>
      %add3A_611 = arith.addi %while3A_588, %squeeze3A_610 : i32
      scf.yield %add3A_611 : i32
    }
    %broadcast_in_dim3A_69 = arith.constant 1 : i32
    %broadcast_in_dim3A_70 = vector.broadcast %broadcast_in_dim3A_69 : i32 to vector<16xi32>
    %eq3A_71 = arith.constant 1 : i32
    %eq3A_72 = vector.broadcast %eq3A_71 : i32 to vector<16xi32>
    %eq3A_73 = arith.cmpi eq, %iota3A, %eq3A_72 : vector<16xi32>
    %broadcast_in_dim3A_74 = vector.broadcast %while3A_68 : i32 to vector<16xi32>
    %jit3A_75 = arith.constant 0 : i32
    %broadcast_in_dim3A_76 = vector.broadcast %jit3A_75 : i32 to vector<16xi32>
    %select_n3A_77 = arith.select %eq3A_73, %broadcast_in_dim3A_74, %broadcast_in_dim3A_76 : vector<16xi1>, vector<16xi32>
    %while3A_78 = arith.constant 0 : i32
    %while3A_79 = arith.subi %shift_right_arithmetic3A_50, %while3A_78 : i32
    %while3A_80 = arith.addi %while3A_78, %while3A_79 : i32
    %while3A_81 = arith.constant 1 : i32
    %while3A_82 = arith.divsi %while3A_79, %while3A_81 : i32
    %while3A_83 = arith.muli %while3A_82, %while3A_81 : i32
    %while3A_84 = arith.addi %while3A_78, %while3A_83 : i32
    %while3A_85 = arith.constant 1 : i32
    %while3A_86 = scf.for %while3A_587 = %while3A_78 to %while3A_84 step %while3A_85 iter_args(%while3A_588 = %while3A_68) -> (i32)  : i32 {
      %mul3A_589 = arith.constant 16 : i32
      %mul3A_590 = arith.muli %while3A_587, %mul3A_589 : i32
      %get3A = arith.index_cast %mul3A_590 : i32 to index
      %get3A_591 = tpu.vector_load %arg5[%get3A] {strides = array<i32>} : memref<800xi32, #tpu.memory_space<vmem>>, vector<16xi32>,
      %sub3A_592 = vector.broadcast %mul3A_2 : i32 to vector<16xi32>
      %sub3A_593 = arith.subi %get3A_591, %sub3A_592 : vector<16xi32>
      %shift_right_arithmetic3A_594 = arith.constant 4 : i32
      %shift_right_arithmetic3A_595 = vector.broadcast %shift_right_arithmetic3A_594 : i32 to vector<16xi32>
      %shift_right_arithmetic3A_596 = arith.shrsi %sub3A_593, %shift_right_arithmetic3A_595 : vector<16xi32>
      %eq3A_597 = arith.cmpi eq, %shift_right_arithmetic3A_596, %broadcast_in_dim3A_70 : vector<16xi32>
      %ge3A = arith.constant 0 : i32
      %ge3A_598 = vector.broadcast %ge3A : i32 to vector<16xi32>
      %ge3A_599 = arith.cmpi sge, %get3A_591, %ge3A_598 : vector<16xi32>
      %and3A_600 = arith.andi %eq3A_597, %ge3A_599 : vector<16xi1>
      %mul3A_601 = arith.constant 16 : i32
      %mul3A_602 = arith.muli %while3A_587, %mul3A_601 : i32
      %get3A_603 = arith.index_cast %mul3A_602 : i32 to index
      %get3A_604 = tpu.vector_load %arg6[%get3A_603] {strides = array<i32>} : memref<800xi32, #tpu.memory_space<vmem>>, vector<16xi32>,
      %swap3A_605 = arith.index_cast %while3A_588 : i32 to index
      %swap3A_606 = tpu.vector_load %arg7[%swap3A_605] masked %and3A_600 {strides = array<i32>} : memref<800xi32, #tpu.memory_space<vmem>>, vector<16xi32>, vector<16xi1>
      tpu.vector_store %arg7[%swap3A_605], %get3A_591 masked %and3A_600 {strides = array<i32>} : memref<800xi32, #tpu.memory_space<vmem>>, vector<16xi32>, vector<16xi1>
      %swap3A_607 = arith.index_cast %while3A_588 : i32 to index
      %swap3A_608 = tpu.vector_load %arg8[%swap3A_607] masked %and3A_600 {strides = array<i32>} : memref<800xi32, #tpu.memory_space<vmem>>, vector<16xi32>, vector<16xi1>
      tpu.vector_store %arg8[%swap3A_607], %get3A_604 masked %and3A_600 {strides = array<i32>} : memref<800xi32, #tpu.memory_space<vmem>>, vector<16xi32>, vector<16xi1>
      %all_reduce_population_count3A = tpu.all_reduce %and3A_600 {dim = 0 : i64, kind = #tpu.reduction_kind<sum>} : vector<16xi1> -> vector<16xi32>
      %slice3A_609 = vector.extract_strided_slice %all_reduce_population_count3A {offsets = [0], sizes = [1], strides = [1]} : vector<16xi32> to vector<1xi32>
      %squeeze3A_610 = vector.extract %slice3A_609[0] : i32 from vector<1xi32>
      %add3A_611 = arith.addi %while3A_588, %squeeze3A_610 : i32
      scf.yield %add3A_611 : i32
    }
    %while3A_87 = arith.constant 1 : i32
    %while3A_88 = scf.for %while3A_587 = %while3A_84 to %while3A_80 step %while3A_87 iter_args(%while3A_588 = %while3A_86) -> (i32)  : i32 {
      %mul3A_589 = arith.constant 16 : i32
      %mul3A_590 = arith.muli %while3A_587, %mul3A_589 : i32
      %get3A = arith.index_cast %mul3A_590 : i32 to index
      %get3A_591 = tpu.vector_load %arg5[%get3A] {strides = array<i32>} : memref<800xi32, #tpu.memory_space<vmem>>, vector<16xi32>,
      %sub3A_592 = vector.broadcast %mul3A_2 : i32 to vector<16xi32>
      %sub3A_593 = arith.subi %get3A_591, %sub3A_592 : vector<16xi32>
      %shift_right_arithmetic3A_594 = arith.constant 4 : i32
      %shift_right_arithmetic3A_595 = vector.broadcast %shift_right_arithmetic3A_594 : i32 to vector<16xi32>
      %shift_right_arithmetic3A_596 = arith.shrsi %sub3A_593, %shift_right_arithmetic3A_595 : vector<16xi32>
      %eq3A_597 = arith.cmpi eq, %shift_right_arithmetic3A_596, %broadcast_in_dim3A_70 : vector<16xi32>
      %ge3A = arith.constant 0 : i32
      %ge3A_598 = vector.broadcast %ge3A : i32 to vector<16xi32>
      %ge3A_599 = arith.cmpi sge, %get3A_591, %ge3A_598 : vector<16xi32>
      %and3A_600 = arith.andi %eq3A_597, %ge3A_599 : vector<16xi1>
      %mul3A_601 = arith.constant 16 : i32
      %mul3A_602 = arith.muli %while3A_587, %mul3A_601 : i32
      %get3A_603 = arith.index_cast %mul3A_602 : i32 to index
      %get3A_604 = tpu.vector_load %arg6[%get3A_603] {strides = array<i32>} : memref<800xi32, #tpu.memory_space<vmem>>, vector<16xi32>,
      %swap3A_605 = arith.index_cast %while3A_588 : i32 to index
      %swap3A_606 = tpu.vector_load %arg7[%swap3A_605] masked %and3A_600 {strides = array<i32>} : memref<800xi32, #tpu.memory_space<vmem>>, vector<16xi32>, vector<16xi1>
      tpu.vector_store %arg7[%swap3A_605], %get3A_591 masked %and3A_600 {strides = array<i32>} : memref<800xi32, #tpu.memory_space<vmem>>, vector<16xi32>, vector<16xi1>
      %swap3A_607 = arith.index_cast %while3A_588 : i32 to index
      %swap3A_608 = tpu.vector_load %arg8[%swap3A_607] masked %and3A_600 {strides = array<i32>} : memref<800xi32, #tpu.memory_space<vmem>>, vector<16xi32>, vector<16xi1>
      tpu.vector_store %arg8[%swap3A_607], %get3A_604 masked %and3A_600 {strides = array<i32>} : memref<800xi32, #tpu.memory_space<vmem>>, vector<16xi32>, vector<16xi1>
      %all_reduce_population_count3A = tpu.all_reduce %and3A_600 {dim = 0 : i64, kind = #tpu.reduction_kind<sum>} : vector<16xi1> -> vector<16xi32>
      %slice3A_609 = vector.extract_strided_slice %all_reduce_population_count3A {offsets = [0], sizes = [1], strides = [1]} : vector<16xi32> to vector<1xi32>
      %squeeze3A_610 = vector.extract %slice3A_609[0] : i32 from vector<1xi32>
      %add3A_611 = arith.addi %while3A_588, %squeeze3A_610 : i32
      scf.yield %add3A_611 : i32
    }
    %broadcast_in_dim3A_89 = arith.constant 2 : i32
    %broadcast_in_dim3A_90 = vector.broadcast %broadcast_in_dim3A_89 : i32 to vector<16xi32>
    %eq3A_91 = arith.constant 2 : i32
    %eq3A_92 = vector.broadcast %eq3A_91 : i32 to vector<16xi32>
    %eq3A_93 = arith.cmpi eq, %iota3A, %eq3A_92 : vector<16xi32>
    %broadcast_in_dim3A_94 = vector.broadcast %while3A_88 : i32 to vector<16xi32>
    %jit3A_95 = arith.constant 0 : i32
    %broadcast_in_dim3A_96 = vector.broadcast %jit3A_95 : i32 to vector<16xi32>
    %select_n3A_97 = arith.select %eq3A_93, %broadcast_in_dim3A_94, %broadcast_in_dim3A_96 : vector<16xi1>, vector<16xi32>
    %while3A_98 = arith.constant 0 : i32
    %while3A_99 = arith.subi %shift_right_arithmetic3A_50, %while3A_98 : i32
    %while3A_100 = arith.addi %while3A_98, %while3A_99 : i32
    %while3A_101 = arith.constant 1 : i32
    %while3A_102 = arith.divsi %while3A_99, %while3A_101 : i32
    %while3A_103 = arith.muli %while3A_102, %while3A_101 : i32
    %while3A_104 = arith.addi %while3A_98, %while3A_103 : i32
    %while3A_105 = arith.constant 1 : i32
    %while3A_106 = scf.for %while3A_587 = %while3A_98 to %while3A_104 step %while3A_105 iter_args(%while3A_588 = %while3A_88) -> (i32)  : i32 {
      %mul3A_589 = arith.constant 16 : i32
      %mul3A_590 = arith.muli %while3A_587, %mul3A_589 : i32
      %get3A = arith.index_cast %mul3A_590 : i32 to index
      %get3A_591 = tpu.vector_load %arg5[%get3A] {strides = array<i32>} : memref<800xi32, #tpu.memory_space<vmem>>, vector<16xi32>,
      %sub3A_592 = vector.broadcast %mul3A_2 : i32 to vector<16xi32>
      %sub3A_593 = arith.subi %get3A_591, %sub3A_592 : vector<16xi32>
      %shift_right_arithmetic3A_594 = arith.constant 4 : i32
      %shift_right_arithmetic3A_595 = vector.broadcast %shift_right_arithmetic3A_594 : i32 to vector<16xi32>
      %shift_right_arithmetic3A_596 = arith.shrsi %sub3A_593, %shift_right_arithmetic3A_595 : vector<16xi32>
      %eq3A_597 = arith.cmpi eq, %shift_right_arithmetic3A_596, %broadcast_in_dim3A_90 : vector<16xi32>
      %ge3A = arith.constant 0 : i32
      %ge3A_598 = vector.broadcast %ge3A : i32 to vector<16xi32>
      %ge3A_599 = arith.cmpi sge, %get3A_591, %ge3A_598 : vector<16xi32>
      %and3A_600 = arith.andi %eq3A_597, %ge3A_599 : vector<16xi1>
      %mul3A_601 = arith.constant 16 : i32
      %mul3A_602 = arith.muli %while3A_587, %mul3A_601 : i32
      %get3A_603 = arith.index_cast %mul3A_602 : i32 to index
      %get3A_604 = tpu.vector_load %arg6[%get3A_603] {strides = array<i32>} : memref<800xi32, #tpu.memory_space<vmem>>, vector<16xi32>,
      %swap3A_605 = arith.index_cast %while3A_588 : i32 to index
      %swap3A_606 = tpu.vector_load %arg7[%swap3A_605] masked %and3A_600 {strides = array<i32>} : memref<800xi32, #tpu.memory_space<vmem>>, vector<16xi32>, vector<16xi1>
      tpu.vector_store %arg7[%swap3A_605], %get3A_591 masked %and3A_600 {strides = array<i32>} : memref<800xi32, #tpu.memory_space<vmem>>, vector<16xi32>, vector<16xi1>
      %swap3A_607 = arith.index_cast %while3A_588 : i32 to index
      %swap3A_608 = tpu.vector_load %arg8[%swap3A_607] masked %and3A_600 {strides = array<i32>} : memref<800xi32, #tpu.memory_space<vmem>>, vector<16xi32>, vector<16xi1>
      tpu.vector_store %arg8[%swap3A_607], %get3A_604 masked %and3A_600 {strides = array<i32>} : memref<800xi32, #tpu.memory_space<vmem>>, vector<16xi32>, vector<16xi1>
      %all_reduce_population_count3A = tpu.all_reduce %and3A_600 {dim = 0 : i64, kind = #tpu.reduction_kind<sum>} : vector<16xi1> -> vector<16xi32>
      %slice3A_609 = vector.extract_strided_slice %all_reduce_population_count3A {offsets = [0], sizes = [1], strides = [1]} : vector<16xi32> to vector<1xi32>
      %squeeze3A_610 = vector.extract %slice3A_609[0] : i32 from vector<1xi32>
      %add3A_611 = arith.addi %while3A_588, %squeeze3A_610 : i32
      scf.yield %add3A_611 : i32
    }
    %while3A_107 = arith.constant 1 : i32
    %while3A_108 = scf.for %while3A_587 = %while3A_104 to %while3A_100 step %while3A_107 iter_args(%while3A_588 = %while3A_106) -> (i32)  : i32 {
      %mul3A_589 = arith.constant 16 : i32
      %mul3A_590 = arith.muli %while3A_587, %mul3A_589 : i32
      %get3A = arith.index_cast %mul3A_590 : i32 to index
      %get3A_591 = tpu.vector_load %arg5[%get3A] {strides = array<i32>} : memref<800xi32, #tpu.memory_space<vmem>>, vector<16xi32>,
      %sub3A_592 = vector.broadcast %mul3A_2 : i32 to vector<16xi32>
      %sub3A_593 = arith.subi %get3A_591, %sub3A_592 : vector<16xi32>
      %shift_right_arithmetic3A_594 = arith.constant 4 : i32
      %shift_right_arithmetic3A_595 = vector.broadcast %shift_right_arithmetic3A_594 : i32 to vector<16xi32>
      %shift_right_arithmetic3A_596 = arith.shrsi %sub3A_593, %shift_right_arithmetic3A_595 : vector<16xi32>
      %eq3A_597 = arith.cmpi eq, %shift_right_arithmetic3A_596, %broadcast_in_dim3A_90 : vector<16xi32>
      %ge3A = arith.constant 0 : i32
      %ge3A_598 = vector.broadcast %ge3A : i32 to vector<16xi32>
      %ge3A_599 = arith.cmpi sge, %get3A_591, %ge3A_598 : vector<16xi32>
      %and3A_600 = arith.andi %eq3A_597, %ge3A_599 : vector<16xi1>
      %mul3A_601 = arith.constant 16 : i32
      %mul3A_602 = arith.muli %while3A_587, %mul3A_601 : i32
      %get3A_603 = arith.index_cast %mul3A_602 : i32 to index
      %get3A_604 = tpu.vector_load %arg6[%get3A_603] {strides = array<i32>} : memref<800xi32, #tpu.memory_space<vmem>>, vector<16xi32>,
      %swap3A_605 = arith.index_cast %while3A_588 : i32 to index
      %swap3A_606 = tpu.vector_load %arg7[%swap3A_605] masked %and3A_600 {strides = array<i32>} : memref<800xi32, #tpu.memory_space<vmem>>, vector<16xi32>, vector<16xi1>
      tpu.vector_store %arg7[%swap3A_605], %get3A_591 masked %and3A_600 {strides = array<i32>} : memref<800xi32, #tpu.memory_space<vmem>>, vector<16xi32>, vector<16xi1>
      %swap3A_607 = arith.index_cast %while3A_588 : i32 to index
      %swap3A_608 = tpu.vector_load %arg8[%swap3A_607] masked %and3A_600 {strides = array<i32>} : memref<800xi32, #tpu.memory_space<vmem>>, vector<16xi32>, vector<16xi1>
      tpu.vector_store %arg8[%swap3A_607], %get3A_604 masked %and3A_600 {strides = array<i32>} : memref<800xi32, #tpu.memory_space<vmem>>, vector<16xi32>, vector<16xi1>
      %all_reduce_population_count3A = tpu.all_reduce %and3A_600 {dim = 0 : i64, kind = #tpu.reduction_kind<sum>} : vector<16xi1> -> vector<16xi32>
      %slice3A_609 = vector.extract_strided_slice %all_reduce_population_count3A {offsets = [0], sizes = [1], strides = [1]} : vector<16xi32> to vector<1xi32>
      %squeeze3A_610 = vector.extract %slice3A_609[0] : i32 from vector<1xi32>
      %add3A_611 = arith.addi %while3A_588, %squeeze3A_610 : i32
      scf.yield %add3A_611 : i32
    }
    %broadcast_in_dim3A_109 = arith.constant 3 : i32
    %broadcast_in_dim3A_110 = vector.broadcast %broadcast_in_dim3A_109 : i32 to vector<16xi32>
    %eq3A_111 = arith.constant 3 : i32
    %eq3A_112 = vector.broadcast %eq3A_111 : i32 to vector<16xi32>
    %eq3A_113 = arith.cmpi eq, %iota3A, %eq3A_112 : vector<16xi32>
    %broadcast_in_dim3A_114 = vector.broadcast %while3A_108 : i32 to vector<16xi32>
    %jit3A_115 = arith.constant 0 : i32
    %broadcast_in_dim3A_116 = vector.broadcast %jit3A_115 : i32 to vector<16xi32>
    %select_n3A_117 = arith.select %eq3A_113, %broadcast_in_dim3A_114, %broadcast_in_dim3A_116 : vector<16xi1>, vector<16xi32>
    %while3A_118 = arith.constant 0 : i32
    %while3A_119 = arith.subi %shift_right_arithmetic3A_50, %while3A_118 : i32
    %while3A_120 = arith.addi %while3A_118, %while3A_119 : i32
    %while3A_121 = arith.constant 1 : i32
    %while3A_122 = arith.divsi %while3A_119, %while3A_121 : i32
    %while3A_123 = arith.muli %while3A_122, %while3A_121 : i32
    %while3A_124 = arith.addi %while3A_118, %while3A_123 : i32
    %while3A_125 = arith.constant 1 : i32
    %while3A_126 = scf.for %while3A_587 = %while3A_118 to %while3A_124 step %while3A_125 iter_args(%while3A_588 = %while3A_108) -> (i32)  : i32 {
      %mul3A_589 = arith.constant 16 : i32
      %mul3A_590 = arith.muli %while3A_587, %mul3A_589 : i32
      %get3A = arith.index_cast %mul3A_590 : i32 to index
      %get3A_591 = tpu.vector_load %arg5[%get3A] {strides = array<i32>} : memref<800xi32, #tpu.memory_space<vmem>>, vector<16xi32>,
      %sub3A_592 = vector.broadcast %mul3A_2 : i32 to vector<16xi32>
      %sub3A_593 = arith.subi %get3A_591, %sub3A_592 : vector<16xi32>
      %shift_right_arithmetic3A_594 = arith.constant 4 : i32
      %shift_right_arithmetic3A_595 = vector.broadcast %shift_right_arithmetic3A_594 : i32 to vector<16xi32>
      %shift_right_arithmetic3A_596 = arith.shrsi %sub3A_593, %shift_right_arithmetic3A_595 : vector<16xi32>
      %eq3A_597 = arith.cmpi eq, %shift_right_arithmetic3A_596, %broadcast_in_dim3A_110 : vector<16xi32>
      %ge3A = arith.constant 0 : i32
      %ge3A_598 = vector.broadcast %ge3A : i32 to vector<16xi32>
      %ge3A_599 = arith.cmpi sge, %get3A_591, %ge3A_598 : vector<16xi32>
      %and3A_600 = arith.andi %eq3A_597, %ge3A_599 : vector<16xi1>
      %mul3A_601 = arith.constant 16 : i32
      %mul3A_602 = arith.muli %while3A_587, %mul3A_601 : i32
      %get3A_603 = arith.index_cast %mul3A_602 : i32 to index
      %get3A_604 = tpu.vector_load %arg6[%get3A_603] {strides = array<i32>} : memref<800xi32, #tpu.memory_space<vmem>>, vector<16xi32>,
      %swap3A_605 = arith.index_cast %while3A_588 : i32 to index
      %swap3A_606 = tpu.vector_load %arg7[%swap3A_605] masked %and3A_600 {strides = array<i32>} : memref<800xi32, #tpu.memory_space<vmem>>, vector<16xi32>, vector<16xi1>
      tpu.vector_store %arg7[%swap3A_605], %get3A_591 masked %and3A_600 {strides = array<i32>} : memref<800xi32, #tpu.memory_space<vmem>>, vector<16xi32>, vector<16xi1>
      %swap3A_607 = arith.index_cast %while3A_588 : i32 to index
      %swap3A_608 = tpu.vector_load %arg8[%swap3A_607] masked %and3A_600 {strides = array<i32>} : memref<800xi32, #tpu.memory_space<vmem>>, vector<16xi32>, vector<16xi1>
      tpu.vector_store %arg8[%swap3A_607], %get3A_604 masked %and3A_600 {strides = array<i32>} : memref<800xi32, #tpu.memory_space<vmem>>, vector<16xi32>, vector<16xi1>
      %all_reduce_population_count3A = tpu.all_reduce %and3A_600 {dim = 0 : i64, kind = #tpu.reduction_kind<sum>} : vector<16xi1> -> vector<16xi32>
      %slice3A_609 = vector.extract_strided_slice %all_reduce_population_count3A {offsets = [0], sizes = [1], strides = [1]} : vector<16xi32> to vector<1xi32>
      %squeeze3A_610 = vector.extract %slice3A_609[0] : i32 from vector<1xi32>
      %add3A_611 = arith.addi %while3A_588, %squeeze3A_610 : i32
      scf.yield %add3A_611 : i32
    }
    %while3A_127 = arith.constant 1 : i32
    %while3A_128 = scf.for %while3A_587 = %while3A_124 to %while3A_120 step %while3A_127 iter_args(%while3A_588 = %while3A_126) -> (i32)  : i32 {
      %mul3A_589 = arith.constant 16 : i32
      %mul3A_590 = arith.muli %while3A_587, %mul3A_589 : i32
      %get3A = arith.index_cast %mul3A_590 : i32 to index
      %get3A_591 = tpu.vector_load %arg5[%get3A] {strides = array<i32>} : memref<800xi32, #tpu.memory_space<vmem>>, vector<16xi32>,
      %sub3A_592 = vector.broadcast %mul3A_2 : i32 to vector<16xi32>
      %sub3A_593 = arith.subi %get3A_591, %sub3A_592 : vector<16xi32>
      %shift_right_arithmetic3A_594 = arith.constant 4 : i32
      %shift_right_arithmetic3A_595 = vector.broadcast %shift_right_arithmetic3A_594 : i32 to vector<16xi32>
      %shift_right_arithmetic3A_596 = arith.shrsi %sub3A_593, %shift_right_arithmetic3A_595 : vector<16xi32>
      %eq3A_597 = arith.cmpi eq, %shift_right_arithmetic3A_596, %broadcast_in_dim3A_110 : vector<16xi32>
      %ge3A = arith.constant 0 : i32
      %ge3A_598 = vector.broadcast %ge3A : i32 to vector<16xi32>
      %ge3A_599 = arith.cmpi sge, %get3A_591, %ge3A_598 : vector<16xi32>
      %and3A_600 = arith.andi %eq3A_597, %ge3A_599 : vector<16xi1>
      %mul3A_601 = arith.constant 16 : i32
      %mul3A_602 = arith.muli %while3A_587, %mul3A_601 : i32
      %get3A_603 = arith.index_cast %mul3A_602 : i32 to index
      %get3A_604 = tpu.vector_load %arg6[%get3A_603] {strides = array<i32>} : memref<800xi32, #tpu.memory_space<vmem>>, vector<16xi32>,
      %swap3A_605 = arith.index_cast %while3A_588 : i32 to index
      %swap3A_606 = tpu.vector_load %arg7[%swap3A_605] masked %and3A_600 {strides = array<i32>} : memref<800xi32, #tpu.memory_space<vmem>>, vector<16xi32>, vector<16xi1>
      tpu.vector_store %arg7[%swap3A_605], %get3A_591 masked %and3A_600 {strides = array<i32>} : memref<800xi32, #tpu.memory_space<vmem>>, vector<16xi32>, vector<16xi1>
      %swap3A_607 = arith.index_cast %while3A_588 : i32 to index
      %swap3A_608 = tpu.vector_load %arg8[%swap3A_607] masked %and3A_600 {strides = array<i32>} : memref<800xi32, #tpu.memory_space<vmem>>, vector<16xi32>, vector<16xi1>
      tpu.vector_store %arg8[%swap3A_607], %get3A_604 masked %and3A_600 {strides = array<i32>} : memref<800xi32, #tpu.memory_space<vmem>>, vector<16xi32>, vector<16xi1>
      %all_reduce_population_count3A = tpu.all_reduce %and3A_600 {dim = 0 : i64, kind = #tpu.reduction_kind<sum>} : vector<16xi1> -> vector<16xi32>
      %slice3A_609 = vector.extract_strided_slice %all_reduce_population_count3A {offsets = [0], sizes = [1], strides = [1]} : vector<16xi32> to vector<1xi32>
      %squeeze3A_610 = vector.extract %slice3A_609[0] : i32 from vector<1xi32>
      %add3A_611 = arith.addi %while3A_588, %squeeze3A_610 : i32
      scf.yield %add3A_611 : i32
    }
    %broadcast_in_dim3A_129 = arith.constant 4 : i32
    %broadcast_in_dim3A_130 = vector.broadcast %broadcast_in_dim3A_129 : i32 to vector<16xi32>
    %eq3A_131 = arith.constant 4 : i32
    %eq3A_132 = vector.broadcast %eq3A_131 : i32 to vector<16xi32>
    %eq3A_133 = arith.cmpi eq, %iota3A, %eq3A_132 : vector<16xi32>
    %broadcast_in_dim3A_134 = vector.broadcast %while3A_128 : i32 to vector<16xi32>
    %jit3A_135 = arith.constant 0 : i32
    %broadcast_in_dim3A_136 = vector.broadcast %jit3A_135 : i32 to vector<16xi32>
    %select_n3A_137 = arith.select %eq3A_133, %broadcast_in_dim3A_134, %broadcast_in_dim3A_136 : vector<16xi1>, vector<16xi32>
    %while3A_138 = arith.constant 0 : i32
    %while3A_139 = arith.subi %shift_right_arithmetic3A_50, %while3A_138 : i32
    %while3A_140 = arith.addi %while3A_138, %while3A_139 : i32
    %while3A_141 = arith.constant 1 : i32
    %while3A_142 = arith.divsi %while3A_139, %while3A_141 : i32
    %while3A_143 = arith.muli %while3A_142, %while3A_141 : i32
    %while3A_144 = arith.addi %while3A_138, %while3A_143 : i32
    %while3A_145 = arith.constant 1 : i32
    %while3A_146 = scf.for %while3A_587 = %while3A_138 to %while3A_144 step %while3A_145 iter_args(%while3A_588 = %while3A_128) -> (i32)  : i32 {
      %mul3A_589 = arith.constant 16 : i32
      %mul3A_590 = arith.muli %while3A_587, %mul3A_589 : i32
      %get3A = arith.index_cast %mul3A_590 : i32 to index
      %get3A_591 = tpu.vector_load %arg5[%get3A] {strides = array<i32>} : memref<800xi32, #tpu.memory_space<vmem>>, vector<16xi32>,
      %sub3A_592 = vector.broadcast %mul3A_2 : i32 to vector<16xi32>
      %sub3A_593 = arith.subi %get3A_591, %sub3A_592 : vector<16xi32>
      %shift_right_arithmetic3A_594 = arith.constant 4 : i32
      %shift_right_arithmetic3A_595 = vector.broadcast %shift_right_arithmetic3A_594 : i32 to vector<16xi32>
      %shift_right_arithmetic3A_596 = arith.shrsi %sub3A_593, %shift_right_arithmetic3A_595 : vector<16xi32>
      %eq3A_597 = arith.cmpi eq, %shift_right_arithmetic3A_596, %broadcast_in_dim3A_130 : vector<16xi32>
      %ge3A = arith.constant 0 : i32
      %ge3A_598 = vector.broadcast %ge3A : i32 to vector<16xi32>
      %ge3A_599 = arith.cmpi sge, %get3A_591, %ge3A_598 : vector<16xi32>
      %and3A_600 = arith.andi %eq3A_597, %ge3A_599 : vector<16xi1>
      %mul3A_601 = arith.constant 16 : i32
      %mul3A_602 = arith.muli %while3A_587, %mul3A_601 : i32
      %get3A_603 = arith.index_cast %mul3A_602 : i32 to index
      %get3A_604 = tpu.vector_load %arg6[%get3A_603] {strides = array<i32>} : memref<800xi32, #tpu.memory_space<vmem>>, vector<16xi32>,
      %swap3A_605 = arith.index_cast %while3A_588 : i32 to index
      %swap3A_606 = tpu.vector_load %arg7[%swap3A_605] masked %and3A_600 {strides = array<i32>} : memref<800xi32, #tpu.memory_space<vmem>>, vector<16xi32>, vector<16xi1>
      tpu.vector_store %arg7[%swap3A_605], %get3A_591 masked %and3A_600 {strides = array<i32>} : memref<800xi32, #tpu.memory_space<vmem>>, vector<16xi32>, vector<16xi1>
      %swap3A_607 = arith.index_cast %while3A_588 : i32 to index
      %swap3A_608 = tpu.vector_load %arg8[%swap3A_607] masked %and3A_600 {strides = array<i32>} : memref<800xi32, #tpu.memory_space<vmem>>, vector<16xi32>, vector<16xi1>
      tpu.vector_store %arg8[%swap3A_607], %get3A_604 masked %and3A_600 {strides = array<i32>} : memref<800xi32, #tpu.memory_space<vmem>>, vector<16xi32>, vector<16xi1>
      %all_reduce_population_count3A = tpu.all_reduce %and3A_600 {dim = 0 : i64, kind = #tpu.reduction_kind<sum>} : vector<16xi1> -> vector<16xi32>
      %slice3A_609 = vector.extract_strided_slice %all_reduce_population_count3A {offsets = [0], sizes = [1], strides = [1]} : vector<16xi32> to vector<1xi32>
      %squeeze3A_610 = vector.extract %slice3A_609[0] : i32 from vector<1xi32>
      %add3A_611 = arith.addi %while3A_588, %squeeze3A_610 : i32
      scf.yield %add3A_611 : i32
    }
    %while3A_147 = arith.constant 1 : i32
    %while3A_148 = scf.for %while3A_587 = %while3A_144 to %while3A_140 step %while3A_147 iter_args(%while3A_588 = %while3A_146) -> (i32)  : i32 {
      %mul3A_589 = arith.constant 16 : i32
      %mul3A_590 = arith.muli %while3A_587, %mul3A_589 : i32
      %get3A = arith.index_cast %mul3A_590 : i32 to index
      %get3A_591 = tpu.vector_load %arg5[%get3A] {strides = array<i32>} : memref<800xi32, #tpu.memory_space<vmem>>, vector<16xi32>,
      %sub3A_592 = vector.broadcast %mul3A_2 : i32 to vector<16xi32>
      %sub3A_593 = arith.subi %get3A_591, %sub3A_592 : vector<16xi32>
      %shift_right_arithmetic3A_594 = arith.constant 4 : i32
      %shift_right_arithmetic3A_595 = vector.broadcast %shift_right_arithmetic3A_594 : i32 to vector<16xi32>
      %shift_right_arithmetic3A_596 = arith.shrsi %sub3A_593, %shift_right_arithmetic3A_595 : vector<16xi32>
      %eq3A_597 = arith.cmpi eq, %shift_right_arithmetic3A_596, %broadcast_in_dim3A_130 : vector<16xi32>
      %ge3A = arith.constant 0 : i32
      %ge3A_598 = vector.broadcast %ge3A : i32 to vector<16xi32>
      %ge3A_599 = arith.cmpi sge, %get3A_591, %ge3A_598 : vector<16xi32>
      %and3A_600 = arith.andi %eq3A_597, %ge3A_599 : vector<16xi1>
      %mul3A_601 = arith.constant 16 : i32
      %mul3A_602 = arith.muli %while3A_587, %mul3A_601 : i32
      %get3A_603 = arith.index_cast %mul3A_602 : i32 to index
      %get3A_604 = tpu.vector_load %arg6[%get3A_603] {strides = array<i32>} : memref<800xi32, #tpu.memory_space<vmem>>, vector<16xi32>,
      %swap3A_605 = arith.index_cast %while3A_588 : i32 to index
      %swap3A_606 = tpu.vector_load %arg7[%swap3A_605] masked %and3A_600 {strides = array<i32>} : memref<800xi32, #tpu.memory_space<vmem>>, vector<16xi32>, vector<16xi1>
      tpu.vector_store %arg7[%swap3A_605], %get3A_591 masked %and3A_600 {strides = array<i32>} : memref<800xi32, #tpu.memory_space<vmem>>, vector<16xi32>, vector<16xi1>
      %swap3A_607 = arith.index_cast %while3A_588 : i32 to index
      %swap3A_608 = tpu.vector_load %arg8[%swap3A_607] masked %and3A_600 {strides = array<i32>} : memref<800xi32, #tpu.memory_space<vmem>>, vector<16xi32>, vector<16xi1>
      tpu.vector_store %arg8[%swap3A_607], %get3A_604 masked %and3A_600 {strides = array<i32>} : memref<800xi32, #tpu.memory_space<vmem>>, vector<16xi32>, vector<16xi1>
      %all_reduce_population_count3A = tpu.all_reduce %and3A_600 {dim = 0 : i64, kind = #tpu.reduction_kind<sum>} : vector<16xi1> -> vector<16xi32>
      %slice3A_609 = vector.extract_strided_slice %all_reduce_population_count3A {offsets = [0], sizes = [1], strides = [1]} : vector<16xi32> to vector<1xi32>
      %squeeze3A_610 = vector.extract %slice3A_609[0] : i32 from vector<1xi32>
      %add3A_611 = arith.addi %while3A_588, %squeeze3A_610 : i32
      scf.yield %add3A_611 : i32
    }
    %broadcast_in_dim3A_149 = arith.constant 5 : i32
    %broadcast_in_dim3A_150 = vector.broadcast %broadcast_in_dim3A_149 : i32 to vector<16xi32>
    %eq3A_151 = arith.constant 5 : i32
    %eq3A_152 = vector.broadcast %eq3A_151 : i32 to vector<16xi32>
    %eq3A_153 = arith.cmpi eq, %iota3A, %eq3A_152 : vector<16xi32>
    %broadcast_in_dim3A_154 = vector.broadcast %while3A_148 : i32 to vector<16xi32>
    %jit3A_155 = arith.constant 0 : i32
    %broadcast_in_dim3A_156 = vector.broadcast %jit3A_155 : i32 to vector<16xi32>
    %select_n3A_157 = arith.select %eq3A_153, %broadcast_in_dim3A_154, %broadcast_in_dim3A_156 : vector<16xi1>, vector<16xi32>
    %while3A_158 = arith.constant 0 : i32
    %while3A_159 = arith.subi %shift_right_arithmetic3A_50, %while3A_158 : i32
    %while3A_160 = arith.addi %while3A_158, %while3A_159 : i32
    %while3A_161 = arith.constant 1 : i32
    %while3A_162 = arith.divsi %while3A_159, %while3A_161 : i32
    %while3A_163 = arith.muli %while3A_162, %while3A_161 : i32
    %while3A_164 = arith.addi %while3A_158, %while3A_163 : i32
    %while3A_165 = arith.constant 1 : i32
    %while3A_166 = scf.for %while3A_587 = %while3A_158 to %while3A_164 step %while3A_165 iter_args(%while3A_588 = %while3A_148) -> (i32)  : i32 {
      %mul3A_589 = arith.constant 16 : i32
      %mul3A_590 = arith.muli %while3A_587, %mul3A_589 : i32
      %get3A = arith.index_cast %mul3A_590 : i32 to index
      %get3A_591 = tpu.vector_load %arg5[%get3A] {strides = array<i32>} : memref<800xi32, #tpu.memory_space<vmem>>, vector<16xi32>,
      %sub3A_592 = vector.broadcast %mul3A_2 : i32 to vector<16xi32>
      %sub3A_593 = arith.subi %get3A_591, %sub3A_592 : vector<16xi32>
      %shift_right_arithmetic3A_594 = arith.constant 4 : i32
      %shift_right_arithmetic3A_595 = vector.broadcast %shift_right_arithmetic3A_594 : i32 to vector<16xi32>
      %shift_right_arithmetic3A_596 = arith.shrsi %sub3A_593, %shift_right_arithmetic3A_595 : vector<16xi32>
      %eq3A_597 = arith.cmpi eq, %shift_right_arithmetic3A_596, %broadcast_in_dim3A_150 : vector<16xi32>
      %ge3A = arith.constant 0 : i32
      %ge3A_598 = vector.broadcast %ge3A : i32 to vector<16xi32>
      %ge3A_599 = arith.cmpi sge, %get3A_591, %ge3A_598 : vector<16xi32>
      %and3A_600 = arith.andi %eq3A_597, %ge3A_599 : vector<16xi1>
      %mul3A_601 = arith.constant 16 : i32
      %mul3A_602 = arith.muli %while3A_587, %mul3A_601 : i32
      %get3A_603 = arith.index_cast %mul3A_602 : i32 to index
      %get3A_604 = tpu.vector_load %arg6[%get3A_603] {strides = array<i32>} : memref<800xi32, #tpu.memory_space<vmem>>, vector<16xi32>,
      %swap3A_605 = arith.index_cast %while3A_588 : i32 to index
      %swap3A_606 = tpu.vector_load %arg7[%swap3A_605] masked %and3A_600 {strides = array<i32>} : memref<800xi32, #tpu.memory_space<vmem>>, vector<16xi32>, vector<16xi1>
      tpu.vector_store %arg7[%swap3A_605], %get3A_591 masked %and3A_600 {strides = array<i32>} : memref<800xi32, #tpu.memory_space<vmem>>, vector<16xi32>, vector<16xi1>
      %swap3A_607 = arith.index_cast %while3A_588 : i32 to index
      %swap3A_608 = tpu.vector_load %arg8[%swap3A_607] masked %and3A_600 {strides = array<i32>} : memref<800xi32, #tpu.memory_space<vmem>>, vector<16xi32>, vector<16xi1>
      tpu.vector_store %arg8[%swap3A_607], %get3A_604 masked %and3A_600 {strides = array<i32>} : memref<800xi32, #tpu.memory_space<vmem>>, vector<16xi32>, vector<16xi1>
      %all_reduce_population_count3A = tpu.all_reduce %and3A_600 {dim = 0 : i64, kind = #tpu.reduction_kind<sum>} : vector<16xi1> -> vector<16xi32>
      %slice3A_609 = vector.extract_strided_slice %all_reduce_population_count3A {offsets = [0], sizes = [1], strides = [1]} : vector<16xi32> to vector<1xi32>
      %squeeze3A_610 = vector.extract %slice3A_609[0] : i32 from vector<1xi32>
      %add3A_611 = arith.addi %while3A_588, %squeeze3A_610 : i32
      scf.yield %add3A_611 : i32
    }
    %while3A_167 = arith.constant 1 : i32
    %while3A_168 = scf.for %while3A_587 = %while3A_164 to %while3A_160 step %while3A_167 iter_args(%while3A_588 = %while3A_166) -> (i32)  : i32 {
      %mul3A_589 = arith.constant 16 : i32
      %mul3A_590 = arith.muli %while3A_587, %mul3A_589 : i32
      %get3A = arith.index_cast %mul3A_590 : i32 to index
      %get3A_591 = tpu.vector_load %arg5[%get3A] {strides = array<i32>} : memref<800xi32, #tpu.memory_space<vmem>>, vector<16xi32>,
      %sub3A_592 = vector.broadcast %mul3A_2 : i32 to vector<16xi32>
      %sub3A_593 = arith.subi %get3A_591, %sub3A_592 : vector<16xi32>
      %shift_right_arithmetic3A_594 = arith.constant 4 : i32
      %shift_right_arithmetic3A_595 = vector.broadcast %shift_right_arithmetic3A_594 : i32 to vector<16xi32>
      %shift_right_arithmetic3A_596 = arith.shrsi %sub3A_593, %shift_right_arithmetic3A_595 : vector<16xi32>
      %eq3A_597 = arith.cmpi eq, %shift_right_arithmetic3A_596, %broadcast_in_dim3A_150 : vector<16xi32>
      %ge3A = arith.constant 0 : i32
      %ge3A_598 = vector.broadcast %ge3A : i32 to vector<16xi32>
      %ge3A_599 = arith.cmpi sge, %get3A_591, %ge3A_598 : vector<16xi32>
      %and3A_600 = arith.andi %eq3A_597, %ge3A_599 : vector<16xi1>
      %mul3A_601 = arith.constant 16 : i32
      %mul3A_602 = arith.muli %while3A_587, %mul3A_601 : i32
      %get3A_603 = arith.index_cast %mul3A_602 : i32 to index
      %get3A_604 = tpu.vector_load %arg6[%get3A_603] {strides = array<i32>} : memref<800xi32, #tpu.memory_space<vmem>>, vector<16xi32>,
      %swap3A_605 = arith.index_cast %while3A_588 : i32 to index
      %swap3A_606 = tpu.vector_load %arg7[%swap3A_605] masked %and3A_600 {strides = array<i32>} : memref<800xi32, #tpu.memory_space<vmem>>, vector<16xi32>, vector<16xi1>
      tpu.vector_store %arg7[%swap3A_605], %get3A_591 masked %and3A_600 {strides = array<i32>} : memref<800xi32, #tpu.memory_space<vmem>>, vector<16xi32>, vector<16xi1>
      %swap3A_607 = arith.index_cast %while3A_588 : i32 to index
      %swap3A_608 = tpu.vector_load %arg8[%swap3A_607] masked %and3A_600 {strides = array<i32>} : memref<800xi32, #tpu.memory_space<vmem>>, vector<16xi32>, vector<16xi1>
      tpu.vector_store %arg8[%swap3A_607], %get3A_604 masked %and3A_600 {strides = array<i32>} : memref<800xi32, #tpu.memory_space<vmem>>, vector<16xi32>, vector<16xi1>
      %all_reduce_population_count3A = tpu.all_reduce %and3A_600 {dim = 0 : i64, kind = #tpu.reduction_kind<sum>} : vector<16xi1> -> vector<16xi32>
      %slice3A_609 = vector.extract_strided_slice %all_reduce_population_count3A {offsets = [0], sizes = [1], strides = [1]} : vector<16xi32> to vector<1xi32>
      %squeeze3A_610 = vector.extract %slice3A_609[0] : i32 from vector<1xi32>
      %add3A_611 = arith.addi %while3A_588, %squeeze3A_610 : i32
      scf.yield %add3A_611 : i32
    }
    %broadcast_in_dim3A_169 = arith.constant 6 : i32
    %broadcast_in_dim3A_170 = vector.broadcast %broadcast_in_dim3A_169 : i32 to vector<16xi32>
    %eq3A_171 = arith.constant 6 : i32
    %eq3A_172 = vector.broadcast %eq3A_171 : i32 to vector<16xi32>
    %eq3A_173 = arith.cmpi eq, %iota3A, %eq3A_172 : vector<16xi32>
    %broadcast_in_dim3A_174 = vector.broadcast %while3A_168 : i32 to vector<16xi32>
    %jit3A_175 = arith.constant 0 : i32
    %broadcast_in_dim3A_176 = vector.broadcast %jit3A_175 : i32 to vector<16xi32>
    %select_n3A_177 = arith.select %eq3A_173, %broadcast_in_dim3A_174, %broadcast_in_dim3A_176 : vector<16xi1>, vector<16xi32>
    %while3A_178 = arith.constant 0 : i32
    %while3A_179 = arith.subi %shift_right_arithmetic3A_50, %while3A_178 : i32
    %while3A_180 = arith.addi %while3A_178, %while3A_179 : i32
    %while3A_181 = arith.constant 1 : i32
    %while3A_182 = arith.divsi %while3A_179, %while3A_181 : i32
    %while3A_183 = arith.muli %while3A_182, %while3A_181 : i32
    %while3A_184 = arith.addi %while3A_178, %while3A_183 : i32
    %while3A_185 = arith.constant 1 : i32
    %while3A_186 = scf.for %while3A_587 = %while3A_178 to %while3A_184 step %while3A_185 iter_args(%while3A_588 = %while3A_168) -> (i32)  : i32 {
      %mul3A_589 = arith.constant 16 : i32
      %mul3A_590 = arith.muli %while3A_587, %mul3A_589 : i32
      %get3A = arith.index_cast %mul3A_590 : i32 to index
      %get3A_591 = tpu.vector_load %arg5[%get3A] {strides = array<i32>} : memref<800xi32, #tpu.memory_space<vmem>>, vector<16xi32>,
      %sub3A_592 = vector.broadcast %mul3A_2 : i32 to vector<16xi32>
      %sub3A_593 = arith.subi %get3A_591, %sub3A_592 : vector<16xi32>
      %shift_right_arithmetic3A_594 = arith.constant 4 : i32
      %shift_right_arithmetic3A_595 = vector.broadcast %shift_right_arithmetic3A_594 : i32 to vector<16xi32>
      %shift_right_arithmetic3A_596 = arith.shrsi %sub3A_593, %shift_right_arithmetic3A_595 : vector<16xi32>
      %eq3A_597 = arith.cmpi eq, %shift_right_arithmetic3A_596, %broadcast_in_dim3A_170 : vector<16xi32>
      %ge3A = arith.constant 0 : i32
      %ge3A_598 = vector.broadcast %ge3A : i32 to vector<16xi32>
      %ge3A_599 = arith.cmpi sge, %get3A_591, %ge3A_598 : vector<16xi32>
      %and3A_600 = arith.andi %eq3A_597, %ge3A_599 : vector<16xi1>
      %mul3A_601 = arith.constant 16 : i32
      %mul3A_602 = arith.muli %while3A_587, %mul3A_601 : i32
      %get3A_603 = arith.index_cast %mul3A_602 : i32 to index
      %get3A_604 = tpu.vector_load %arg6[%get3A_603] {strides = array<i32>} : memref<800xi32, #tpu.memory_space<vmem>>, vector<16xi32>,
      %swap3A_605 = arith.index_cast %while3A_588 : i32 to index
      %swap3A_606 = tpu.vector_load %arg7[%swap3A_605] masked %and3A_600 {strides = array<i32>} : memref<800xi32, #tpu.memory_space<vmem>>, vector<16xi32>, vector<16xi1>
      tpu.vector_store %arg7[%swap3A_605], %get3A_591 masked %and3A_600 {strides = array<i32>} : memref<800xi32, #tpu.memory_space<vmem>>, vector<16xi32>, vector<16xi1>
      %swap3A_607 = arith.index_cast %while3A_588 : i32 to index
      %swap3A_608 = tpu.vector_load %arg8[%swap3A_607] masked %and3A_600 {strides = array<i32>} : memref<800xi32, #tpu.memory_space<vmem>>, vector<16xi32>, vector<16xi1>
      tpu.vector_store %arg8[%swap3A_607], %get3A_604 masked %and3A_600 {strides = array<i32>} : memref<800xi32, #tpu.memory_space<vmem>>, vector<16xi32>, vector<16xi1>
      %all_reduce_population_count3A = tpu.all_reduce %and3A_600 {dim = 0 : i64, kind = #tpu.reduction_kind<sum>} : vector<16xi1> -> vector<16xi32>
      %slice3A_609 = vector.extract_strided_slice %all_reduce_population_count3A {offsets = [0], sizes = [1], strides = [1]} : vector<16xi32> to vector<1xi32>
      %squeeze3A_610 = vector.extract %slice3A_609[0] : i32 from vector<1xi32>
      %add3A_611 = arith.addi %while3A_588, %squeeze3A_610 : i32
      scf.yield %add3A_611 : i32
    }
    %while3A_187 = arith.constant 1 : i32
    %while3A_188 = scf.for %while3A_587 = %while3A_184 to %while3A_180 step %while3A_187 iter_args(%while3A_588 = %while3A_186) -> (i32)  : i32 {
      %mul3A_589 = arith.constant 16 : i32
      %mul3A_590 = arith.muli %while3A_587, %mul3A_589 : i32
      %get3A = arith.index_cast %mul3A_590 : i32 to index
      %get3A_591 = tpu.vector_load %arg5[%get3A] {strides = array<i32>} : memref<800xi32, #tpu.memory_space<vmem>>, vector<16xi32>,
      %sub3A_592 = vector.broadcast %mul3A_2 : i32 to vector<16xi32>
      %sub3A_593 = arith.subi %get3A_591, %sub3A_592 : vector<16xi32>
      %shift_right_arithmetic3A_594 = arith.constant 4 : i32
      %shift_right_arithmetic3A_595 = vector.broadcast %shift_right_arithmetic3A_594 : i32 to vector<16xi32>
      %shift_right_arithmetic3A_596 = arith.shrsi %sub3A_593, %shift_right_arithmetic3A_595 : vector<16xi32>
      %eq3A_597 = arith.cmpi eq, %shift_right_arithmetic3A_596, %broadcast_in_dim3A_170 : vector<16xi32>
      %ge3A = arith.constant 0 : i32
      %ge3A_598 = vector.broadcast %ge3A : i32 to vector<16xi32>
      %ge3A_599 = arith.cmpi sge, %get3A_591, %ge3A_598 : vector<16xi32>
      %and3A_600 = arith.andi %eq3A_597, %ge3A_599 : vector<16xi1>
      %mul3A_601 = arith.constant 16 : i32
      %mul3A_602 = arith.muli %while3A_587, %mul3A_601 : i32
      %get3A_603 = arith.index_cast %mul3A_602 : i32 to index
      %get3A_604 = tpu.vector_load %arg6[%get3A_603] {strides = array<i32>} : memref<800xi32, #tpu.memory_space<vmem>>, vector<16xi32>,
      %swap3A_605 = arith.index_cast %while3A_588 : i32 to index
      %swap3A_606 = tpu.vector_load %arg7[%swap3A_605] masked %and3A_600 {strides = array<i32>} : memref<800xi32, #tpu.memory_space<vmem>>, vector<16xi32>, vector<16xi1>
      tpu.vector_store %arg7[%swap3A_605], %get3A_591 masked %and3A_600 {strides = array<i32>} : memref<800xi32, #tpu.memory_space<vmem>>, vector<16xi32>, vector<16xi1>
      %swap3A_607 = arith.index_cast %while3A_588 : i32 to index
      %swap3A_608 = tpu.vector_load %arg8[%swap3A_607] masked %and3A_600 {strides = array<i32>} : memref<800xi32, #tpu.memory_space<vmem>>, vector<16xi32>, vector<16xi1>
      tpu.vector_store %arg8[%swap3A_607], %get3A_604 masked %and3A_600 {strides = array<i32>} : memref<800xi32, #tpu.memory_space<vmem>>, vector<16xi32>, vector<16xi1>
      %all_reduce_population_count3A = tpu.all_reduce %and3A_600 {dim = 0 : i64, kind = #tpu.reduction_kind<sum>} : vector<16xi1> -> vector<16xi32>
      %slice3A_609 = vector.extract_strided_slice %all_reduce_population_count3A {offsets = [0], sizes = [1], strides = [1]} : vector<16xi32> to vector<1xi32>
      %squeeze3A_610 = vector.extract %slice3A_609[0] : i32 from vector<1xi32>
      %add3A_611 = arith.addi %while3A_588, %squeeze3A_610 : i32
      scf.yield %add3A_611 : i32
    }
    %broadcast_in_dim3A_189 = arith.constant 7 : i32
    %broadcast_in_dim3A_190 = vector.broadcast %broadcast_in_dim3A_189 : i32 to vector<16xi32>
    %eq3A_191 = arith.constant 7 : i32
    %eq3A_192 = vector.broadcast %eq3A_191 : i32 to vector<16xi32>
    %eq3A_193 = arith.cmpi eq, %iota3A, %eq3A_192 : vector<16xi32>
    %broadcast_in_dim3A_194 = vector.broadcast %while3A_188 : i32 to vector<16xi32>
    %jit3A_195 = arith.constant 0 : i32
    %broadcast_in_dim3A_196 = vector.broadcast %jit3A_195 : i32 to vector<16xi32>
    %select_n3A_197 = arith.select %eq3A_193, %broadcast_in_dim3A_194, %broadcast_in_dim3A_196 : vector<16xi1>, vector<16xi32>
    %while3A_198 = arith.constant 0 : i32
    %while3A_199 = arith.subi %shift_right_arithmetic3A_50, %while3A_198 : i32
    %while3A_200 = arith.addi %while3A_198, %while3A_199 : i32
    %while3A_201 = arith.constant 1 : i32
    %while3A_202 = arith.divsi %while3A_199, %while3A_201 : i32
    %while3A_203 = arith.muli %while3A_202, %while3A_201 : i32
    %while3A_204 = arith.addi %while3A_198, %while3A_203 : i32
    %while3A_205 = arith.constant 1 : i32
    %while3A_206 = scf.for %while3A_587 = %while3A_198 to %while3A_204 step %while3A_205 iter_args(%while3A_588 = %while3A_188) -> (i32)  : i32 {
      %mul3A_589 = arith.constant 16 : i32
      %mul3A_590 = arith.muli %while3A_587, %mul3A_589 : i32
      %get3A = arith.index_cast %mul3A_590 : i32 to index
      %get3A_591 = tpu.vector_load %arg5[%get3A] {strides = array<i32>} : memref<800xi32, #tpu.memory_space<vmem>>, vector<16xi32>,
      %sub3A_592 = vector.broadcast %mul3A_2 : i32 to vector<16xi32>
      %sub3A_593 = arith.subi %get3A_591, %sub3A_592 : vector<16xi32>
      %shift_right_arithmetic3A_594 = arith.constant 4 : i32
      %shift_right_arithmetic3A_595 = vector.broadcast %shift_right_arithmetic3A_594 : i32 to vector<16xi32>
      %shift_right_arithmetic3A_596 = arith.shrsi %sub3A_593, %shift_right_arithmetic3A_595 : vector<16xi32>
      %eq3A_597 = arith.cmpi eq, %shift_right_arithmetic3A_596, %broadcast_in_dim3A_190 : vector<16xi32>
      %ge3A = arith.constant 0 : i32
      %ge3A_598 = vector.broadcast %ge3A : i32 to vector<16xi32>
      %ge3A_599 = arith.cmpi sge, %get3A_591, %ge3A_598 : vector<16xi32>
      %and3A_600 = arith.andi %eq3A_597, %ge3A_599 : vector<16xi1>
      %mul3A_601 = arith.constant 16 : i32
      %mul3A_602 = arith.muli %while3A_587, %mul3A_601 : i32
      %get3A_603 = arith.index_cast %mul3A_602 : i32 to index
      %get3A_604 = tpu.vector_load %arg6[%get3A_603] {strides = array<i32>} : memref<800xi32, #tpu.memory_space<vmem>>, vector<16xi32>,
      %swap3A_605 = arith.index_cast %while3A_588 : i32 to index
      %swap3A_606 = tpu.vector_load %arg7[%swap3A_605] masked %and3A_600 {strides = array<i32>} : memref<800xi32, #tpu.memory_space<vmem>>, vector<16xi32>, vector<16xi1>
      tpu.vector_store %arg7[%swap3A_605], %get3A_591 masked %and3A_600 {strides = array<i32>} : memref<800xi32, #tpu.memory_space<vmem>>, vector<16xi32>, vector<16xi1>
      %swap3A_607 = arith.index_cast %while3A_588 : i32 to index
      %swap3A_608 = tpu.vector_load %arg8[%swap3A_607] masked %and3A_600 {strides = array<i32>} : memref<800xi32, #tpu.memory_space<vmem>>, vector<16xi32>, vector<16xi1>
      tpu.vector_store %arg8[%swap3A_607], %get3A_604 masked %and3A_600 {strides = array<i32>} : memref<800xi32, #tpu.memory_space<vmem>>, vector<16xi32>, vector<16xi1>
      %all_reduce_population_count3A = tpu.all_reduce %and3A_600 {dim = 0 : i64, kind = #tpu.reduction_kind<sum>} : vector<16xi1> -> vector<16xi32>
      %slice3A_609 = vector.extract_strided_slice %all_reduce_population_count3A {offsets = [0], sizes = [1], strides = [1]} : vector<16xi32> to vector<1xi32>
      %squeeze3A_610 = vector.extract %slice3A_609[0] : i32 from vector<1xi32>
      %add3A_611 = arith.addi %while3A_588, %squeeze3A_610 : i32
      scf.yield %add3A_611 : i32
    }
    %while3A_207 = arith.constant 1 : i32
    %while3A_208 = scf.for %while3A_587 = %while3A_204 to %while3A_200 step %while3A_207 iter_args(%while3A_588 = %while3A_206) -> (i32)  : i32 {
      %mul3A_589 = arith.constant 16 : i32
      %mul3A_590 = arith.muli %while3A_587, %mul3A_589 : i32
      %get3A = arith.index_cast %mul3A_590 : i32 to index
      %get3A_591 = tpu.vector_load %arg5[%get3A] {strides = array<i32>} : memref<800xi32, #tpu.memory_space<vmem>>, vector<16xi32>,
      %sub3A_592 = vector.broadcast %mul3A_2 : i32 to vector<16xi32>
      %sub3A_593 = arith.subi %get3A_591, %sub3A_592 : vector<16xi32>
      %shift_right_arithmetic3A_594 = arith.constant 4 : i32
      %shift_right_arithmetic3A_595 = vector.broadcast %shift_right_arithmetic3A_594 : i32 to vector<16xi32>
      %shift_right_arithmetic3A_596 = arith.shrsi %sub3A_593, %shift_right_arithmetic3A_595 : vector<16xi32>
      %eq3A_597 = arith.cmpi eq, %shift_right_arithmetic3A_596, %broadcast_in_dim3A_190 : vector<16xi32>
      %ge3A = arith.constant 0 : i32
      %ge3A_598 = vector.broadcast %ge3A : i32 to vector<16xi32>
      %ge3A_599 = arith.cmpi sge, %get3A_591, %ge3A_598 : vector<16xi32>
      %and3A_600 = arith.andi %eq3A_597, %ge3A_599 : vector<16xi1>
      %mul3A_601 = arith.constant 16 : i32
      %mul3A_602 = arith.muli %while3A_587, %mul3A_601 : i32
      %get3A_603 = arith.index_cast %mul3A_602 : i32 to index
      %get3A_604 = tpu.vector_load %arg6[%get3A_603] {strides = array<i32>} : memref<800xi32, #tpu.memory_space<vmem>>, vector<16xi32>,
      %swap3A_605 = arith.index_cast %while3A_588 : i32 to index
      %swap3A_606 = tpu.vector_load %arg7[%swap3A_605] masked %and3A_600 {strides = array<i32>} : memref<800xi32, #tpu.memory_space<vmem>>, vector<16xi32>, vector<16xi1>
      tpu.vector_store %arg7[%swap3A_605], %get3A_591 masked %and3A_600 {strides = array<i32>} : memref<800xi32, #tpu.memory_space<vmem>>, vector<16xi32>, vector<16xi1>
      %swap3A_607 = arith.index_cast %while3A_588 : i32 to index
      %swap3A_608 = tpu.vector_load %arg8[%swap3A_607] masked %and3A_600 {strides = array<i32>} : memref<800xi32, #tpu.memory_space<vmem>>, vector<16xi32>, vector<16xi1>
      tpu.vector_store %arg8[%swap3A_607], %get3A_604 masked %and3A_600 {strides = array<i32>} : memref<800xi32, #tpu.memory_space<vmem>>, vector<16xi32>, vector<16xi1>
      %all_reduce_population_count3A = tpu.all_reduce %and3A_600 {dim = 0 : i64, kind = #tpu.reduction_kind<sum>} : vector<16xi1> -> vector<16xi32>
      %slice3A_609 = vector.extract_strided_slice %all_reduce_population_count3A {offsets = [0], sizes = [1], strides = [1]} : vector<16xi32> to vector<1xi32>
      %squeeze3A_610 = vector.extract %slice3A_609[0] : i32 from vector<1xi32>
      %add3A_611 = arith.addi %while3A_588, %squeeze3A_610 : i32
      scf.yield %add3A_611 : i32
    }
    %broadcast_in_dim3A_209 = arith.constant 8 : i32
    %broadcast_in_dim3A_210 = vector.broadcast %broadcast_in_dim3A_209 : i32 to vector<16xi32>
    %eq3A_211 = arith.constant 8 : i32
    %eq3A_212 = vector.broadcast %eq3A_211 : i32 to vector<16xi32>
    %eq3A_213 = arith.cmpi eq, %iota3A, %eq3A_212 : vector<16xi32>
    %broadcast_in_dim3A_214 = vector.broadcast %while3A_208 : i32 to vector<16xi32>
    %jit3A_215 = arith.constant 0 : i32
    %broadcast_in_dim3A_216 = vector.broadcast %jit3A_215 : i32 to vector<16xi32>
    %select_n3A_217 = arith.select %eq3A_213, %broadcast_in_dim3A_214, %broadcast_in_dim3A_216 : vector<16xi1>, vector<16xi32>
    %while3A_218 = arith.constant 0 : i32
    %while3A_219 = arith.subi %shift_right_arithmetic3A_50, %while3A_218 : i32
    %while3A_220 = arith.addi %while3A_218, %while3A_219 : i32
    %while3A_221 = arith.constant 1 : i32
    %while3A_222 = arith.divsi %while3A_219, %while3A_221 : i32
    %while3A_223 = arith.muli %while3A_222, %while3A_221 : i32
    %while3A_224 = arith.addi %while3A_218, %while3A_223 : i32
    %while3A_225 = arith.constant 1 : i32
    %while3A_226 = scf.for %while3A_587 = %while3A_218 to %while3A_224 step %while3A_225 iter_args(%while3A_588 = %while3A_208) -> (i32)  : i32 {
      %mul3A_589 = arith.constant 16 : i32
      %mul3A_590 = arith.muli %while3A_587, %mul3A_589 : i32
      %get3A = arith.index_cast %mul3A_590 : i32 to index
      %get3A_591 = tpu.vector_load %arg5[%get3A] {strides = array<i32>} : memref<800xi32, #tpu.memory_space<vmem>>, vector<16xi32>,
      %sub3A_592 = vector.broadcast %mul3A_2 : i32 to vector<16xi32>
      %sub3A_593 = arith.subi %get3A_591, %sub3A_592 : vector<16xi32>
      %shift_right_arithmetic3A_594 = arith.constant 4 : i32
      %shift_right_arithmetic3A_595 = vector.broadcast %shift_right_arithmetic3A_594 : i32 to vector<16xi32>
      %shift_right_arithmetic3A_596 = arith.shrsi %sub3A_593, %shift_right_arithmetic3A_595 : vector<16xi32>
      %eq3A_597 = arith.cmpi eq, %shift_right_arithmetic3A_596, %broadcast_in_dim3A_210 : vector<16xi32>
      %ge3A = arith.constant 0 : i32
      %ge3A_598 = vector.broadcast %ge3A : i32 to vector<16xi32>
      %ge3A_599 = arith.cmpi sge, %get3A_591, %ge3A_598 : vector<16xi32>
      %and3A_600 = arith.andi %eq3A_597, %ge3A_599 : vector<16xi1>
      %mul3A_601 = arith.constant 16 : i32
      %mul3A_602 = arith.muli %while3A_587, %mul3A_601 : i32
      %get3A_603 = arith.index_cast %mul3A_602 : i32 to index
      %get3A_604 = tpu.vector_load %arg6[%get3A_603] {strides = array<i32>} : memref<800xi32, #tpu.memory_space<vmem>>, vector<16xi32>,
      %swap3A_605 = arith.index_cast %while3A_588 : i32 to index
      %swap3A_606 = tpu.vector_load %arg7[%swap3A_605] masked %and3A_600 {strides = array<i32>} : memref<800xi32, #tpu.memory_space<vmem>>, vector<16xi32>, vector<16xi1>
      tpu.vector_store %arg7[%swap3A_605], %get3A_591 masked %and3A_600 {strides = array<i32>} : memref<800xi32, #tpu.memory_space<vmem>>, vector<16xi32>, vector<16xi1>
      %swap3A_607 = arith.index_cast %while3A_588 : i32 to index
      %swap3A_608 = tpu.vector_load %arg8[%swap3A_607] masked %and3A_600 {strides = array<i32>} : memref<800xi32, #tpu.memory_space<vmem>>, vector<16xi32>, vector<16xi1>
      tpu.vector_store %arg8[%swap3A_607], %get3A_604 masked %and3A_600 {strides = array<i32>} : memref<800xi32, #tpu.memory_space<vmem>>, vector<16xi32>, vector<16xi1>
      %all_reduce_population_count3A = tpu.all_reduce %and3A_600 {dim = 0 : i64, kind = #tpu.reduction_kind<sum>} : vector<16xi1> -> vector<16xi32>
      %slice3A_609 = vector.extract_strided_slice %all_reduce_population_count3A {offsets = [0], sizes = [1], strides = [1]} : vector<16xi32> to vector<1xi32>
      %squeeze3A_610 = vector.extract %slice3A_609[0] : i32 from vector<1xi32>
      %add3A_611 = arith.addi %while3A_588, %squeeze3A_610 : i32
      scf.yield %add3A_611 : i32
    }
    %while3A_227 = arith.constant 1 : i32
    %while3A_228 = scf.for %while3A_587 = %while3A_224 to %while3A_220 step %while3A_227 iter_args(%while3A_588 = %while3A_226) -> (i32)  : i32 {
      %mul3A_589 = arith.constant 16 : i32
      %mul3A_590 = arith.muli %while3A_587, %mul3A_589 : i32
      %get3A = arith.index_cast %mul3A_590 : i32 to index
      %get3A_591 = tpu.vector_load %arg5[%get3A] {strides = array<i32>} : memref<800xi32, #tpu.memory_space<vmem>>, vector<16xi32>,
      %sub3A_592 = vector.broadcast %mul3A_2 : i32 to vector<16xi32>
      %sub3A_593 = arith.subi %get3A_591, %sub3A_592 : vector<16xi32>
      %shift_right_arithmetic3A_594 = arith.constant 4 : i32
      %shift_right_arithmetic3A_595 = vector.broadcast %shift_right_arithmetic3A_594 : i32 to vector<16xi32>
      %shift_right_arithmetic3A_596 = arith.shrsi %sub3A_593, %shift_right_arithmetic3A_595 : vector<16xi32>
      %eq3A_597 = arith.cmpi eq, %shift_right_arithmetic3A_596, %broadcast_in_dim3A_210 : vector<16xi32>
      %ge3A = arith.constant 0 : i32
      %ge3A_598 = vector.broadcast %ge3A : i32 to vector<16xi32>
      %ge3A_599 = arith.cmpi sge, %get3A_591, %ge3A_598 : vector<16xi32>
      %and3A_600 = arith.andi %eq3A_597, %ge3A_599 : vector<16xi1>
      %mul3A_601 = arith.constant 16 : i32
      %mul3A_602 = arith.muli %while3A_587, %mul3A_601 : i32
      %get3A_603 = arith.index_cast %mul3A_602 : i32 to index
      %get3A_604 = tpu.vector_load %arg6[%get3A_603] {strides = array<i32>} : memref<800xi32, #tpu.memory_space<vmem>>, vector<16xi32>,
      %swap3A_605 = arith.index_cast %while3A_588 : i32 to index
      %swap3A_606 = tpu.vector_load %arg7[%swap3A_605] masked %and3A_600 {strides = array<i32>} : memref<800xi32, #tpu.memory_space<vmem>>, vector<16xi32>, vector<16xi1>
      tpu.vector_store %arg7[%swap3A_605], %get3A_591 masked %and3A_600 {strides = array<i32>} : memref<800xi32, #tpu.memory_space<vmem>>, vector<16xi32>, vector<16xi1>
      %swap3A_607 = arith.index_cast %while3A_588 : i32 to index
      %swap3A_608 = tpu.vector_load %arg8[%swap3A_607] masked %and3A_600 {strides = array<i32>} : memref<800xi32, #tpu.memory_space<vmem>>, vector<16xi32>, vector<16xi1>
      tpu.vector_store %arg8[%swap3A_607], %get3A_604 masked %and3A_600 {strides = array<i32>} : memref<800xi32, #tpu.memory_space<vmem>>, vector<16xi32>, vector<16xi1>
      %all_reduce_population_count3A = tpu.all_reduce %and3A_600 {dim = 0 : i64, kind = #tpu.reduction_kind<sum>} : vector<16xi1> -> vector<16xi32>
      %slice3A_609 = vector.extract_strided_slice %all_reduce_population_count3A {offsets = [0], sizes = [1], strides = [1]} : vector<16xi32> to vector<1xi32>
      %squeeze3A_610 = vector.extract %slice3A_609[0] : i32 from vector<1xi32>
      %add3A_611 = arith.addi %while3A_588, %squeeze3A_610 : i32
      scf.yield %add3A_611 : i32
    }
    %broadcast_in_dim3A_229 = arith.constant 9 : i32
    %broadcast_in_dim3A_230 = vector.broadcast %broadcast_in_dim3A_229 : i32 to vector<16xi32>
    %eq3A_231 = arith.constant 9 : i32
    %eq3A_232 = vector.broadcast %eq3A_231 : i32 to vector<16xi32>
    %eq3A_233 = arith.cmpi eq, %iota3A, %eq3A_232 : vector<16xi32>
    %broadcast_in_dim3A_234 = vector.broadcast %while3A_228 : i32 to vector<16xi32>
    %jit3A_235 = arith.constant 0 : i32
    %broadcast_in_dim3A_236 = vector.broadcast %jit3A_235 : i32 to vector<16xi32>
    %select_n3A_237 = arith.select %eq3A_233, %broadcast_in_dim3A_234, %broadcast_in_dim3A_236 : vector<16xi1>, vector<16xi32>
    %while3A_238 = arith.constant 0 : i32
    %while3A_239 = arith.subi %shift_right_arithmetic3A_50, %while3A_238 : i32
    %while3A_240 = arith.addi %while3A_238, %while3A_239 : i32
    %while3A_241 = arith.constant 1 : i32
    %while3A_242 = arith.divsi %while3A_239, %while3A_241 : i32
    %while3A_243 = arith.muli %while3A_242, %while3A_241 : i32
    %while3A_244 = arith.addi %while3A_238, %while3A_243 : i32
    %while3A_245 = arith.constant 1 : i32
    %while3A_246 = scf.for %while3A_587 = %while3A_238 to %while3A_244 step %while3A_245 iter_args(%while3A_588 = %while3A_228) -> (i32)  : i32 {
      %mul3A_589 = arith.constant 16 : i32
      %mul3A_590 = arith.muli %while3A_587, %mul3A_589 : i32
      %get3A = arith.index_cast %mul3A_590 : i32 to index
      %get3A_591 = tpu.vector_load %arg5[%get3A] {strides = array<i32>} : memref<800xi32, #tpu.memory_space<vmem>>, vector<16xi32>,
      %sub3A_592 = vector.broadcast %mul3A_2 : i32 to vector<16xi32>
      %sub3A_593 = arith.subi %get3A_591, %sub3A_592 : vector<16xi32>
      %shift_right_arithmetic3A_594 = arith.constant 4 : i32
      %shift_right_arithmetic3A_595 = vector.broadcast %shift_right_arithmetic3A_594 : i32 to vector<16xi32>
      %shift_right_arithmetic3A_596 = arith.shrsi %sub3A_593, %shift_right_arithmetic3A_595 : vector<16xi32>
      %eq3A_597 = arith.cmpi eq, %shift_right_arithmetic3A_596, %broadcast_in_dim3A_230 : vector<16xi32>
      %ge3A = arith.constant 0 : i32
      %ge3A_598 = vector.broadcast %ge3A : i32 to vector<16xi32>
      %ge3A_599 = arith.cmpi sge, %get3A_591, %ge3A_598 : vector<16xi32>
      %and3A_600 = arith.andi %eq3A_597, %ge3A_599 : vector<16xi1>
      %mul3A_601 = arith.constant 16 : i32
      %mul3A_602 = arith.muli %while3A_587, %mul3A_601 : i32
      %get3A_603 = arith.index_cast %mul3A_602 : i32 to index
      %get3A_604 = tpu.vector_load %arg6[%get3A_603] {strides = array<i32>} : memref<800xi32, #tpu.memory_space<vmem>>, vector<16xi32>,
      %swap3A_605 = arith.index_cast %while3A_588 : i32 to index
      %swap3A_606 = tpu.vector_load %arg7[%swap3A_605] masked %and3A_600 {strides = array<i32>} : memref<800xi32, #tpu.memory_space<vmem>>, vector<16xi32>, vector<16xi1>
      tpu.vector_store %arg7[%swap3A_605], %get3A_591 masked %and3A_600 {strides = array<i32>} : memref<800xi32, #tpu.memory_space<vmem>>, vector<16xi32>, vector<16xi1>
      %swap3A_607 = arith.index_cast %while3A_588 : i32 to index
      %swap3A_608 = tpu.vector_load %arg8[%swap3A_607] masked %and3A_600 {strides = array<i32>} : memref<800xi32, #tpu.memory_space<vmem>>, vector<16xi32>, vector<16xi1>
      tpu.vector_store %arg8[%swap3A_607], %get3A_604 masked %and3A_600 {strides = array<i32>} : memref<800xi32, #tpu.memory_space<vmem>>, vector<16xi32>, vector<16xi1>
      %all_reduce_population_count3A = tpu.all_reduce %and3A_600 {dim = 0 : i64, kind = #tpu.reduction_kind<sum>} : vector<16xi1> -> vector<16xi32>
      %slice3A_609 = vector.extract_strided_slice %all_reduce_population_count3A {offsets = [0], sizes = [1], strides = [1]} : vector<16xi32> to vector<1xi32>
      %squeeze3A_610 = vector.extract %slice3A_609[0] : i32 from vector<1xi32>
      %add3A_611 = arith.addi %while3A_588, %squeeze3A_610 : i32
      scf.yield %add3A_611 : i32
    }
    %while3A_247 = arith.constant 1 : i32
    %while3A_248 = scf.for %while3A_587 = %while3A_244 to %while3A_240 step %while3A_247 iter_args(%while3A_588 = %while3A_246) -> (i32)  : i32 {
      %mul3A_589 = arith.constant 16 : i32
      %mul3A_590 = arith.muli %while3A_587, %mul3A_589 : i32
      %get3A = arith.index_cast %mul3A_590 : i32 to index
      %get3A_591 = tpu.vector_load %arg5[%get3A] {strides = array<i32>} : memref<800xi32, #tpu.memory_space<vmem>>, vector<16xi32>,
      %sub3A_592 = vector.broadcast %mul3A_2 : i32 to vector<16xi32>
      %sub3A_593 = arith.subi %get3A_591, %sub3A_592 : vector<16xi32>
      %shift_right_arithmetic3A_594 = arith.constant 4 : i32
      %shift_right_arithmetic3A_595 = vector.broadcast %shift_right_arithmetic3A_594 : i32 to vector<16xi32>
      %shift_right_arithmetic3A_596 = arith.shrsi %sub3A_593, %shift_right_arithmetic3A_595 : vector<16xi32>
      %eq3A_597 = arith.cmpi eq, %shift_right_arithmetic3A_596, %broadcast_in_dim3A_230 : vector<16xi32>
      %ge3A = arith.constant 0 : i32
      %ge3A_598 = vector.broadcast %ge3A : i32 to vector<16xi32>
      %ge3A_599 = arith.cmpi sge, %get3A_591, %ge3A_598 : vector<16xi32>
      %and3A_600 = arith.andi %eq3A_597, %ge3A_599 : vector<16xi1>
      %mul3A_601 = arith.constant 16 : i32
      %mul3A_602 = arith.muli %while3A_587, %mul3A_601 : i32
      %get3A_603 = arith.index_cast %mul3A_602 : i32 to index
      %get3A_604 = tpu.vector_load %arg6[%get3A_603] {strides = array<i32>} : memref<800xi32, #tpu.memory_space<vmem>>, vector<16xi32>,
      %swap3A_605 = arith.index_cast %while3A_588 : i32 to index
      %swap3A_606 = tpu.vector_load %arg7[%swap3A_605] masked %and3A_600 {strides = array<i32>} : memref<800xi32, #tpu.memory_space<vmem>>, vector<16xi32>, vector<16xi1>
      tpu.vector_store %arg7[%swap3A_605], %get3A_591 masked %and3A_600 {strides = array<i32>} : memref<800xi32, #tpu.memory_space<vmem>>, vector<16xi32>, vector<16xi1>
      %swap3A_607 = arith.index_cast %while3A_588 : i32 to index
      %swap3A_608 = tpu.vector_load %arg8[%swap3A_607] masked %and3A_600 {strides = array<i32>} : memref<800xi32, #tpu.memory_space<vmem>>, vector<16xi32>, vector<16xi1>
      tpu.vector_store %arg8[%swap3A_607], %get3A_604 masked %and3A_600 {strides = array<i32>} : memref<800xi32, #tpu.memory_space<vmem>>, vector<16xi32>, vector<16xi1>
      %all_reduce_population_count3A = tpu.all_reduce %and3A_600 {dim = 0 : i64, kind = #tpu.reduction_kind<sum>} : vector<16xi1> -> vector<16xi32>
      %slice3A_609 = vector.extract_strided_slice %all_reduce_population_count3A {offsets = [0], sizes = [1], strides = [1]} : vector<16xi32> to vector<1xi32>
      %squeeze3A_610 = vector.extract %slice3A_609[0] : i32 from vector<1xi32>
      %add3A_611 = arith.addi %while3A_588, %squeeze3A_610 : i32
      scf.yield %add3A_611 : i32
    }
    %broadcast_in_dim3A_249 = arith.constant 10 : i32
    %broadcast_in_dim3A_250 = vector.broadcast %broadcast_in_dim3A_249 : i32 to vector<16xi32>
    %eq3A_251 = arith.constant 10 : i32
    %eq3A_252 = vector.broadcast %eq3A_251 : i32 to vector<16xi32>
    %eq3A_253 = arith.cmpi eq, %iota3A, %eq3A_252 : vector<16xi32>
    %broadcast_in_dim3A_254 = vector.broadcast %while3A_248 : i32 to vector<16xi32>
    %jit3A_255 = arith.constant 0 : i32
    %broadcast_in_dim3A_256 = vector.broadcast %jit3A_255 : i32 to vector<16xi32>
    %select_n3A_257 = arith.select %eq3A_253, %broadcast_in_dim3A_254, %broadcast_in_dim3A_256 : vector<16xi1>, vector<16xi32>
    %while3A_258 = arith.constant 0 : i32
    %while3A_259 = arith.subi %shift_right_arithmetic3A_50, %while3A_258 : i32
    %while3A_260 = arith.addi %while3A_258, %while3A_259 : i32
    %while3A_261 = arith.constant 1 : i32
    %while3A_262 = arith.divsi %while3A_259, %while3A_261 : i32
    %while3A_263 = arith.muli %while3A_262, %while3A_261 : i32
    %while3A_264 = arith.addi %while3A_258, %while3A_263 : i32
    %while3A_265 = arith.constant 1 : i32
    %while3A_266 = scf.for %while3A_587 = %while3A_258 to %while3A_264 step %while3A_265 iter_args(%while3A_588 = %while3A_248) -> (i32)  : i32 {
      %mul3A_589 = arith.constant 16 : i32
      %mul3A_590 = arith.muli %while3A_587, %mul3A_589 : i32
      %get3A = arith.index_cast %mul3A_590 : i32 to index
      %get3A_591 = tpu.vector_load %arg5[%get3A] {strides = array<i32>} : memref<800xi32, #tpu.memory_space<vmem>>, vector<16xi32>,
      %sub3A_592 = vector.broadcast %mul3A_2 : i32 to vector<16xi32>
      %sub3A_593 = arith.subi %get3A_591, %sub3A_592 : vector<16xi32>
      %shift_right_arithmetic3A_594 = arith.constant 4 : i32
      %shift_right_arithmetic3A_595 = vector.broadcast %shift_right_arithmetic3A_594 : i32 to vector<16xi32>
      %shift_right_arithmetic3A_596 = arith.shrsi %sub3A_593, %shift_right_arithmetic3A_595 : vector<16xi32>
      %eq3A_597 = arith.cmpi eq, %shift_right_arithmetic3A_596, %broadcast_in_dim3A_250 : vector<16xi32>
      %ge3A = arith.constant 0 : i32
      %ge3A_598 = vector.broadcast %ge3A : i32 to vector<16xi32>
      %ge3A_599 = arith.cmpi sge, %get3A_591, %ge3A_598 : vector<16xi32>
      %and3A_600 = arith.andi %eq3A_597, %ge3A_599 : vector<16xi1>
      %mul3A_601 = arith.constant 16 : i32
      %mul3A_602 = arith.muli %while3A_587, %mul3A_601 : i32
      %get3A_603 = arith.index_cast %mul3A_602 : i32 to index
      %get3A_604 = tpu.vector_load %arg6[%get3A_603] {strides = array<i32>} : memref<800xi32, #tpu.memory_space<vmem>>, vector<16xi32>,
      %swap3A_605 = arith.index_cast %while3A_588 : i32 to index
      %swap3A_606 = tpu.vector_load %arg7[%swap3A_605] masked %and3A_600 {strides = array<i32>} : memref<800xi32, #tpu.memory_space<vmem>>, vector<16xi32>, vector<16xi1>
      tpu.vector_store %arg7[%swap3A_605], %get3A_591 masked %and3A_600 {strides = array<i32>} : memref<800xi32, #tpu.memory_space<vmem>>, vector<16xi32>, vector<16xi1>
      %swap3A_607 = arith.index_cast %while3A_588 : i32 to index
      %swap3A_608 = tpu.vector_load %arg8[%swap3A_607] masked %and3A_600 {strides = array<i32>} : memref<800xi32, #tpu.memory_space<vmem>>, vector<16xi32>, vector<16xi1>
      tpu.vector_store %arg8[%swap3A_607], %get3A_604 masked %and3A_600 {strides = array<i32>} : memref<800xi32, #tpu.memory_space<vmem>>, vector<16xi32>, vector<16xi1>
      %all_reduce_population_count3A = tpu.all_reduce %and3A_600 {dim = 0 : i64, kind = #tpu.reduction_kind<sum>} : vector<16xi1> -> vector<16xi32>
      %slice3A_609 = vector.extract_strided_slice %all_reduce_population_count3A {offsets = [0], sizes = [1], strides = [1]} : vector<16xi32> to vector<1xi32>
      %squeeze3A_610 = vector.extract %slice3A_609[0] : i32 from vector<1xi32>
      %add3A_611 = arith.addi %while3A_588, %squeeze3A_610 : i32
      scf.yield %add3A_611 : i32
    }
    %while3A_267 = arith.constant 1 : i32
    %while3A_268 = scf.for %while3A_587 = %while3A_264 to %while3A_260 step %while3A_267 iter_args(%while3A_588 = %while3A_266) -> (i32)  : i32 {
      %mul3A_589 = arith.constant 16 : i32
      %mul3A_590 = arith.muli %while3A_587, %mul3A_589 : i32
      %get3A = arith.index_cast %mul3A_590 : i32 to index
      %get3A_591 = tpu.vector_load %arg5[%get3A] {strides = array<i32>} : memref<800xi32, #tpu.memory_space<vmem>>, vector<16xi32>,
      %sub3A_592 = vector.broadcast %mul3A_2 : i32 to vector<16xi32>
      %sub3A_593 = arith.subi %get3A_591, %sub3A_592 : vector<16xi32>
      %shift_right_arithmetic3A_594 = arith.constant 4 : i32
      %shift_right_arithmetic3A_595 = vector.broadcast %shift_right_arithmetic3A_594 : i32 to vector<16xi32>
      %shift_right_arithmetic3A_596 = arith.shrsi %sub3A_593, %shift_right_arithmetic3A_595 : vector<16xi32>
      %eq3A_597 = arith.cmpi eq, %shift_right_arithmetic3A_596, %broadcast_in_dim3A_250 : vector<16xi32>
      %ge3A = arith.constant 0 : i32
      %ge3A_598 = vector.broadcast %ge3A : i32 to vector<16xi32>
      %ge3A_599 = arith.cmpi sge, %get3A_591, %ge3A_598 : vector<16xi32>
      %and3A_600 = arith.andi %eq3A_597, %ge3A_599 : vector<16xi1>
      %mul3A_601 = arith.constant 16 : i32
      %mul3A_602 = arith.muli %while3A_587, %mul3A_601 : i32
      %get3A_603 = arith.index_cast %mul3A_602 : i32 to index
      %get3A_604 = tpu.vector_load %arg6[%get3A_603] {strides = array<i32>} : memref<800xi32, #tpu.memory_space<vmem>>, vector<16xi32>,
      %swap3A_605 = arith.index_cast %while3A_588 : i32 to index
      %swap3A_606 = tpu.vector_load %arg7[%swap3A_605] masked %and3A_600 {strides = array<i32>} : memref<800xi32, #tpu.memory_space<vmem>>, vector<16xi32>, vector<16xi1>
      tpu.vector_store %arg7[%swap3A_605], %get3A_591 masked %and3A_600 {strides = array<i32>} : memref<800xi32, #tpu.memory_space<vmem>>, vector<16xi32>, vector<16xi1>
      %swap3A_607 = arith.index_cast %while3A_588 : i32 to index
      %swap3A_608 = tpu.vector_load %arg8[%swap3A_607] masked %and3A_600 {strides = array<i32>} : memref<800xi32, #tpu.memory_space<vmem>>, vector<16xi32>, vector<16xi1>
      tpu.vector_store %arg8[%swap3A_607], %get3A_604 masked %and3A_600 {strides = array<i32>} : memref<800xi32, #tpu.memory_space<vmem>>, vector<16xi32>, vector<16xi1>
      %all_reduce_population_count3A = tpu.all_reduce %and3A_600 {dim = 0 : i64, kind = #tpu.reduction_kind<sum>} : vector<16xi1> -> vector<16xi32>
      %slice3A_609 = vector.extract_strided_slice %all_reduce_population_count3A {offsets = [0], sizes = [1], strides = [1]} : vector<16xi32> to vector<1xi32>
      %squeeze3A_610 = vector.extract %slice3A_609[0] : i32 from vector<1xi32>
      %add3A_611 = arith.addi %while3A_588, %squeeze3A_610 : i32
      scf.yield %add3A_611 : i32
    }
    %broadcast_in_dim3A_269 = arith.constant 11 : i32
    %broadcast_in_dim3A_270 = vector.broadcast %broadcast_in_dim3A_269 : i32 to vector<16xi32>
    %eq3A_271 = arith.constant 11 : i32
    %eq3A_272 = vector.broadcast %eq3A_271 : i32 to vector<16xi32>
    %eq3A_273 = arith.cmpi eq, %iota3A, %eq3A_272 : vector<16xi32>
    %broadcast_in_dim3A_274 = vector.broadcast %while3A_268 : i32 to vector<16xi32>
    %jit3A_275 = arith.constant 0 : i32
    %broadcast_in_dim3A_276 = vector.broadcast %jit3A_275 : i32 to vector<16xi32>
    %select_n3A_277 = arith.select %eq3A_273, %broadcast_in_dim3A_274, %broadcast_in_dim3A_276 : vector<16xi1>, vector<16xi32>
    %while3A_278 = arith.constant 0 : i32
    %while3A_279 = arith.subi %shift_right_arithmetic3A_50, %while3A_278 : i32
    %while3A_280 = arith.addi %while3A_278, %while3A_279 : i32
    %while3A_281 = arith.constant 1 : i32
    %while3A_282 = arith.divsi %while3A_279, %while3A_281 : i32
    %while3A_283 = arith.muli %while3A_282, %while3A_281 : i32
    %while3A_284 = arith.addi %while3A_278, %while3A_283 : i32
    %while3A_285 = arith.constant 1 : i32
    %while3A_286 = scf.for %while3A_587 = %while3A_278 to %while3A_284 step %while3A_285 iter_args(%while3A_588 = %while3A_268) -> (i32)  : i32 {
      %mul3A_589 = arith.constant 16 : i32
      %mul3A_590 = arith.muli %while3A_587, %mul3A_589 : i32
      %get3A = arith.index_cast %mul3A_590 : i32 to index
      %get3A_591 = tpu.vector_load %arg5[%get3A] {strides = array<i32>} : memref<800xi32, #tpu.memory_space<vmem>>, vector<16xi32>,
      %sub3A_592 = vector.broadcast %mul3A_2 : i32 to vector<16xi32>
      %sub3A_593 = arith.subi %get3A_591, %sub3A_592 : vector<16xi32>
      %shift_right_arithmetic3A_594 = arith.constant 4 : i32
      %shift_right_arithmetic3A_595 = vector.broadcast %shift_right_arithmetic3A_594 : i32 to vector<16xi32>
      %shift_right_arithmetic3A_596 = arith.shrsi %sub3A_593, %shift_right_arithmetic3A_595 : vector<16xi32>
      %eq3A_597 = arith.cmpi eq, %shift_right_arithmetic3A_596, %broadcast_in_dim3A_270 : vector<16xi32>
      %ge3A = arith.constant 0 : i32
      %ge3A_598 = vector.broadcast %ge3A : i32 to vector<16xi32>
      %ge3A_599 = arith.cmpi sge, %get3A_591, %ge3A_598 : vector<16xi32>
      %and3A_600 = arith.andi %eq3A_597, %ge3A_599 : vector<16xi1>
      %mul3A_601 = arith.constant 16 : i32
      %mul3A_602 = arith.muli %while3A_587, %mul3A_601 : i32
      %get3A_603 = arith.index_cast %mul3A_602 : i32 to index
      %get3A_604 = tpu.vector_load %arg6[%get3A_603] {strides = array<i32>} : memref<800xi32, #tpu.memory_space<vmem>>, vector<16xi32>,
      %swap3A_605 = arith.index_cast %while3A_588 : i32 to index
      %swap3A_606 = tpu.vector_load %arg7[%swap3A_605] masked %and3A_600 {strides = array<i32>} : memref<800xi32, #tpu.memory_space<vmem>>, vector<16xi32>, vector<16xi1>
      tpu.vector_store %arg7[%swap3A_605], %get3A_591 masked %and3A_600 {strides = array<i32>} : memref<800xi32, #tpu.memory_space<vmem>>, vector<16xi32>, vector<16xi1>
      %swap3A_607 = arith.index_cast %while3A_588 : i32 to index
      %swap3A_608 = tpu.vector_load %arg8[%swap3A_607] masked %and3A_600 {strides = array<i32>} : memref<800xi32, #tpu.memory_space<vmem>>, vector<16xi32>, vector<16xi1>
      tpu.vector_store %arg8[%swap3A_607], %get3A_604 masked %and3A_600 {strides = array<i32>} : memref<800xi32, #tpu.memory_space<vmem>>, vector<16xi32>, vector<16xi1>
      %all_reduce_population_count3A = tpu.all_reduce %and3A_600 {dim = 0 : i64, kind = #tpu.reduction_kind<sum>} : vector<16xi1> -> vector<16xi32>
      %slice3A_609 = vector.extract_strided_slice %all_reduce_population_count3A {offsets = [0], sizes = [1], strides = [1]} : vector<16xi32> to vector<1xi32>
      %squeeze3A_610 = vector.extract %slice3A_609[0] : i32 from vector<1xi32>
      %add3A_611 = arith.addi %while3A_588, %squeeze3A_610 : i32
      scf.yield %add3A_611 : i32
    }
    %while3A_287 = arith.constant 1 : i32
    %while3A_288 = scf.for %while3A_587 = %while3A_284 to %while3A_280 step %while3A_287 iter_args(%while3A_588 = %while3A_286) -> (i32)  : i32 {
      %mul3A_589 = arith.constant 16 : i32
      %mul3A_590 = arith.muli %while3A_587, %mul3A_589 : i32
      %get3A = arith.index_cast %mul3A_590 : i32 to index
      %get3A_591 = tpu.vector_load %arg5[%get3A] {strides = array<i32>} : memref<800xi32, #tpu.memory_space<vmem>>, vector<16xi32>,
      %sub3A_592 = vector.broadcast %mul3A_2 : i32 to vector<16xi32>
      %sub3A_593 = arith.subi %get3A_591, %sub3A_592 : vector<16xi32>
      %shift_right_arithmetic3A_594 = arith.constant 4 : i32
      %shift_right_arithmetic3A_595 = vector.broadcast %shift_right_arithmetic3A_594 : i32 to vector<16xi32>
      %shift_right_arithmetic3A_596 = arith.shrsi %sub3A_593, %shift_right_arithmetic3A_595 : vector<16xi32>
      %eq3A_597 = arith.cmpi eq, %shift_right_arithmetic3A_596, %broadcast_in_dim3A_270 : vector<16xi32>
      %ge3A = arith.constant 0 : i32
      %ge3A_598 = vector.broadcast %ge3A : i32 to vector<16xi32>
      %ge3A_599 = arith.cmpi sge, %get3A_591, %ge3A_598 : vector<16xi32>
      %and3A_600 = arith.andi %eq3A_597, %ge3A_599 : vector<16xi1>
      %mul3A_601 = arith.constant 16 : i32
      %mul3A_602 = arith.muli %while3A_587, %mul3A_601 : i32
      %get3A_603 = arith.index_cast %mul3A_602 : i32 to index
      %get3A_604 = tpu.vector_load %arg6[%get3A_603] {strides = array<i32>} : memref<800xi32, #tpu.memory_space<vmem>>, vector<16xi32>,
      %swap3A_605 = arith.index_cast %while3A_588 : i32 to index
      %swap3A_606 = tpu.vector_load %arg7[%swap3A_605] masked %and3A_600 {strides = array<i32>} : memref<800xi32, #tpu.memory_space<vmem>>, vector<16xi32>, vector<16xi1>
      tpu.vector_store %arg7[%swap3A_605], %get3A_591 masked %and3A_600 {strides = array<i32>} : memref<800xi32, #tpu.memory_space<vmem>>, vector<16xi32>, vector<16xi1>
      %swap3A_607 = arith.index_cast %while3A_588 : i32 to index
      %swap3A_608 = tpu.vector_load %arg8[%swap3A_607] masked %and3A_600 {strides = array<i32>} : memref<800xi32, #tpu.memory_space<vmem>>, vector<16xi32>, vector<16xi1>
      tpu.vector_store %arg8[%swap3A_607], %get3A_604 masked %and3A_600 {strides = array<i32>} : memref<800xi32, #tpu.memory_space<vmem>>, vector<16xi32>, vector<16xi1>
      %all_reduce_population_count3A = tpu.all_reduce %and3A_600 {dim = 0 : i64, kind = #tpu.reduction_kind<sum>} : vector<16xi1> -> vector<16xi32>
      %slice3A_609 = vector.extract_strided_slice %all_reduce_population_count3A {offsets = [0], sizes = [1], strides = [1]} : vector<16xi32> to vector<1xi32>
      %squeeze3A_610 = vector.extract %slice3A_609[0] : i32 from vector<1xi32>
      %add3A_611 = arith.addi %while3A_588, %squeeze3A_610 : i32
      scf.yield %add3A_611 : i32
    }
    %broadcast_in_dim3A_289 = arith.constant 12 : i32
    %broadcast_in_dim3A_290 = vector.broadcast %broadcast_in_dim3A_289 : i32 to vector<16xi32>
    %eq3A_291 = arith.constant 12 : i32
    %eq3A_292 = vector.broadcast %eq3A_291 : i32 to vector<16xi32>
    %eq3A_293 = arith.cmpi eq, %iota3A, %eq3A_292 : vector<16xi32>
    %broadcast_in_dim3A_294 = vector.broadcast %while3A_288 : i32 to vector<16xi32>
    %jit3A_295 = arith.constant 0 : i32
    %broadcast_in_dim3A_296 = vector.broadcast %jit3A_295 : i32 to vector<16xi32>
    %select_n3A_297 = arith.select %eq3A_293, %broadcast_in_dim3A_294, %broadcast_in_dim3A_296 : vector<16xi1>, vector<16xi32>
    %while3A_298 = arith.constant 0 : i32
    %while3A_299 = arith.subi %shift_right_arithmetic3A_50, %while3A_298 : i32
    %while3A_300 = arith.addi %while3A_298, %while3A_299 : i32
    %while3A_301 = arith.constant 1 : i32
    %while3A_302 = arith.divsi %while3A_299, %while3A_301 : i32
    %while3A_303 = arith.muli %while3A_302, %while3A_301 : i32
    %while3A_304 = arith.addi %while3A_298, %while3A_303 : i32
    %while3A_305 = arith.constant 1 : i32
    %while3A_306 = scf.for %while3A_587 = %while3A_298 to %while3A_304 step %while3A_305 iter_args(%while3A_588 = %while3A_288) -> (i32)  : i32 {
      %mul3A_589 = arith.constant 16 : i32
      %mul3A_590 = arith.muli %while3A_587, %mul3A_589 : i32
      %get3A = arith.index_cast %mul3A_590 : i32 to index
      %get3A_591 = tpu.vector_load %arg5[%get3A] {strides = array<i32>} : memref<800xi32, #tpu.memory_space<vmem>>, vector<16xi32>,
      %sub3A_592 = vector.broadcast %mul3A_2 : i32 to vector<16xi32>
      %sub3A_593 = arith.subi %get3A_591, %sub3A_592 : vector<16xi32>
      %shift_right_arithmetic3A_594 = arith.constant 4 : i32
      %shift_right_arithmetic3A_595 = vector.broadcast %shift_right_arithmetic3A_594 : i32 to vector<16xi32>
      %shift_right_arithmetic3A_596 = arith.shrsi %sub3A_593, %shift_right_arithmetic3A_595 : vector<16xi32>
      %eq3A_597 = arith.cmpi eq, %shift_right_arithmetic3A_596, %broadcast_in_dim3A_290 : vector<16xi32>
      %ge3A = arith.constant 0 : i32
      %ge3A_598 = vector.broadcast %ge3A : i32 to vector<16xi32>
      %ge3A_599 = arith.cmpi sge, %get3A_591, %ge3A_598 : vector<16xi32>
      %and3A_600 = arith.andi %eq3A_597, %ge3A_599 : vector<16xi1>
      %mul3A_601 = arith.constant 16 : i32
      %mul3A_602 = arith.muli %while3A_587, %mul3A_601 : i32
      %get3A_603 = arith.index_cast %mul3A_602 : i32 to index
      %get3A_604 = tpu.vector_load %arg6[%get3A_603] {strides = array<i32>} : memref<800xi32, #tpu.memory_space<vmem>>, vector<16xi32>,
      %swap3A_605 = arith.index_cast %while3A_588 : i32 to index
      %swap3A_606 = tpu.vector_load %arg7[%swap3A_605] masked %and3A_600 {strides = array<i32>} : memref<800xi32, #tpu.memory_space<vmem>>, vector<16xi32>, vector<16xi1>
      tpu.vector_store %arg7[%swap3A_605], %get3A_591 masked %and3A_600 {strides = array<i32>} : memref<800xi32, #tpu.memory_space<vmem>>, vector<16xi32>, vector<16xi1>
      %swap3A_607 = arith.index_cast %while3A_588 : i32 to index
      %swap3A_608 = tpu.vector_load %arg8[%swap3A_607] masked %and3A_600 {strides = array<i32>} : memref<800xi32, #tpu.memory_space<vmem>>, vector<16xi32>, vector<16xi1>
      tpu.vector_store %arg8[%swap3A_607], %get3A_604 masked %and3A_600 {strides = array<i32>} : memref<800xi32, #tpu.memory_space<vmem>>, vector<16xi32>, vector<16xi1>
      %all_reduce_population_count3A = tpu.all_reduce %and3A_600 {dim = 0 : i64, kind = #tpu.reduction_kind<sum>} : vector<16xi1> -> vector<16xi32>
      %slice3A_609 = vector.extract_strided_slice %all_reduce_population_count3A {offsets = [0], sizes = [1], strides = [1]} : vector<16xi32> to vector<1xi32>
      %squeeze3A_610 = vector.extract %slice3A_609[0] : i32 from vector<1xi32>
      %add3A_611 = arith.addi %while3A_588, %squeeze3A_610 : i32
      scf.yield %add3A_611 : i32
    }
    %while3A_307 = arith.constant 1 : i32
    %while3A_308 = scf.for %while3A_587 = %while3A_304 to %while3A_300 step %while3A_307 iter_args(%while3A_588 = %while3A_306) -> (i32)  : i32 {
      %mul3A_589 = arith.constant 16 : i32
      %mul3A_590 = arith.muli %while3A_587, %mul3A_589 : i32
      %get3A = arith.index_cast %mul3A_590 : i32 to index
      %get3A_591 = tpu.vector_load %arg5[%get3A] {strides = array<i32>} : memref<800xi32, #tpu.memory_space<vmem>>, vector<16xi32>,
      %sub3A_592 = vector.broadcast %mul3A_2 : i32 to vector<16xi32>
      %sub3A_593 = arith.subi %get3A_591, %sub3A_592 : vector<16xi32>
      %shift_right_arithmetic3A_594 = arith.constant 4 : i32
      %shift_right_arithmetic3A_595 = vector.broadcast %shift_right_arithmetic3A_594 : i32 to vector<16xi32>
      %shift_right_arithmetic3A_596 = arith.shrsi %sub3A_593, %shift_right_arithmetic3A_595 : vector<16xi32>
      %eq3A_597 = arith.cmpi eq, %shift_right_arithmetic3A_596, %broadcast_in_dim3A_290 : vector<16xi32>
      %ge3A = arith.constant 0 : i32
      %ge3A_598 = vector.broadcast %ge3A : i32 to vector<16xi32>
      %ge3A_599 = arith.cmpi sge, %get3A_591, %ge3A_598 : vector<16xi32>
      %and3A_600 = arith.andi %eq3A_597, %ge3A_599 : vector<16xi1>
      %mul3A_601 = arith.constant 16 : i32
      %mul3A_602 = arith.muli %while3A_587, %mul3A_601 : i32
      %get3A_603 = arith.index_cast %mul3A_602 : i32 to index
      %get3A_604 = tpu.vector_load %arg6[%get3A_603] {strides = array<i32>} : memref<800xi32, #tpu.memory_space<vmem>>, vector<16xi32>,
      %swap3A_605 = arith.index_cast %while3A_588 : i32 to index
      %swap3A_606 = tpu.vector_load %arg7[%swap3A_605] masked %and3A_600 {strides = array<i32>} : memref<800xi32, #tpu.memory_space<vmem>>, vector<16xi32>, vector<16xi1>
      tpu.vector_store %arg7[%swap3A_605], %get3A_591 masked %and3A_600 {strides = array<i32>} : memref<800xi32, #tpu.memory_space<vmem>>, vector<16xi32>, vector<16xi1>
      %swap3A_607 = arith.index_cast %while3A_588 : i32 to index
      %swap3A_608 = tpu.vector_load %arg8[%swap3A_607] masked %and3A_600 {strides = array<i32>} : memref<800xi32, #tpu.memory_space<vmem>>, vector<16xi32>, vector<16xi1>
      tpu.vector_store %arg8[%swap3A_607], %get3A_604 masked %and3A_600 {strides = array<i32>} : memref<800xi32, #tpu.memory_space<vmem>>, vector<16xi32>, vector<16xi1>
      %all_reduce_population_count3A = tpu.all_reduce %and3A_600 {dim = 0 : i64, kind = #tpu.reduction_kind<sum>} : vector<16xi1> -> vector<16xi32>
      %slice3A_609 = vector.extract_strided_slice %all_reduce_population_count3A {offsets = [0], sizes = [1], strides = [1]} : vector<16xi32> to vector<1xi32>
      %squeeze3A_610 = vector.extract %slice3A_609[0] : i32 from vector<1xi32>
      %add3A_611 = arith.addi %while3A_588, %squeeze3A_610 : i32
      scf.yield %add3A_611 : i32
    }
    %broadcast_in_dim3A_309 = arith.constant 13 : i32
    %broadcast_in_dim3A_310 = vector.broadcast %broadcast_in_dim3A_309 : i32 to vector<16xi32>
    %eq3A_311 = arith.constant 13 : i32
    %eq3A_312 = vector.broadcast %eq3A_311 : i32 to vector<16xi32>
    %eq3A_313 = arith.cmpi eq, %iota3A, %eq3A_312 : vector<16xi32>
    %broadcast_in_dim3A_314 = vector.broadcast %while3A_308 : i32 to vector<16xi32>
    %jit3A_315 = arith.constant 0 : i32
    %broadcast_in_dim3A_316 = vector.broadcast %jit3A_315 : i32 to vector<16xi32>
    %select_n3A_317 = arith.select %eq3A_313, %broadcast_in_dim3A_314, %broadcast_in_dim3A_316 : vector<16xi1>, vector<16xi32>
    %while3A_318 = arith.constant 0 : i32
    %while3A_319 = arith.subi %shift_right_arithmetic3A_50, %while3A_318 : i32
    %while3A_320 = arith.addi %while3A_318, %while3A_319 : i32
    %while3A_321 = arith.constant 1 : i32
    %while3A_322 = arith.divsi %while3A_319, %while3A_321 : i32
    %while3A_323 = arith.muli %while3A_322, %while3A_321 : i32
    %while3A_324 = arith.addi %while3A_318, %while3A_323 : i32
    %while3A_325 = arith.constant 1 : i32
    %while3A_326 = scf.for %while3A_587 = %while3A_318 to %while3A_324 step %while3A_325 iter_args(%while3A_588 = %while3A_308) -> (i32)  : i32 {
      %mul3A_589 = arith.constant 16 : i32
      %mul3A_590 = arith.muli %while3A_587, %mul3A_589 : i32
      %get3A = arith.index_cast %mul3A_590 : i32 to index
      %get3A_591 = tpu.vector_load %arg5[%get3A] {strides = array<i32>} : memref<800xi32, #tpu.memory_space<vmem>>, vector<16xi32>,
      %sub3A_592 = vector.broadcast %mul3A_2 : i32 to vector<16xi32>
      %sub3A_593 = arith.subi %get3A_591, %sub3A_592 : vector<16xi32>
      %shift_right_arithmetic3A_594 = arith.constant 4 : i32
      %shift_right_arithmetic3A_595 = vector.broadcast %shift_right_arithmetic3A_594 : i32 to vector<16xi32>
      %shift_right_arithmetic3A_596 = arith.shrsi %sub3A_593, %shift_right_arithmetic3A_595 : vector<16xi32>
      %eq3A_597 = arith.cmpi eq, %shift_right_arithmetic3A_596, %broadcast_in_dim3A_310 : vector<16xi32>
      %ge3A = arith.constant 0 : i32
      %ge3A_598 = vector.broadcast %ge3A : i32 to vector<16xi32>
      %ge3A_599 = arith.cmpi sge, %get3A_591, %ge3A_598 : vector<16xi32>
      %and3A_600 = arith.andi %eq3A_597, %ge3A_599 : vector<16xi1>
      %mul3A_601 = arith.constant 16 : i32
      %mul3A_602 = arith.muli %while3A_587, %mul3A_601 : i32
      %get3A_603 = arith.index_cast %mul3A_602 : i32 to index
      %get3A_604 = tpu.vector_load %arg6[%get3A_603] {strides = array<i32>} : memref<800xi32, #tpu.memory_space<vmem>>, vector<16xi32>,
      %swap3A_605 = arith.index_cast %while3A_588 : i32 to index
      %swap3A_606 = tpu.vector_load %arg7[%swap3A_605] masked %and3A_600 {strides = array<i32>} : memref<800xi32, #tpu.memory_space<vmem>>, vector<16xi32>, vector<16xi1>
      tpu.vector_store %arg7[%swap3A_605], %get3A_591 masked %and3A_600 {strides = array<i32>} : memref<800xi32, #tpu.memory_space<vmem>>, vector<16xi32>, vector<16xi1>
      %swap3A_607 = arith.index_cast %while3A_588 : i32 to index
      %swap3A_608 = tpu.vector_load %arg8[%swap3A_607] masked %and3A_600 {strides = array<i32>} : memref<800xi32, #tpu.memory_space<vmem>>, vector<16xi32>, vector<16xi1>
      tpu.vector_store %arg8[%swap3A_607], %get3A_604 masked %and3A_600 {strides = array<i32>} : memref<800xi32, #tpu.memory_space<vmem>>, vector<16xi32>, vector<16xi1>
      %all_reduce_population_count3A = tpu.all_reduce %and3A_600 {dim = 0 : i64, kind = #tpu.reduction_kind<sum>} : vector<16xi1> -> vector<16xi32>
      %slice3A_609 = vector.extract_strided_slice %all_reduce_population_count3A {offsets = [0], sizes = [1], strides = [1]} : vector<16xi32> to vector<1xi32>
      %squeeze3A_610 = vector.extract %slice3A_609[0] : i32 from vector<1xi32>
      %add3A_611 = arith.addi %while3A_588, %squeeze3A_610 : i32
      scf.yield %add3A_611 : i32
    }
    %while3A_327 = arith.constant 1 : i32
    %while3A_328 = scf.for %while3A_587 = %while3A_324 to %while3A_320 step %while3A_327 iter_args(%while3A_588 = %while3A_326) -> (i32)  : i32 {
      %mul3A_589 = arith.constant 16 : i32
      %mul3A_590 = arith.muli %while3A_587, %mul3A_589 : i32
      %get3A = arith.index_cast %mul3A_590 : i32 to index
      %get3A_591 = tpu.vector_load %arg5[%get3A] {strides = array<i32>} : memref<800xi32, #tpu.memory_space<vmem>>, vector<16xi32>,
      %sub3A_592 = vector.broadcast %mul3A_2 : i32 to vector<16xi32>
      %sub3A_593 = arith.subi %get3A_591, %sub3A_592 : vector<16xi32>
      %shift_right_arithmetic3A_594 = arith.constant 4 : i32
      %shift_right_arithmetic3A_595 = vector.broadcast %shift_right_arithmetic3A_594 : i32 to vector<16xi32>
      %shift_right_arithmetic3A_596 = arith.shrsi %sub3A_593, %shift_right_arithmetic3A_595 : vector<16xi32>
      %eq3A_597 = arith.cmpi eq, %shift_right_arithmetic3A_596, %broadcast_in_dim3A_310 : vector<16xi32>
      %ge3A = arith.constant 0 : i32
      %ge3A_598 = vector.broadcast %ge3A : i32 to vector<16xi32>
      %ge3A_599 = arith.cmpi sge, %get3A_591, %ge3A_598 : vector<16xi32>
      %and3A_600 = arith.andi %eq3A_597, %ge3A_599 : vector<16xi1>
      %mul3A_601 = arith.constant 16 : i32
      %mul3A_602 = arith.muli %while3A_587, %mul3A_601 : i32
      %get3A_603 = arith.index_cast %mul3A_602 : i32 to index
      %get3A_604 = tpu.vector_load %arg6[%get3A_603] {strides = array<i32>} : memref<800xi32, #tpu.memory_space<vmem>>, vector<16xi32>,
      %swap3A_605 = arith.index_cast %while3A_588 : i32 to index
      %swap3A_606 = tpu.vector_load %arg7[%swap3A_605] masked %and3A_600 {strides = array<i32>} : memref<800xi32, #tpu.memory_space<vmem>>, vector<16xi32>, vector<16xi1>
      tpu.vector_store %arg7[%swap3A_605], %get3A_591 masked %and3A_600 {strides = array<i32>} : memref<800xi32, #tpu.memory_space<vmem>>, vector<16xi32>, vector<16xi1>
      %swap3A_607 = arith.index_cast %while3A_588 : i32 to index
      %swap3A_608 = tpu.vector_load %arg8[%swap3A_607] masked %and3A_600 {strides = array<i32>} : memref<800xi32, #tpu.memory_space<vmem>>, vector<16xi32>, vector<16xi1>
      tpu.vector_store %arg8[%swap3A_607], %get3A_604 masked %and3A_600 {strides = array<i32>} : memref<800xi32, #tpu.memory_space<vmem>>, vector<16xi32>, vector<16xi1>
      %all_reduce_population_count3A = tpu.all_reduce %and3A_600 {dim = 0 : i64, kind = #tpu.reduction_kind<sum>} : vector<16xi1> -> vector<16xi32>
      %slice3A_609 = vector.extract_strided_slice %all_reduce_population_count3A {offsets = [0], sizes = [1], strides = [1]} : vector<16xi32> to vector<1xi32>
      %squeeze3A_610 = vector.extract %slice3A_609[0] : i32 from vector<1xi32>
      %add3A_611 = arith.addi %while3A_588, %squeeze3A_610 : i32
      scf.yield %add3A_611 : i32
    }
    %broadcast_in_dim3A_329 = arith.constant 14 : i32
    %broadcast_in_dim3A_330 = vector.broadcast %broadcast_in_dim3A_329 : i32 to vector<16xi32>
    %eq3A_331 = arith.constant 14 : i32
    %eq3A_332 = vector.broadcast %eq3A_331 : i32 to vector<16xi32>
    %eq3A_333 = arith.cmpi eq, %iota3A, %eq3A_332 : vector<16xi32>
    %broadcast_in_dim3A_334 = vector.broadcast %while3A_328 : i32 to vector<16xi32>
    %jit3A_335 = arith.constant 0 : i32
    %broadcast_in_dim3A_336 = vector.broadcast %jit3A_335 : i32 to vector<16xi32>
    %select_n3A_337 = arith.select %eq3A_333, %broadcast_in_dim3A_334, %broadcast_in_dim3A_336 : vector<16xi1>, vector<16xi32>
    %while3A_338 = arith.constant 0 : i32
    %while3A_339 = arith.subi %shift_right_arithmetic3A_50, %while3A_338 : i32
    %while3A_340 = arith.addi %while3A_338, %while3A_339 : i32
    %while3A_341 = arith.constant 1 : i32
    %while3A_342 = arith.divsi %while3A_339, %while3A_341 : i32
    %while3A_343 = arith.muli %while3A_342, %while3A_341 : i32
    %while3A_344 = arith.addi %while3A_338, %while3A_343 : i32
    %while3A_345 = arith.constant 1 : i32
    %while3A_346 = scf.for %while3A_587 = %while3A_338 to %while3A_344 step %while3A_345 iter_args(%while3A_588 = %while3A_328) -> (i32)  : i32 {
      %mul3A_589 = arith.constant 16 : i32
      %mul3A_590 = arith.muli %while3A_587, %mul3A_589 : i32
      %get3A = arith.index_cast %mul3A_590 : i32 to index
      %get3A_591 = tpu.vector_load %arg5[%get3A] {strides = array<i32>} : memref<800xi32, #tpu.memory_space<vmem>>, vector<16xi32>,
      %sub3A_592 = vector.broadcast %mul3A_2 : i32 to vector<16xi32>
      %sub3A_593 = arith.subi %get3A_591, %sub3A_592 : vector<16xi32>
      %shift_right_arithmetic3A_594 = arith.constant 4 : i32
      %shift_right_arithmetic3A_595 = vector.broadcast %shift_right_arithmetic3A_594 : i32 to vector<16xi32>
      %shift_right_arithmetic3A_596 = arith.shrsi %sub3A_593, %shift_right_arithmetic3A_595 : vector<16xi32>
      %eq3A_597 = arith.cmpi eq, %shift_right_arithmetic3A_596, %broadcast_in_dim3A_330 : vector<16xi32>
      %ge3A = arith.constant 0 : i32
      %ge3A_598 = vector.broadcast %ge3A : i32 to vector<16xi32>
      %ge3A_599 = arith.cmpi sge, %get3A_591, %ge3A_598 : vector<16xi32>
      %and3A_600 = arith.andi %eq3A_597, %ge3A_599 : vector<16xi1>
      %mul3A_601 = arith.constant 16 : i32
      %mul3A_602 = arith.muli %while3A_587, %mul3A_601 : i32
      %get3A_603 = arith.index_cast %mul3A_602 : i32 to index
      %get3A_604 = tpu.vector_load %arg6[%get3A_603] {strides = array<i32>} : memref<800xi32, #tpu.memory_space<vmem>>, vector<16xi32>,
      %swap3A_605 = arith.index_cast %while3A_588 : i32 to index
      %swap3A_606 = tpu.vector_load %arg7[%swap3A_605] masked %and3A_600 {strides = array<i32>} : memref<800xi32, #tpu.memory_space<vmem>>, vector<16xi32>, vector<16xi1>
      tpu.vector_store %arg7[%swap3A_605], %get3A_591 masked %and3A_600 {strides = array<i32>} : memref<800xi32, #tpu.memory_space<vmem>>, vector<16xi32>, vector<16xi1>
      %swap3A_607 = arith.index_cast %while3A_588 : i32 to index
      %swap3A_608 = tpu.vector_load %arg8[%swap3A_607] masked %and3A_600 {strides = array<i32>} : memref<800xi32, #tpu.memory_space<vmem>>, vector<16xi32>, vector<16xi1>
      tpu.vector_store %arg8[%swap3A_607], %get3A_604 masked %and3A_600 {strides = array<i32>} : memref<800xi32, #tpu.memory_space<vmem>>, vector<16xi32>, vector<16xi1>
      %all_reduce_population_count3A = tpu.all_reduce %and3A_600 {dim = 0 : i64, kind = #tpu.reduction_kind<sum>} : vector<16xi1> -> vector<16xi32>
      %slice3A_609 = vector.extract_strided_slice %all_reduce_population_count3A {offsets = [0], sizes = [1], strides = [1]} : vector<16xi32> to vector<1xi32>
      %squeeze3A_610 = vector.extract %slice3A_609[0] : i32 from vector<1xi32>
      %add3A_611 = arith.addi %while3A_588, %squeeze3A_610 : i32
      scf.yield %add3A_611 : i32
    }
    %while3A_347 = arith.constant 1 : i32
    %while3A_348 = scf.for %while3A_587 = %while3A_344 to %while3A_340 step %while3A_347 iter_args(%while3A_588 = %while3A_346) -> (i32)  : i32 {
      %mul3A_589 = arith.constant 16 : i32
      %mul3A_590 = arith.muli %while3A_587, %mul3A_589 : i32
      %get3A = arith.index_cast %mul3A_590 : i32 to index
      %get3A_591 = tpu.vector_load %arg5[%get3A] {strides = array<i32>} : memref<800xi32, #tpu.memory_space<vmem>>, vector<16xi32>,
      %sub3A_592 = vector.broadcast %mul3A_2 : i32 to vector<16xi32>
      %sub3A_593 = arith.subi %get3A_591, %sub3A_592 : vector<16xi32>
      %shift_right_arithmetic3A_594 = arith.constant 4 : i32
      %shift_right_arithmetic3A_595 = vector.broadcast %shift_right_arithmetic3A_594 : i32 to vector<16xi32>
      %shift_right_arithmetic3A_596 = arith.shrsi %sub3A_593, %shift_right_arithmetic3A_595 : vector<16xi32>
      %eq3A_597 = arith.cmpi eq, %shift_right_arithmetic3A_596, %broadcast_in_dim3A_330 : vector<16xi32>
      %ge3A = arith.constant 0 : i32
      %ge3A_598 = vector.broadcast %ge3A : i32 to vector<16xi32>
      %ge3A_599 = arith.cmpi sge, %get3A_591, %ge3A_598 : vector<16xi32>
      %and3A_600 = arith.andi %eq3A_597, %ge3A_599 : vector<16xi1>
      %mul3A_601 = arith.constant 16 : i32
      %mul3A_602 = arith.muli %while3A_587, %mul3A_601 : i32
      %get3A_603 = arith.index_cast %mul3A_602 : i32 to index
      %get3A_604 = tpu.vector_load %arg6[%get3A_603] {strides = array<i32>} : memref<800xi32, #tpu.memory_space<vmem>>, vector<16xi32>,
      %swap3A_605 = arith.index_cast %while3A_588 : i32 to index
      %swap3A_606 = tpu.vector_load %arg7[%swap3A_605] masked %and3A_600 {strides = array<i32>} : memref<800xi32, #tpu.memory_space<vmem>>, vector<16xi32>, vector<16xi1>
      tpu.vector_store %arg7[%swap3A_605], %get3A_591 masked %and3A_600 {strides = array<i32>} : memref<800xi32, #tpu.memory_space<vmem>>, vector<16xi32>, vector<16xi1>
      %swap3A_607 = arith.index_cast %while3A_588 : i32 to index
      %swap3A_608 = tpu.vector_load %arg8[%swap3A_607] masked %and3A_600 {strides = array<i32>} : memref<800xi32, #tpu.memory_space<vmem>>, vector<16xi32>, vector<16xi1>
      tpu.vector_store %arg8[%swap3A_607], %get3A_604 masked %and3A_600 {strides = array<i32>} : memref<800xi32, #tpu.memory_space<vmem>>, vector<16xi32>, vector<16xi1>
      %all_reduce_population_count3A = tpu.all_reduce %and3A_600 {dim = 0 : i64, kind = #tpu.reduction_kind<sum>} : vector<16xi1> -> vector<16xi32>
      %slice3A_609 = vector.extract_strided_slice %all_reduce_population_count3A {offsets = [0], sizes = [1], strides = [1]} : vector<16xi32> to vector<1xi32>
      %squeeze3A_610 = vector.extract %slice3A_609[0] : i32 from vector<1xi32>
      %add3A_611 = arith.addi %while3A_588, %squeeze3A_610 : i32
      scf.yield %add3A_611 : i32
    }
    %broadcast_in_dim3A_349 = arith.constant 15 : i32
    %broadcast_in_dim3A_350 = vector.broadcast %broadcast_in_dim3A_349 : i32 to vector<16xi32>
    %eq3A_351 = arith.constant 15 : i32
    %eq3A_352 = vector.broadcast %eq3A_351 : i32 to vector<16xi32>
    %eq3A_353 = arith.cmpi eq, %iota3A, %eq3A_352 : vector<16xi32>
    %broadcast_in_dim3A_354 = vector.broadcast %while3A_348 : i32 to vector<16xi32>
    %jit3A_355 = arith.constant 0 : i32
    %broadcast_in_dim3A_356 = vector.broadcast %jit3A_355 : i32 to vector<16xi32>
    %select_n3A_357 = arith.select %eq3A_353, %broadcast_in_dim3A_354, %broadcast_in_dim3A_356 : vector<16xi1>, vector<16xi32>
    %while3A_358 = arith.constant 0 : i32
    %while3A_359 = arith.subi %shift_right_arithmetic3A_50, %while3A_358 : i32
    %while3A_360 = arith.addi %while3A_358, %while3A_359 : i32
    %while3A_361 = arith.constant 1 : i32
    %while3A_362 = arith.divsi %while3A_359, %while3A_361 : i32
    %while3A_363 = arith.muli %while3A_362, %while3A_361 : i32
    %while3A_364 = arith.addi %while3A_358, %while3A_363 : i32
    %while3A_365 = arith.constant 1 : i32
    %while3A_366 = scf.for %while3A_587 = %while3A_358 to %while3A_364 step %while3A_365 iter_args(%while3A_588 = %while3A_348) -> (i32)  : i32 {
      %mul3A_589 = arith.constant 16 : i32
      %mul3A_590 = arith.muli %while3A_587, %mul3A_589 : i32
      %get3A = arith.index_cast %mul3A_590 : i32 to index
      %get3A_591 = tpu.vector_load %arg5[%get3A] {strides = array<i32>} : memref<800xi32, #tpu.memory_space<vmem>>, vector<16xi32>,
      %sub3A_592 = vector.broadcast %mul3A_2 : i32 to vector<16xi32>
      %sub3A_593 = arith.subi %get3A_591, %sub3A_592 : vector<16xi32>
      %shift_right_arithmetic3A_594 = arith.constant 4 : i32
      %shift_right_arithmetic3A_595 = vector.broadcast %shift_right_arithmetic3A_594 : i32 to vector<16xi32>
      %shift_right_arithmetic3A_596 = arith.shrsi %sub3A_593, %shift_right_arithmetic3A_595 : vector<16xi32>
      %eq3A_597 = arith.cmpi eq, %shift_right_arithmetic3A_596, %broadcast_in_dim3A_350 : vector<16xi32>
      %ge3A = arith.constant 0 : i32
      %ge3A_598 = vector.broadcast %ge3A : i32 to vector<16xi32>
      %ge3A_599 = arith.cmpi sge, %get3A_591, %ge3A_598 : vector<16xi32>
      %and3A_600 = arith.andi %eq3A_597, %ge3A_599 : vector<16xi1>
      %mul3A_601 = arith.constant 16 : i32
      %mul3A_602 = arith.muli %while3A_587, %mul3A_601 : i32
      %get3A_603 = arith.index_cast %mul3A_602 : i32 to index
      %get3A_604 = tpu.vector_load %arg6[%get3A_603] {strides = array<i32>} : memref<800xi32, #tpu.memory_space<vmem>>, vector<16xi32>,
      %swap3A_605 = arith.index_cast %while3A_588 : i32 to index
      %swap3A_606 = tpu.vector_load %arg7[%swap3A_605] masked %and3A_600 {strides = array<i32>} : memref<800xi32, #tpu.memory_space<vmem>>, vector<16xi32>, vector<16xi1>
      tpu.vector_store %arg7[%swap3A_605], %get3A_591 masked %and3A_600 {strides = array<i32>} : memref<800xi32, #tpu.memory_space<vmem>>, vector<16xi32>, vector<16xi1>
      %swap3A_607 = arith.index_cast %while3A_588 : i32 to index
      %swap3A_608 = tpu.vector_load %arg8[%swap3A_607] masked %and3A_600 {strides = array<i32>} : memref<800xi32, #tpu.memory_space<vmem>>, vector<16xi32>, vector<16xi1>
      tpu.vector_store %arg8[%swap3A_607], %get3A_604 masked %and3A_600 {strides = array<i32>} : memref<800xi32, #tpu.memory_space<vmem>>, vector<16xi32>, vector<16xi1>
      %all_reduce_population_count3A = tpu.all_reduce %and3A_600 {dim = 0 : i64, kind = #tpu.reduction_kind<sum>} : vector<16xi1> -> vector<16xi32>
      %slice3A_609 = vector.extract_strided_slice %all_reduce_population_count3A {offsets = [0], sizes = [1], strides = [1]} : vector<16xi32> to vector<1xi32>
      %squeeze3A_610 = vector.extract %slice3A_609[0] : i32 from vector<1xi32>
      %add3A_611 = arith.addi %while3A_588, %squeeze3A_610 : i32
      scf.yield %add3A_611 : i32
    }
    %while3A_367 = arith.constant 1 : i32
    %while3A_368 = scf.for %while3A_587 = %while3A_364 to %while3A_360 step %while3A_367 iter_args(%while3A_588 = %while3A_366) -> (i32)  : i32 {
      %mul3A_589 = arith.constant 16 : i32
      %mul3A_590 = arith.muli %while3A_587, %mul3A_589 : i32
      %get3A = arith.index_cast %mul3A_590 : i32 to index
      %get3A_591 = tpu.vector_load %arg5[%get3A] {strides = array<i32>} : memref<800xi32, #tpu.memory_space<vmem>>, vector<16xi32>,
      %sub3A_592 = vector.broadcast %mul3A_2 : i32 to vector<16xi32>
      %sub3A_593 = arith.subi %get3A_591, %sub3A_592 : vector<16xi32>
      %shift_right_arithmetic3A_594 = arith.constant 4 : i32
      %shift_right_arithmetic3A_595 = vector.broadcast %shift_right_arithmetic3A_594 : i32 to vector<16xi32>
      %shift_right_arithmetic3A_596 = arith.shrsi %sub3A_593, %shift_right_arithmetic3A_595 : vector<16xi32>
      %eq3A_597 = arith.cmpi eq, %shift_right_arithmetic3A_596, %broadcast_in_dim3A_350 : vector<16xi32>
      %ge3A = arith.constant 0 : i32
      %ge3A_598 = vector.broadcast %ge3A : i32 to vector<16xi32>
      %ge3A_599 = arith.cmpi sge, %get3A_591, %ge3A_598 : vector<16xi32>
      %and3A_600 = arith.andi %eq3A_597, %ge3A_599 : vector<16xi1>
      %mul3A_601 = arith.constant 16 : i32
      %mul3A_602 = arith.muli %while3A_587, %mul3A_601 : i32
      %get3A_603 = arith.index_cast %mul3A_602 : i32 to index
      %get3A_604 = tpu.vector_load %arg6[%get3A_603] {strides = array<i32>} : memref<800xi32, #tpu.memory_space<vmem>>, vector<16xi32>,
      %swap3A_605 = arith.index_cast %while3A_588 : i32 to index
      %swap3A_606 = tpu.vector_load %arg7[%swap3A_605] masked %and3A_600 {strides = array<i32>} : memref<800xi32, #tpu.memory_space<vmem>>, vector<16xi32>, vector<16xi1>
      tpu.vector_store %arg7[%swap3A_605], %get3A_591 masked %and3A_600 {strides = array<i32>} : memref<800xi32, #tpu.memory_space<vmem>>, vector<16xi32>, vector<16xi1>
      %swap3A_607 = arith.index_cast %while3A_588 : i32 to index
      %swap3A_608 = tpu.vector_load %arg8[%swap3A_607] masked %and3A_600 {strides = array<i32>} : memref<800xi32, #tpu.memory_space<vmem>>, vector<16xi32>, vector<16xi1>
      tpu.vector_store %arg8[%swap3A_607], %get3A_604 masked %and3A_600 {strides = array<i32>} : memref<800xi32, #tpu.memory_space<vmem>>, vector<16xi32>, vector<16xi1>
      %all_reduce_population_count3A = tpu.all_reduce %and3A_600 {dim = 0 : i64, kind = #tpu.reduction_kind<sum>} : vector<16xi1> -> vector<16xi32>
      %slice3A_609 = vector.extract_strided_slice %all_reduce_population_count3A {offsets = [0], sizes = [1], strides = [1]} : vector<16xi32> to vector<1xi32>
      %squeeze3A_610 = vector.extract %slice3A_609[0] : i32 from vector<1xi32>
      %add3A_611 = arith.addi %while3A_588, %squeeze3A_610 : i32
      scf.yield %add3A_611 : i32
    }
    %or3A = arith.ori %select_n3A, %select_n3A_77 : vector<16xi32>
    %or3A_369 = arith.ori %or3A, %select_n3A_97 : vector<16xi32>
    %or3A_370 = arith.ori %or3A_369, %select_n3A_117 : vector<16xi32>
    %or3A_371 = arith.ori %or3A_370, %select_n3A_137 : vector<16xi32>
    %or3A_372 = arith.ori %or3A_371, %select_n3A_157 : vector<16xi32>
    %or3A_373 = arith.ori %or3A_372, %select_n3A_177 : vector<16xi32>
    %or3A_374 = arith.ori %or3A_373, %select_n3A_197 : vector<16xi32>
    %or3A_375 = arith.ori %or3A_374, %select_n3A_217 : vector<16xi32>
    %or3A_376 = arith.ori %or3A_375, %select_n3A_237 : vector<16xi32>
    %or3A_377 = arith.ori %or3A_376, %select_n3A_257 : vector<16xi32>
    %or3A_378 = arith.ori %or3A_377, %select_n3A_277 : vector<16xi32>
    %or3A_379 = arith.ori %or3A_378, %select_n3A_297 : vector<16xi32>
    %or3A_380 = arith.ori %or3A_379, %select_n3A_317 : vector<16xi32>
    %or3A_381 = arith.ori %or3A_380, %select_n3A_337 : vector<16xi32>
    %or3A_382 = arith.ori %or3A_381, %select_n3A_357 : vector<16xi32>
    %swap3A_383 = arith.constant 0 : index
    %swap3A_384 = tpu.vector_load %arg10[%swap3A_383] {strides = array<i32>} : memref<32xi32, #tpu.memory_space<vmem>>, vector<16xi32>,
    tpu.vector_store %arg10[%swap3A_383], %or3A_382 {strides = array<i32>} : memref<32xi32, #tpu.memory_space<vmem>>, vector<16xi32>,
    %broadcast_in_dim3A_385 = vector.broadcast %while3A_368 : i32 to vector<16xi32>
    %swap3A_386 = arith.constant 16 : index
    %swap3A_387 = tpu.vector_load %arg10[%swap3A_386] {strides = array<i32>} : memref<32xi32, #tpu.memory_space<vmem>>, vector<16xi32>,
    tpu.vector_store %arg10[%swap3A_386], %broadcast_in_dim3A_385 {strides = array<i32>} : memref<32xi32, #tpu.memory_space<vmem>>, vector<16xi32>,
    %broadcast_in_dim3A_388 = arith.constant -1 : i32
    %broadcast_in_dim3A_389 = vector.broadcast %broadcast_in_dim3A_388 : i32 to vector<16xi32>
    %swap3A_390 = arith.index_cast %while3A_368 : i32 to index
    %swap3A_391 = tpu.vector_load %arg7[%swap3A_390] {strides = array<i32>} : memref<800xi32, #tpu.memory_space<vmem>>, vector<16xi32>,
    tpu.vector_store %arg7[%swap3A_390], %broadcast_in_dim3A_389 {strides = array<i32>} : memref<800xi32, #tpu.memory_space<vmem>>, vector<16xi32>,
    %scan3A_392 = arith.constant 0 : i32
    %scan3A_393 = arith.constant 0 : i32
    %scan3A_394 = arith.constant 16 : i32
    %scan3A_395 = arith.addi %scan3A_393, %scan3A_394 : i32
    %scan3A_396 = arith.constant 1 : i32
    %scan3A_397 = scf.for %scan3A_587 = %scan3A_393 to %scan3A_395 step %scan3A_396 iter_args(%scan3A_588 = %scan3A_392) -> (i32)  : i32 {
      %mul3A_589 = arith.constant 16 : i32
      %mul3A_590 = arith.muli %scan3A_587, %mul3A_589 : i32
      %get3A = arith.index_cast %mul3A_590 : i32 to index
      %get3A_591 = tpu.vector_load %arg11[%get3A] {strides = array<i32>} : memref<256xi32, #tpu.memory_space<vmem>>, vector<16xi32>,
      %gt3A = arith.constant 0 : i32
      %gt3A_592 = vector.broadcast %gt3A : i32 to vector<16xi32>
      %gt3A_593 = arith.cmpi sgt, %get3A_591, %gt3A_592 : vector<16xi32>
      %mul3A_594 = arith.constant 16 : i32
      %mul3A_595 = arith.muli %scan3A_587, %mul3A_594 : i32
      %add3A_596 = arith.addi %mul3A_2, %mul3A_595 : i32
      %add3A_597 = vector.broadcast %add3A_596 : i32 to vector<16xi32>
      %add3A_598 = arith.addi %add3A_597, %iota3A : vector<16xi32>
      %swap3A_599 = arith.index_cast %scan3A_588 : i32 to index
      %swap3A_600 = tpu.vector_load %arg12[%swap3A_599] masked %gt3A_593 {strides = array<i32>} : memref<272xi32, #tpu.memory_space<vmem>>, vector<16xi32>, vector<16xi1>
      tpu.vector_store %arg12[%swap3A_599], %add3A_598 masked %gt3A_593 {strides = array<i32>} : memref<272xi32, #tpu.memory_space<vmem>>, vector<16xi32>, vector<16xi1>
      %all_reduce_population_count3A = tpu.all_reduce %gt3A_593 {dim = 0 : i64, kind = #tpu.reduction_kind<sum>} : vector<16xi1> -> vector<16xi32>
      %slice3A_601 = vector.extract_strided_slice %all_reduce_population_count3A {offsets = [0], sizes = [1], strides = [1]} : vector<16xi32> to vector<1xi32>
      %squeeze3A_602 = vector.extract %slice3A_601[0] : i32 from vector<1xi32>
      %add3A_603 = arith.addi %scan3A_588, %squeeze3A_602 : i32
      scf.yield %add3A_603 : i32
    }
    %scan3A_398 = arith.constant 16 : i32
    %sub3A = arith.constant 1 : i32
    %sub3A_399 = arith.subi %scan3A_397, %sub3A : i32
    %max3A = arith.constant 0 : i32
    %max3A_400 = arith.maxsi %sub3A_399, %max3A : i32
    %min3A_401 = arith.constant 0 : i32
    %min3A_402 = arith.minsi %min3A_401, %max3A_400 : i32
    %broadcast_in_dim3A_403 = vector.broadcast %min3A_402 : i32 to vector<16xi32>
    %gather3A = tpu.vector_load_idx %arg12[%broadcast_in_dim3A_403] : memref<272xi32, #tpu.memory_space<vmem>>[vector<16xi32>], vector<16xi32>,
    %slice3A = vector.extract_strided_slice %gather3A {offsets = [0], sizes = [1], strides = [1]} : vector<16xi32> to vector<1xi32>
    %squeeze3A = vector.extract %slice3A[0] : i32 from vector<1xi32>
    %jit3A_404 = arith.constant 0 : i32
    %jit3A_405 = arith.constant 7812 : i32
    %max3A_406 = arith.maxsi %jit3A_404, %squeeze3A : i32
    %min3A_407 = arith.minsi %jit3A_405, %max3A_406 : i32
    %mul3A_408 = arith.constant 128 : i32
    %mul3A_409 = arith.muli %min3A_407, %mul3A_408 : i32
    %multiple_of3A = tpu.assume_multiple %mul3A_409, 128 : i32
    %dma_start3A = arith.constant 0 : i32
    %dma_start3A_410 = arith.constant 0 : i32
    %dma_start3A_411 = arith.constant 0 : i32
    %dma_start3A_412 = arith.constant 0 : i32
    %dma_start3A_413 = tpu.memref_slice %arg13[%dma_start3A, %dma_start3A_410, %dma_start3A_411, %dma_start3A_412] : memref<3x8x8x128xf32, #tpu.memory_space<vmem>> -> memref<1x8x8x128xf32, #tpu.memory_space<vmem>>
    %dma_start3A_414 = tpu.memref_squeeze %dma_start3A_413 : memref<1x8x8x128xf32, #tpu.memory_space<vmem>> -> memref<8x8x128xf32, #tpu.memory_space<vmem>>
    %dma_start3A_415 = arith.constant 0 : i32
    %dma_start3A_416 = arith.constant 0 : i32
    %dma_start3A_417 = tpu.memref_slice %arg3[%dma_start3A_415, %dma_start3A_416, %multiple_of3A] : memref<8x8x1000000xf32, #tpu.memory_space<hbm>> -> memref<8x8x128xf32, #tpu.memory_space<hbm>>
    %dma_start3A_418 = arith.constant 0 : i32
    %dma_start3A_419 = arith.constant 0 : i32
    %dma_start3A_420 = arith.constant 0 : i32
    %dma_start3A_421 = tpu.memref_slice %arg13[%dma_start3A, %dma_start3A_418, %dma_start3A_419, %dma_start3A_420] : memref<3x8x8x128xf32, #tpu.memory_space<vmem>> -> memref<1x8x8x128xf32, #tpu.memory_space<vmem>>
    %dma_start3A_422 = tpu.memref_squeeze %dma_start3A_421 : memref<1x8x8x128xf32, #tpu.memory_space<vmem>> -> memref<8x8x128xf32, #tpu.memory_space<vmem>>
    %dma_start3A_423 = arith.constant 0 : i32
    %dma_start3A_424 = arith.constant 0 : i32
    %dma_start3A_425 = tpu.memref_slice %arg3[%dma_start3A_423, %dma_start3A_424, %multiple_of3A] : memref<8x8x1000000xf32, #tpu.memory_space<hbm>> -> memref<8x8x128xf32, #tpu.memory_space<hbm>>
    tpu.enqueue_dma source(%dma_start3A_425 : memref<8x8x128xf32, #tpu.memory_space<hbm>>) target(%dma_start3A_422 : memref<8x8x128xf32, #tpu.memory_space<vmem>>) target_semaphore(%arg15 : memref<!tpu.dma_semaphore, #tpu.memory_space<semaphore_mem>>)
    %min3A_426 = arith.constant 1 : i32
    %min3A_427 = arith.minsi %min3A_426, %max3A_400 : i32
    %broadcast_in_dim3A_428 = vector.broadcast %min3A_427 : i32 to vector<16xi32>
    %gather3A_429 = tpu.vector_load_idx %arg12[%broadcast_in_dim3A_428] : memref<272xi32, #tpu.memory_space<vmem>>[vector<16xi32>], vector<16xi32>,
    %slice3A_430 = vector.extract_strided_slice %gather3A_429 {offsets = [0], sizes = [1], strides = [1]} : vector<16xi32> to vector<1xi32>
    %squeeze3A_431 = vector.extract %slice3A_430[0] : i32 from vector<1xi32>
    %jit3A_432 = arith.constant 0 : i32
    %jit3A_433 = arith.constant 7812 : i32
    %max3A_434 = arith.maxsi %jit3A_432, %squeeze3A_431 : i32
    %min3A_435 = arith.minsi %jit3A_433, %max3A_434 : i32
    %mul3A_436 = arith.constant 128 : i32
    %mul3A_437 = arith.muli %min3A_435, %mul3A_436 : i32
    %multiple_of3A_438 = tpu.assume_multiple %mul3A_437, 128 : i32
    %dma_start3A_439 = arith.constant 1 : i32
    %dma_start3A_440 = arith.constant 0 : i32
    %dma_start3A_441 = arith.constant 0 : i32
    %dma_start3A_442 = arith.constant 0 : i32
    %dma_start3A_443 = tpu.memref_slice %arg13[%dma_start3A_439, %dma_start3A_440, %dma_start3A_441, %dma_start3A_442] : memref<3x8x8x128xf32, #tpu.memory_space<vmem>> -> memref<1x8x8x128xf32, #tpu.memory_space<vmem>>
    %dma_start3A_444 = tpu.memref_squeeze %dma_start3A_443 : memref<1x8x8x128xf32, #tpu.memory_space<vmem>> -> memref<8x8x128xf32, #tpu.memory_space<vmem>>
    %dma_start3A_445 = arith.constant 0 : i32
    %dma_start3A_446 = arith.constant 0 : i32
    %dma_start3A_447 = tpu.memref_slice %arg3[%dma_start3A_445, %dma_start3A_446, %multiple_of3A_438] : memref<8x8x1000000xf32, #tpu.memory_space<hbm>> -> memref<8x8x128xf32, #tpu.memory_space<hbm>>
    %dma_start3A_448 = arith.constant 0 : i32
    %dma_start3A_449 = arith.constant 0 : i32
    %dma_start3A_450 = arith.constant 0 : i32
    %dma_start3A_451 = tpu.memref_slice %arg13[%dma_start3A_439, %dma_start3A_448, %dma_start3A_449, %dma_start3A_450] : memref<3x8x8x128xf32, #tpu.memory_space<vmem>> -> memref<1x8x8x128xf32, #tpu.memory_space<vmem>>
    %dma_start3A_452 = tpu.memref_squeeze %dma_start3A_451 : memref<1x8x8x128xf32, #tpu.memory_space<vmem>> -> memref<8x8x128xf32, #tpu.memory_space<vmem>>
    %dma_start3A_453 = arith.constant 0 : i32
    %dma_start3A_454 = arith.constant 0 : i32
    %dma_start3A_455 = tpu.memref_slice %arg3[%dma_start3A_453, %dma_start3A_454, %multiple_of3A_438] : memref<8x8x1000000xf32, #tpu.memory_space<hbm>> -> memref<8x8x128xf32, #tpu.memory_space<hbm>>
    tpu.enqueue_dma source(%dma_start3A_455 : memref<8x8x128xf32, #tpu.memory_space<hbm>>) target(%dma_start3A_452 : memref<8x8x128xf32, #tpu.memory_space<vmem>>) target_semaphore(%arg16 : memref<!tpu.dma_semaphore, #tpu.memory_space<semaphore_mem>>)
    %min3A_456 = arith.constant 2 : i32
    %min3A_457 = arith.minsi %min3A_456, %max3A_400 : i32
    %broadcast_in_dim3A_458 = vector.broadcast %min3A_457 : i32 to vector<16xi32>
    %gather3A_459 = tpu.vector_load_idx %arg12[%broadcast_in_dim3A_458] : memref<272xi32, #tpu.memory_space<vmem>>[vector<16xi32>], vector<16xi32>,
    %slice3A_460 = vector.extract_strided_slice %gather3A_459 {offsets = [0], sizes = [1], strides = [1]} : vector<16xi32> to vector<1xi32>
    %squeeze3A_461 = vector.extract %slice3A_460[0] : i32 from vector<1xi32>
    %jit3A_462 = arith.constant 0 : i32
    %jit3A_463 = arith.constant 7812 : i32
    %max3A_464 = arith.maxsi %jit3A_462, %squeeze3A_461 : i32
    %min3A_465 = arith.minsi %jit3A_463, %max3A_464 : i32
    %mul3A_466 = arith.constant 128 : i32
    %mul3A_467 = arith.muli %min3A_465, %mul3A_466 : i32
    %multiple_of3A_468 = tpu.assume_multiple %mul3A_467, 128 : i32
    %dma_start3A_469 = arith.constant 2 : i32
    %dma_start3A_470 = arith.constant 0 : i32
    %dma_start3A_471 = arith.constant 0 : i32
    %dma_start3A_472 = arith.constant 0 : i32
    %dma_start3A_473 = tpu.memref_slice %arg13[%dma_start3A_469, %dma_start3A_470, %dma_start3A_471, %dma_start3A_472] : memref<3x8x8x128xf32, #tpu.memory_space<vmem>> -> memref<1x8x8x128xf32, #tpu.memory_space<vmem>>
    %dma_start3A_474 = tpu.memref_squeeze %dma_start3A_473 : memref<1x8x8x128xf32, #tpu.memory_space<vmem>> -> memref<8x8x128xf32, #tpu.memory_space<vmem>>
    %dma_start3A_475 = arith.constant 0 : i32
    %dma_start3A_476 = arith.constant 0 : i32
    %dma_start3A_477 = tpu.memref_slice %arg3[%dma_start3A_475, %dma_start3A_476, %multiple_of3A_468] : memref<8x8x1000000xf32, #tpu.memory_space<hbm>> -> memref<8x8x128xf32, #tpu.memory_space<hbm>>
    %dma_start3A_478 = arith.constant 0 : i32
    %dma_start3A_479 = arith.constant 0 : i32
    %dma_start3A_480 = arith.constant 0 : i32
    %dma_start3A_481 = tpu.memref_slice %arg13[%dma_start3A_469, %dma_start3A_478, %dma_start3A_479, %dma_start3A_480] : memref<3x8x8x128xf32, #tpu.memory_space<vmem>> -> memref<1x8x8x128xf32, #tpu.memory_space<vmem>>
    %dma_start3A_482 = tpu.memref_squeeze %dma_start3A_481 : memref<1x8x8x128xf32, #tpu.memory_space<vmem>> -> memref<8x8x128xf32, #tpu.memory_space<vmem>>
    %dma_start3A_483 = arith.constant 0 : i32
    %dma_start3A_484 = arith.constant 0 : i32
    %dma_start3A_485 = tpu.memref_slice %arg3[%dma_start3A_483, %dma_start3A_484, %multiple_of3A_468] : memref<8x8x1000000xf32, #tpu.memory_space<hbm>> -> memref<8x8x128xf32, #tpu.memory_space<hbm>>
    tpu.enqueue_dma source(%dma_start3A_485 : memref<8x8x128xf32, #tpu.memory_space<hbm>>) target(%dma_start3A_482 : memref<8x8x128xf32, #tpu.memory_space<vmem>>) target_semaphore(%arg17 : memref<!tpu.dma_semaphore, #tpu.memory_space<semaphore_mem>>)
    %add3A_486 = arith.constant 3 : i32
    %add3A_487 = arith.addi %scan3A_397, %add3A_486 : i32
    %sub3A_488 = arith.constant 1 : i32
    %sub3A_489 = arith.subi %add3A_487, %sub3A_488 : i32
    %jit3A_490 = arith.constant 3 : i32
    %div3A = arith.divsi %sub3A_489, %jit3A_490 : i32
    %sign3A = arith.constant 0 : i32
    %sign3A_491 = arith.cmpi sgt, %sub3A_489, %sign3A : i32
    %sign3A_492 = arith.extui %sign3A_491 : i1 to i32
    %sign3A_493 = arith.constant 0 : i32
    %sign3A_494 = arith.cmpi slt, %sub3A_489, %sign3A_493 : i32
    %sign3A_495 = arith.extui %sign3A_494 : i1 to i32
    %sign3A_496 = arith.subi %sign3A_492, %sign3A_495 : i32
    %sign3A_497 = arith.constant 0 : i32
    %sign3A_498 = arith.cmpi sgt, %jit3A_490, %sign3A_497 : i32
    %sign3A_499 = arith.extui %sign3A_498 : i1 to i32
    %sign3A_500 = arith.constant 0 : i32
    %sign3A_501 = arith.cmpi slt, %jit3A_490, %sign3A_500 : i32
    %sign3A_502 = arith.extui %sign3A_501 : i1 to i32
    %sign3A_503 = arith.subi %sign3A_499, %sign3A_502 : i32
    %ne3A = arith.cmpi ne, %sign3A_496, %sign3A_503 : i32
    %rem3A = arith.remsi %sub3A_489, %jit3A_490 : i32
    %ne3A_504 = arith.constant 0 : i32
    %ne3A_505 = arith.cmpi ne, %rem3A, %ne3A_504 : i32
    %and3A = arith.andi %ne3A, %ne3A_505 : i1
    %sub3A_506 = arith.constant 1 : i32
    %sub3A_507 = arith.subi %div3A, %sub3A_506 : i32
    %select_n3A_508 = arith.select %and3A, %sub3A_507, %div3A : i32
    %while3A_509 = arith.constant 0 : i32
    %while3A_510 = arith.constant 0 : i32
    %while3A_511 = arith.subi %select_n3A_508, %while3A_509 : i32
    %while3A_512 = arith.addi %while3A_509, %while3A_511 : i32
    %while3A_513 = arith.constant 1 : i32
    %while3A_514 = arith.divsi %while3A_511, %while3A_513 : i32
    %while3A_515 = arith.muli %while3A_514, %while3A_513 : i32
    %while3A_516 = arith.addi %while3A_509, %while3A_515 : i32
    %while3A_517 = arith.constant 1 : i32
    %while3A_518 = scf.for %while3A_587 = %while3A_509 to %while3A_516 step %while3A_517 iter_args(%while3A_588 = %while3A_510) -> (i32)  : i32 {
      %mul3A_589 = arith.constant 3 : i32
      %mul3A_590 = arith.muli %while3A_587, %mul3A_589 : i32
      %add3A_591 = arith.constant 0 : i32
      %add3A_592 = arith.addi %mul3A_590, %add3A_591 : i32
      %dma_wait3A_593 = arith.constant 0 : i32
      %dma_wait3A_594 = arith.constant 0 : i32
      %dma_wait3A_595 = arith.constant 0 : i32
      %dma_wait3A_596 = arith.constant 0 : i32
      %dma_wait3A_597 = tpu.memref_slice %arg13[%dma_wait3A_593, %dma_wait3A_594, %dma_wait3A_595, %dma_wait3A_596] : memref<3x8x8x128xf32, #tpu.memory_space<vmem>> -> memref<1x8x8x128xf32, #tpu.memory_space<vmem>>
      %dma_wait3A_598 = tpu.memref_squeeze %dma_wait3A_597 : memref<1x8x8x128xf32, #tpu.memory_space<vmem>> -> memref<8x8x128xf32, #tpu.memory_space<vmem>>
      %dma_wait3A_599 = arith.constant 0 : i32
      %dma_wait3A_600 = arith.constant 0 : i32
      %dma_wait3A_601 = arith.constant 0 : i32
      %dma_wait3A_602 = tpu.memref_slice %arg3[%dma_wait3A_599, %dma_wait3A_600, %dma_wait3A_601] : memref<8x8x1000000xf32, #tpu.memory_space<hbm>> -> memref<8x8x128xf32, #tpu.memory_space<hbm>>
      %dma_wait3A_603 = arith.constant 0 : i32
      %dma_wait3A_604 = arith.constant 0 : i32
      %dma_wait3A_605 = arith.constant 0 : i32
      %dma_wait3A_606 = tpu.memref_slice %arg13[%dma_wait3A_593, %dma_wait3A_603, %dma_wait3A_604, %dma_wait3A_605] : memref<3x8x8x128xf32, #tpu.memory_space<vmem>> -> memref<1x8x8x128xf32, #tpu.memory_space<vmem>>
      %dma_wait3A_607 = tpu.memref_squeeze %dma_wait3A_606 : memref<1x8x8x128xf32, #tpu.memory_space<vmem>> -> memref<8x8x128xf32, #tpu.memory_space<vmem>>
      %dma_wait3A_608 = arith.constant 0 : i32
      %dma_wait3A_609 = arith.constant 0 : i32
      %dma_wait3A_610 = arith.constant 0 : i32
      %dma_wait3A_611 = tpu.memref_slice %arg3[%dma_wait3A_608, %dma_wait3A_609, %dma_wait3A_610] : memref<8x8x1000000xf32, #tpu.memory_space<hbm>> -> memref<8x8x128xf32, #tpu.memory_space<hbm>>
      tpu.wait_dma2 semaphore(%arg15 : memref<!tpu.dma_semaphore, #tpu.memory_space<semaphore_mem>>) src(%dma_wait3A_611 : memref<8x8x128xf32, #tpu.memory_space<hbm>>) dst(%dma_wait3A_607 : memref<8x8x128xf32, #tpu.memory_space<vmem>>)
      %min3A_612 = arith.minsi %add3A_592, %max3A_400 : i32
      %broadcast_in_dim3A_613 = vector.broadcast %min3A_612 : i32 to vector<16xi32>
      %gather3A_614 = tpu.vector_load_idx %arg12[%broadcast_in_dim3A_613] : memref<272xi32, #tpu.memory_space<vmem>>[vector<16xi32>], vector<16xi32>,
      %broadcast_in_dim3A_615 = arith.constant 0 : i32
      %broadcast_in_dim3A_616 = vector.broadcast %broadcast_in_dim3A_615 : i32 to vector<16xi32>
      %slice3A_617 = vector.extract_strided_slice %gather3A_614 {offsets = [0], sizes = [1], strides = [1]} : vector<16xi32> to vector<1xi32>
      %squeeze3A_618 = vector.extract %slice3A_617[0] : i32 from vector<1xi32>
      %sub3A_619 = arith.constant 1 : i32
      %sub3A_620 = arith.subi %min3A_5, %sub3A_619 : i32
      %max3A_621 = arith.maxsi %mul3A_2, %squeeze3A_618 : i32
      %min3A_622 = arith.minsi %sub3A_620, %max3A_621 : i32
      %sub3A_623 = arith.subi %min3A_622, %mul3A_2 : i32
      %shift_right_arithmetic3A_624 = arith.constant 4 : i32
      %shift_right_arithmetic3A_625 = arith.shrsi %sub3A_623, %shift_right_arithmetic3A_624 : i32
      %broadcast_in_dim3A_626 = vector.broadcast %shift_right_arithmetic3A_625 : i32 to vector<16xi32>
      %gather3A_627 = tpu.vector_load_idx %arg10[%broadcast_in_dim3A_626] : memref<32xi32, #tpu.memory_space<vmem>>[vector<16xi32>], vector<16xi32>,
      %slice3A_628 = vector.extract_strided_slice %gather3A_627 {offsets = [0], sizes = [1], strides = [1]} : vector<16xi32> to vector<1xi32>
      %squeeze3A_629 = vector.extract %slice3A_628[0] : i32 from vector<1xi32>
      %add3A_630 = arith.constant 1 : i32
      %add3A_631 = arith.addi %shift_right_arithmetic3A_625, %add3A_630 : i32
      %broadcast_in_dim3A_632 = vector.broadcast %add3A_631 : i32 to vector<16xi32>
      %gather3A_633 = tpu.vector_load_idx %arg10[%broadcast_in_dim3A_632] : memref<32xi32, #tpu.memory_space<vmem>>[vector<16xi32>], vector<16xi32>,
      %slice3A_634 = vector.extract_strided_slice %gather3A_633 {offsets = [0], sizes = [1], strides = [1]} : vector<16xi32> to vector<1xi32>
      %squeeze3A_635 = vector.extract %slice3A_634[0] : i32 from vector<1xi32>
      %shift_right_arithmetic3A_636 = arith.constant 4 : i32
      %shift_right_arithmetic3A_637 = arith.shrsi %squeeze3A_629, %shift_right_arithmetic3A_636 : i32
      %add3A_638 = arith.constant 15 : i32
      %add3A_639 = arith.addi %squeeze3A_635, %add3A_638 : i32
      %shift_right_arithmetic3A_640 = arith.constant 4 : i32
      %shift_right_arithmetic3A_641 = arith.shrsi %add3A_639, %shift_right_arithmetic3A_640 : i32
      %while3A_642 = arith.constant 0 : i32
      %while3A_643 = arith.subi %shift_right_arithmetic3A_641, %shift_right_arithmetic3A_637 : i32
      %while3A_644 = arith.addi %shift_right_arithmetic3A_637, %while3A_643 : i32
      %while3A_645 = arith.constant 1 : i32
      %while3A_646 = arith.divsi %while3A_643, %while3A_645 : i32
      %while3A_647 = arith.muli %while3A_646, %while3A_645 : i32
      %while3A_648 = arith.addi %shift_right_arithmetic3A_637, %while3A_647 : i32
      %while3A_649 = arith.constant 1 : i32
      %while3A_650 = scf.for %while3A_907 = %shift_right_arithmetic3A_637 to %while3A_648 step %while3A_649 iter_args(%while3A_908 = %while3A_642) -> (i32)  : i32 {
        %mul3A_909 = arith.constant 16 : i32
        %mul3A_910 = arith.muli %while3A_907, %mul3A_909 : i32
        %get3A = arith.index_cast %mul3A_910 : i32 to index
        %get3A_911 = tpu.vector_load %arg7[%get3A] {strides = array<i32>} : memref<800xi32, #tpu.memory_space<vmem>>, vector<16xi32>,
        %eq3A_912 = arith.cmpi eq, %get3A_911, %gather3A_614 : vector<16xi32>
        %mul3A_913 = arith.constant 16 : i32
        %mul3A_914 = arith.muli %while3A_907, %mul3A_913 : i32
        %get3A_915 = arith.index_cast %mul3A_914 : i32 to index
        %get3A_916 = tpu.vector_load %arg8[%get3A_915] {strides = array<i32>} : memref<800xi32, #tpu.memory_space<vmem>>, vector<16xi32>,
        %swap3A_917 = arith.index_cast %while3A_908 : i32 to index
        %swap3A_918 = tpu.vector_load %arg9[%swap3A_917] masked %eq3A_912 {strides = array<i32>} : memref<128xi32, #tpu.memory_space<vmem>>, vector<16xi32>, vector<16xi1>
        tpu.vector_store %arg9[%swap3A_917], %get3A_916 masked %eq3A_912 {strides = array<i32>} : memref<128xi32, #tpu.memory_space<vmem>>, vector<16xi32>, vector<16xi1>
        %all_reduce_population_count3A = tpu.all_reduce %eq3A_912 {dim = 0 : i64, kind = #tpu.reduction_kind<sum>} : vector<16xi1> -> vector<16xi32>
        %slice3A_919 = vector.extract_strided_slice %all_reduce_population_count3A {offsets = [0], sizes = [1], strides = [1]} : vector<16xi32> to vector<1xi32>
        %squeeze3A_920 = vector.extract %slice3A_919[0] : i32 from vector<1xi32>
        %add3A_921 = arith.addi %while3A_908, %squeeze3A_920 : i32
        scf.yield %add3A_921 : i32
      }
      %while3A_651 = arith.constant 1 : i32
      %while3A_652 = scf.for %while3A_907 = %while3A_648 to %while3A_644 step %while3A_651 iter_args(%while3A_908 = %while3A_650) -> (i32)  : i32 {
        %mul3A_909 = arith.constant 16 : i32
        %mul3A_910 = arith.muli %while3A_907, %mul3A_909 : i32
        %get3A = arith.index_cast %mul3A_910 : i32 to index
        %get3A_911 = tpu.vector_load %arg7[%get3A] {strides = array<i32>} : memref<800xi32, #tpu.memory_space<vmem>>, vector<16xi32>,
        %eq3A_912 = arith.cmpi eq, %get3A_911, %gather3A_614 : vector<16xi32>
        %mul3A_913 = arith.constant 16 : i32
        %mul3A_914 = arith.muli %while3A_907, %mul3A_913 : i32
        %get3A_915 = arith.index_cast %mul3A_914 : i32 to index
        %get3A_916 = tpu.vector_load %arg8[%get3A_915] {strides = array<i32>} : memref<800xi32, #tpu.memory_space<vmem>>, vector<16xi32>,
        %swap3A_917 = arith.index_cast %while3A_908 : i32 to index
        %swap3A_918 = tpu.vector_load %arg9[%swap3A_917] masked %eq3A_912 {strides = array<i32>} : memref<128xi32, #tpu.memory_space<vmem>>, vector<16xi32>, vector<16xi1>
        tpu.vector_store %arg9[%swap3A_917], %get3A_916 masked %eq3A_912 {strides = array<i32>} : memref<128xi32, #tpu.memory_space<vmem>>, vector<16xi32>, vector<16xi1>
        %all_reduce_population_count3A = tpu.all_reduce %eq3A_912 {dim = 0 : i64, kind = #tpu.reduction_kind<sum>} : vector<16xi1> -> vector<16xi32>
        %slice3A_919 = vector.extract_strided_slice %all_reduce_population_count3A {offsets = [0], sizes = [1], strides = [1]} : vector<16xi32> to vector<1xi32>
        %squeeze3A_920 = vector.extract %slice3A_919[0] : i32 from vector<1xi32>
        %add3A_921 = arith.addi %while3A_908, %squeeze3A_920 : i32
        scf.yield %add3A_921 : i32
      }
      %while3A_653 = arith.constant 0 : i32
      %while3A_654 = arith.subi %while3A_652, %while3A_653 : i32
      %while3A_655 = arith.addi %while3A_653, %while3A_654 : i32
      %while3A_656 = arith.constant 1 : i32
      %while3A_657 = arith.divsi %while3A_654, %while3A_656 : i32
      %while3A_658 = arith.muli %while3A_657, %while3A_656 : i32
      %while3A_659 = arith.addi %while3A_653, %while3A_658 : i32
      %while3A_660 = arith.constant 1 : i32
      %while3A_661 = scf.for %while3A_907 = %while3A_653 to %while3A_659 step %while3A_660 iter_args(%while3A_908 = %while3A_588) -> (i32)  : i32 {
        %broadcast_in_dim3A_909 = vector.broadcast %while3A_907 : i32 to vector<16xi32>
        %gather3A_910 = tpu.vector_load_idx %arg9[%broadcast_in_dim3A_909] : memref<128xi32, #tpu.memory_space<vmem>>[vector<16xi32>], vector<16xi32>,
        %and3A_911 = arith.constant 127 : i32
        %and3A_912 = vector.broadcast %and3A_911 : i32 to vector<16xi32>
        %and3A_913 = arith.andi %gather3A_910, %and3A_912 : vector<16xi32>
        %slice3A_914 = vector.extract_strided_slice %gather3A_910 {offsets = [0], sizes = [1], strides = [1]} : vector<16xi32> to vector<1xi32>
        %squeeze3A_915 = vector.extract %slice3A_914[0] : i32 from vector<1xi32>
        %shift_right_arithmetic3A_916 = arith.constant 7 : i32
        %shift_right_arithmetic3A_917 = arith.shrsi %squeeze3A_915, %shift_right_arithmetic3A_916 : i32
        %jit3A_918 = arith.constant 0 : i32
        %jit3A_919 = arith.constant 16383 : i32
        %max3A_920 = arith.maxsi %jit3A_918, %shift_right_arithmetic3A_917 : i32
        %min3A_921 = arith.minsi %jit3A_919, %max3A_920 : i32
        %add3A_922 = arith.constant 0 : i32
        %add3A_923 = vector.broadcast %add3A_922 : i32 to vector<16xi32>
        %add3A_924 = arith.addi %add3A_923, %iota3A : vector<16xi32>
        %shift_right_arithmetic3A_925 = arith.constant 3 : i32
        %shift_right_arithmetic3A_926 = vector.broadcast %shift_right_arithmetic3A_925 : i32 to vector<16xi32>
        %shift_right_arithmetic3A_927 = arith.shrsi %add3A_924, %shift_right_arithmetic3A_926 : vector<16xi32>
        %add3A_928 = arith.constant 0 : i32
        %add3A_929 = vector.broadcast %add3A_928 : i32 to vector<16xi32>
        %add3A_930 = arith.addi %add3A_929, %iota3A : vector<16xi32>
        %and3A_931 = arith.constant 7 : i32
        %and3A_932 = vector.broadcast %and3A_931 : i32 to vector<16xi32>
        %and3A_933 = arith.andi %add3A_930, %and3A_932 : vector<16xi32>
        %gather3A_934 = tpu.vector_load_idx %arg13[%broadcast_in_dim3A_616, %shift_right_arithmetic3A_927, %and3A_933, %and3A_913] : memref<3x8x8x128xf32, #tpu.memory_space<vmem>>[vector<16xi32>, vector<16xi32>, vector<16xi32>, vector<16xi32>], vector<16xf32>,
        %swap3A_935 = arith.constant 0 : i32
        %swap3A_936 = arith.index_cast %while3A_908 : i32 to index
        %swap3A_937 = arith.index_cast %swap3A_935 : i32 to index
        %swap3A_938 = arith.constant 0 : index
        %swap3A_939 = tpu.vector_load %arg14[%swap3A_936, %swap3A_937, %swap3A_938] {strides = array<i32>} : memref<784x1x128xf32, #tpu.memory_space<vmem>>, vector<16xf32>,
        tpu.vector_store %arg14[%swap3A_936, %swap3A_937, %swap3A_938], %gather3A_934 {strides = array<i32>} : memref<784x1x128xf32, #tpu.memory_space<vmem>>, vector<16xf32>,
        %add3A_940 = arith.constant 16 : i32
        %add3A_941 = vector.broadcast %add3A_940 : i32 to vector<16xi32>
        %add3A_942 = arith.addi %add3A_941, %iota3A : vector<16xi32>
        %shift_right_arithmetic3A_943 = arith.constant 3 : i32
        %shift_right_arithmetic3A_944 = vector.broadcast %shift_right_arithmetic3A_943 : i32 to vector<16xi32>
        %shift_right_arithmetic3A_945 = arith.shrsi %add3A_942, %shift_right_arithmetic3A_944 : vector<16xi32>
        %add3A_946 = arith.constant 16 : i32
        %add3A_947 = vector.broadcast %add3A_946 : i32 to vector<16xi32>
        %add3A_948 = arith.addi %add3A_947, %iota3A : vector<16xi32>
        %and3A_949 = arith.constant 7 : i32
        %and3A_950 = vector.broadcast %and3A_949 : i32 to vector<16xi32>
        %and3A_951 = arith.andi %add3A_948, %and3A_950 : vector<16xi32>
        %gather3A_952 = tpu.vector_load_idx %arg13[%broadcast_in_dim3A_616, %shift_right_arithmetic3A_945, %and3A_951, %and3A_913] : memref<3x8x8x128xf32, #tpu.memory_space<vmem>>[vector<16xi32>, vector<16xi32>, vector<16xi32>, vector<16xi32>], vector<16xf32>,
        %swap3A_953 = arith.constant 0 : i32
        %swap3A_954 = arith.index_cast %while3A_908 : i32 to index
        %swap3A_955 = arith.index_cast %swap3A_953 : i32 to index
        %swap3A_956 = arith.constant 16 : index
        %swap3A_957 = tpu.vector_load %arg14[%swap3A_954, %swap3A_955, %swap3A_956] {strides = array<i32>} : memref<784x1x128xf32, #tpu.memory_space<vmem>>, vector<16xf32>,
        tpu.vector_store %arg14[%swap3A_954, %swap3A_955, %swap3A_956], %gather3A_952 {strides = array<i32>} : memref<784x1x128xf32, #tpu.memory_space<vmem>>, vector<16xf32>,
        %add3A_958 = arith.constant 32 : i32
        %add3A_959 = vector.broadcast %add3A_958 : i32 to vector<16xi32>
        %add3A_960 = arith.addi %add3A_959, %iota3A : vector<16xi32>
        %shift_right_arithmetic3A_961 = arith.constant 3 : i32
        %shift_right_arithmetic3A_962 = vector.broadcast %shift_right_arithmetic3A_961 : i32 to vector<16xi32>
        %shift_right_arithmetic3A_963 = arith.shrsi %add3A_960, %shift_right_arithmetic3A_962 : vector<16xi32>
        %add3A_964 = arith.constant 32 : i32
        %add3A_965 = vector.broadcast %add3A_964 : i32 to vector<16xi32>
        %add3A_966 = arith.addi %add3A_965, %iota3A : vector<16xi32>
        %and3A_967 = arith.constant 7 : i32
        %and3A_968 = vector.broadcast %and3A_967 : i32 to vector<16xi32>
        %and3A_969 = arith.andi %add3A_966, %and3A_968 : vector<16xi32>
        %gather3A_970 = tpu.vector_load_idx %arg13[%broadcast_in_dim3A_616, %shift_right_arithmetic3A_963, %and3A_969, %and3A_913] : memref<3x8x8x128xf32, #tpu.memory_space<vmem>>[vector<16xi32>, vector<16xi32>, vector<16xi32>, vector<16xi32>], vector<16xf32>,
        %swap3A_971 = arith.constant 0 : i32
        %swap3A_972 = arith.index_cast %while3A_908 : i32 to index
        %swap3A_973 = arith.index_cast %swap3A_971 : i32 to index
        %swap3A_974 = arith.constant 32 : index
        %swap3A_975 = tpu.vector_load %arg14[%swap3A_972, %swap3A_973, %swap3A_974] {strides = array<i32>} : memref<784x1x128xf32, #tpu.memory_space<vmem>>, vector<16xf32>,
        tpu.vector_store %arg14[%swap3A_972, %swap3A_973, %swap3A_974], %gather3A_970 {strides = array<i32>} : memref<784x1x128xf32, #tpu.memory_space<vmem>>, vector<16xf32>,
        %add3A_976 = arith.constant 48 : i32
        %add3A_977 = vector.broadcast %add3A_976 : i32 to vector<16xi32>
        %add3A_978 = arith.addi %add3A_977, %iota3A : vector<16xi32>
        %shift_right_arithmetic3A_979 = arith.constant 3 : i32
        %shift_right_arithmetic3A_980 = vector.broadcast %shift_right_arithmetic3A_979 : i32 to vector<16xi32>
        %shift_right_arithmetic3A_981 = arith.shrsi %add3A_978, %shift_right_arithmetic3A_980 : vector<16xi32>
        %add3A_982 = arith.constant 48 : i32
        %add3A_983 = vector.broadcast %add3A_982 : i32 to vector<16xi32>
        %add3A_984 = arith.addi %add3A_983, %iota3A : vector<16xi32>
        %and3A_985 = arith.constant 7 : i32
        %and3A_986 = vector.broadcast %and3A_985 : i32 to vector<16xi32>
        %and3A_987 = arith.andi %add3A_984, %and3A_986 : vector<16xi32>
        %gather3A_988 = tpu.vector_load_idx %arg13[%broadcast_in_dim3A_616, %shift_right_arithmetic3A_981, %and3A_987, %and3A_913] : memref<3x8x8x128xf32, #tpu.memory_space<vmem>>[vector<16xi32>, vector<16xi32>, vector<16xi32>, vector<16xi32>], vector<16xf32>,
        %swap3A_989 = arith.constant 0 : i32
        %swap3A_990 = arith.index_cast %while3A_908 : i32 to index
        %swap3A_991 = arith.index_cast %swap3A_989 : i32 to index
        %swap3A_992 = arith.constant 48 : index
        %swap3A_993 = tpu.vector_load %arg14[%swap3A_990, %swap3A_991, %swap3A_992] {strides = array<i32>} : memref<784x1x128xf32, #tpu.memory_space<vmem>>, vector<16xf32>,
        tpu.vector_store %arg14[%swap3A_990, %swap3A_991, %swap3A_992], %gather3A_988 {strides = array<i32>} : memref<784x1x128xf32, #tpu.memory_space<vmem>>, vector<16xf32>,
        %dma_start3A_994 = arith.constant 0 : i32
        %dma_start3A_995 = arith.constant 0 : i32
        %dma_start3A_996 = tpu.memref_slice %arg14[%while3A_908, %dma_start3A_994, %dma_start3A_995] : memref<784x1x128xf32, #tpu.memory_space<vmem>> -> memref<1x1x128xf32, #tpu.memory_space<vmem>>
        %dma_start3A_997 = arith.constant 0 : i32
        %dma_start3A_998 = arith.constant 0 : i32
        %dma_start3A_999 = tpu.memref_slice %arg4[%min3A_921, %dma_start3A_997, %dma_start3A_998] : memref<16384x1x128xf32, #tpu.memory_space<hbm>> -> memref<1x1x128xf32, #tpu.memory_space<hbm>>
        %dma_start3A_1000 = arith.constant 0 : i32
        %dma_start3A_1001 = arith.constant 0 : i32
        %dma_start3A_1002 = tpu.memref_slice %arg4[%min3A_921, %dma_start3A_1000, %dma_start3A_1001] : memref<16384x1x128xf32, #tpu.memory_space<hbm>> -> memref<1x1x128xf32, #tpu.memory_space<hbm>>
        %dma_start3A_1003 = arith.constant 0 : i32
        %dma_start3A_1004 = arith.constant 0 : i32
        %dma_start3A_1005 = tpu.memref_slice %arg14[%while3A_908, %dma_start3A_1003, %dma_start3A_1004] : memref<784x1x128xf32, #tpu.memory_space<vmem>> -> memref<1x1x128xf32, #tpu.memory_space<vmem>>
        tpu.enqueue_dma source(%dma_start3A_1005 : memref<1x1x128xf32, #tpu.memory_space<vmem>>) target(%dma_start3A_1002 : memref<1x1x128xf32, #tpu.memory_space<hbm>>) target_semaphore(%arg18 : memref<!tpu.dma_semaphore, #tpu.memory_space<semaphore_mem>>)
        %add3A_1006 = arith.constant 1 : i32
        %add3A_1007 = arith.addi %while3A_908, %add3A_1006 : i32
        scf.yield %add3A_1007 : i32
      }
      %while3A_662 = arith.constant 1 : i32
      %while3A_663 = scf.for %while3A_907 = %while3A_659 to %while3A_655 step %while3A_662 iter_args(%while3A_908 = %while3A_661) -> (i32)  : i32 {
        %broadcast_in_dim3A_909 = vector.broadcast %while3A_907 : i32 to vector<16xi32>
        %gather3A_910 = tpu.vector_load_idx %arg9[%broadcast_in_dim3A_909] : memref<128xi32, #tpu.memory_space<vmem>>[vector<16xi32>], vector<16xi32>,
        %and3A_911 = arith.constant 127 : i32
        %and3A_912 = vector.broadcast %and3A_911 : i32 to vector<16xi32>
        %and3A_913 = arith.andi %gather3A_910, %and3A_912 : vector<16xi32>
        %slice3A_914 = vector.extract_strided_slice %gather3A_910 {offsets = [0], sizes = [1], strides = [1]} : vector<16xi32> to vector<1xi32>
        %squeeze3A_915 = vector.extract %slice3A_914[0] : i32 from vector<1xi32>
        %shift_right_arithmetic3A_916 = arith.constant 7 : i32
        %shift_right_arithmetic3A_917 = arith.shrsi %squeeze3A_915, %shift_right_arithmetic3A_916 : i32
        %jit3A_918 = arith.constant 0 : i32
        %jit3A_919 = arith.constant 16383 : i32
        %max3A_920 = arith.maxsi %jit3A_918, %shift_right_arithmetic3A_917 : i32
        %min3A_921 = arith.minsi %jit3A_919, %max3A_920 : i32
        %add3A_922 = arith.constant 0 : i32
        %add3A_923 = vector.broadcast %add3A_922 : i32 to vector<16xi32>
        %add3A_924 = arith.addi %add3A_923, %iota3A : vector<16xi32>
        %shift_right_arithmetic3A_925 = arith.constant 3 : i32
        %shift_right_arithmetic3A_926 = vector.broadcast %shift_right_arithmetic3A_925 : i32 to vector<16xi32>
        %shift_right_arithmetic3A_927 = arith.shrsi %add3A_924, %shift_right_arithmetic3A_926 : vector<16xi32>
        %add3A_928 = arith.constant 0 : i32
        %add3A_929 = vector.broadcast %add3A_928 : i32 to vector<16xi32>
        %add3A_930 = arith.addi %add3A_929, %iota3A : vector<16xi32>
        %and3A_931 = arith.constant 7 : i32
        %and3A_932 = vector.broadcast %and3A_931 : i32 to vector<16xi32>
        %and3A_933 = arith.andi %add3A_930, %and3A_932 : vector<16xi32>
        %gather3A_934 = tpu.vector_load_idx %arg13[%broadcast_in_dim3A_616, %shift_right_arithmetic3A_927, %and3A_933, %and3A_913] : memref<3x8x8x128xf32, #tpu.memory_space<vmem>>[vector<16xi32>, vector<16xi32>, vector<16xi32>, vector<16xi32>], vector<16xf32>,
        %swap3A_935 = arith.constant 0 : i32
        %swap3A_936 = arith.index_cast %while3A_908 : i32 to index
        %swap3A_937 = arith.index_cast %swap3A_935 : i32 to index
        %swap3A_938 = arith.constant 0 : index
        %swap3A_939 = tpu.vector_load %arg14[%swap3A_936, %swap3A_937, %swap3A_938] {strides = array<i32>} : memref<784x1x128xf32, #tpu.memory_space<vmem>>, vector<16xf32>,
        tpu.vector_store %arg14[%swap3A_936, %swap3A_937, %swap3A_938], %gather3A_934 {strides = array<i32>} : memref<784x1x128xf32, #tpu.memory_space<vmem>>, vector<16xf32>,
        %add3A_940 = arith.constant 16 : i32
        %add3A_941 = vector.broadcast %add3A_940 : i32 to vector<16xi32>
        %add3A_942 = arith.addi %add3A_941, %iota3A : vector<16xi32>
        %shift_right_arithmetic3A_943 = arith.constant 3 : i32
        %shift_right_arithmetic3A_944 = vector.broadcast %shift_right_arithmetic3A_943 : i32 to vector<16xi32>
        %shift_right_arithmetic3A_945 = arith.shrsi %add3A_942, %shift_right_arithmetic3A_944 : vector<16xi32>
        %add3A_946 = arith.constant 16 : i32
        %add3A_947 = vector.broadcast %add3A_946 : i32 to vector<16xi32>
        %add3A_948 = arith.addi %add3A_947, %iota3A : vector<16xi32>
        %and3A_949 = arith.constant 7 : i32
        %and3A_950 = vector.broadcast %and3A_949 : i32 to vector<16xi32>
        %and3A_951 = arith.andi %add3A_948, %and3A_950 : vector<16xi32>
        %gather3A_952 = tpu.vector_load_idx %arg13[%broadcast_in_dim3A_616, %shift_right_arithmetic3A_945, %and3A_951, %and3A_913] : memref<3x8x8x128xf32, #tpu.memory_space<vmem>>[vector<16xi32>, vector<16xi32>, vector<16xi32>, vector<16xi32>], vector<16xf32>,
        %swap3A_953 = arith.constant 0 : i32
        %swap3A_954 = arith.index_cast %while3A_908 : i32 to index
        %swap3A_955 = arith.index_cast %swap3A_953 : i32 to index
        %swap3A_956 = arith.constant 16 : index
        %swap3A_957 = tpu.vector_load %arg14[%swap3A_954, %swap3A_955, %swap3A_956] {strides = array<i32>} : memref<784x1x128xf32, #tpu.memory_space<vmem>>, vector<16xf32>,
        tpu.vector_store %arg14[%swap3A_954, %swap3A_955, %swap3A_956], %gather3A_952 {strides = array<i32>} : memref<784x1x128xf32, #tpu.memory_space<vmem>>, vector<16xf32>,
        %add3A_958 = arith.constant 32 : i32
        %add3A_959 = vector.broadcast %add3A_958 : i32 to vector<16xi32>
        %add3A_960 = arith.addi %add3A_959, %iota3A : vector<16xi32>
        %shift_right_arithmetic3A_961 = arith.constant 3 : i32
        %shift_right_arithmetic3A_962 = vector.broadcast %shift_right_arithmetic3A_961 : i32 to vector<16xi32>
        %shift_right_arithmetic3A_963 = arith.shrsi %add3A_960, %shift_right_arithmetic3A_962 : vector<16xi32>
        %add3A_964 = arith.constant 32 : i32
        %add3A_965 = vector.broadcast %add3A_964 : i32 to vector<16xi32>
        %add3A_966 = arith.addi %add3A_965, %iota3A : vector<16xi32>
        %and3A_967 = arith.constant 7 : i32
        %and3A_968 = vector.broadcast %and3A_967 : i32 to vector<16xi32>
        %and3A_969 = arith.andi %add3A_966, %and3A_968 : vector<16xi32>
        %gather3A_970 = tpu.vector_load_idx %arg13[%broadcast_in_dim3A_616, %shift_right_arithmetic3A_963, %and3A_969, %and3A_913] : memref<3x8x8x128xf32, #tpu.memory_space<vmem>>[vector<16xi32>, vector<16xi32>, vector<16xi32>, vector<16xi32>], vector<16xf32>,
        %swap3A_971 = arith.constant 0 : i32
        %swap3A_972 = arith.index_cast %while3A_908 : i32 to index
        %swap3A_973 = arith.index_cast %swap3A_971 : i32 to index
        %swap3A_974 = arith.constant 32 : index
        %swap3A_975 = tpu.vector_load %arg14[%swap3A_972, %swap3A_973, %swap3A_974] {strides = array<i32>} : memref<784x1x128xf32, #tpu.memory_space<vmem>>, vector<16xf32>,
        tpu.vector_store %arg14[%swap3A_972, %swap3A_973, %swap3A_974], %gather3A_970 {strides = array<i32>} : memref<784x1x128xf32, #tpu.memory_space<vmem>>, vector<16xf32>,
        %add3A_976 = arith.constant 48 : i32
        %add3A_977 = vector.broadcast %add3A_976 : i32 to vector<16xi32>
        %add3A_978 = arith.addi %add3A_977, %iota3A : vector<16xi32>
        %shift_right_arithmetic3A_979 = arith.constant 3 : i32
        %shift_right_arithmetic3A_980 = vector.broadcast %shift_right_arithmetic3A_979 : i32 to vector<16xi32>
        %shift_right_arithmetic3A_981 = arith.shrsi %add3A_978, %shift_right_arithmetic3A_980 : vector<16xi32>
        %add3A_982 = arith.constant 48 : i32
        %add3A_983 = vector.broadcast %add3A_982 : i32 to vector<16xi32>
        %add3A_984 = arith.addi %add3A_983, %iota3A : vector<16xi32>
        %and3A_985 = arith.constant 7 : i32
        %and3A_986 = vector.broadcast %and3A_985 : i32 to vector<16xi32>
        %and3A_987 = arith.andi %add3A_984, %and3A_986 : vector<16xi32>
        %gather3A_988 = tpu.vector_load_idx %arg13[%broadcast_in_dim3A_616, %shift_right_arithmetic3A_981, %and3A_987, %and3A_913] : memref<3x8x8x128xf32, #tpu.memory_space<vmem>>[vector<16xi32>, vector<16xi32>, vector<16xi32>, vector<16xi32>], vector<16xf32>,
        %swap3A_989 = arith.constant 0 : i32
        %swap3A_990 = arith.index_cast %while3A_908 : i32 to index
        %swap3A_991 = arith.index_cast %swap3A_989 : i32 to index
        %swap3A_992 = arith.constant 48 : index
        %swap3A_993 = tpu.vector_load %arg14[%swap3A_990, %swap3A_991, %swap3A_992] {strides = array<i32>} : memref<784x1x128xf32, #tpu.memory_space<vmem>>, vector<16xf32>,
        tpu.vector_store %arg14[%swap3A_990, %swap3A_991, %swap3A_992], %gather3A_988 {strides = array<i32>} : memref<784x1x128xf32, #tpu.memory_space<vmem>>, vector<16xf32>,
        %dma_start3A_994 = arith.constant 0 : i32
        %dma_start3A_995 = arith.constant 0 : i32
        %dma_start3A_996 = tpu.memref_slice %arg14[%while3A_908, %dma_start3A_994, %dma_start3A_995] : memref<784x1x128xf32, #tpu.memory_space<vmem>> -> memref<1x1x128xf32, #tpu.memory_space<vmem>>
        %dma_start3A_997 = arith.constant 0 : i32
        %dma_start3A_998 = arith.constant 0 : i32
        %dma_start3A_999 = tpu.memref_slice %arg4[%min3A_921, %dma_start3A_997, %dma_start3A_998] : memref<16384x1x128xf32, #tpu.memory_space<hbm>> -> memref<1x1x128xf32, #tpu.memory_space<hbm>>
        %dma_start3A_1000 = arith.constant 0 : i32
        %dma_start3A_1001 = arith.constant 0 : i32
        %dma_start3A_1002 = tpu.memref_slice %arg4[%min3A_921, %dma_start3A_1000, %dma_start3A_1001] : memref<16384x1x128xf32, #tpu.memory_space<hbm>> -> memref<1x1x128xf32, #tpu.memory_space<hbm>>
        %dma_start3A_1003 = arith.constant 0 : i32
        %dma_start3A_1004 = arith.constant 0 : i32
        %dma_start3A_1005 = tpu.memref_slice %arg14[%while3A_908, %dma_start3A_1003, %dma_start3A_1004] : memref<784x1x128xf32, #tpu.memory_space<vmem>> -> memref<1x1x128xf32, #tpu.memory_space<vmem>>
        tpu.enqueue_dma source(%dma_start3A_1005 : memref<1x1x128xf32, #tpu.memory_space<vmem>>) target(%dma_start3A_1002 : memref<1x1x128xf32, #tpu.memory_space<hbm>>) target_semaphore(%arg18 : memref<!tpu.dma_semaphore, #tpu.memory_space<semaphore_mem>>)
        %add3A_1006 = arith.constant 1 : i32
        %add3A_1007 = arith.addi %while3A_908, %add3A_1006 : i32
        scf.yield %add3A_1007 : i32
      }
      %add3A_664 = arith.constant 3 : i32
      %add3A_665 = arith.addi %add3A_592, %add3A_664 : i32
      %min3A_666 = arith.minsi %add3A_665, %max3A_400 : i32
      %broadcast_in_dim3A_667 = vector.broadcast %min3A_666 : i32 to vector<16xi32>
      %gather3A_668 = tpu.vector_load_idx %arg12[%broadcast_in_dim3A_667] : memref<272xi32, #tpu.memory_space<vmem>>[vector<16xi32>], vector<16xi32>,
      %slice3A_669 = vector.extract_strided_slice %gather3A_668 {offsets = [0], sizes = [1], strides = [1]} : vector<16xi32> to vector<1xi32>
      %squeeze3A_670 = vector.extract %slice3A_669[0] : i32 from vector<1xi32>
      %jit3A_671 = arith.constant 0 : i32
      %jit3A_672 = arith.constant 7812 : i32
      %max3A_673 = arith.maxsi %jit3A_671, %squeeze3A_670 : i32
      %min3A_674 = arith.minsi %jit3A_672, %max3A_673 : i32
      %mul3A_675 = arith.constant 128 : i32
      %mul3A_676 = arith.muli %min3A_674, %mul3A_675 : i32
      %multiple_of3A_677 = tpu.assume_multiple %mul3A_676, 128 : i32
      %dma_start3A_678 = arith.constant 0 : i32
      %dma_start3A_679 = arith.constant 0 : i32
      %dma_start3A_680 = arith.constant 0 : i32
      %dma_start3A_681 = arith.constant 0 : i32
      %dma_start3A_682 = tpu.memref_slice %arg13[%dma_start3A_678, %dma_start3A_679, %dma_start3A_680, %dma_start3A_681] : memref<3x8x8x128xf32, #tpu.memory_space<vmem>> -> memref<1x8x8x128xf32, #tpu.memory_space<vmem>>
      %dma_start3A_683 = tpu.memref_squeeze %dma_start3A_682 : memref<1x8x8x128xf32, #tpu.memory_space<vmem>> -> memref<8x8x128xf32, #tpu.memory_space<vmem>>
      %dma_start3A_684 = arith.constant 0 : i32
      %dma_start3A_685 = arith.constant 0 : i32
      %dma_start3A_686 = tpu.memref_slice %arg3[%dma_start3A_684, %dma_start3A_685, %multiple_of3A_677] : memref<8x8x1000000xf32, #tpu.memory_space<hbm>> -> memref<8x8x128xf32, #tpu.memory_space<hbm>>
      %dma_start3A_687 = arith.constant 0 : i32
      %dma_start3A_688 = arith.constant 0 : i32
      %dma_start3A_689 = arith.constant 0 : i32
      %dma_start3A_690 = tpu.memref_slice %arg13[%dma_start3A_678, %dma_start3A_687, %dma_start3A_688, %dma_start3A_689] : memref<3x8x8x128xf32, #tpu.memory_space<vmem>> -> memref<1x8x8x128xf32, #tpu.memory_space<vmem>>
      %dma_start3A_691 = tpu.memref_squeeze %dma_start3A_690 : memref<1x8x8x128xf32, #tpu.memory_space<vmem>> -> memref<8x8x128xf32, #tpu.memory_space<vmem>>
      %dma_start3A_692 = arith.constant 0 : i32
      %dma_start3A_693 = arith.constant 0 : i32
      %dma_start3A_694 = tpu.memref_slice %arg3[%dma_start3A_692, %dma_start3A_693, %multiple_of3A_677] : memref<8x8x1000000xf32, #tpu.memory_space<hbm>> -> memref<8x8x128xf32, #tpu.memory_space<hbm>>
      tpu.enqueue_dma source(%dma_start3A_694 : memref<8x8x128xf32, #tpu.memory_space<hbm>>) target(%dma_start3A_691 : memref<8x8x128xf32, #tpu.memory_space<vmem>>) target_semaphore(%arg15 : memref<!tpu.dma_semaphore, #tpu.memory_space<semaphore_mem>>)
      %mul3A_695 = arith.constant 3 : i32
      %mul3A_696 = arith.muli %while3A_587, %mul3A_695 : i32
      %add3A_697 = arith.constant 1 : i32
      %add3A_698 = arith.addi %mul3A_696, %add3A_697 : i32
      %dma_wait3A_699 = arith.constant 1 : i32
      %dma_wait3A_700 = arith.constant 0 : i32
      %dma_wait3A_701 = arith.constant 0 : i32
      %dma_wait3A_702 = arith.constant 0 : i32
      %dma_wait3A_703 = tpu.memref_slice %arg13[%dma_wait3A_699, %dma_wait3A_700, %dma_wait3A_701, %dma_wait3A_702] : memref<3x8x8x128xf32, #tpu.memory_space<vmem>> -> memref<1x8x8x128xf32, #tpu.memory_space<vmem>>
      %dma_wait3A_704 = tpu.memref_squeeze %dma_wait3A_703 : memref<1x8x8x128xf32, #tpu.memory_space<vmem>> -> memref<8x8x128xf32, #tpu.memory_space<vmem>>
      %dma_wait3A_705 = arith.constant 0 : i32
      %dma_wait3A_706 = arith.constant 0 : i32
      %dma_wait3A_707 = arith.constant 0 : i32
      %dma_wait3A_708 = tpu.memref_slice %arg3[%dma_wait3A_705, %dma_wait3A_706, %dma_wait3A_707] : memref<8x8x1000000xf32, #tpu.memory_space<hbm>> -> memref<8x8x128xf32, #tpu.memory_space<hbm>>
      %dma_wait3A_709 = arith.constant 0 : i32
      %dma_wait3A_710 = arith.constant 0 : i32
      %dma_wait3A_711 = arith.constant 0 : i32
      %dma_wait3A_712 = tpu.memref_slice %arg13[%dma_wait3A_699, %dma_wait3A_709, %dma_wait3A_710, %dma_wait3A_711] : memref<3x8x8x128xf32, #tpu.memory_space<vmem>> -> memref<1x8x8x128xf32, #tpu.memory_space<vmem>>
      %dma_wait3A_713 = tpu.memref_squeeze %dma_wait3A_712 : memref<1x8x8x128xf32, #tpu.memory_space<vmem>> -> memref<8x8x128xf32, #tpu.memory_space<vmem>>
      %dma_wait3A_714 = arith.constant 0 : i32
      %dma_wait3A_715 = arith.constant 0 : i32
      %dma_wait3A_716 = arith.constant 0 : i32
      %dma_wait3A_717 = tpu.memref_slice %arg3[%dma_wait3A_714, %dma_wait3A_715, %dma_wait3A_716] : memref<8x8x1000000xf32, #tpu.memory_space<hbm>> -> memref<8x8x128xf32, #tpu.memory_space<hbm>>
      tpu.wait_dma2 semaphore(%arg16 : memref<!tpu.dma_semaphore, #tpu.memory_space<semaphore_mem>>) src(%dma_wait3A_717 : memref<8x8x128xf32, #tpu.memory_space<hbm>>) dst(%dma_wait3A_713 : memref<8x8x128xf32, #tpu.memory_space<vmem>>)
      %min3A_718 = arith.minsi %add3A_698, %max3A_400 : i32
      %broadcast_in_dim3A_719 = vector.broadcast %min3A_718 : i32 to vector<16xi32>
      %gather3A_720 = tpu.vector_load_idx %arg12[%broadcast_in_dim3A_719] : memref<272xi32, #tpu.memory_space<vmem>>[vector<16xi32>], vector<16xi32>,
      %broadcast_in_dim3A_721 = arith.constant 1 : i32
      %broadcast_in_dim3A_722 = vector.broadcast %broadcast_in_dim3A_721 : i32 to vector<16xi32>
      %slice3A_723 = vector.extract_strided_slice %gather3A_720 {offsets = [0], sizes = [1], strides = [1]} : vector<16xi32> to vector<1xi32>
      %squeeze3A_724 = vector.extract %slice3A_723[0] : i32 from vector<1xi32>
      %sub3A_725 = arith.constant 1 : i32
      %sub3A_726 = arith.subi %min3A_5, %sub3A_725 : i32
      %max3A_727 = arith.maxsi %mul3A_2, %squeeze3A_724 : i32
      %min3A_728 = arith.minsi %sub3A_726, %max3A_727 : i32
      %sub3A_729 = arith.subi %min3A_728, %mul3A_2 : i32
      %shift_right_arithmetic3A_730 = arith.constant 4 : i32
      %shift_right_arithmetic3A_731 = arith.shrsi %sub3A_729, %shift_right_arithmetic3A_730 : i32
      %broadcast_in_dim3A_732 = vector.broadcast %shift_right_arithmetic3A_731 : i32 to vector<16xi32>
      %gather3A_733 = tpu.vector_load_idx %arg10[%broadcast_in_dim3A_732] : memref<32xi32, #tpu.memory_space<vmem>>[vector<16xi32>], vector<16xi32>,
      %slice3A_734 = vector.extract_strided_slice %gather3A_733 {offsets = [0], sizes = [1], strides = [1]} : vector<16xi32> to vector<1xi32>
      %squeeze3A_735 = vector.extract %slice3A_734[0] : i32 from vector<1xi32>
      %add3A_736 = arith.constant 1 : i32
      %add3A_737 = arith.addi %shift_right_arithmetic3A_731, %add3A_736 : i32
      %broadcast_in_dim3A_738 = vector.broadcast %add3A_737 : i32 to vector<16xi32>
      %gather3A_739 = tpu.vector_load_idx %arg10[%broadcast_in_dim3A_738] : memref<32xi32, #tpu.memory_space<vmem>>[vector<16xi32>], vector<16xi32>,
      %slice3A_740 = vector.extract_strided_slice %gather3A_739 {offsets = [0], sizes = [1], strides = [1]} : vector<16xi32> to vector<1xi32>
      %squeeze3A_741 = vector.extract %slice3A_740[0] : i32 from vector<1xi32>
      %shift_right_arithmetic3A_742 = arith.constant 4 : i32
      %shift_right_arithmetic3A_743 = arith.shrsi %squeeze3A_735, %shift_right_arithmetic3A_742 : i32
      %add3A_744 = arith.constant 15 : i32
      %add3A_745 = arith.addi %squeeze3A_741, %add3A_744 : i32
      %shift_right_arithmetic3A_746 = arith.constant 4 : i32
      %shift_right_arithmetic3A_747 = arith.shrsi %add3A_745, %shift_right_arithmetic3A_746 : i32
      %while3A_748 = arith.constant 0 : i32
      %while3A_749 = arith.subi %shift_right_arithmetic3A_747, %shift_right_arithmetic3A_743 : i32
      %while3A_750 = arith.addi %shift_right_arithmetic3A_743, %while3A_749 : i32
      %while3A_751 = arith.constant 1 : i32
      %while3A_752 = arith.divsi %while3A_749, %while3A_751 : i32
      %while3A_753 = arith.muli %while3A_752, %while3A_751 : i32
      %while3A_754 = arith.addi %shift_right_arithmetic3A_743, %while3A_753 : i32
      %while3A_755 = arith.constant 1 : i32
      %while3A_756 = scf.for %while3A_907 = %shift_right_arithmetic3A_743 to %while3A_754 step %while3A_755 iter_args(%while3A_908 = %while3A_748) -> (i32)  : i32 {
        %mul3A_909 = arith.constant 16 : i32
        %mul3A_910 = arith.muli %while3A_907, %mul3A_909 : i32
        %get3A = arith.index_cast %mul3A_910 : i32 to index
        %get3A_911 = tpu.vector_load %arg7[%get3A] {strides = array<i32>} : memref<800xi32, #tpu.memory_space<vmem>>, vector<16xi32>,
        %eq3A_912 = arith.cmpi eq, %get3A_911, %gather3A_720 : vector<16xi32>
        %mul3A_913 = arith.constant 16 : i32
        %mul3A_914 = arith.muli %while3A_907, %mul3A_913 : i32
        %get3A_915 = arith.index_cast %mul3A_914 : i32 to index
        %get3A_916 = tpu.vector_load %arg8[%get3A_915] {strides = array<i32>} : memref<800xi32, #tpu.memory_space<vmem>>, vector<16xi32>,
        %swap3A_917 = arith.index_cast %while3A_908 : i32 to index
        %swap3A_918 = tpu.vector_load %arg9[%swap3A_917] masked %eq3A_912 {strides = array<i32>} : memref<128xi32, #tpu.memory_space<vmem>>, vector<16xi32>, vector<16xi1>
        tpu.vector_store %arg9[%swap3A_917], %get3A_916 masked %eq3A_912 {strides = array<i32>} : memref<128xi32, #tpu.memory_space<vmem>>, vector<16xi32>, vector<16xi1>
        %all_reduce_population_count3A = tpu.all_reduce %eq3A_912 {dim = 0 : i64, kind = #tpu.reduction_kind<sum>} : vector<16xi1> -> vector<16xi32>
        %slice3A_919 = vector.extract_strided_slice %all_reduce_population_count3A {offsets = [0], sizes = [1], strides = [1]} : vector<16xi32> to vector<1xi32>
        %squeeze3A_920 = vector.extract %slice3A_919[0] : i32 from vector<1xi32>
        %add3A_921 = arith.addi %while3A_908, %squeeze3A_920 : i32
        scf.yield %add3A_921 : i32
      }
      %while3A_757 = arith.constant 1 : i32
      %while3A_758 = scf.for %while3A_907 = %while3A_754 to %while3A_750 step %while3A_757 iter_args(%while3A_908 = %while3A_756) -> (i32)  : i32 {
        %mul3A_909 = arith.constant 16 : i32
        %mul3A_910 = arith.muli %while3A_907, %mul3A_909 : i32
        %get3A = arith.index_cast %mul3A_910 : i32 to index
        %get3A_911 = tpu.vector_load %arg7[%get3A] {strides = array<i32>} : memref<800xi32, #tpu.memory_space<vmem>>, vector<16xi32>,
        %eq3A_912 = arith.cmpi eq, %get3A_911, %gather3A_720 : vector<16xi32>
        %mul3A_913 = arith.constant 16 : i32
        %mul3A_914 = arith.muli %while3A_907, %mul3A_913 : i32
        %get3A_915 = arith.index_cast %mul3A_914 : i32 to index
        %get3A_916 = tpu.vector_load %arg8[%get3A_915] {strides = array<i32>} : memref<800xi32, #tpu.memory_space<vmem>>, vector<16xi32>,
        %swap3A_917 = arith.index_cast %while3A_908 : i32 to index
        %swap3A_918 = tpu.vector_load %arg9[%swap3A_917] masked %eq3A_912 {strides = array<i32>} : memref<128xi32, #tpu.memory_space<vmem>>, vector<16xi32>, vector<16xi1>
        tpu.vector_store %arg9[%swap3A_917], %get3A_916 masked %eq3A_912 {strides = array<i32>} : memref<128xi32, #tpu.memory_space<vmem>>, vector<16xi32>, vector<16xi1>
        %all_reduce_population_count3A = tpu.all_reduce %eq3A_912 {dim = 0 : i64, kind = #tpu.reduction_kind<sum>} : vector<16xi1> -> vector<16xi32>
        %slice3A_919 = vector.extract_strided_slice %all_reduce_population_count3A {offsets = [0], sizes = [1], strides = [1]} : vector<16xi32> to vector<1xi32>
        %squeeze3A_920 = vector.extract %slice3A_919[0] : i32 from vector<1xi32>
        %add3A_921 = arith.addi %while3A_908, %squeeze3A_920 : i32
        scf.yield %add3A_921 : i32
      }
      %while3A_759 = arith.constant 0 : i32
      %while3A_760 = arith.subi %while3A_758, %while3A_759 : i32
      %while3A_761 = arith.addi %while3A_759, %while3A_760 : i32
      %while3A_762 = arith.constant 1 : i32
      %while3A_763 = arith.divsi %while3A_760, %while3A_762 : i32
      %while3A_764 = arith.muli %while3A_763, %while3A_762 : i32
      %while3A_765 = arith.addi %while3A_759, %while3A_764 : i32
      %while3A_766 = arith.constant 1 : i32
      %while3A_767 = scf.for %while3A_907 = %while3A_759 to %while3A_765 step %while3A_766 iter_args(%while3A_908 = %while3A_663) -> (i32)  : i32 {
        %broadcast_in_dim3A_909 = vector.broadcast %while3A_907 : i32 to vector<16xi32>
        %gather3A_910 = tpu.vector_load_idx %arg9[%broadcast_in_dim3A_909] : memref<128xi32, #tpu.memory_space<vmem>>[vector<16xi32>], vector<16xi32>,
        %and3A_911 = arith.constant 127 : i32
        %and3A_912 = vector.broadcast %and3A_911 : i32 to vector<16xi32>
        %and3A_913 = arith.andi %gather3A_910, %and3A_912 : vector<16xi32>
        %slice3A_914 = vector.extract_strided_slice %gather3A_910 {offsets = [0], sizes = [1], strides = [1]} : vector<16xi32> to vector<1xi32>
        %squeeze3A_915 = vector.extract %slice3A_914[0] : i32 from vector<1xi32>
        %shift_right_arithmetic3A_916 = arith.constant 7 : i32
        %shift_right_arithmetic3A_917 = arith.shrsi %squeeze3A_915, %shift_right_arithmetic3A_916 : i32
        %jit3A_918 = arith.constant 0 : i32
        %jit3A_919 = arith.constant 16383 : i32
        %max3A_920 = arith.maxsi %jit3A_918, %shift_right_arithmetic3A_917 : i32
        %min3A_921 = arith.minsi %jit3A_919, %max3A_920 : i32
        %add3A_922 = arith.constant 0 : i32
        %add3A_923 = vector.broadcast %add3A_922 : i32 to vector<16xi32>
        %add3A_924 = arith.addi %add3A_923, %iota3A : vector<16xi32>
        %shift_right_arithmetic3A_925 = arith.constant 3 : i32
        %shift_right_arithmetic3A_926 = vector.broadcast %shift_right_arithmetic3A_925 : i32 to vector<16xi32>
        %shift_right_arithmetic3A_927 = arith.shrsi %add3A_924, %shift_right_arithmetic3A_926 : vector<16xi32>
        %add3A_928 = arith.constant 0 : i32
        %add3A_929 = vector.broadcast %add3A_928 : i32 to vector<16xi32>
        %add3A_930 = arith.addi %add3A_929, %iota3A : vector<16xi32>
        %and3A_931 = arith.constant 7 : i32
        %and3A_932 = vector.broadcast %and3A_931 : i32 to vector<16xi32>
        %and3A_933 = arith.andi %add3A_930, %and3A_932 : vector<16xi32>
        %gather3A_934 = tpu.vector_load_idx %arg13[%broadcast_in_dim3A_722, %shift_right_arithmetic3A_927, %and3A_933, %and3A_913] : memref<3x8x8x128xf32, #tpu.memory_space<vmem>>[vector<16xi32>, vector<16xi32>, vector<16xi32>, vector<16xi32>], vector<16xf32>,
        %swap3A_935 = arith.constant 0 : i32
        %swap3A_936 = arith.index_cast %while3A_908 : i32 to index
        %swap3A_937 = arith.index_cast %swap3A_935 : i32 to index
        %swap3A_938 = arith.constant 0 : index
        %swap3A_939 = tpu.vector_load %arg14[%swap3A_936, %swap3A_937, %swap3A_938] {strides = array<i32>} : memref<784x1x128xf32, #tpu.memory_space<vmem>>, vector<16xf32>,
        tpu.vector_store %arg14[%swap3A_936, %swap3A_937, %swap3A_938], %gather3A_934 {strides = array<i32>} : memref<784x1x128xf32, #tpu.memory_space<vmem>>, vector<16xf32>,
        %add3A_940 = arith.constant 16 : i32
        %add3A_941 = vector.broadcast %add3A_940 : i32 to vector<16xi32>
        %add3A_942 = arith.addi %add3A_941, %iota3A : vector<16xi32>
        %shift_right_arithmetic3A_943 = arith.constant 3 : i32
        %shift_right_arithmetic3A_944 = vector.broadcast %shift_right_arithmetic3A_943 : i32 to vector<16xi32>
        %shift_right_arithmetic3A_945 = arith.shrsi %add3A_942, %shift_right_arithmetic3A_944 : vector<16xi32>
        %add3A_946 = arith.constant 16 : i32
        %add3A_947 = vector.broadcast %add3A_946 : i32 to vector<16xi32>
        %add3A_948 = arith.addi %add3A_947, %iota3A : vector<16xi32>
        %and3A_949 = arith.constant 7 : i32
        %and3A_950 = vector.broadcast %and3A_949 : i32 to vector<16xi32>
        %and3A_951 = arith.andi %add3A_948, %and3A_950 : vector<16xi32>
        %gather3A_952 = tpu.vector_load_idx %arg13[%broadcast_in_dim3A_722, %shift_right_arithmetic3A_945, %and3A_951, %and3A_913] : memref<3x8x8x128xf32, #tpu.memory_space<vmem>>[vector<16xi32>, vector<16xi32>, vector<16xi32>, vector<16xi32>], vector<16xf32>,
        %swap3A_953 = arith.constant 0 : i32
        %swap3A_954 = arith.index_cast %while3A_908 : i32 to index
        %swap3A_955 = arith.index_cast %swap3A_953 : i32 to index
        %swap3A_956 = arith.constant 16 : index
        %swap3A_957 = tpu.vector_load %arg14[%swap3A_954, %swap3A_955, %swap3A_956] {strides = array<i32>} : memref<784x1x128xf32, #tpu.memory_space<vmem>>, vector<16xf32>,
        tpu.vector_store %arg14[%swap3A_954, %swap3A_955, %swap3A_956], %gather3A_952 {strides = array<i32>} : memref<784x1x128xf32, #tpu.memory_space<vmem>>, vector<16xf32>,
        %add3A_958 = arith.constant 32 : i32
        %add3A_959 = vector.broadcast %add3A_958 : i32 to vector<16xi32>
        %add3A_960 = arith.addi %add3A_959, %iota3A : vector<16xi32>
        %shift_right_arithmetic3A_961 = arith.constant 3 : i32
        %shift_right_arithmetic3A_962 = vector.broadcast %shift_right_arithmetic3A_961 : i32 to vector<16xi32>
        %shift_right_arithmetic3A_963 = arith.shrsi %add3A_960, %shift_right_arithmetic3A_962 : vector<16xi32>
        %add3A_964 = arith.constant 32 : i32
        %add3A_965 = vector.broadcast %add3A_964 : i32 to vector<16xi32>
        %add3A_966 = arith.addi %add3A_965, %iota3A : vector<16xi32>
        %and3A_967 = arith.constant 7 : i32
        %and3A_968 = vector.broadcast %and3A_967 : i32 to vector<16xi32>
        %and3A_969 = arith.andi %add3A_966, %and3A_968 : vector<16xi32>
        %gather3A_970 = tpu.vector_load_idx %arg13[%broadcast_in_dim3A_722, %shift_right_arithmetic3A_963, %and3A_969, %and3A_913] : memref<3x8x8x128xf32, #tpu.memory_space<vmem>>[vector<16xi32>, vector<16xi32>, vector<16xi32>, vector<16xi32>], vector<16xf32>,
        %swap3A_971 = arith.constant 0 : i32
        %swap3A_972 = arith.index_cast %while3A_908 : i32 to index
        %swap3A_973 = arith.index_cast %swap3A_971 : i32 to index
        %swap3A_974 = arith.constant 32 : index
        %swap3A_975 = tpu.vector_load %arg14[%swap3A_972, %swap3A_973, %swap3A_974] {strides = array<i32>} : memref<784x1x128xf32, #tpu.memory_space<vmem>>, vector<16xf32>,
        tpu.vector_store %arg14[%swap3A_972, %swap3A_973, %swap3A_974], %gather3A_970 {strides = array<i32>} : memref<784x1x128xf32, #tpu.memory_space<vmem>>, vector<16xf32>,
        %add3A_976 = arith.constant 48 : i32
        %add3A_977 = vector.broadcast %add3A_976 : i32 to vector<16xi32>
        %add3A_978 = arith.addi %add3A_977, %iota3A : vector<16xi32>
        %shift_right_arithmetic3A_979 = arith.constant 3 : i32
        %shift_right_arithmetic3A_980 = vector.broadcast %shift_right_arithmetic3A_979 : i32 to vector<16xi32>
        %shift_right_arithmetic3A_981 = arith.shrsi %add3A_978, %shift_right_arithmetic3A_980 : vector<16xi32>
        %add3A_982 = arith.constant 48 : i32
        %add3A_983 = vector.broadcast %add3A_982 : i32 to vector<16xi32>
        %add3A_984 = arith.addi %add3A_983, %iota3A : vector<16xi32>
        %and3A_985 = arith.constant 7 : i32
        %and3A_986 = vector.broadcast %and3A_985 : i32 to vector<16xi32>
        %and3A_987 = arith.andi %add3A_984, %and3A_986 : vector<16xi32>
        %gather3A_988 = tpu.vector_load_idx %arg13[%broadcast_in_dim3A_722, %shift_right_arithmetic3A_981, %and3A_987, %and3A_913] : memref<3x8x8x128xf32, #tpu.memory_space<vmem>>[vector<16xi32>, vector<16xi32>, vector<16xi32>, vector<16xi32>], vector<16xf32>,
        %swap3A_989 = arith.constant 0 : i32
        %swap3A_990 = arith.index_cast %while3A_908 : i32 to index
        %swap3A_991 = arith.index_cast %swap3A_989 : i32 to index
        %swap3A_992 = arith.constant 48 : index
        %swap3A_993 = tpu.vector_load %arg14[%swap3A_990, %swap3A_991, %swap3A_992] {strides = array<i32>} : memref<784x1x128xf32, #tpu.memory_space<vmem>>, vector<16xf32>,
        tpu.vector_store %arg14[%swap3A_990, %swap3A_991, %swap3A_992], %gather3A_988 {strides = array<i32>} : memref<784x1x128xf32, #tpu.memory_space<vmem>>, vector<16xf32>,
        %dma_start3A_994 = arith.constant 0 : i32
        %dma_start3A_995 = arith.constant 0 : i32
        %dma_start3A_996 = tpu.memref_slice %arg14[%while3A_908, %dma_start3A_994, %dma_start3A_995] : memref<784x1x128xf32, #tpu.memory_space<vmem>> -> memref<1x1x128xf32, #tpu.memory_space<vmem>>
        %dma_start3A_997 = arith.constant 0 : i32
        %dma_start3A_998 = arith.constant 0 : i32
        %dma_start3A_999 = tpu.memref_slice %arg4[%min3A_921, %dma_start3A_997, %dma_start3A_998] : memref<16384x1x128xf32, #tpu.memory_space<hbm>> -> memref<1x1x128xf32, #tpu.memory_space<hbm>>
        %dma_start3A_1000 = arith.constant 0 : i32
        %dma_start3A_1001 = arith.constant 0 : i32
        %dma_start3A_1002 = tpu.memref_slice %arg4[%min3A_921, %dma_start3A_1000, %dma_start3A_1001] : memref<16384x1x128xf32, #tpu.memory_space<hbm>> -> memref<1x1x128xf32, #tpu.memory_space<hbm>>
        %dma_start3A_1003 = arith.constant 0 : i32
        %dma_start3A_1004 = arith.constant 0 : i32
        %dma_start3A_1005 = tpu.memref_slice %arg14[%while3A_908, %dma_start3A_1003, %dma_start3A_1004] : memref<784x1x128xf32, #tpu.memory_space<vmem>> -> memref<1x1x128xf32, #tpu.memory_space<vmem>>
        tpu.enqueue_dma source(%dma_start3A_1005 : memref<1x1x128xf32, #tpu.memory_space<vmem>>) target(%dma_start3A_1002 : memref<1x1x128xf32, #tpu.memory_space<hbm>>) target_semaphore(%arg18 : memref<!tpu.dma_semaphore, #tpu.memory_space<semaphore_mem>>)
        %add3A_1006 = arith.constant 1 : i32
        %add3A_1007 = arith.addi %while3A_908, %add3A_1006 : i32
        scf.yield %add3A_1007 : i32
      }
      %while3A_768 = arith.constant 1 : i32
      %while3A_769 = scf.for %while3A_907 = %while3A_765 to %while3A_761 step %while3A_768 iter_args(%while3A_908 = %while3A_767) -> (i32)  : i32 {
        %broadcast_in_dim3A_909 = vector.broadcast %while3A_907 : i32 to vector<16xi32>
        %gather3A_910 = tpu.vector_load_idx %arg9[%broadcast_in_dim3A_909] : memref<128xi32, #tpu.memory_space<vmem>>[vector<16xi32>], vector<16xi32>,
        %and3A_911 = arith.constant 127 : i32
        %and3A_912 = vector.broadcast %and3A_911 : i32 to vector<16xi32>
        %and3A_913 = arith.andi %gather3A_910, %and3A_912 : vector<16xi32>
        %slice3A_914 = vector.extract_strided_slice %gather3A_910 {offsets = [0], sizes = [1], strides = [1]} : vector<16xi32> to vector<1xi32>
        %squeeze3A_915 = vector.extract %slice3A_914[0] : i32 from vector<1xi32>
        %shift_right_arithmetic3A_916 = arith.constant 7 : i32
        %shift_right_arithmetic3A_917 = arith.shrsi %squeeze3A_915, %shift_right_arithmetic3A_916 : i32
        %jit3A_918 = arith.constant 0 : i32
        %jit3A_919 = arith.constant 16383 : i32
        %max3A_920 = arith.maxsi %jit3A_918, %shift_right_arithmetic3A_917 : i32
        %min3A_921 = arith.minsi %jit3A_919, %max3A_920 : i32
        %add3A_922 = arith.constant 0 : i32
        %add3A_923 = vector.broadcast %add3A_922 : i32 to vector<16xi32>
        %add3A_924 = arith.addi %add3A_923, %iota3A : vector<16xi32>
        %shift_right_arithmetic3A_925 = arith.constant 3 : i32
        %shift_right_arithmetic3A_926 = vector.broadcast %shift_right_arithmetic3A_925 : i32 to vector<16xi32>
        %shift_right_arithmetic3A_927 = arith.shrsi %add3A_924, %shift_right_arithmetic3A_926 : vector<16xi32>
        %add3A_928 = arith.constant 0 : i32
        %add3A_929 = vector.broadcast %add3A_928 : i32 to vector<16xi32>
        %add3A_930 = arith.addi %add3A_929, %iota3A : vector<16xi32>
        %and3A_931 = arith.constant 7 : i32
        %and3A_932 = vector.broadcast %and3A_931 : i32 to vector<16xi32>
        %and3A_933 = arith.andi %add3A_930, %and3A_932 : vector<16xi32>
        %gather3A_934 = tpu.vector_load_idx %arg13[%broadcast_in_dim3A_722, %shift_right_arithmetic3A_927, %and3A_933, %and3A_913] : memref<3x8x8x128xf32, #tpu.memory_space<vmem>>[vector<16xi32>, vector<16xi32>, vector<16xi32>, vector<16xi32>], vector<16xf32>,
        %swap3A_935 = arith.constant 0 : i32
        %swap3A_936 = arith.index_cast %while3A_908 : i32 to index
        %swap3A_937 = arith.index_cast %swap3A_935 : i32 to index
        %swap3A_938 = arith.constant 0 : index
        %swap3A_939 = tpu.vector_load %arg14[%swap3A_936, %swap3A_937, %swap3A_938] {strides = array<i32>} : memref<784x1x128xf32, #tpu.memory_space<vmem>>, vector<16xf32>,
        tpu.vector_store %arg14[%swap3A_936, %swap3A_937, %swap3A_938], %gather3A_934 {strides = array<i32>} : memref<784x1x128xf32, #tpu.memory_space<vmem>>, vector<16xf32>,
        %add3A_940 = arith.constant 16 : i32
        %add3A_941 = vector.broadcast %add3A_940 : i32 to vector<16xi32>
        %add3A_942 = arith.addi %add3A_941, %iota3A : vector<16xi32>
        %shift_right_arithmetic3A_943 = arith.constant 3 : i32
        %shift_right_arithmetic3A_944 = vector.broadcast %shift_right_arithmetic3A_943 : i32 to vector<16xi32>
        %shift_right_arithmetic3A_945 = arith.shrsi %add3A_942, %shift_right_arithmetic3A_944 : vector<16xi32>
        %add3A_946 = arith.constant 16 : i32
        %add3A_947 = vector.broadcast %add3A_946 : i32 to vector<16xi32>
        %add3A_948 = arith.addi %add3A_947, %iota3A : vector<16xi32>
        %and3A_949 = arith.constant 7 : i32
        %and3A_950 = vector.broadcast %and3A_949 : i32 to vector<16xi32>
        %and3A_951 = arith.andi %add3A_948, %and3A_950 : vector<16xi32>
        %gather3A_952 = tpu.vector_load_idx %arg13[%broadcast_in_dim3A_722, %shift_right_arithmetic3A_945, %and3A_951, %and3A_913] : memref<3x8x8x128xf32, #tpu.memory_space<vmem>>[vector<16xi32>, vector<16xi32>, vector<16xi32>, vector<16xi32>], vector<16xf32>,
        %swap3A_953 = arith.constant 0 : i32
        %swap3A_954 = arith.index_cast %while3A_908 : i32 to index
        %swap3A_955 = arith.index_cast %swap3A_953 : i32 to index
        %swap3A_956 = arith.constant 16 : index
        %swap3A_957 = tpu.vector_load %arg14[%swap3A_954, %swap3A_955, %swap3A_956] {strides = array<i32>} : memref<784x1x128xf32, #tpu.memory_space<vmem>>, vector<16xf32>,
        tpu.vector_store %arg14[%swap3A_954, %swap3A_955, %swap3A_956], %gather3A_952 {strides = array<i32>} : memref<784x1x128xf32, #tpu.memory_space<vmem>>, vector<16xf32>,
        %add3A_958 = arith.constant 32 : i32
        %add3A_959 = vector.broadcast %add3A_958 : i32 to vector<16xi32>
        %add3A_960 = arith.addi %add3A_959, %iota3A : vector<16xi32>
        %shift_right_arithmetic3A_961 = arith.constant 3 : i32
        %shift_right_arithmetic3A_962 = vector.broadcast %shift_right_arithmetic3A_961 : i32 to vector<16xi32>
        %shift_right_arithmetic3A_963 = arith.shrsi %add3A_960, %shift_right_arithmetic3A_962 : vector<16xi32>
        %add3A_964 = arith.constant 32 : i32
        %add3A_965 = vector.broadcast %add3A_964 : i32 to vector<16xi32>
        %add3A_966 = arith.addi %add3A_965, %iota3A : vector<16xi32>
        %and3A_967 = arith.constant 7 : i32
        %and3A_968 = vector.broadcast %and3A_967 : i32 to vector<16xi32>
        %and3A_969 = arith.andi %add3A_966, %and3A_968 : vector<16xi32>
        %gather3A_970 = tpu.vector_load_idx %arg13[%broadcast_in_dim3A_722, %shift_right_arithmetic3A_963, %and3A_969, %and3A_913] : memref<3x8x8x128xf32, #tpu.memory_space<vmem>>[vector<16xi32>, vector<16xi32>, vector<16xi32>, vector<16xi32>], vector<16xf32>,
        %swap3A_971 = arith.constant 0 : i32
        %swap3A_972 = arith.index_cast %while3A_908 : i32 to index
        %swap3A_973 = arith.index_cast %swap3A_971 : i32 to index
        %swap3A_974 = arith.constant 32 : index
        %swap3A_975 = tpu.vector_load %arg14[%swap3A_972, %swap3A_973, %swap3A_974] {strides = array<i32>} : memref<784x1x128xf32, #tpu.memory_space<vmem>>, vector<16xf32>,
        tpu.vector_store %arg14[%swap3A_972, %swap3A_973, %swap3A_974], %gather3A_970 {strides = array<i32>} : memref<784x1x128xf32, #tpu.memory_space<vmem>>, vector<16xf32>,
        %add3A_976 = arith.constant 48 : i32
        %add3A_977 = vector.broadcast %add3A_976 : i32 to vector<16xi32>
        %add3A_978 = arith.addi %add3A_977, %iota3A : vector<16xi32>
        %shift_right_arithmetic3A_979 = arith.constant 3 : i32
        %shift_right_arithmetic3A_980 = vector.broadcast %shift_right_arithmetic3A_979 : i32 to vector<16xi32>
        %shift_right_arithmetic3A_981 = arith.shrsi %add3A_978, %shift_right_arithmetic3A_980 : vector<16xi32>
        %add3A_982 = arith.constant 48 : i32
        %add3A_983 = vector.broadcast %add3A_982 : i32 to vector<16xi32>
        %add3A_984 = arith.addi %add3A_983, %iota3A : vector<16xi32>
        %and3A_985 = arith.constant 7 : i32
        %and3A_986 = vector.broadcast %and3A_985 : i32 to vector<16xi32>
        %and3A_987 = arith.andi %add3A_984, %and3A_986 : vector<16xi32>
        %gather3A_988 = tpu.vector_load_idx %arg13[%broadcast_in_dim3A_722, %shift_right_arithmetic3A_981, %and3A_987, %and3A_913] : memref<3x8x8x128xf32, #tpu.memory_space<vmem>>[vector<16xi32>, vector<16xi32>, vector<16xi32>, vector<16xi32>], vector<16xf32>,
        %swap3A_989 = arith.constant 0 : i32
        %swap3A_990 = arith.index_cast %while3A_908 : i32 to index
        %swap3A_991 = arith.index_cast %swap3A_989 : i32 to index
        %swap3A_992 = arith.constant 48 : index
        %swap3A_993 = tpu.vector_load %arg14[%swap3A_990, %swap3A_991, %swap3A_992] {strides = array<i32>} : memref<784x1x128xf32, #tpu.memory_space<vmem>>, vector<16xf32>,
        tpu.vector_store %arg14[%swap3A_990, %swap3A_991, %swap3A_992], %gather3A_988 {strides = array<i32>} : memref<784x1x128xf32, #tpu.memory_space<vmem>>, vector<16xf32>,
        %dma_start3A_994 = arith.constant 0 : i32
        %dma_start3A_995 = arith.constant 0 : i32
        %dma_start3A_996 = tpu.memref_slice %arg14[%while3A_908, %dma_start3A_994, %dma_start3A_995] : memref<784x1x128xf32, #tpu.memory_space<vmem>> -> memref<1x1x128xf32, #tpu.memory_space<vmem>>
        %dma_start3A_997 = arith.constant 0 : i32
        %dma_start3A_998 = arith.constant 0 : i32
        %dma_start3A_999 = tpu.memref_slice %arg4[%min3A_921, %dma_start3A_997, %dma_start3A_998] : memref<16384x1x128xf32, #tpu.memory_space<hbm>> -> memref<1x1x128xf32, #tpu.memory_space<hbm>>
        %dma_start3A_1000 = arith.constant 0 : i32
        %dma_start3A_1001 = arith.constant 0 : i32
        %dma_start3A_1002 = tpu.memref_slice %arg4[%min3A_921, %dma_start3A_1000, %dma_start3A_1001] : memref<16384x1x128xf32, #tpu.memory_space<hbm>> -> memref<1x1x128xf32, #tpu.memory_space<hbm>>
        %dma_start3A_1003 = arith.constant 0 : i32
        %dma_start3A_1004 = arith.constant 0 : i32
        %dma_start3A_1005 = tpu.memref_slice %arg14[%while3A_908, %dma_start3A_1003, %dma_start3A_1004] : memref<784x1x128xf32, #tpu.memory_space<vmem>> -> memref<1x1x128xf32, #tpu.memory_space<vmem>>
        tpu.enqueue_dma source(%dma_start3A_1005 : memref<1x1x128xf32, #tpu.memory_space<vmem>>) target(%dma_start3A_1002 : memref<1x1x128xf32, #tpu.memory_space<hbm>>) target_semaphore(%arg18 : memref<!tpu.dma_semaphore, #tpu.memory_space<semaphore_mem>>)
        %add3A_1006 = arith.constant 1 : i32
        %add3A_1007 = arith.addi %while3A_908, %add3A_1006 : i32
        scf.yield %add3A_1007 : i32
      }
      %add3A_770 = arith.constant 3 : i32
      %add3A_771 = arith.addi %add3A_698, %add3A_770 : i32
      %min3A_772 = arith.minsi %add3A_771, %max3A_400 : i32
      %broadcast_in_dim3A_773 = vector.broadcast %min3A_772 : i32 to vector<16xi32>
      %gather3A_774 = tpu.vector_load_idx %arg12[%broadcast_in_dim3A_773] : memref<272xi32, #tpu.memory_space<vmem>>[vector<16xi32>], vector<16xi32>,
      %slice3A_775 = vector.extract_strided_slice %gather3A_774 {offsets = [0], sizes = [1], strides = [1]} : vector<16xi32> to vector<1xi32>
      %squeeze3A_776 = vector.extract %slice3A_775[0] : i32 from vector<1xi32>
      %jit3A_777 = arith.constant 0 : i32
      %jit3A_778 = arith.constant 7812 : i32
      %max3A_779 = arith.maxsi %jit3A_777, %squeeze3A_776 : i32
      %min3A_780 = arith.minsi %jit3A_778, %max3A_779 : i32
      %mul3A_781 = arith.constant 128 : i32
      %mul3A_782 = arith.muli %min3A_780, %mul3A_781 : i32
      %multiple_of3A_783 = tpu.assume_multiple %mul3A_782, 128 : i32
      %dma_start3A_784 = arith.constant 1 : i32
      %dma_start3A_785 = arith.constant 0 : i32
      %dma_start3A_786 = arith.constant 0 : i32
      %dma_start3A_787 = arith.constant 0 : i32
      %dma_start3A_788 = tpu.memref_slice %arg13[%dma_start3A_784, %dma_start3A_785, %dma_start3A_786, %dma_start3A_787] : memref<3x8x8x128xf32, #tpu.memory_space<vmem>> -> memref<1x8x8x128xf32, #tpu.memory_space<vmem>>
      %dma_start3A_789 = tpu.memref_squeeze %dma_start3A_788 : memref<1x8x8x128xf32, #tpu.memory_space<vmem>> -> memref<8x8x128xf32, #tpu.memory_space<vmem>>
      %dma_start3A_790 = arith.constant 0 : i32
      %dma_start3A_791 = arith.constant 0 : i32
      %dma_start3A_792 = tpu.memref_slice %arg3[%dma_start3A_790, %dma_start3A_791, %multiple_of3A_783] : memref<8x8x1000000xf32, #tpu.memory_space<hbm>> -> memref<8x8x128xf32, #tpu.memory_space<hbm>>
      %dma_start3A_793 = arith.constant 0 : i32
      %dma_start3A_794 = arith.constant 0 : i32
      %dma_start3A_795 = arith.constant 0 : i32
      %dma_start3A_796 = tpu.memref_slice %arg13[%dma_start3A_784, %dma_start3A_793, %dma_start3A_794, %dma_start3A_795] : memref<3x8x8x128xf32, #tpu.memory_space<vmem>> -> memref<1x8x8x128xf32, #tpu.memory_space<vmem>>
      %dma_start3A_797 = tpu.memref_squeeze %dma_start3A_796 : memref<1x8x8x128xf32, #tpu.memory_space<vmem>> -> memref<8x8x128xf32, #tpu.memory_space<vmem>>
      %dma_start3A_798 = arith.constant 0 : i32
      %dma_start3A_799 = arith.constant 0 : i32
      %dma_start3A_800 = tpu.memref_slice %arg3[%dma_start3A_798, %dma_start3A_799, %multiple_of3A_783] : memref<8x8x1000000xf32, #tpu.memory_space<hbm>> -> memref<8x8x128xf32, #tpu.memory_space<hbm>>
      tpu.enqueue_dma source(%dma_start3A_800 : memref<8x8x128xf32, #tpu.memory_space<hbm>>) target(%dma_start3A_797 : memref<8x8x128xf32, #tpu.memory_space<vmem>>) target_semaphore(%arg16 : memref<!tpu.dma_semaphore, #tpu.memory_space<semaphore_mem>>)
      %mul3A_801 = arith.constant 3 : i32
      %mul3A_802 = arith.muli %while3A_587, %mul3A_801 : i32
      %add3A_803 = arith.constant 2 : i32
      %add3A_804 = arith.addi %mul3A_802, %add3A_803 : i32
      %dma_wait3A_805 = arith.constant 2 : i32
      %dma_wait3A_806 = arith.constant 0 : i32
      %dma_wait3A_807 = arith.constant 0 : i32
      %dma_wait3A_808 = arith.constant 0 : i32
      %dma_wait3A_809 = tpu.memref_slice %arg13[%dma_wait3A_805, %dma_wait3A_806, %dma_wait3A_807, %dma_wait3A_808] : memref<3x8x8x128xf32, #tpu.memory_space<vmem>> -> memref<1x8x8x128xf32, #tpu.memory_space<vmem>>
      %dma_wait3A_810 = tpu.memref_squeeze %dma_wait3A_809 : memref<1x8x8x128xf32, #tpu.memory_space<vmem>> -> memref<8x8x128xf32, #tpu.memory_space<vmem>>
      %dma_wait3A_811 = arith.constant 0 : i32
      %dma_wait3A_812 = arith.constant 0 : i32
      %dma_wait3A_813 = arith.constant 0 : i32
      %dma_wait3A_814 = tpu.memref_slice %arg3[%dma_wait3A_811, %dma_wait3A_812, %dma_wait3A_813] : memref<8x8x1000000xf32, #tpu.memory_space<hbm>> -> memref<8x8x128xf32, #tpu.memory_space<hbm>>
      %dma_wait3A_815 = arith.constant 0 : i32
      %dma_wait3A_816 = arith.constant 0 : i32
      %dma_wait3A_817 = arith.constant 0 : i32
      %dma_wait3A_818 = tpu.memref_slice %arg13[%dma_wait3A_805, %dma_wait3A_815, %dma_wait3A_816, %dma_wait3A_817] : memref<3x8x8x128xf32, #tpu.memory_space<vmem>> -> memref<1x8x8x128xf32, #tpu.memory_space<vmem>>
      %dma_wait3A_819 = tpu.memref_squeeze %dma_wait3A_818 : memref<1x8x8x128xf32, #tpu.memory_space<vmem>> -> memref<8x8x128xf32, #tpu.memory_space<vmem>>
      %dma_wait3A_820 = arith.constant 0 : i32
      %dma_wait3A_821 = arith.constant 0 : i32
      %dma_wait3A_822 = arith.constant 0 : i32
      %dma_wait3A_823 = tpu.memref_slice %arg3[%dma_wait3A_820, %dma_wait3A_821, %dma_wait3A_822] : memref<8x8x1000000xf32, #tpu.memory_space<hbm>> -> memref<8x8x128xf32, #tpu.memory_space<hbm>>
      tpu.wait_dma2 semaphore(%arg17 : memref<!tpu.dma_semaphore, #tpu.memory_space<semaphore_mem>>) src(%dma_wait3A_823 : memref<8x8x128xf32, #tpu.memory_space<hbm>>) dst(%dma_wait3A_819 : memref<8x8x128xf32, #tpu.memory_space<vmem>>)
      %min3A_824 = arith.minsi %add3A_804, %max3A_400 : i32
      %broadcast_in_dim3A_825 = vector.broadcast %min3A_824 : i32 to vector<16xi32>
      %gather3A_826 = tpu.vector_load_idx %arg12[%broadcast_in_dim3A_825] : memref<272xi32, #tpu.memory_space<vmem>>[vector<16xi32>], vector<16xi32>,
      %broadcast_in_dim3A_827 = arith.constant 2 : i32
      %broadcast_in_dim3A_828 = vector.broadcast %broadcast_in_dim3A_827 : i32 to vector<16xi32>
      %slice3A_829 = vector.extract_strided_slice %gather3A_826 {offsets = [0], sizes = [1], strides = [1]} : vector<16xi32> to vector<1xi32>
      %squeeze3A_830 = vector.extract %slice3A_829[0] : i32 from vector<1xi32>
      %sub3A_831 = arith.constant 1 : i32
      %sub3A_832 = arith.subi %min3A_5, %sub3A_831 : i32
      %max3A_833 = arith.maxsi %mul3A_2, %squeeze3A_830 : i32
      %min3A_834 = arith.minsi %sub3A_832, %max3A_833 : i32
      %sub3A_835 = arith.subi %min3A_834, %mul3A_2 : i32
      %shift_right_arithmetic3A_836 = arith.constant 4 : i32
      %shift_right_arithmetic3A_837 = arith.shrsi %sub3A_835, %shift_right_arithmetic3A_836 : i32
      %broadcast_in_dim3A_838 = vector.broadcast %shift_right_arithmetic3A_837 : i32 to vector<16xi32>
      %gather3A_839 = tpu.vector_load_idx %arg10[%broadcast_in_dim3A_838] : memref<32xi32, #tpu.memory_space<vmem>>[vector<16xi32>], vector<16xi32>,
      %slice3A_840 = vector.extract_strided_slice %gather3A_839 {offsets = [0], sizes = [1], strides = [1]} : vector<16xi32> to vector<1xi32>
      %squeeze3A_841 = vector.extract %slice3A_840[0] : i32 from vector<1xi32>
      %add3A_842 = arith.constant 1 : i32
      %add3A_843 = arith.addi %shift_right_arithmetic3A_837, %add3A_842 : i32
      %broadcast_in_dim3A_844 = vector.broadcast %add3A_843 : i32 to vector<16xi32>
      %gather3A_845 = tpu.vector_load_idx %arg10[%broadcast_in_dim3A_844] : memref<32xi32, #tpu.memory_space<vmem>>[vector<16xi32>], vector<16xi32>,
      %slice3A_846 = vector.extract_strided_slice %gather3A_845 {offsets = [0], sizes = [1], strides = [1]} : vector<16xi32> to vector<1xi32>
      %squeeze3A_847 = vector.extract %slice3A_846[0] : i32 from vector<1xi32>
      %shift_right_arithmetic3A_848 = arith.constant 4 : i32
      %shift_right_arithmetic3A_849 = arith.shrsi %squeeze3A_841, %shift_right_arithmetic3A_848 : i32
      %add3A_850 = arith.constant 15 : i32
      %add3A_851 = arith.addi %squeeze3A_847, %add3A_850 : i32
      %shift_right_arithmetic3A_852 = arith.constant 4 : i32
      %shift_right_arithmetic3A_853 = arith.shrsi %add3A_851, %shift_right_arithmetic3A_852 : i32
      %while3A_854 = arith.constant 0 : i32
      %while3A_855 = arith.subi %shift_right_arithmetic3A_853, %shift_right_arithmetic3A_849 : i32
      %while3A_856 = arith.addi %shift_right_arithmetic3A_849, %while3A_855 : i32
      %while3A_857 = arith.constant 1 : i32
      %while3A_858 = arith.divsi %while3A_855, %while3A_857 : i32
      %while3A_859 = arith.muli %while3A_858, %while3A_857 : i32
      %while3A_860 = arith.addi %shift_right_arithmetic3A_849, %while3A_859 : i32
      %while3A_861 = arith.constant 1 : i32
      %while3A_862 = scf.for %while3A_907 = %shift_right_arithmetic3A_849 to %while3A_860 step %while3A_861 iter_args(%while3A_908 = %while3A_854) -> (i32)  : i32 {
        %mul3A_909 = arith.constant 16 : i32
        %mul3A_910 = arith.muli %while3A_907, %mul3A_909 : i32
        %get3A = arith.index_cast %mul3A_910 : i32 to index
        %get3A_911 = tpu.vector_load %arg7[%get3A] {strides = array<i32>} : memref<800xi32, #tpu.memory_space<vmem>>, vector<16xi32>,
        %eq3A_912 = arith.cmpi eq, %get3A_911, %gather3A_826 : vector<16xi32>
        %mul3A_913 = arith.constant 16 : i32
        %mul3A_914 = arith.muli %while3A_907, %mul3A_913 : i32
        %get3A_915 = arith.index_cast %mul3A_914 : i32 to index
        %get3A_916 = tpu.vector_load %arg8[%get3A_915] {strides = array<i32>} : memref<800xi32, #tpu.memory_space<vmem>>, vector<16xi32>,
        %swap3A_917 = arith.index_cast %while3A_908 : i32 to index
        %swap3A_918 = tpu.vector_load %arg9[%swap3A_917] masked %eq3A_912 {strides = array<i32>} : memref<128xi32, #tpu.memory_space<vmem>>, vector<16xi32>, vector<16xi1>
        tpu.vector_store %arg9[%swap3A_917], %get3A_916 masked %eq3A_912 {strides = array<i32>} : memref<128xi32, #tpu.memory_space<vmem>>, vector<16xi32>, vector<16xi1>
        %all_reduce_population_count3A = tpu.all_reduce %eq3A_912 {dim = 0 : i64, kind = #tpu.reduction_kind<sum>} : vector<16xi1> -> vector<16xi32>
        %slice3A_919 = vector.extract_strided_slice %all_reduce_population_count3A {offsets = [0], sizes = [1], strides = [1]} : vector<16xi32> to vector<1xi32>
        %squeeze3A_920 = vector.extract %slice3A_919[0] : i32 from vector<1xi32>
        %add3A_921 = arith.addi %while3A_908, %squeeze3A_920 : i32
        scf.yield %add3A_921 : i32
      }
      %while3A_863 = arith.constant 1 : i32
      %while3A_864 = scf.for %while3A_907 = %while3A_860 to %while3A_856 step %while3A_863 iter_args(%while3A_908 = %while3A_862) -> (i32)  : i32 {
        %mul3A_909 = arith.constant 16 : i32
        %mul3A_910 = arith.muli %while3A_907, %mul3A_909 : i32
        %get3A = arith.index_cast %mul3A_910 : i32 to index
        %get3A_911 = tpu.vector_load %arg7[%get3A] {strides = array<i32>} : memref<800xi32, #tpu.memory_space<vmem>>, vector<16xi32>,
        %eq3A_912 = arith.cmpi eq, %get3A_911, %gather3A_826 : vector<16xi32>
        %mul3A_913 = arith.constant 16 : i32
        %mul3A_914 = arith.muli %while3A_907, %mul3A_913 : i32
        %get3A_915 = arith.index_cast %mul3A_914 : i32 to index
        %get3A_916 = tpu.vector_load %arg8[%get3A_915] {strides = array<i32>} : memref<800xi32, #tpu.memory_space<vmem>>, vector<16xi32>,
        %swap3A_917 = arith.index_cast %while3A_908 : i32 to index
        %swap3A_918 = tpu.vector_load %arg9[%swap3A_917] masked %eq3A_912 {strides = array<i32>} : memref<128xi32, #tpu.memory_space<vmem>>, vector<16xi32>, vector<16xi1>
        tpu.vector_store %arg9[%swap3A_917], %get3A_916 masked %eq3A_912 {strides = array<i32>} : memref<128xi32, #tpu.memory_space<vmem>>, vector<16xi32>, vector<16xi1>
        %all_reduce_population_count3A = tpu.all_reduce %eq3A_912 {dim = 0 : i64, kind = #tpu.reduction_kind<sum>} : vector<16xi1> -> vector<16xi32>
        %slice3A_919 = vector.extract_strided_slice %all_reduce_population_count3A {offsets = [0], sizes = [1], strides = [1]} : vector<16xi32> to vector<1xi32>
        %squeeze3A_920 = vector.extract %slice3A_919[0] : i32 from vector<1xi32>
        %add3A_921 = arith.addi %while3A_908, %squeeze3A_920 : i32
        scf.yield %add3A_921 : i32
      }
      %while3A_865 = arith.constant 0 : i32
      %while3A_866 = arith.subi %while3A_864, %while3A_865 : i32
      %while3A_867 = arith.addi %while3A_865, %while3A_866 : i32
      %while3A_868 = arith.constant 1 : i32
      %while3A_869 = arith.divsi %while3A_866, %while3A_868 : i32
      %while3A_870 = arith.muli %while3A_869, %while3A_868 : i32
      %while3A_871 = arith.addi %while3A_865, %while3A_870 : i32
      %while3A_872 = arith.constant 1 : i32
      %while3A_873 = scf.for %while3A_907 = %while3A_865 to %while3A_871 step %while3A_872 iter_args(%while3A_908 = %while3A_769) -> (i32)  : i32 {
        %broadcast_in_dim3A_909 = vector.broadcast %while3A_907 : i32 to vector<16xi32>
        %gather3A_910 = tpu.vector_load_idx %arg9[%broadcast_in_dim3A_909] : memref<128xi32, #tpu.memory_space<vmem>>[vector<16xi32>], vector<16xi32>,
        %and3A_911 = arith.constant 127 : i32
        %and3A_912 = vector.broadcast %and3A_911 : i32 to vector<16xi32>
        %and3A_913 = arith.andi %gather3A_910, %and3A_912 : vector<16xi32>
        %slice3A_914 = vector.extract_strided_slice %gather3A_910 {offsets = [0], sizes = [1], strides = [1]} : vector<16xi32> to vector<1xi32>
        %squeeze3A_915 = vector.extract %slice3A_914[0] : i32 from vector<1xi32>
        %shift_right_arithmetic3A_916 = arith.constant 7 : i32
        %shift_right_arithmetic3A_917 = arith.shrsi %squeeze3A_915, %shift_right_arithmetic3A_916 : i32
        %jit3A_918 = arith.constant 0 : i32
        %jit3A_919 = arith.constant 16383 : i32
        %max3A_920 = arith.maxsi %jit3A_918, %shift_right_arithmetic3A_917 : i32
        %min3A_921 = arith.minsi %jit3A_919, %max3A_920 : i32
        %add3A_922 = arith.constant 0 : i32
        %add3A_923 = vector.broadcast %add3A_922 : i32 to vector<16xi32>
        %add3A_924 = arith.addi %add3A_923, %iota3A : vector<16xi32>
        %shift_right_arithmetic3A_925 = arith.constant 3 : i32
        %shift_right_arithmetic3A_926 = vector.broadcast %shift_right_arithmetic3A_925 : i32 to vector<16xi32>
        %shift_right_arithmetic3A_927 = arith.shrsi %add3A_924, %shift_right_arithmetic3A_926 : vector<16xi32>
        %add3A_928 = arith.constant 0 : i32
        %add3A_929 = vector.broadcast %add3A_928 : i32 to vector<16xi32>
        %add3A_930 = arith.addi %add3A_929, %iota3A : vector<16xi32>
        %and3A_931 = arith.constant 7 : i32
        %and3A_932 = vector.broadcast %and3A_931 : i32 to vector<16xi32>
        %and3A_933 = arith.andi %add3A_930, %and3A_932 : vector<16xi32>
        %gather3A_934 = tpu.vector_load_idx %arg13[%broadcast_in_dim3A_828, %shift_right_arithmetic3A_927, %and3A_933, %and3A_913] : memref<3x8x8x128xf32, #tpu.memory_space<vmem>>[vector<16xi32>, vector<16xi32>, vector<16xi32>, vector<16xi32>], vector<16xf32>,
        %swap3A_935 = arith.constant 0 : i32
        %swap3A_936 = arith.index_cast %while3A_908 : i32 to index
        %swap3A_937 = arith.index_cast %swap3A_935 : i32 to index
        %swap3A_938 = arith.constant 0 : index
        %swap3A_939 = tpu.vector_load %arg14[%swap3A_936, %swap3A_937, %swap3A_938] {strides = array<i32>} : memref<784x1x128xf32, #tpu.memory_space<vmem>>, vector<16xf32>,
        tpu.vector_store %arg14[%swap3A_936, %swap3A_937, %swap3A_938], %gather3A_934 {strides = array<i32>} : memref<784x1x128xf32, #tpu.memory_space<vmem>>, vector<16xf32>,
        %add3A_940 = arith.constant 16 : i32
        %add3A_941 = vector.broadcast %add3A_940 : i32 to vector<16xi32>
        %add3A_942 = arith.addi %add3A_941, %iota3A : vector<16xi32>
        %shift_right_arithmetic3A_943 = arith.constant 3 : i32
        %shift_right_arithmetic3A_944 = vector.broadcast %shift_right_arithmetic3A_943 : i32 to vector<16xi32>
        %shift_right_arithmetic3A_945 = arith.shrsi %add3A_942, %shift_right_arithmetic3A_944 : vector<16xi32>
        %add3A_946 = arith.constant 16 : i32
        %add3A_947 = vector.broadcast %add3A_946 : i32 to vector<16xi32>
        %add3A_948 = arith.addi %add3A_947, %iota3A : vector<16xi32>
        %and3A_949 = arith.constant 7 : i32
        %and3A_950 = vector.broadcast %and3A_949 : i32 to vector<16xi32>
        %and3A_951 = arith.andi %add3A_948, %and3A_950 : vector<16xi32>
        %gather3A_952 = tpu.vector_load_idx %arg13[%broadcast_in_dim3A_828, %shift_right_arithmetic3A_945, %and3A_951, %and3A_913] : memref<3x8x8x128xf32, #tpu.memory_space<vmem>>[vector<16xi32>, vector<16xi32>, vector<16xi32>, vector<16xi32>], vector<16xf32>,
        %swap3A_953 = arith.constant 0 : i32
        %swap3A_954 = arith.index_cast %while3A_908 : i32 to index
        %swap3A_955 = arith.index_cast %swap3A_953 : i32 to index
        %swap3A_956 = arith.constant 16 : index
        %swap3A_957 = tpu.vector_load %arg14[%swap3A_954, %swap3A_955, %swap3A_956] {strides = array<i32>} : memref<784x1x128xf32, #tpu.memory_space<vmem>>, vector<16xf32>,
        tpu.vector_store %arg14[%swap3A_954, %swap3A_955, %swap3A_956], %gather3A_952 {strides = array<i32>} : memref<784x1x128xf32, #tpu.memory_space<vmem>>, vector<16xf32>,
        %add3A_958 = arith.constant 32 : i32
        %add3A_959 = vector.broadcast %add3A_958 : i32 to vector<16xi32>
        %add3A_960 = arith.addi %add3A_959, %iota3A : vector<16xi32>
        %shift_right_arithmetic3A_961 = arith.constant 3 : i32
        %shift_right_arithmetic3A_962 = vector.broadcast %shift_right_arithmetic3A_961 : i32 to vector<16xi32>
        %shift_right_arithmetic3A_963 = arith.shrsi %add3A_960, %shift_right_arithmetic3A_962 : vector<16xi32>
        %add3A_964 = arith.constant 32 : i32
        %add3A_965 = vector.broadcast %add3A_964 : i32 to vector<16xi32>
        %add3A_966 = arith.addi %add3A_965, %iota3A : vector<16xi32>
        %and3A_967 = arith.constant 7 : i32
        %and3A_968 = vector.broadcast %and3A_967 : i32 to vector<16xi32>
        %and3A_969 = arith.andi %add3A_966, %and3A_968 : vector<16xi32>
        %gather3A_970 = tpu.vector_load_idx %arg13[%broadcast_in_dim3A_828, %shift_right_arithmetic3A_963, %and3A_969, %and3A_913] : memref<3x8x8x128xf32, #tpu.memory_space<vmem>>[vector<16xi32>, vector<16xi32>, vector<16xi32>, vector<16xi32>], vector<16xf32>,
        %swap3A_971 = arith.constant 0 : i32
        %swap3A_972 = arith.index_cast %while3A_908 : i32 to index
        %swap3A_973 = arith.index_cast %swap3A_971 : i32 to index
        %swap3A_974 = arith.constant 32 : index
        %swap3A_975 = tpu.vector_load %arg14[%swap3A_972, %swap3A_973, %swap3A_974] {strides = array<i32>} : memref<784x1x128xf32, #tpu.memory_space<vmem>>, vector<16xf32>,
        tpu.vector_store %arg14[%swap3A_972, %swap3A_973, %swap3A_974], %gather3A_970 {strides = array<i32>} : memref<784x1x128xf32, #tpu.memory_space<vmem>>, vector<16xf32>,
        %add3A_976 = arith.constant 48 : i32
        %add3A_977 = vector.broadcast %add3A_976 : i32 to vector<16xi32>
        %add3A_978 = arith.addi %add3A_977, %iota3A : vector<16xi32>
        %shift_right_arithmetic3A_979 = arith.constant 3 : i32
        %shift_right_arithmetic3A_980 = vector.broadcast %shift_right_arithmetic3A_979 : i32 to vector<16xi32>
        %shift_right_arithmetic3A_981 = arith.shrsi %add3A_978, %shift_right_arithmetic3A_980 : vector<16xi32>
        %add3A_982 = arith.constant 48 : i32
        %add3A_983 = vector.broadcast %add3A_982 : i32 to vector<16xi32>
        %add3A_984 = arith.addi %add3A_983, %iota3A : vector<16xi32>
        %and3A_985 = arith.constant 7 : i32
        %and3A_986 = vector.broadcast %and3A_985 : i32 to vector<16xi32>
        %and3A_987 = arith.andi %add3A_984, %and3A_986 : vector<16xi32>
        %gather3A_988 = tpu.vector_load_idx %arg13[%broadcast_in_dim3A_828, %shift_right_arithmetic3A_981, %and3A_987, %and3A_913] : memref<3x8x8x128xf32, #tpu.memory_space<vmem>>[vector<16xi32>, vector<16xi32>, vector<16xi32>, vector<16xi32>], vector<16xf32>,
        %swap3A_989 = arith.constant 0 : i32
        %swap3A_990 = arith.index_cast %while3A_908 : i32 to index
        %swap3A_991 = arith.index_cast %swap3A_989 : i32 to index
        %swap3A_992 = arith.constant 48 : index
        %swap3A_993 = tpu.vector_load %arg14[%swap3A_990, %swap3A_991, %swap3A_992] {strides = array<i32>} : memref<784x1x128xf32, #tpu.memory_space<vmem>>, vector<16xf32>,
        tpu.vector_store %arg14[%swap3A_990, %swap3A_991, %swap3A_992], %gather3A_988 {strides = array<i32>} : memref<784x1x128xf32, #tpu.memory_space<vmem>>, vector<16xf32>,
        %dma_start3A_994 = arith.constant 0 : i32
        %dma_start3A_995 = arith.constant 0 : i32
        %dma_start3A_996 = tpu.memref_slice %arg14[%while3A_908, %dma_start3A_994, %dma_start3A_995] : memref<784x1x128xf32, #tpu.memory_space<vmem>> -> memref<1x1x128xf32, #tpu.memory_space<vmem>>
        %dma_start3A_997 = arith.constant 0 : i32
        %dma_start3A_998 = arith.constant 0 : i32
        %dma_start3A_999 = tpu.memref_slice %arg4[%min3A_921, %dma_start3A_997, %dma_start3A_998] : memref<16384x1x128xf32, #tpu.memory_space<hbm>> -> memref<1x1x128xf32, #tpu.memory_space<hbm>>
        %dma_start3A_1000 = arith.constant 0 : i32
        %dma_start3A_1001 = arith.constant 0 : i32
        %dma_start3A_1002 = tpu.memref_slice %arg4[%min3A_921, %dma_start3A_1000, %dma_start3A_1001] : memref<16384x1x128xf32, #tpu.memory_space<hbm>> -> memref<1x1x128xf32, #tpu.memory_space<hbm>>
        %dma_start3A_1003 = arith.constant 0 : i32
        %dma_start3A_1004 = arith.constant 0 : i32
        %dma_start3A_1005 = tpu.memref_slice %arg14[%while3A_908, %dma_start3A_1003, %dma_start3A_1004] : memref<784x1x128xf32, #tpu.memory_space<vmem>> -> memref<1x1x128xf32, #tpu.memory_space<vmem>>
        tpu.enqueue_dma source(%dma_start3A_1005 : memref<1x1x128xf32, #tpu.memory_space<vmem>>) target(%dma_start3A_1002 : memref<1x1x128xf32, #tpu.memory_space<hbm>>) target_semaphore(%arg18 : memref<!tpu.dma_semaphore, #tpu.memory_space<semaphore_mem>>)
        %add3A_1006 = arith.constant 1 : i32
        %add3A_1007 = arith.addi %while3A_908, %add3A_1006 : i32
        scf.yield %add3A_1007 : i32
      }
      %while3A_874 = arith.constant 1 : i32
      %while3A_875 = scf.for %while3A_907 = %while3A_871 to %while3A_867 step %while3A_874 iter_args(%while3A_908 = %while3A_873) -> (i32)  : i32 {
        %broadcast_in_dim3A_909 = vector.broadcast %while3A_907 : i32 to vector<16xi32>
        %gather3A_910 = tpu.vector_load_idx %arg9[%broadcast_in_dim3A_909] : memref<128xi32, #tpu.memory_space<vmem>>[vector<16xi32>], vector<16xi32>,
        %and3A_911 = arith.constant 127 : i32
        %and3A_912 = vector.broadcast %and3A_911 : i32 to vector<16xi32>
        %and3A_913 = arith.andi %gather3A_910, %and3A_912 : vector<16xi32>
        %slice3A_914 = vector.extract_strided_slice %gather3A_910 {offsets = [0], sizes = [1], strides = [1]} : vector<16xi32> to vector<1xi32>
        %squeeze3A_915 = vector.extract %slice3A_914[0] : i32 from vector<1xi32>
        %shift_right_arithmetic3A_916 = arith.constant 7 : i32
        %shift_right_arithmetic3A_917 = arith.shrsi %squeeze3A_915, %shift_right_arithmetic3A_916 : i32
        %jit3A_918 = arith.constant 0 : i32
        %jit3A_919 = arith.constant 16383 : i32
        %max3A_920 = arith.maxsi %jit3A_918, %shift_right_arithmetic3A_917 : i32
        %min3A_921 = arith.minsi %jit3A_919, %max3A_920 : i32
        %add3A_922 = arith.constant 0 : i32
        %add3A_923 = vector.broadcast %add3A_922 : i32 to vector<16xi32>
        %add3A_924 = arith.addi %add3A_923, %iota3A : vector<16xi32>
        %shift_right_arithmetic3A_925 = arith.constant 3 : i32
        %shift_right_arithmetic3A_926 = vector.broadcast %shift_right_arithmetic3A_925 : i32 to vector<16xi32>
        %shift_right_arithmetic3A_927 = arith.shrsi %add3A_924, %shift_right_arithmetic3A_926 : vector<16xi32>
        %add3A_928 = arith.constant 0 : i32
        %add3A_929 = vector.broadcast %add3A_928 : i32 to vector<16xi32>
        %add3A_930 = arith.addi %add3A_929, %iota3A : vector<16xi32>
        %and3A_931 = arith.constant 7 : i32
        %and3A_932 = vector.broadcast %and3A_931 : i32 to vector<16xi32>
        %and3A_933 = arith.andi %add3A_930, %and3A_932 : vector<16xi32>
        %gather3A_934 = tpu.vector_load_idx %arg13[%broadcast_in_dim3A_828, %shift_right_arithmetic3A_927, %and3A_933, %and3A_913] : memref<3x8x8x128xf32, #tpu.memory_space<vmem>>[vector<16xi32>, vector<16xi32>, vector<16xi32>, vector<16xi32>], vector<16xf32>,
        %swap3A_935 = arith.constant 0 : i32
        %swap3A_936 = arith.index_cast %while3A_908 : i32 to index
        %swap3A_937 = arith.index_cast %swap3A_935 : i32 to index
        %swap3A_938 = arith.constant 0 : index
        %swap3A_939 = tpu.vector_load %arg14[%swap3A_936, %swap3A_937, %swap3A_938] {strides = array<i32>} : memref<784x1x128xf32, #tpu.memory_space<vmem>>, vector<16xf32>,
        tpu.vector_store %arg14[%swap3A_936, %swap3A_937, %swap3A_938], %gather3A_934 {strides = array<i32>} : memref<784x1x128xf32, #tpu.memory_space<vmem>>, vector<16xf32>,
        %add3A_940 = arith.constant 16 : i32
        %add3A_941 = vector.broadcast %add3A_940 : i32 to vector<16xi32>
        %add3A_942 = arith.addi %add3A_941, %iota3A : vector<16xi32>
        %shift_right_arithmetic3A_943 = arith.constant 3 : i32
        %shift_right_arithmetic3A_944 = vector.broadcast %shift_right_arithmetic3A_943 : i32 to vector<16xi32>
        %shift_right_arithmetic3A_945 = arith.shrsi %add3A_942, %shift_right_arithmetic3A_944 : vector<16xi32>
        %add3A_946 = arith.constant 16 : i32
        %add3A_947 = vector.broadcast %add3A_946 : i32 to vector<16xi32>
        %add3A_948 = arith.addi %add3A_947, %iota3A : vector<16xi32>
        %and3A_949 = arith.constant 7 : i32
        %and3A_950 = vector.broadcast %and3A_949 : i32 to vector<16xi32>
        %and3A_951 = arith.andi %add3A_948, %and3A_950 : vector<16xi32>
        %gather3A_952 = tpu.vector_load_idx %arg13[%broadcast_in_dim3A_828, %shift_right_arithmetic3A_945, %and3A_951, %and3A_913] : memref<3x8x8x128xf32, #tpu.memory_space<vmem>>[vector<16xi32>, vector<16xi32>, vector<16xi32>, vector<16xi32>], vector<16xf32>,
        %swap3A_953 = arith.constant 0 : i32
        %swap3A_954 = arith.index_cast %while3A_908 : i32 to index
        %swap3A_955 = arith.index_cast %swap3A_953 : i32 to index
        %swap3A_956 = arith.constant 16 : index
        %swap3A_957 = tpu.vector_load %arg14[%swap3A_954, %swap3A_955, %swap3A_956] {strides = array<i32>} : memref<784x1x128xf32, #tpu.memory_space<vmem>>, vector<16xf32>,
        tpu.vector_store %arg14[%swap3A_954, %swap3A_955, %swap3A_956], %gather3A_952 {strides = array<i32>} : memref<784x1x128xf32, #tpu.memory_space<vmem>>, vector<16xf32>,
        %add3A_958 = arith.constant 32 : i32
        %add3A_959 = vector.broadcast %add3A_958 : i32 to vector<16xi32>
        %add3A_960 = arith.addi %add3A_959, %iota3A : vector<16xi32>
        %shift_right_arithmetic3A_961 = arith.constant 3 : i32
        %shift_right_arithmetic3A_962 = vector.broadcast %shift_right_arithmetic3A_961 : i32 to vector<16xi32>
        %shift_right_arithmetic3A_963 = arith.shrsi %add3A_960, %shift_right_arithmetic3A_962 : vector<16xi32>
        %add3A_964 = arith.constant 32 : i32
        %add3A_965 = vector.broadcast %add3A_964 : i32 to vector<16xi32>
        %add3A_966 = arith.addi %add3A_965, %iota3A : vector<16xi32>
        %and3A_967 = arith.constant 7 : i32
        %and3A_968 = vector.broadcast %and3A_967 : i32 to vector<16xi32>
        %and3A_969 = arith.andi %add3A_966, %and3A_968 : vector<16xi32>
        %gather3A_970 = tpu.vector_load_idx %arg13[%broadcast_in_dim3A_828, %shift_right_arithmetic3A_963, %and3A_969, %and3A_913] : memref<3x8x8x128xf32, #tpu.memory_space<vmem>>[vector<16xi32>, vector<16xi32>, vector<16xi32>, vector<16xi32>], vector<16xf32>,
        %swap3A_971 = arith.constant 0 : i32
        %swap3A_972 = arith.index_cast %while3A_908 : i32 to index
        %swap3A_973 = arith.index_cast %swap3A_971 : i32 to index
        %swap3A_974 = arith.constant 32 : index
        %swap3A_975 = tpu.vector_load %arg14[%swap3A_972, %swap3A_973, %swap3A_974] {strides = array<i32>} : memref<784x1x128xf32, #tpu.memory_space<vmem>>, vector<16xf32>,
        tpu.vector_store %arg14[%swap3A_972, %swap3A_973, %swap3A_974], %gather3A_970 {strides = array<i32>} : memref<784x1x128xf32, #tpu.memory_space<vmem>>, vector<16xf32>,
        %add3A_976 = arith.constant 48 : i32
        %add3A_977 = vector.broadcast %add3A_976 : i32 to vector<16xi32>
        %add3A_978 = arith.addi %add3A_977, %iota3A : vector<16xi32>
        %shift_right_arithmetic3A_979 = arith.constant 3 : i32
        %shift_right_arithmetic3A_980 = vector.broadcast %shift_right_arithmetic3A_979 : i32 to vector<16xi32>
        %shift_right_arithmetic3A_981 = arith.shrsi %add3A_978, %shift_right_arithmetic3A_980 : vector<16xi32>
        %add3A_982 = arith.constant 48 : i32
        %add3A_983 = vector.broadcast %add3A_982 : i32 to vector<16xi32>
        %add3A_984 = arith.addi %add3A_983, %iota3A : vector<16xi32>
        %and3A_985 = arith.constant 7 : i32
        %and3A_986 = vector.broadcast %and3A_985 : i32 to vector<16xi32>
        %and3A_987 = arith.andi %add3A_984, %and3A_986 : vector<16xi32>
        %gather3A_988 = tpu.vector_load_idx %arg13[%broadcast_in_dim3A_828, %shift_right_arithmetic3A_981, %and3A_987, %and3A_913] : memref<3x8x8x128xf32, #tpu.memory_space<vmem>>[vector<16xi32>, vector<16xi32>, vector<16xi32>, vector<16xi32>], vector<16xf32>,
        %swap3A_989 = arith.constant 0 : i32
        %swap3A_990 = arith.index_cast %while3A_908 : i32 to index
        %swap3A_991 = arith.index_cast %swap3A_989 : i32 to index
        %swap3A_992 = arith.constant 48 : index
        %swap3A_993 = tpu.vector_load %arg14[%swap3A_990, %swap3A_991, %swap3A_992] {strides = array<i32>} : memref<784x1x128xf32, #tpu.memory_space<vmem>>, vector<16xf32>,
        tpu.vector_store %arg14[%swap3A_990, %swap3A_991, %swap3A_992], %gather3A_988 {strides = array<i32>} : memref<784x1x128xf32, #tpu.memory_space<vmem>>, vector<16xf32>,
        %dma_start3A_994 = arith.constant 0 : i32
        %dma_start3A_995 = arith.constant 0 : i32
        %dma_start3A_996 = tpu.memref_slice %arg14[%while3A_908, %dma_start3A_994, %dma_start3A_995] : memref<784x1x128xf32, #tpu.memory_space<vmem>> -> memref<1x1x128xf32, #tpu.memory_space<vmem>>
        %dma_start3A_997 = arith.constant 0 : i32
        %dma_start3A_998 = arith.constant 0 : i32
        %dma_start3A_999 = tpu.memref_slice %arg4[%min3A_921, %dma_start3A_997, %dma_start3A_998] : memref<16384x1x128xf32, #tpu.memory_space<hbm>> -> memref<1x1x128xf32, #tpu.memory_space<hbm>>
        %dma_start3A_1000 = arith.constant 0 : i32
        %dma_start3A_1001 = arith.constant 0 : i32
        %dma_start3A_1002 = tpu.memref_slice %arg4[%min3A_921, %dma_start3A_1000, %dma_start3A_1001] : memref<16384x1x128xf32, #tpu.memory_space<hbm>> -> memref<1x1x128xf32, #tpu.memory_space<hbm>>
        %dma_start3A_1003 = arith.constant 0 : i32
        %dma_start3A_1004 = arith.constant 0 : i32
        %dma_start3A_1005 = tpu.memref_slice %arg14[%while3A_908, %dma_start3A_1003, %dma_start3A_1004] : memref<784x1x128xf32, #tpu.memory_space<vmem>> -> memref<1x1x128xf32, #tpu.memory_space<vmem>>
        tpu.enqueue_dma source(%dma_start3A_1005 : memref<1x1x128xf32, #tpu.memory_space<vmem>>) target(%dma_start3A_1002 : memref<1x1x128xf32, #tpu.memory_space<hbm>>) target_semaphore(%arg18 : memref<!tpu.dma_semaphore, #tpu.memory_space<semaphore_mem>>)
        %add3A_1006 = arith.constant 1 : i32
        %add3A_1007 = arith.addi %while3A_908, %add3A_1006 : i32
        scf.yield %add3A_1007 : i32
      }
      %add3A_876 = arith.constant 3 : i32
      %add3A_877 = arith.addi %add3A_804, %add3A_876 : i32
      %min3A_878 = arith.minsi %add3A_877, %max3A_400 : i32
      %broadcast_in_dim3A_879 = vector.broadcast %min3A_878 : i32 to vector<16xi32>
      %gather3A_880 = tpu.vector_load_idx %arg12[%broadcast_in_dim3A_879] : memref<272xi32, #tpu.memory_space<vmem>>[vector<16xi32>], vector<16xi32>,
      %slice3A_881 = vector.extract_strided_slice %gather3A_880 {offsets = [0], sizes = [1], strides = [1]} : vector<16xi32> to vector<1xi32>
      %squeeze3A_882 = vector.extract %slice3A_881[0] : i32 from vector<1xi32>
      %jit3A_883 = arith.constant 0 : i32
      %jit3A_884 = arith.constant 7812 : i32
      %max3A_885 = arith.maxsi %jit3A_883, %squeeze3A_882 : i32
      %min3A_886 = arith.minsi %jit3A_884, %max3A_885 : i32
      %mul3A_887 = arith.constant 128 : i32
      %mul3A_888 = arith.muli %min3A_886, %mul3A_887 : i32
      %multiple_of3A_889 = tpu.assume_multiple %mul3A_888, 128 : i32
      %dma_start3A_890 = arith.constant 2 : i32
      %dma_start3A_891 = arith.constant 0 : i32
      %dma_start3A_892 = arith.constant 0 : i32
      %dma_start3A_893 = arith.constant 0 : i32
      %dma_start3A_894 = tpu.memref_slice %arg13[%dma_start3A_890, %dma_start3A_891, %dma_start3A_892, %dma_start3A_893] : memref<3x8x8x128xf32, #tpu.memory_space<vmem>> -> memref<1x8x8x128xf32, #tpu.memory_space<vmem>>
      %dma_start3A_895 = tpu.memref_squeeze %dma_start3A_894 : memref<1x8x8x128xf32, #tpu.memory_space<vmem>> -> memref<8x8x128xf32, #tpu.memory_space<vmem>>
      %dma_start3A_896 = arith.constant 0 : i32
      %dma_start3A_897 = arith.constant 0 : i32
      %dma_start3A_898 = tpu.memref_slice %arg3[%dma_start3A_896, %dma_start3A_897, %multiple_of3A_889] : memref<8x8x1000000xf32, #tpu.memory_space<hbm>> -> memref<8x8x128xf32, #tpu.memory_space<hbm>>
      %dma_start3A_899 = arith.constant 0 : i32
      %dma_start3A_900 = arith.constant 0 : i32
      %dma_start3A_901 = arith.constant 0 : i32
      %dma_start3A_902 = tpu.memref_slice %arg13[%dma_start3A_890, %dma_start3A_899, %dma_start3A_900, %dma_start3A_901] : memref<3x8x8x128xf32, #tpu.memory_space<vmem>> -> memref<1x8x8x128xf32, #tpu.memory_space<vmem>>
      %dma_start3A_903 = tpu.memref_squeeze %dma_start3A_902 : memref<1x8x8x128xf32, #tpu.memory_space<vmem>> -> memref<8x8x128xf32, #tpu.memory_space<vmem>>
      %dma_start3A_904 = arith.constant 0 : i32
      %dma_start3A_905 = arith.constant 0 : i32
      %dma_start3A_906 = tpu.memref_slice %arg3[%dma_start3A_904, %dma_start3A_905, %multiple_of3A_889] : memref<8x8x1000000xf32, #tpu.memory_space<hbm>> -> memref<8x8x128xf32, #tpu.memory_space<hbm>>
      tpu.enqueue_dma source(%dma_start3A_906 : memref<8x8x128xf32, #tpu.memory_space<hbm>>) target(%dma_start3A_903 : memref<8x8x128xf32, #tpu.memory_space<vmem>>) target_semaphore(%arg17 : memref<!tpu.dma_semaphore, #tpu.memory_space<semaphore_mem>>)
      scf.yield %while3A_875 : i32
    }
    %while3A_519 = arith.constant 1 : i32
    %while3A_520 = scf.for %while3A_587 = %while3A_516 to %while3A_512 step %while3A_519 iter_args(%while3A_588 = %while3A_518) -> (i32)  : i32 {
      %mul3A_589 = arith.constant 3 : i32
      %mul3A_590 = arith.muli %while3A_587, %mul3A_589 : i32
      %add3A_591 = arith.constant 0 : i32
      %add3A_592 = arith.addi %mul3A_590, %add3A_591 : i32
      %dma_wait3A_593 = arith.constant 0 : i32
      %dma_wait3A_594 = arith.constant 0 : i32
      %dma_wait3A_595 = arith.constant 0 : i32
      %dma_wait3A_596 = arith.constant 0 : i32
      %dma_wait3A_597 = tpu.memref_slice %arg13[%dma_wait3A_593, %dma_wait3A_594, %dma_wait3A_595, %dma_wait3A_596] : memref<3x8x8x128xf32, #tpu.memory_space<vmem>> -> memref<1x8x8x128xf32, #tpu.memory_space<vmem>>
      %dma_wait3A_598 = tpu.memref_squeeze %dma_wait3A_597 : memref<1x8x8x128xf32, #tpu.memory_space<vmem>> -> memref<8x8x128xf32, #tpu.memory_space<vmem>>
      %dma_wait3A_599 = arith.constant 0 : i32
      %dma_wait3A_600 = arith.constant 0 : i32
      %dma_wait3A_601 = arith.constant 0 : i32
      %dma_wait3A_602 = tpu.memref_slice %arg3[%dma_wait3A_599, %dma_wait3A_600, %dma_wait3A_601] : memref<8x8x1000000xf32, #tpu.memory_space<hbm>> -> memref<8x8x128xf32, #tpu.memory_space<hbm>>
      %dma_wait3A_603 = arith.constant 0 : i32
      %dma_wait3A_604 = arith.constant 0 : i32
      %dma_wait3A_605 = arith.constant 0 : i32
      %dma_wait3A_606 = tpu.memref_slice %arg13[%dma_wait3A_593, %dma_wait3A_603, %dma_wait3A_604, %dma_wait3A_605] : memref<3x8x8x128xf32, #tpu.memory_space<vmem>> -> memref<1x8x8x128xf32, #tpu.memory_space<vmem>>
      %dma_wait3A_607 = tpu.memref_squeeze %dma_wait3A_606 : memref<1x8x8x128xf32, #tpu.memory_space<vmem>> -> memref<8x8x128xf32, #tpu.memory_space<vmem>>
      %dma_wait3A_608 = arith.constant 0 : i32
      %dma_wait3A_609 = arith.constant 0 : i32
      %dma_wait3A_610 = arith.constant 0 : i32
      %dma_wait3A_611 = tpu.memref_slice %arg3[%dma_wait3A_608, %dma_wait3A_609, %dma_wait3A_610] : memref<8x8x1000000xf32, #tpu.memory_space<hbm>> -> memref<8x8x128xf32, #tpu.memory_space<hbm>>
      tpu.wait_dma2 semaphore(%arg15 : memref<!tpu.dma_semaphore, #tpu.memory_space<semaphore_mem>>) src(%dma_wait3A_611 : memref<8x8x128xf32, #tpu.memory_space<hbm>>) dst(%dma_wait3A_607 : memref<8x8x128xf32, #tpu.memory_space<vmem>>)
      %min3A_612 = arith.minsi %add3A_592, %max3A_400 : i32
      %broadcast_in_dim3A_613 = vector.broadcast %min3A_612 : i32 to vector<16xi32>
      %gather3A_614 = tpu.vector_load_idx %arg12[%broadcast_in_dim3A_613] : memref<272xi32, #tpu.memory_space<vmem>>[vector<16xi32>], vector<16xi32>,
      %broadcast_in_dim3A_615 = arith.constant 0 : i32
      %broadcast_in_dim3A_616 = vector.broadcast %broadcast_in_dim3A_615 : i32 to vector<16xi32>
      %slice3A_617 = vector.extract_strided_slice %gather3A_614 {offsets = [0], sizes = [1], strides = [1]} : vector<16xi32> to vector<1xi32>
      %squeeze3A_618 = vector.extract %slice3A_617[0] : i32 from vector<1xi32>
      %sub3A_619 = arith.constant 1 : i32
      %sub3A_620 = arith.subi %min3A_5, %sub3A_619 : i32
      %max3A_621 = arith.maxsi %mul3A_2, %squeeze3A_618 : i32
      %min3A_622 = arith.minsi %sub3A_620, %max3A_621 : i32
      %sub3A_623 = arith.subi %min3A_622, %mul3A_2 : i32
      %shift_right_arithmetic3A_624 = arith.constant 4 : i32
      %shift_right_arithmetic3A_625 = arith.shrsi %sub3A_623, %shift_right_arithmetic3A_624 : i32
      %broadcast_in_dim3A_626 = vector.broadcast %shift_right_arithmetic3A_625 : i32 to vector<16xi32>
      %gather3A_627 = tpu.vector_load_idx %arg10[%broadcast_in_dim3A_626] : memref<32xi32, #tpu.memory_space<vmem>>[vector<16xi32>], vector<16xi32>,
      %slice3A_628 = vector.extract_strided_slice %gather3A_627 {offsets = [0], sizes = [1], strides = [1]} : vector<16xi32> to vector<1xi32>
      %squeeze3A_629 = vector.extract %slice3A_628[0] : i32 from vector<1xi32>
      %add3A_630 = arith.constant 1 : i32
      %add3A_631 = arith.addi %shift_right_arithmetic3A_625, %add3A_630 : i32
      %broadcast_in_dim3A_632 = vector.broadcast %add3A_631 : i32 to vector<16xi32>
      %gather3A_633 = tpu.vector_load_idx %arg10[%broadcast_in_dim3A_632] : memref<32xi32, #tpu.memory_space<vmem>>[vector<16xi32>], vector<16xi32>,
      %slice3A_634 = vector.extract_strided_slice %gather3A_633 {offsets = [0], sizes = [1], strides = [1]} : vector<16xi32> to vector<1xi32>
      %squeeze3A_635 = vector.extract %slice3A_634[0] : i32 from vector<1xi32>
      %shift_right_arithmetic3A_636 = arith.constant 4 : i32
      %shift_right_arithmetic3A_637 = arith.shrsi %squeeze3A_629, %shift_right_arithmetic3A_636 : i32
      %add3A_638 = arith.constant 15 : i32
      %add3A_639 = arith.addi %squeeze3A_635, %add3A_638 : i32
      %shift_right_arithmetic3A_640 = arith.constant 4 : i32
      %shift_right_arithmetic3A_641 = arith.shrsi %add3A_639, %shift_right_arithmetic3A_640 : i32
      %while3A_642 = arith.constant 0 : i32
      %while3A_643 = arith.subi %shift_right_arithmetic3A_641, %shift_right_arithmetic3A_637 : i32
      %while3A_644 = arith.addi %shift_right_arithmetic3A_637, %while3A_643 : i32
      %while3A_645 = arith.constant 1 : i32
      %while3A_646 = arith.divsi %while3A_643, %while3A_645 : i32
      %while3A_647 = arith.muli %while3A_646, %while3A_645 : i32
      %while3A_648 = arith.addi %shift_right_arithmetic3A_637, %while3A_647 : i32
      %while3A_649 = arith.constant 1 : i32
      %while3A_650 = scf.for %while3A_907 = %shift_right_arithmetic3A_637 to %while3A_648 step %while3A_649 iter_args(%while3A_908 = %while3A_642) -> (i32)  : i32 {
        %mul3A_909 = arith.constant 16 : i32
        %mul3A_910 = arith.muli %while3A_907, %mul3A_909 : i32
        %get3A = arith.index_cast %mul3A_910 : i32 to index
        %get3A_911 = tpu.vector_load %arg7[%get3A] {strides = array<i32>} : memref<800xi32, #tpu.memory_space<vmem>>, vector<16xi32>,
        %eq3A_912 = arith.cmpi eq, %get3A_911, %gather3A_614 : vector<16xi32>
        %mul3A_913 = arith.constant 16 : i32
        %mul3A_914 = arith.muli %while3A_907, %mul3A_913 : i32
        %get3A_915 = arith.index_cast %mul3A_914 : i32 to index
        %get3A_916 = tpu.vector_load %arg8[%get3A_915] {strides = array<i32>} : memref<800xi32, #tpu.memory_space<vmem>>, vector<16xi32>,
        %swap3A_917 = arith.index_cast %while3A_908 : i32 to index
        %swap3A_918 = tpu.vector_load %arg9[%swap3A_917] masked %eq3A_912 {strides = array<i32>} : memref<128xi32, #tpu.memory_space<vmem>>, vector<16xi32>, vector<16xi1>
        tpu.vector_store %arg9[%swap3A_917], %get3A_916 masked %eq3A_912 {strides = array<i32>} : memref<128xi32, #tpu.memory_space<vmem>>, vector<16xi32>, vector<16xi1>
        %all_reduce_population_count3A = tpu.all_reduce %eq3A_912 {dim = 0 : i64, kind = #tpu.reduction_kind<sum>} : vector<16xi1> -> vector<16xi32>
        %slice3A_919 = vector.extract_strided_slice %all_reduce_population_count3A {offsets = [0], sizes = [1], strides = [1]} : vector<16xi32> to vector<1xi32>
        %squeeze3A_920 = vector.extract %slice3A_919[0] : i32 from vector<1xi32>
        %add3A_921 = arith.addi %while3A_908, %squeeze3A_920 : i32
        scf.yield %add3A_921 : i32
      }
      %while3A_651 = arith.constant 1 : i32
      %while3A_652 = scf.for %while3A_907 = %while3A_648 to %while3A_644 step %while3A_651 iter_args(%while3A_908 = %while3A_650) -> (i32)  : i32 {
        %mul3A_909 = arith.constant 16 : i32
        %mul3A_910 = arith.muli %while3A_907, %mul3A_909 : i32
        %get3A = arith.index_cast %mul3A_910 : i32 to index
        %get3A_911 = tpu.vector_load %arg7[%get3A] {strides = array<i32>} : memref<800xi32, #tpu.memory_space<vmem>>, vector<16xi32>,
        %eq3A_912 = arith.cmpi eq, %get3A_911, %gather3A_614 : vector<16xi32>
        %mul3A_913 = arith.constant 16 : i32
        %mul3A_914 = arith.muli %while3A_907, %mul3A_913 : i32
        %get3A_915 = arith.index_cast %mul3A_914 : i32 to index
        %get3A_916 = tpu.vector_load %arg8[%get3A_915] {strides = array<i32>} : memref<800xi32, #tpu.memory_space<vmem>>, vector<16xi32>,
        %swap3A_917 = arith.index_cast %while3A_908 : i32 to index
        %swap3A_918 = tpu.vector_load %arg9[%swap3A_917] masked %eq3A_912 {strides = array<i32>} : memref<128xi32, #tpu.memory_space<vmem>>, vector<16xi32>, vector<16xi1>
        tpu.vector_store %arg9[%swap3A_917], %get3A_916 masked %eq3A_912 {strides = array<i32>} : memref<128xi32, #tpu.memory_space<vmem>>, vector<16xi32>, vector<16xi1>
        %all_reduce_population_count3A = tpu.all_reduce %eq3A_912 {dim = 0 : i64, kind = #tpu.reduction_kind<sum>} : vector<16xi1> -> vector<16xi32>
        %slice3A_919 = vector.extract_strided_slice %all_reduce_population_count3A {offsets = [0], sizes = [1], strides = [1]} : vector<16xi32> to vector<1xi32>
        %squeeze3A_920 = vector.extract %slice3A_919[0] : i32 from vector<1xi32>
        %add3A_921 = arith.addi %while3A_908, %squeeze3A_920 : i32
        scf.yield %add3A_921 : i32
      }
      %while3A_653 = arith.constant 0 : i32
      %while3A_654 = arith.subi %while3A_652, %while3A_653 : i32
      %while3A_655 = arith.addi %while3A_653, %while3A_654 : i32
      %while3A_656 = arith.constant 1 : i32
      %while3A_657 = arith.divsi %while3A_654, %while3A_656 : i32
      %while3A_658 = arith.muli %while3A_657, %while3A_656 : i32
      %while3A_659 = arith.addi %while3A_653, %while3A_658 : i32
      %while3A_660 = arith.constant 1 : i32
      %while3A_661 = scf.for %while3A_907 = %while3A_653 to %while3A_659 step %while3A_660 iter_args(%while3A_908 = %while3A_588) -> (i32)  : i32 {
        %broadcast_in_dim3A_909 = vector.broadcast %while3A_907 : i32 to vector<16xi32>
        %gather3A_910 = tpu.vector_load_idx %arg9[%broadcast_in_dim3A_909] : memref<128xi32, #tpu.memory_space<vmem>>[vector<16xi32>], vector<16xi32>,
        %and3A_911 = arith.constant 127 : i32
        %and3A_912 = vector.broadcast %and3A_911 : i32 to vector<16xi32>
        %and3A_913 = arith.andi %gather3A_910, %and3A_912 : vector<16xi32>
        %slice3A_914 = vector.extract_strided_slice %gather3A_910 {offsets = [0], sizes = [1], strides = [1]} : vector<16xi32> to vector<1xi32>
        %squeeze3A_915 = vector.extract %slice3A_914[0] : i32 from vector<1xi32>
        %shift_right_arithmetic3A_916 = arith.constant 7 : i32
        %shift_right_arithmetic3A_917 = arith.shrsi %squeeze3A_915, %shift_right_arithmetic3A_916 : i32
        %jit3A_918 = arith.constant 0 : i32
        %jit3A_919 = arith.constant 16383 : i32
        %max3A_920 = arith.maxsi %jit3A_918, %shift_right_arithmetic3A_917 : i32
        %min3A_921 = arith.minsi %jit3A_919, %max3A_920 : i32
        %add3A_922 = arith.constant 0 : i32
        %add3A_923 = vector.broadcast %add3A_922 : i32 to vector<16xi32>
        %add3A_924 = arith.addi %add3A_923, %iota3A : vector<16xi32>
        %shift_right_arithmetic3A_925 = arith.constant 3 : i32
        %shift_right_arithmetic3A_926 = vector.broadcast %shift_right_arithmetic3A_925 : i32 to vector<16xi32>
        %shift_right_arithmetic3A_927 = arith.shrsi %add3A_924, %shift_right_arithmetic3A_926 : vector<16xi32>
        %add3A_928 = arith.constant 0 : i32
        %add3A_929 = vector.broadcast %add3A_928 : i32 to vector<16xi32>
        %add3A_930 = arith.addi %add3A_929, %iota3A : vector<16xi32>
        %and3A_931 = arith.constant 7 : i32
        %and3A_932 = vector.broadcast %and3A_931 : i32 to vector<16xi32>
        %and3A_933 = arith.andi %add3A_930, %and3A_932 : vector<16xi32>
        %gather3A_934 = tpu.vector_load_idx %arg13[%broadcast_in_dim3A_616, %shift_right_arithmetic3A_927, %and3A_933, %and3A_913] : memref<3x8x8x128xf32, #tpu.memory_space<vmem>>[vector<16xi32>, vector<16xi32>, vector<16xi32>, vector<16xi32>], vector<16xf32>,
        %swap3A_935 = arith.constant 0 : i32
        %swap3A_936 = arith.index_cast %while3A_908 : i32 to index
        %swap3A_937 = arith.index_cast %swap3A_935 : i32 to index
        %swap3A_938 = arith.constant 0 : index
        %swap3A_939 = tpu.vector_load %arg14[%swap3A_936, %swap3A_937, %swap3A_938] {strides = array<i32>} : memref<784x1x128xf32, #tpu.memory_space<vmem>>, vector<16xf32>,
        tpu.vector_store %arg14[%swap3A_936, %swap3A_937, %swap3A_938], %gather3A_934 {strides = array<i32>} : memref<784x1x128xf32, #tpu.memory_space<vmem>>, vector<16xf32>,
        %add3A_940 = arith.constant 16 : i32
        %add3A_941 = vector.broadcast %add3A_940 : i32 to vector<16xi32>
        %add3A_942 = arith.addi %add3A_941, %iota3A : vector<16xi32>
        %shift_right_arithmetic3A_943 = arith.constant 3 : i32
        %shift_right_arithmetic3A_944 = vector.broadcast %shift_right_arithmetic3A_943 : i32 to vector<16xi32>
        %shift_right_arithmetic3A_945 = arith.shrsi %add3A_942, %shift_right_arithmetic3A_944 : vector<16xi32>
        %add3A_946 = arith.constant 16 : i32
        %add3A_947 = vector.broadcast %add3A_946 : i32 to vector<16xi32>
        %add3A_948 = arith.addi %add3A_947, %iota3A : vector<16xi32>
        %and3A_949 = arith.constant 7 : i32
        %and3A_950 = vector.broadcast %and3A_949 : i32 to vector<16xi32>
        %and3A_951 = arith.andi %add3A_948, %and3A_950 : vector<16xi32>
        %gather3A_952 = tpu.vector_load_idx %arg13[%broadcast_in_dim3A_616, %shift_right_arithmetic3A_945, %and3A_951, %and3A_913] : memref<3x8x8x128xf32, #tpu.memory_space<vmem>>[vector<16xi32>, vector<16xi32>, vector<16xi32>, vector<16xi32>], vector<16xf32>,
        %swap3A_953 = arith.constant 0 : i32
        %swap3A_954 = arith.index_cast %while3A_908 : i32 to index
        %swap3A_955 = arith.index_cast %swap3A_953 : i32 to index
        %swap3A_956 = arith.constant 16 : index
        %swap3A_957 = tpu.vector_load %arg14[%swap3A_954, %swap3A_955, %swap3A_956] {strides = array<i32>} : memref<784x1x128xf32, #tpu.memory_space<vmem>>, vector<16xf32>,
        tpu.vector_store %arg14[%swap3A_954, %swap3A_955, %swap3A_956], %gather3A_952 {strides = array<i32>} : memref<784x1x128xf32, #tpu.memory_space<vmem>>, vector<16xf32>,
        %add3A_958 = arith.constant 32 : i32
        %add3A_959 = vector.broadcast %add3A_958 : i32 to vector<16xi32>
        %add3A_960 = arith.addi %add3A_959, %iota3A : vector<16xi32>
        %shift_right_arithmetic3A_961 = arith.constant 3 : i32
        %shift_right_arithmetic3A_962 = vector.broadcast %shift_right_arithmetic3A_961 : i32 to vector<16xi32>
        %shift_right_arithmetic3A_963 = arith.shrsi %add3A_960, %shift_right_arithmetic3A_962 : vector<16xi32>
        %add3A_964 = arith.constant 32 : i32
        %add3A_965 = vector.broadcast %add3A_964 : i32 to vector<16xi32>
        %add3A_966 = arith.addi %add3A_965, %iota3A : vector<16xi32>
        %and3A_967 = arith.constant 7 : i32
        %and3A_968 = vector.broadcast %and3A_967 : i32 to vector<16xi32>
        %and3A_969 = arith.andi %add3A_966, %and3A_968 : vector<16xi32>
        %gather3A_970 = tpu.vector_load_idx %arg13[%broadcast_in_dim3A_616, %shift_right_arithmetic3A_963, %and3A_969, %and3A_913] : memref<3x8x8x128xf32, #tpu.memory_space<vmem>>[vector<16xi32>, vector<16xi32>, vector<16xi32>, vector<16xi32>], vector<16xf32>,
        %swap3A_971 = arith.constant 0 : i32
        %swap3A_972 = arith.index_cast %while3A_908 : i32 to index
        %swap3A_973 = arith.index_cast %swap3A_971 : i32 to index
        %swap3A_974 = arith.constant 32 : index
        %swap3A_975 = tpu.vector_load %arg14[%swap3A_972, %swap3A_973, %swap3A_974] {strides = array<i32>} : memref<784x1x128xf32, #tpu.memory_space<vmem>>, vector<16xf32>,
        tpu.vector_store %arg14[%swap3A_972, %swap3A_973, %swap3A_974], %gather3A_970 {strides = array<i32>} : memref<784x1x128xf32, #tpu.memory_space<vmem>>, vector<16xf32>,
        %add3A_976 = arith.constant 48 : i32
        %add3A_977 = vector.broadcast %add3A_976 : i32 to vector<16xi32>
        %add3A_978 = arith.addi %add3A_977, %iota3A : vector<16xi32>
        %shift_right_arithmetic3A_979 = arith.constant 3 : i32
        %shift_right_arithmetic3A_980 = vector.broadcast %shift_right_arithmetic3A_979 : i32 to vector<16xi32>
        %shift_right_arithmetic3A_981 = arith.shrsi %add3A_978, %shift_right_arithmetic3A_980 : vector<16xi32>
        %add3A_982 = arith.constant 48 : i32
        %add3A_983 = vector.broadcast %add3A_982 : i32 to vector<16xi32>
        %add3A_984 = arith.addi %add3A_983, %iota3A : vector<16xi32>
        %and3A_985 = arith.constant 7 : i32
        %and3A_986 = vector.broadcast %and3A_985 : i32 to vector<16xi32>
        %and3A_987 = arith.andi %add3A_984, %and3A_986 : vector<16xi32>
        %gather3A_988 = tpu.vector_load_idx %arg13[%broadcast_in_dim3A_616, %shift_right_arithmetic3A_981, %and3A_987, %and3A_913] : memref<3x8x8x128xf32, #tpu.memory_space<vmem>>[vector<16xi32>, vector<16xi32>, vector<16xi32>, vector<16xi32>], vector<16xf32>,
        %swap3A_989 = arith.constant 0 : i32
        %swap3A_990 = arith.index_cast %while3A_908 : i32 to index
        %swap3A_991 = arith.index_cast %swap3A_989 : i32 to index
        %swap3A_992 = arith.constant 48 : index
        %swap3A_993 = tpu.vector_load %arg14[%swap3A_990, %swap3A_991, %swap3A_992] {strides = array<i32>} : memref<784x1x128xf32, #tpu.memory_space<vmem>>, vector<16xf32>,
        tpu.vector_store %arg14[%swap3A_990, %swap3A_991, %swap3A_992], %gather3A_988 {strides = array<i32>} : memref<784x1x128xf32, #tpu.memory_space<vmem>>, vector<16xf32>,
        %dma_start3A_994 = arith.constant 0 : i32
        %dma_start3A_995 = arith.constant 0 : i32
        %dma_start3A_996 = tpu.memref_slice %arg14[%while3A_908, %dma_start3A_994, %dma_start3A_995] : memref<784x1x128xf32, #tpu.memory_space<vmem>> -> memref<1x1x128xf32, #tpu.memory_space<vmem>>
        %dma_start3A_997 = arith.constant 0 : i32
        %dma_start3A_998 = arith.constant 0 : i32
        %dma_start3A_999 = tpu.memref_slice %arg4[%min3A_921, %dma_start3A_997, %dma_start3A_998] : memref<16384x1x128xf32, #tpu.memory_space<hbm>> -> memref<1x1x128xf32, #tpu.memory_space<hbm>>
        %dma_start3A_1000 = arith.constant 0 : i32
        %dma_start3A_1001 = arith.constant 0 : i32
        %dma_start3A_1002 = tpu.memref_slice %arg4[%min3A_921, %dma_start3A_1000, %dma_start3A_1001] : memref<16384x1x128xf32, #tpu.memory_space<hbm>> -> memref<1x1x128xf32, #tpu.memory_space<hbm>>
        %dma_start3A_1003 = arith.constant 0 : i32
        %dma_start3A_1004 = arith.constant 0 : i32
        %dma_start3A_1005 = tpu.memref_slice %arg14[%while3A_908, %dma_start3A_1003, %dma_start3A_1004] : memref<784x1x128xf32, #tpu.memory_space<vmem>> -> memref<1x1x128xf32, #tpu.memory_space<vmem>>
        tpu.enqueue_dma source(%dma_start3A_1005 : memref<1x1x128xf32, #tpu.memory_space<vmem>>) target(%dma_start3A_1002 : memref<1x1x128xf32, #tpu.memory_space<hbm>>) target_semaphore(%arg18 : memref<!tpu.dma_semaphore, #tpu.memory_space<semaphore_mem>>)
        %add3A_1006 = arith.constant 1 : i32
        %add3A_1007 = arith.addi %while3A_908, %add3A_1006 : i32
        scf.yield %add3A_1007 : i32
      }
      %while3A_662 = arith.constant 1 : i32
      %while3A_663 = scf.for %while3A_907 = %while3A_659 to %while3A_655 step %while3A_662 iter_args(%while3A_908 = %while3A_661) -> (i32)  : i32 {
        %broadcast_in_dim3A_909 = vector.broadcast %while3A_907 : i32 to vector<16xi32>
        %gather3A_910 = tpu.vector_load_idx %arg9[%broadcast_in_dim3A_909] : memref<128xi32, #tpu.memory_space<vmem>>[vector<16xi32>], vector<16xi32>,
        %and3A_911 = arith.constant 127 : i32
        %and3A_912 = vector.broadcast %and3A_911 : i32 to vector<16xi32>
        %and3A_913 = arith.andi %gather3A_910, %and3A_912 : vector<16xi32>
        %slice3A_914 = vector.extract_strided_slice %gather3A_910 {offsets = [0], sizes = [1], strides = [1]} : vector<16xi32> to vector<1xi32>
        %squeeze3A_915 = vector.extract %slice3A_914[0] : i32 from vector<1xi32>
        %shift_right_arithmetic3A_916 = arith.constant 7 : i32
        %shift_right_arithmetic3A_917 = arith.shrsi %squeeze3A_915, %shift_right_arithmetic3A_916 : i32
        %jit3A_918 = arith.constant 0 : i32
        %jit3A_919 = arith.constant 16383 : i32
        %max3A_920 = arith.maxsi %jit3A_918, %shift_right_arithmetic3A_917 : i32
        %min3A_921 = arith.minsi %jit3A_919, %max3A_920 : i32
        %add3A_922 = arith.constant 0 : i32
        %add3A_923 = vector.broadcast %add3A_922 : i32 to vector<16xi32>
        %add3A_924 = arith.addi %add3A_923, %iota3A : vector<16xi32>
        %shift_right_arithmetic3A_925 = arith.constant 3 : i32
        %shift_right_arithmetic3A_926 = vector.broadcast %shift_right_arithmetic3A_925 : i32 to vector<16xi32>
        %shift_right_arithmetic3A_927 = arith.shrsi %add3A_924, %shift_right_arithmetic3A_926 : vector<16xi32>
        %add3A_928 = arith.constant 0 : i32
        %add3A_929 = vector.broadcast %add3A_928 : i32 to vector<16xi32>
        %add3A_930 = arith.addi %add3A_929, %iota3A : vector<16xi32>
        %and3A_931 = arith.constant 7 : i32
        %and3A_932 = vector.broadcast %and3A_931 : i32 to vector<16xi32>
        %and3A_933 = arith.andi %add3A_930, %and3A_932 : vector<16xi32>
        %gather3A_934 = tpu.vector_load_idx %arg13[%broadcast_in_dim3A_616, %shift_right_arithmetic3A_927, %and3A_933, %and3A_913] : memref<3x8x8x128xf32, #tpu.memory_space<vmem>>[vector<16xi32>, vector<16xi32>, vector<16xi32>, vector<16xi32>], vector<16xf32>,
        %swap3A_935 = arith.constant 0 : i32
        %swap3A_936 = arith.index_cast %while3A_908 : i32 to index
        %swap3A_937 = arith.index_cast %swap3A_935 : i32 to index
        %swap3A_938 = arith.constant 0 : index
        %swap3A_939 = tpu.vector_load %arg14[%swap3A_936, %swap3A_937, %swap3A_938] {strides = array<i32>} : memref<784x1x128xf32, #tpu.memory_space<vmem>>, vector<16xf32>,
        tpu.vector_store %arg14[%swap3A_936, %swap3A_937, %swap3A_938], %gather3A_934 {strides = array<i32>} : memref<784x1x128xf32, #tpu.memory_space<vmem>>, vector<16xf32>,
        %add3A_940 = arith.constant 16 : i32
        %add3A_941 = vector.broadcast %add3A_940 : i32 to vector<16xi32>
        %add3A_942 = arith.addi %add3A_941, %iota3A : vector<16xi32>
        %shift_right_arithmetic3A_943 = arith.constant 3 : i32
        %shift_right_arithmetic3A_944 = vector.broadcast %shift_right_arithmetic3A_943 : i32 to vector<16xi32>
        %shift_right_arithmetic3A_945 = arith.shrsi %add3A_942, %shift_right_arithmetic3A_944 : vector<16xi32>
        %add3A_946 = arith.constant 16 : i32
        %add3A_947 = vector.broadcast %add3A_946 : i32 to vector<16xi32>
        %add3A_948 = arith.addi %add3A_947, %iota3A : vector<16xi32>
        %and3A_949 = arith.constant 7 : i32
        %and3A_950 = vector.broadcast %and3A_949 : i32 to vector<16xi32>
        %and3A_951 = arith.andi %add3A_948, %and3A_950 : vector<16xi32>
        %gather3A_952 = tpu.vector_load_idx %arg13[%broadcast_in_dim3A_616, %shift_right_arithmetic3A_945, %and3A_951, %and3A_913] : memref<3x8x8x128xf32, #tpu.memory_space<vmem>>[vector<16xi32>, vector<16xi32>, vector<16xi32>, vector<16xi32>], vector<16xf32>,
        %swap3A_953 = arith.constant 0 : i32
        %swap3A_954 = arith.index_cast %while3A_908 : i32 to index
        %swap3A_955 = arith.index_cast %swap3A_953 : i32 to index
        %swap3A_956 = arith.constant 16 : index
        %swap3A_957 = tpu.vector_load %arg14[%swap3A_954, %swap3A_955, %swap3A_956] {strides = array<i32>} : memref<784x1x128xf32, #tpu.memory_space<vmem>>, vector<16xf32>,
        tpu.vector_store %arg14[%swap3A_954, %swap3A_955, %swap3A_956], %gather3A_952 {strides = array<i32>} : memref<784x1x128xf32, #tpu.memory_space<vmem>>, vector<16xf32>,
        %add3A_958 = arith.constant 32 : i32
        %add3A_959 = vector.broadcast %add3A_958 : i32 to vector<16xi32>
        %add3A_960 = arith.addi %add3A_959, %iota3A : vector<16xi32>
        %shift_right_arithmetic3A_961 = arith.constant 3 : i32
        %shift_right_arithmetic3A_962 = vector.broadcast %shift_right_arithmetic3A_961 : i32 to vector<16xi32>
        %shift_right_arithmetic3A_963 = arith.shrsi %add3A_960, %shift_right_arithmetic3A_962 : vector<16xi32>
        %add3A_964 = arith.constant 32 : i32
        %add3A_965 = vector.broadcast %add3A_964 : i32 to vector<16xi32>
        %add3A_966 = arith.addi %add3A_965, %iota3A : vector<16xi32>
        %and3A_967 = arith.constant 7 : i32
        %and3A_968 = vector.broadcast %and3A_967 : i32 to vector<16xi32>
        %and3A_969 = arith.andi %add3A_966, %and3A_968 : vector<16xi32>
        %gather3A_970 = tpu.vector_load_idx %arg13[%broadcast_in_dim3A_616, %shift_right_arithmetic3A_963, %and3A_969, %and3A_913] : memref<3x8x8x128xf32, #tpu.memory_space<vmem>>[vector<16xi32>, vector<16xi32>, vector<16xi32>, vector<16xi32>], vector<16xf32>,
        %swap3A_971 = arith.constant 0 : i32
        %swap3A_972 = arith.index_cast %while3A_908 : i32 to index
        %swap3A_973 = arith.index_cast %swap3A_971 : i32 to index
        %swap3A_974 = arith.constant 32 : index
        %swap3A_975 = tpu.vector_load %arg14[%swap3A_972, %swap3A_973, %swap3A_974] {strides = array<i32>} : memref<784x1x128xf32, #tpu.memory_space<vmem>>, vector<16xf32>,
        tpu.vector_store %arg14[%swap3A_972, %swap3A_973, %swap3A_974], %gather3A_970 {strides = array<i32>} : memref<784x1x128xf32, #tpu.memory_space<vmem>>, vector<16xf32>,
        %add3A_976 = arith.constant 48 : i32
        %add3A_977 = vector.broadcast %add3A_976 : i32 to vector<16xi32>
        %add3A_978 = arith.addi %add3A_977, %iota3A : vector<16xi32>
        %shift_right_arithmetic3A_979 = arith.constant 3 : i32
        %shift_right_arithmetic3A_980 = vector.broadcast %shift_right_arithmetic3A_979 : i32 to vector<16xi32>
        %shift_right_arithmetic3A_981 = arith.shrsi %add3A_978, %shift_right_arithmetic3A_980 : vector<16xi32>
        %add3A_982 = arith.constant 48 : i32
        %add3A_983 = vector.broadcast %add3A_982 : i32 to vector<16xi32>
        %add3A_984 = arith.addi %add3A_983, %iota3A : vector<16xi32>
        %and3A_985 = arith.constant 7 : i32
        %and3A_986 = vector.broadcast %and3A_985 : i32 to vector<16xi32>
        %and3A_987 = arith.andi %add3A_984, %and3A_986 : vector<16xi32>
        %gather3A_988 = tpu.vector_load_idx %arg13[%broadcast_in_dim3A_616, %shift_right_arithmetic3A_981, %and3A_987, %and3A_913] : memref<3x8x8x128xf32, #tpu.memory_space<vmem>>[vector<16xi32>, vector<16xi32>, vector<16xi32>, vector<16xi32>], vector<16xf32>,
        %swap3A_989 = arith.constant 0 : i32
        %swap3A_990 = arith.index_cast %while3A_908 : i32 to index
        %swap3A_991 = arith.index_cast %swap3A_989 : i32 to index
        %swap3A_992 = arith.constant 48 : index
        %swap3A_993 = tpu.vector_load %arg14[%swap3A_990, %swap3A_991, %swap3A_992] {strides = array<i32>} : memref<784x1x128xf32, #tpu.memory_space<vmem>>, vector<16xf32>,
        tpu.vector_store %arg14[%swap3A_990, %swap3A_991, %swap3A_992], %gather3A_988 {strides = array<i32>} : memref<784x1x128xf32, #tpu.memory_space<vmem>>, vector<16xf32>,
        %dma_start3A_994 = arith.constant 0 : i32
        %dma_start3A_995 = arith.constant 0 : i32
        %dma_start3A_996 = tpu.memref_slice %arg14[%while3A_908, %dma_start3A_994, %dma_start3A_995] : memref<784x1x128xf32, #tpu.memory_space<vmem>> -> memref<1x1x128xf32, #tpu.memory_space<vmem>>
        %dma_start3A_997 = arith.constant 0 : i32
        %dma_start3A_998 = arith.constant 0 : i32
        %dma_start3A_999 = tpu.memref_slice %arg4[%min3A_921, %dma_start3A_997, %dma_start3A_998] : memref<16384x1x128xf32, #tpu.memory_space<hbm>> -> memref<1x1x128xf32, #tpu.memory_space<hbm>>
        %dma_start3A_1000 = arith.constant 0 : i32
        %dma_start3A_1001 = arith.constant 0 : i32
        %dma_start3A_1002 = tpu.memref_slice %arg4[%min3A_921, %dma_start3A_1000, %dma_start3A_1001] : memref<16384x1x128xf32, #tpu.memory_space<hbm>> -> memref<1x1x128xf32, #tpu.memory_space<hbm>>
        %dma_start3A_1003 = arith.constant 0 : i32
        %dma_start3A_1004 = arith.constant 0 : i32
        %dma_start3A_1005 = tpu.memref_slice %arg14[%while3A_908, %dma_start3A_1003, %dma_start3A_1004] : memref<784x1x128xf32, #tpu.memory_space<vmem>> -> memref<1x1x128xf32, #tpu.memory_space<vmem>>
        tpu.enqueue_dma source(%dma_start3A_1005 : memref<1x1x128xf32, #tpu.memory_space<vmem>>) target(%dma_start3A_1002 : memref<1x1x128xf32, #tpu.memory_space<hbm>>) target_semaphore(%arg18 : memref<!tpu.dma_semaphore, #tpu.memory_space<semaphore_mem>>)
        %add3A_1006 = arith.constant 1 : i32
        %add3A_1007 = arith.addi %while3A_908, %add3A_1006 : i32
        scf.yield %add3A_1007 : i32
      }
      %add3A_664 = arith.constant 3 : i32
      %add3A_665 = arith.addi %add3A_592, %add3A_664 : i32
      %min3A_666 = arith.minsi %add3A_665, %max3A_400 : i32
      %broadcast_in_dim3A_667 = vector.broadcast %min3A_666 : i32 to vector<16xi32>
      %gather3A_668 = tpu.vector_load_idx %arg12[%broadcast_in_dim3A_667] : memref<272xi32, #tpu.memory_space<vmem>>[vector<16xi32>], vector<16xi32>,
      %slice3A_669 = vector.extract_strided_slice %gather3A_668 {offsets = [0], sizes = [1], strides = [1]} : vector<16xi32> to vector<1xi32>
      %squeeze3A_670 = vector.extract %slice3A_669[0] : i32 from vector<1xi32>
      %jit3A_671 = arith.constant 0 : i32
      %jit3A_672 = arith.constant 7812 : i32
      %max3A_673 = arith.maxsi %jit3A_671, %squeeze3A_670 : i32
      %min3A_674 = arith.minsi %jit3A_672, %max3A_673 : i32
      %mul3A_675 = arith.constant 128 : i32
      %mul3A_676 = arith.muli %min3A_674, %mul3A_675 : i32
      %multiple_of3A_677 = tpu.assume_multiple %mul3A_676, 128 : i32
      %dma_start3A_678 = arith.constant 0 : i32
      %dma_start3A_679 = arith.constant 0 : i32
      %dma_start3A_680 = arith.constant 0 : i32
      %dma_start3A_681 = arith.constant 0 : i32
      %dma_start3A_682 = tpu.memref_slice %arg13[%dma_start3A_678, %dma_start3A_679, %dma_start3A_680, %dma_start3A_681] : memref<3x8x8x128xf32, #tpu.memory_space<vmem>> -> memref<1x8x8x128xf32, #tpu.memory_space<vmem>>
      %dma_start3A_683 = tpu.memref_squeeze %dma_start3A_682 : memref<1x8x8x128xf32, #tpu.memory_space<vmem>> -> memref<8x8x128xf32, #tpu.memory_space<vmem>>
      %dma_start3A_684 = arith.constant 0 : i32
      %dma_start3A_685 = arith.constant 0 : i32
      %dma_start3A_686 = tpu.memref_slice %arg3[%dma_start3A_684, %dma_start3A_685, %multiple_of3A_677] : memref<8x8x1000000xf32, #tpu.memory_space<hbm>> -> memref<8x8x128xf32, #tpu.memory_space<hbm>>
      %dma_start3A_687 = arith.constant 0 : i32
      %dma_start3A_688 = arith.constant 0 : i32
      %dma_start3A_689 = arith.constant 0 : i32
      %dma_start3A_690 = tpu.memref_slice %arg13[%dma_start3A_678, %dma_start3A_687, %dma_start3A_688, %dma_start3A_689] : memref<3x8x8x128xf32, #tpu.memory_space<vmem>> -> memref<1x8x8x128xf32, #tpu.memory_space<vmem>>
      %dma_start3A_691 = tpu.memref_squeeze %dma_start3A_690 : memref<1x8x8x128xf32, #tpu.memory_space<vmem>> -> memref<8x8x128xf32, #tpu.memory_space<vmem>>
      %dma_start3A_692 = arith.constant 0 : i32
      %dma_start3A_693 = arith.constant 0 : i32
      %dma_start3A_694 = tpu.memref_slice %arg3[%dma_start3A_692, %dma_start3A_693, %multiple_of3A_677] : memref<8x8x1000000xf32, #tpu.memory_space<hbm>> -> memref<8x8x128xf32, #tpu.memory_space<hbm>>
      tpu.enqueue_dma source(%dma_start3A_694 : memref<8x8x128xf32, #tpu.memory_space<hbm>>) target(%dma_start3A_691 : memref<8x8x128xf32, #tpu.memory_space<vmem>>) target_semaphore(%arg15 : memref<!tpu.dma_semaphore, #tpu.memory_space<semaphore_mem>>)
      %mul3A_695 = arith.constant 3 : i32
      %mul3A_696 = arith.muli %while3A_587, %mul3A_695 : i32
      %add3A_697 = arith.constant 1 : i32
      %add3A_698 = arith.addi %mul3A_696, %add3A_697 : i32
      %dma_wait3A_699 = arith.constant 1 : i32
      %dma_wait3A_700 = arith.constant 0 : i32
      %dma_wait3A_701 = arith.constant 0 : i32
      %dma_wait3A_702 = arith.constant 0 : i32
      %dma_wait3A_703 = tpu.memref_slice %arg13[%dma_wait3A_699, %dma_wait3A_700, %dma_wait3A_701, %dma_wait3A_702] : memref<3x8x8x128xf32, #tpu.memory_space<vmem>> -> memref<1x8x8x128xf32, #tpu.memory_space<vmem>>
      %dma_wait3A_704 = tpu.memref_squeeze %dma_wait3A_703 : memref<1x8x8x128xf32, #tpu.memory_space<vmem>> -> memref<8x8x128xf32, #tpu.memory_space<vmem>>
      %dma_wait3A_705 = arith.constant 0 : i32
      %dma_wait3A_706 = arith.constant 0 : i32
      %dma_wait3A_707 = arith.constant 0 : i32
      %dma_wait3A_708 = tpu.memref_slice %arg3[%dma_wait3A_705, %dma_wait3A_706, %dma_wait3A_707] : memref<8x8x1000000xf32, #tpu.memory_space<hbm>> -> memref<8x8x128xf32, #tpu.memory_space<hbm>>
      %dma_wait3A_709 = arith.constant 0 : i32
      %dma_wait3A_710 = arith.constant 0 : i32
      %dma_wait3A_711 = arith.constant 0 : i32
      %dma_wait3A_712 = tpu.memref_slice %arg13[%dma_wait3A_699, %dma_wait3A_709, %dma_wait3A_710, %dma_wait3A_711] : memref<3x8x8x128xf32, #tpu.memory_space<vmem>> -> memref<1x8x8x128xf32, #tpu.memory_space<vmem>>
      %dma_wait3A_713 = tpu.memref_squeeze %dma_wait3A_712 : memref<1x8x8x128xf32, #tpu.memory_space<vmem>> -> memref<8x8x128xf32, #tpu.memory_space<vmem>>
      %dma_wait3A_714 = arith.constant 0 : i32
      %dma_wait3A_715 = arith.constant 0 : i32
      %dma_wait3A_716 = arith.constant 0 : i32
      %dma_wait3A_717 = tpu.memref_slice %arg3[%dma_wait3A_714, %dma_wait3A_715, %dma_wait3A_716] : memref<8x8x1000000xf32, #tpu.memory_space<hbm>> -> memref<8x8x128xf32, #tpu.memory_space<hbm>>
      tpu.wait_dma2 semaphore(%arg16 : memref<!tpu.dma_semaphore, #tpu.memory_space<semaphore_mem>>) src(%dma_wait3A_717 : memref<8x8x128xf32, #tpu.memory_space<hbm>>) dst(%dma_wait3A_713 : memref<8x8x128xf32, #tpu.memory_space<vmem>>)
      %min3A_718 = arith.minsi %add3A_698, %max3A_400 : i32
      %broadcast_in_dim3A_719 = vector.broadcast %min3A_718 : i32 to vector<16xi32>
      %gather3A_720 = tpu.vector_load_idx %arg12[%broadcast_in_dim3A_719] : memref<272xi32, #tpu.memory_space<vmem>>[vector<16xi32>], vector<16xi32>,
      %broadcast_in_dim3A_721 = arith.constant 1 : i32
      %broadcast_in_dim3A_722 = vector.broadcast %broadcast_in_dim3A_721 : i32 to vector<16xi32>
      %slice3A_723 = vector.extract_strided_slice %gather3A_720 {offsets = [0], sizes = [1], strides = [1]} : vector<16xi32> to vector<1xi32>
      %squeeze3A_724 = vector.extract %slice3A_723[0] : i32 from vector<1xi32>
      %sub3A_725 = arith.constant 1 : i32
      %sub3A_726 = arith.subi %min3A_5, %sub3A_725 : i32
      %max3A_727 = arith.maxsi %mul3A_2, %squeeze3A_724 : i32
      %min3A_728 = arith.minsi %sub3A_726, %max3A_727 : i32
      %sub3A_729 = arith.subi %min3A_728, %mul3A_2 : i32
      %shift_right_arithmetic3A_730 = arith.constant 4 : i32
      %shift_right_arithmetic3A_731 = arith.shrsi %sub3A_729, %shift_right_arithmetic3A_730 : i32
      %broadcast_in_dim3A_732 = vector.broadcast %shift_right_arithmetic3A_731 : i32 to vector<16xi32>
      %gather3A_733 = tpu.vector_load_idx %arg10[%broadcast_in_dim3A_732] : memref<32xi32, #tpu.memory_space<vmem>>[vector<16xi32>], vector<16xi32>,
      %slice3A_734 = vector.extract_strided_slice %gather3A_733 {offsets = [0], sizes = [1], strides = [1]} : vector<16xi32> to vector<1xi32>
      %squeeze3A_735 = vector.extract %slice3A_734[0] : i32 from vector<1xi32>
      %add3A_736 = arith.constant 1 : i32
      %add3A_737 = arith.addi %shift_right_arithmetic3A_731, %add3A_736 : i32
      %broadcast_in_dim3A_738 = vector.broadcast %add3A_737 : i32 to vector<16xi32>
      %gather3A_739 = tpu.vector_load_idx %arg10[%broadcast_in_dim3A_738] : memref<32xi32, #tpu.memory_space<vmem>>[vector<16xi32>], vector<16xi32>,
      %slice3A_740 = vector.extract_strided_slice %gather3A_739 {offsets = [0], sizes = [1], strides = [1]} : vector<16xi32> to vector<1xi32>
      %squeeze3A_741 = vector.extract %slice3A_740[0] : i32 from vector<1xi32>
      %shift_right_arithmetic3A_742 = arith.constant 4 : i32
      %shift_right_arithmetic3A_743 = arith.shrsi %squeeze3A_735, %shift_right_arithmetic3A_742 : i32
      %add3A_744 = arith.constant 15 : i32
      %add3A_745 = arith.addi %squeeze3A_741, %add3A_744 : i32
      %shift_right_arithmetic3A_746 = arith.constant 4 : i32
      %shift_right_arithmetic3A_747 = arith.shrsi %add3A_745, %shift_right_arithmetic3A_746 : i32
      %while3A_748 = arith.constant 0 : i32
      %while3A_749 = arith.subi %shift_right_arithmetic3A_747, %shift_right_arithmetic3A_743 : i32
      %while3A_750 = arith.addi %shift_right_arithmetic3A_743, %while3A_749 : i32
      %while3A_751 = arith.constant 1 : i32
      %while3A_752 = arith.divsi %while3A_749, %while3A_751 : i32
      %while3A_753 = arith.muli %while3A_752, %while3A_751 : i32
      %while3A_754 = arith.addi %shift_right_arithmetic3A_743, %while3A_753 : i32
      %while3A_755 = arith.constant 1 : i32
      %while3A_756 = scf.for %while3A_907 = %shift_right_arithmetic3A_743 to %while3A_754 step %while3A_755 iter_args(%while3A_908 = %while3A_748) -> (i32)  : i32 {
        %mul3A_909 = arith.constant 16 : i32
        %mul3A_910 = arith.muli %while3A_907, %mul3A_909 : i32
        %get3A = arith.index_cast %mul3A_910 : i32 to index
        %get3A_911 = tpu.vector_load %arg7[%get3A] {strides = array<i32>} : memref<800xi32, #tpu.memory_space<vmem>>, vector<16xi32>,
        %eq3A_912 = arith.cmpi eq, %get3A_911, %gather3A_720 : vector<16xi32>
        %mul3A_913 = arith.constant 16 : i32
        %mul3A_914 = arith.muli %while3A_907, %mul3A_913 : i32
        %get3A_915 = arith.index_cast %mul3A_914 : i32 to index
        %get3A_916 = tpu.vector_load %arg8[%get3A_915] {strides = array<i32>} : memref<800xi32, #tpu.memory_space<vmem>>, vector<16xi32>,
        %swap3A_917 = arith.index_cast %while3A_908 : i32 to index
        %swap3A_918 = tpu.vector_load %arg9[%swap3A_917] masked %eq3A_912 {strides = array<i32>} : memref<128xi32, #tpu.memory_space<vmem>>, vector<16xi32>, vector<16xi1>
        tpu.vector_store %arg9[%swap3A_917], %get3A_916 masked %eq3A_912 {strides = array<i32>} : memref<128xi32, #tpu.memory_space<vmem>>, vector<16xi32>, vector<16xi1>
        %all_reduce_population_count3A = tpu.all_reduce %eq3A_912 {dim = 0 : i64, kind = #tpu.reduction_kind<sum>} : vector<16xi1> -> vector<16xi32>
        %slice3A_919 = vector.extract_strided_slice %all_reduce_population_count3A {offsets = [0], sizes = [1], strides = [1]} : vector<16xi32> to vector<1xi32>
        %squeeze3A_920 = vector.extract %slice3A_919[0] : i32 from vector<1xi32>
        %add3A_921 = arith.addi %while3A_908, %squeeze3A_920 : i32
        scf.yield %add3A_921 : i32
      }
      %while3A_757 = arith.constant 1 : i32
      %while3A_758 = scf.for %while3A_907 = %while3A_754 to %while3A_750 step %while3A_757 iter_args(%while3A_908 = %while3A_756) -> (i32)  : i32 {
        %mul3A_909 = arith.constant 16 : i32
        %mul3A_910 = arith.muli %while3A_907, %mul3A_909 : i32
        %get3A = arith.index_cast %mul3A_910 : i32 to index
        %get3A_911 = tpu.vector_load %arg7[%get3A] {strides = array<i32>} : memref<800xi32, #tpu.memory_space<vmem>>, vector<16xi32>,
        %eq3A_912 = arith.cmpi eq, %get3A_911, %gather3A_720 : vector<16xi32>
        %mul3A_913 = arith.constant 16 : i32
        %mul3A_914 = arith.muli %while3A_907, %mul3A_913 : i32
        %get3A_915 = arith.index_cast %mul3A_914 : i32 to index
        %get3A_916 = tpu.vector_load %arg8[%get3A_915] {strides = array<i32>} : memref<800xi32, #tpu.memory_space<vmem>>, vector<16xi32>,
        %swap3A_917 = arith.index_cast %while3A_908 : i32 to index
        %swap3A_918 = tpu.vector_load %arg9[%swap3A_917] masked %eq3A_912 {strides = array<i32>} : memref<128xi32, #tpu.memory_space<vmem>>, vector<16xi32>, vector<16xi1>
        tpu.vector_store %arg9[%swap3A_917], %get3A_916 masked %eq3A_912 {strides = array<i32>} : memref<128xi32, #tpu.memory_space<vmem>>, vector<16xi32>, vector<16xi1>
        %all_reduce_population_count3A = tpu.all_reduce %eq3A_912 {dim = 0 : i64, kind = #tpu.reduction_kind<sum>} : vector<16xi1> -> vector<16xi32>
        %slice3A_919 = vector.extract_strided_slice %all_reduce_population_count3A {offsets = [0], sizes = [1], strides = [1]} : vector<16xi32> to vector<1xi32>
        %squeeze3A_920 = vector.extract %slice3A_919[0] : i32 from vector<1xi32>
        %add3A_921 = arith.addi %while3A_908, %squeeze3A_920 : i32
        scf.yield %add3A_921 : i32
      }
      %while3A_759 = arith.constant 0 : i32
      %while3A_760 = arith.subi %while3A_758, %while3A_759 : i32
      %while3A_761 = arith.addi %while3A_759, %while3A_760 : i32
      %while3A_762 = arith.constant 1 : i32
      %while3A_763 = arith.divsi %while3A_760, %while3A_762 : i32
      %while3A_764 = arith.muli %while3A_763, %while3A_762 : i32
      %while3A_765 = arith.addi %while3A_759, %while3A_764 : i32
      %while3A_766 = arith.constant 1 : i32
      %while3A_767 = scf.for %while3A_907 = %while3A_759 to %while3A_765 step %while3A_766 iter_args(%while3A_908 = %while3A_663) -> (i32)  : i32 {
        %broadcast_in_dim3A_909 = vector.broadcast %while3A_907 : i32 to vector<16xi32>
        %gather3A_910 = tpu.vector_load_idx %arg9[%broadcast_in_dim3A_909] : memref<128xi32, #tpu.memory_space<vmem>>[vector<16xi32>], vector<16xi32>,
        %and3A_911 = arith.constant 127 : i32
        %and3A_912 = vector.broadcast %and3A_911 : i32 to vector<16xi32>
        %and3A_913 = arith.andi %gather3A_910, %and3A_912 : vector<16xi32>
        %slice3A_914 = vector.extract_strided_slice %gather3A_910 {offsets = [0], sizes = [1], strides = [1]} : vector<16xi32> to vector<1xi32>
        %squeeze3A_915 = vector.extract %slice3A_914[0] : i32 from vector<1xi32>
        %shift_right_arithmetic3A_916 = arith.constant 7 : i32
        %shift_right_arithmetic3A_917 = arith.shrsi %squeeze3A_915, %shift_right_arithmetic3A_916 : i32
        %jit3A_918 = arith.constant 0 : i32
        %jit3A_919 = arith.constant 16383 : i32
        %max3A_920 = arith.maxsi %jit3A_918, %shift_right_arithmetic3A_917 : i32
        %min3A_921 = arith.minsi %jit3A_919, %max3A_920 : i32
        %add3A_922 = arith.constant 0 : i32
        %add3A_923 = vector.broadcast %add3A_922 : i32 to vector<16xi32>
        %add3A_924 = arith.addi %add3A_923, %iota3A : vector<16xi32>
        %shift_right_arithmetic3A_925 = arith.constant 3 : i32
        %shift_right_arithmetic3A_926 = vector.broadcast %shift_right_arithmetic3A_925 : i32 to vector<16xi32>
        %shift_right_arithmetic3A_927 = arith.shrsi %add3A_924, %shift_right_arithmetic3A_926 : vector<16xi32>
        %add3A_928 = arith.constant 0 : i32
        %add3A_929 = vector.broadcast %add3A_928 : i32 to vector<16xi32>
        %add3A_930 = arith.addi %add3A_929, %iota3A : vector<16xi32>
        %and3A_931 = arith.constant 7 : i32
        %and3A_932 = vector.broadcast %and3A_931 : i32 to vector<16xi32>
        %and3A_933 = arith.andi %add3A_930, %and3A_932 : vector<16xi32>
        %gather3A_934 = tpu.vector_load_idx %arg13[%broadcast_in_dim3A_722, %shift_right_arithmetic3A_927, %and3A_933, %and3A_913] : memref<3x8x8x128xf32, #tpu.memory_space<vmem>>[vector<16xi32>, vector<16xi32>, vector<16xi32>, vector<16xi32>], vector<16xf32>,
        %swap3A_935 = arith.constant 0 : i32
        %swap3A_936 = arith.index_cast %while3A_908 : i32 to index
        %swap3A_937 = arith.index_cast %swap3A_935 : i32 to index
        %swap3A_938 = arith.constant 0 : index
        %swap3A_939 = tpu.vector_load %arg14[%swap3A_936, %swap3A_937, %swap3A_938] {strides = array<i32>} : memref<784x1x128xf32, #tpu.memory_space<vmem>>, vector<16xf32>,
        tpu.vector_store %arg14[%swap3A_936, %swap3A_937, %swap3A_938], %gather3A_934 {strides = array<i32>} : memref<784x1x128xf32, #tpu.memory_space<vmem>>, vector<16xf32>,
        %add3A_940 = arith.constant 16 : i32
        %add3A_941 = vector.broadcast %add3A_940 : i32 to vector<16xi32>
        %add3A_942 = arith.addi %add3A_941, %iota3A : vector<16xi32>
        %shift_right_arithmetic3A_943 = arith.constant 3 : i32
        %shift_right_arithmetic3A_944 = vector.broadcast %shift_right_arithmetic3A_943 : i32 to vector<16xi32>
        %shift_right_arithmetic3A_945 = arith.shrsi %add3A_942, %shift_right_arithmetic3A_944 : vector<16xi32>
        %add3A_946 = arith.constant 16 : i32
        %add3A_947 = vector.broadcast %add3A_946 : i32 to vector<16xi32>
        %add3A_948 = arith.addi %add3A_947, %iota3A : vector<16xi32>
        %and3A_949 = arith.constant 7 : i32
        %and3A_950 = vector.broadcast %and3A_949 : i32 to vector<16xi32>
        %and3A_951 = arith.andi %add3A_948, %and3A_950 : vector<16xi32>
        %gather3A_952 = tpu.vector_load_idx %arg13[%broadcast_in_dim3A_722, %shift_right_arithmetic3A_945, %and3A_951, %and3A_913] : memref<3x8x8x128xf32, #tpu.memory_space<vmem>>[vector<16xi32>, vector<16xi32>, vector<16xi32>, vector<16xi32>], vector<16xf32>,
        %swap3A_953 = arith.constant 0 : i32
        %swap3A_954 = arith.index_cast %while3A_908 : i32 to index
        %swap3A_955 = arith.index_cast %swap3A_953 : i32 to index
        %swap3A_956 = arith.constant 16 : index
        %swap3A_957 = tpu.vector_load %arg14[%swap3A_954, %swap3A_955, %swap3A_956] {strides = array<i32>} : memref<784x1x128xf32, #tpu.memory_space<vmem>>, vector<16xf32>,
        tpu.vector_store %arg14[%swap3A_954, %swap3A_955, %swap3A_956], %gather3A_952 {strides = array<i32>} : memref<784x1x128xf32, #tpu.memory_space<vmem>>, vector<16xf32>,
        %add3A_958 = arith.constant 32 : i32
        %add3A_959 = vector.broadcast %add3A_958 : i32 to vector<16xi32>
        %add3A_960 = arith.addi %add3A_959, %iota3A : vector<16xi32>
        %shift_right_arithmetic3A_961 = arith.constant 3 : i32
        %shift_right_arithmetic3A_962 = vector.broadcast %shift_right_arithmetic3A_961 : i32 to vector<16xi32>
        %shift_right_arithmetic3A_963 = arith.shrsi %add3A_960, %shift_right_arithmetic3A_962 : vector<16xi32>
        %add3A_964 = arith.constant 32 : i32
        %add3A_965 = vector.broadcast %add3A_964 : i32 to vector<16xi32>
        %add3A_966 = arith.addi %add3A_965, %iota3A : vector<16xi32>
        %and3A_967 = arith.constant 7 : i32
        %and3A_968 = vector.broadcast %and3A_967 : i32 to vector<16xi32>
        %and3A_969 = arith.andi %add3A_966, %and3A_968 : vector<16xi32>
        %gather3A_970 = tpu.vector_load_idx %arg13[%broadcast_in_dim3A_722, %shift_right_arithmetic3A_963, %and3A_969, %and3A_913] : memref<3x8x8x128xf32, #tpu.memory_space<vmem>>[vector<16xi32>, vector<16xi32>, vector<16xi32>, vector<16xi32>], vector<16xf32>,
        %swap3A_971 = arith.constant 0 : i32
        %swap3A_972 = arith.index_cast %while3A_908 : i32 to index
        %swap3A_973 = arith.index_cast %swap3A_971 : i32 to index
        %swap3A_974 = arith.constant 32 : index
        %swap3A_975 = tpu.vector_load %arg14[%swap3A_972, %swap3A_973, %swap3A_974] {strides = array<i32>} : memref<784x1x128xf32, #tpu.memory_space<vmem>>, vector<16xf32>,
        tpu.vector_store %arg14[%swap3A_972, %swap3A_973, %swap3A_974], %gather3A_970 {strides = array<i32>} : memref<784x1x128xf32, #tpu.memory_space<vmem>>, vector<16xf32>,
        %add3A_976 = arith.constant 48 : i32
        %add3A_977 = vector.broadcast %add3A_976 : i32 to vector<16xi32>
        %add3A_978 = arith.addi %add3A_977, %iota3A : vector<16xi32>
        %shift_right_arithmetic3A_979 = arith.constant 3 : i32
        %shift_right_arithmetic3A_980 = vector.broadcast %shift_right_arithmetic3A_979 : i32 to vector<16xi32>
        %shift_right_arithmetic3A_981 = arith.shrsi %add3A_978, %shift_right_arithmetic3A_980 : vector<16xi32>
        %add3A_982 = arith.constant 48 : i32
        %add3A_983 = vector.broadcast %add3A_982 : i32 to vector<16xi32>
        %add3A_984 = arith.addi %add3A_983, %iota3A : vector<16xi32>
        %and3A_985 = arith.constant 7 : i32
        %and3A_986 = vector.broadcast %and3A_985 : i32 to vector<16xi32>
        %and3A_987 = arith.andi %add3A_984, %and3A_986 : vector<16xi32>
        %gather3A_988 = tpu.vector_load_idx %arg13[%broadcast_in_dim3A_722, %shift_right_arithmetic3A_981, %and3A_987, %and3A_913] : memref<3x8x8x128xf32, #tpu.memory_space<vmem>>[vector<16xi32>, vector<16xi32>, vector<16xi32>, vector<16xi32>], vector<16xf32>,
        %swap3A_989 = arith.constant 0 : i32
        %swap3A_990 = arith.index_cast %while3A_908 : i32 to index
        %swap3A_991 = arith.index_cast %swap3A_989 : i32 to index
        %swap3A_992 = arith.constant 48 : index
        %swap3A_993 = tpu.vector_load %arg14[%swap3A_990, %swap3A_991, %swap3A_992] {strides = array<i32>} : memref<784x1x128xf32, #tpu.memory_space<vmem>>, vector<16xf32>,
        tpu.vector_store %arg14[%swap3A_990, %swap3A_991, %swap3A_992], %gather3A_988 {strides = array<i32>} : memref<784x1x128xf32, #tpu.memory_space<vmem>>, vector<16xf32>,
        %dma_start3A_994 = arith.constant 0 : i32
        %dma_start3A_995 = arith.constant 0 : i32
        %dma_start3A_996 = tpu.memref_slice %arg14[%while3A_908, %dma_start3A_994, %dma_start3A_995] : memref<784x1x128xf32, #tpu.memory_space<vmem>> -> memref<1x1x128xf32, #tpu.memory_space<vmem>>
        %dma_start3A_997 = arith.constant 0 : i32
        %dma_start3A_998 = arith.constant 0 : i32
        %dma_start3A_999 = tpu.memref_slice %arg4[%min3A_921, %dma_start3A_997, %dma_start3A_998] : memref<16384x1x128xf32, #tpu.memory_space<hbm>> -> memref<1x1x128xf32, #tpu.memory_space<hbm>>
        %dma_start3A_1000 = arith.constant 0 : i32
        %dma_start3A_1001 = arith.constant 0 : i32
        %dma_start3A_1002 = tpu.memref_slice %arg4[%min3A_921, %dma_start3A_1000, %dma_start3A_1001] : memref<16384x1x128xf32, #tpu.memory_space<hbm>> -> memref<1x1x128xf32, #tpu.memory_space<hbm>>
        %dma_start3A_1003 = arith.constant 0 : i32
        %dma_start3A_1004 = arith.constant 0 : i32
        %dma_start3A_1005 = tpu.memref_slice %arg14[%while3A_908, %dma_start3A_1003, %dma_start3A_1004] : memref<784x1x128xf32, #tpu.memory_space<vmem>> -> memref<1x1x128xf32, #tpu.memory_space<vmem>>
        tpu.enqueue_dma source(%dma_start3A_1005 : memref<1x1x128xf32, #tpu.memory_space<vmem>>) target(%dma_start3A_1002 : memref<1x1x128xf32, #tpu.memory_space<hbm>>) target_semaphore(%arg18 : memref<!tpu.dma_semaphore, #tpu.memory_space<semaphore_mem>>)
        %add3A_1006 = arith.constant 1 : i32
        %add3A_1007 = arith.addi %while3A_908, %add3A_1006 : i32
        scf.yield %add3A_1007 : i32
      }
      %while3A_768 = arith.constant 1 : i32
      %while3A_769 = scf.for %while3A_907 = %while3A_765 to %while3A_761 step %while3A_768 iter_args(%while3A_908 = %while3A_767) -> (i32)  : i32 {
        %broadcast_in_dim3A_909 = vector.broadcast %while3A_907 : i32 to vector<16xi32>
        %gather3A_910 = tpu.vector_load_idx %arg9[%broadcast_in_dim3A_909] : memref<128xi32, #tpu.memory_space<vmem>>[vector<16xi32>], vector<16xi32>,
        %and3A_911 = arith.constant 127 : i32
        %and3A_912 = vector.broadcast %and3A_911 : i32 to vector<16xi32>
        %and3A_913 = arith.andi %gather3A_910, %and3A_912 : vector<16xi32>
        %slice3A_914 = vector.extract_strided_slice %gather3A_910 {offsets = [0], sizes = [1], strides = [1]} : vector<16xi32> to vector<1xi32>
        %squeeze3A_915 = vector.extract %slice3A_914[0] : i32 from vector<1xi32>
        %shift_right_arithmetic3A_916 = arith.constant 7 : i32
        %shift_right_arithmetic3A_917 = arith.shrsi %squeeze3A_915, %shift_right_arithmetic3A_916 : i32
        %jit3A_918 = arith.constant 0 : i32
        %jit3A_919 = arith.constant 16383 : i32
        %max3A_920 = arith.maxsi %jit3A_918, %shift_right_arithmetic3A_917 : i32
        %min3A_921 = arith.minsi %jit3A_919, %max3A_920 : i32
        %add3A_922 = arith.constant 0 : i32
        %add3A_923 = vector.broadcast %add3A_922 : i32 to vector<16xi32>
        %add3A_924 = arith.addi %add3A_923, %iota3A : vector<16xi32>
        %shift_right_arithmetic3A_925 = arith.constant 3 : i32
        %shift_right_arithmetic3A_926 = vector.broadcast %shift_right_arithmetic3A_925 : i32 to vector<16xi32>
        %shift_right_arithmetic3A_927 = arith.shrsi %add3A_924, %shift_right_arithmetic3A_926 : vector<16xi32>
        %add3A_928 = arith.constant 0 : i32
        %add3A_929 = vector.broadcast %add3A_928 : i32 to vector<16xi32>
        %add3A_930 = arith.addi %add3A_929, %iota3A : vector<16xi32>
        %and3A_931 = arith.constant 7 : i32
        %and3A_932 = vector.broadcast %and3A_931 : i32 to vector<16xi32>
        %and3A_933 = arith.andi %add3A_930, %and3A_932 : vector<16xi32>
        %gather3A_934 = tpu.vector_load_idx %arg13[%broadcast_in_dim3A_722, %shift_right_arithmetic3A_927, %and3A_933, %and3A_913] : memref<3x8x8x128xf32, #tpu.memory_space<vmem>>[vector<16xi32>, vector<16xi32>, vector<16xi32>, vector<16xi32>], vector<16xf32>,
        %swap3A_935 = arith.constant 0 : i32
        %swap3A_936 = arith.index_cast %while3A_908 : i32 to index
        %swap3A_937 = arith.index_cast %swap3A_935 : i32 to index
        %swap3A_938 = arith.constant 0 : index
        %swap3A_939 = tpu.vector_load %arg14[%swap3A_936, %swap3A_937, %swap3A_938] {strides = array<i32>} : memref<784x1x128xf32, #tpu.memory_space<vmem>>, vector<16xf32>,
        tpu.vector_store %arg14[%swap3A_936, %swap3A_937, %swap3A_938], %gather3A_934 {strides = array<i32>} : memref<784x1x128xf32, #tpu.memory_space<vmem>>, vector<16xf32>,
        %add3A_940 = arith.constant 16 : i32
        %add3A_941 = vector.broadcast %add3A_940 : i32 to vector<16xi32>
        %add3A_942 = arith.addi %add3A_941, %iota3A : vector<16xi32>
        %shift_right_arithmetic3A_943 = arith.constant 3 : i32
        %shift_right_arithmetic3A_944 = vector.broadcast %shift_right_arithmetic3A_943 : i32 to vector<16xi32>
        %shift_right_arithmetic3A_945 = arith.shrsi %add3A_942, %shift_right_arithmetic3A_944 : vector<16xi32>
        %add3A_946 = arith.constant 16 : i32
        %add3A_947 = vector.broadcast %add3A_946 : i32 to vector<16xi32>
        %add3A_948 = arith.addi %add3A_947, %iota3A : vector<16xi32>
        %and3A_949 = arith.constant 7 : i32
        %and3A_950 = vector.broadcast %and3A_949 : i32 to vector<16xi32>
        %and3A_951 = arith.andi %add3A_948, %and3A_950 : vector<16xi32>
        %gather3A_952 = tpu.vector_load_idx %arg13[%broadcast_in_dim3A_722, %shift_right_arithmetic3A_945, %and3A_951, %and3A_913] : memref<3x8x8x128xf32, #tpu.memory_space<vmem>>[vector<16xi32>, vector<16xi32>, vector<16xi32>, vector<16xi32>], vector<16xf32>,
        %swap3A_953 = arith.constant 0 : i32
        %swap3A_954 = arith.index_cast %while3A_908 : i32 to index
        %swap3A_955 = arith.index_cast %swap3A_953 : i32 to index
        %swap3A_956 = arith.constant 16 : index
        %swap3A_957 = tpu.vector_load %arg14[%swap3A_954, %swap3A_955, %swap3A_956] {strides = array<i32>} : memref<784x1x128xf32, #tpu.memory_space<vmem>>, vector<16xf32>,
        tpu.vector_store %arg14[%swap3A_954, %swap3A_955, %swap3A_956], %gather3A_952 {strides = array<i32>} : memref<784x1x128xf32, #tpu.memory_space<vmem>>, vector<16xf32>,
        %add3A_958 = arith.constant 32 : i32
        %add3A_959 = vector.broadcast %add3A_958 : i32 to vector<16xi32>
        %add3A_960 = arith.addi %add3A_959, %iota3A : vector<16xi32>
        %shift_right_arithmetic3A_961 = arith.constant 3 : i32
        %shift_right_arithmetic3A_962 = vector.broadcast %shift_right_arithmetic3A_961 : i32 to vector<16xi32>
        %shift_right_arithmetic3A_963 = arith.shrsi %add3A_960, %shift_right_arithmetic3A_962 : vector<16xi32>
        %add3A_964 = arith.constant 32 : i32
        %add3A_965 = vector.broadcast %add3A_964 : i32 to vector<16xi32>
        %add3A_966 = arith.addi %add3A_965, %iota3A : vector<16xi32>
        %and3A_967 = arith.constant 7 : i32
        %and3A_968 = vector.broadcast %and3A_967 : i32 to vector<16xi32>
        %and3A_969 = arith.andi %add3A_966, %and3A_968 : vector<16xi32>
        %gather3A_970 = tpu.vector_load_idx %arg13[%broadcast_in_dim3A_722, %shift_right_arithmetic3A_963, %and3A_969, %and3A_913] : memref<3x8x8x128xf32, #tpu.memory_space<vmem>>[vector<16xi32>, vector<16xi32>, vector<16xi32>, vector<16xi32>], vector<16xf32>,
        %swap3A_971 = arith.constant 0 : i32
        %swap3A_972 = arith.index_cast %while3A_908 : i32 to index
        %swap3A_973 = arith.index_cast %swap3A_971 : i32 to index
        %swap3A_974 = arith.constant 32 : index
        %swap3A_975 = tpu.vector_load %arg14[%swap3A_972, %swap3A_973, %swap3A_974] {strides = array<i32>} : memref<784x1x128xf32, #tpu.memory_space<vmem>>, vector<16xf32>,
        tpu.vector_store %arg14[%swap3A_972, %swap3A_973, %swap3A_974], %gather3A_970 {strides = array<i32>} : memref<784x1x128xf32, #tpu.memory_space<vmem>>, vector<16xf32>,
        %add3A_976 = arith.constant 48 : i32
        %add3A_977 = vector.broadcast %add3A_976 : i32 to vector<16xi32>
        %add3A_978 = arith.addi %add3A_977, %iota3A : vector<16xi32>
        %shift_right_arithmetic3A_979 = arith.constant 3 : i32
        %shift_right_arithmetic3A_980 = vector.broadcast %shift_right_arithmetic3A_979 : i32 to vector<16xi32>
        %shift_right_arithmetic3A_981 = arith.shrsi %add3A_978, %shift_right_arithmetic3A_980 : vector<16xi32>
        %add3A_982 = arith.constant 48 : i32
        %add3A_983 = vector.broadcast %add3A_982 : i32 to vector<16xi32>
        %add3A_984 = arith.addi %add3A_983, %iota3A : vector<16xi32>
        %and3A_985 = arith.constant 7 : i32
        %and3A_986 = vector.broadcast %and3A_985 : i32 to vector<16xi32>
        %and3A_987 = arith.andi %add3A_984, %and3A_986 : vector<16xi32>
        %gather3A_988 = tpu.vector_load_idx %arg13[%broadcast_in_dim3A_722, %shift_right_arithmetic3A_981, %and3A_987, %and3A_913] : memref<3x8x8x128xf32, #tpu.memory_space<vmem>>[vector<16xi32>, vector<16xi32>, vector<16xi32>, vector<16xi32>], vector<16xf32>,
        %swap3A_989 = arith.constant 0 : i32
        %swap3A_990 = arith.index_cast %while3A_908 : i32 to index
        %swap3A_991 = arith.index_cast %swap3A_989 : i32 to index
        %swap3A_992 = arith.constant 48 : index
        %swap3A_993 = tpu.vector_load %arg14[%swap3A_990, %swap3A_991, %swap3A_992] {strides = array<i32>} : memref<784x1x128xf32, #tpu.memory_space<vmem>>, vector<16xf32>,
        tpu.vector_store %arg14[%swap3A_990, %swap3A_991, %swap3A_992], %gather3A_988 {strides = array<i32>} : memref<784x1x128xf32, #tpu.memory_space<vmem>>, vector<16xf32>,
        %dma_start3A_994 = arith.constant 0 : i32
        %dma_start3A_995 = arith.constant 0 : i32
        %dma_start3A_996 = tpu.memref_slice %arg14[%while3A_908, %dma_start3A_994, %dma_start3A_995] : memref<784x1x128xf32, #tpu.memory_space<vmem>> -> memref<1x1x128xf32, #tpu.memory_space<vmem>>
        %dma_start3A_997 = arith.constant 0 : i32
        %dma_start3A_998 = arith.constant 0 : i32
        %dma_start3A_999 = tpu.memref_slice %arg4[%min3A_921, %dma_start3A_997, %dma_start3A_998] : memref<16384x1x128xf32, #tpu.memory_space<hbm>> -> memref<1x1x128xf32, #tpu.memory_space<hbm>>
        %dma_start3A_1000 = arith.constant 0 : i32
        %dma_start3A_1001 = arith.constant 0 : i32
        %dma_start3A_1002 = tpu.memref_slice %arg4[%min3A_921, %dma_start3A_1000, %dma_start3A_1001] : memref<16384x1x128xf32, #tpu.memory_space<hbm>> -> memref<1x1x128xf32, #tpu.memory_space<hbm>>
        %dma_start3A_1003 = arith.constant 0 : i32
        %dma_start3A_1004 = arith.constant 0 : i32
        %dma_start3A_1005 = tpu.memref_slice %arg14[%while3A_908, %dma_start3A_1003, %dma_start3A_1004] : memref<784x1x128xf32, #tpu.memory_space<vmem>> -> memref<1x1x128xf32, #tpu.memory_space<vmem>>
        tpu.enqueue_dma source(%dma_start3A_1005 : memref<1x1x128xf32, #tpu.memory_space<vmem>>) target(%dma_start3A_1002 : memref<1x1x128xf32, #tpu.memory_space<hbm>>) target_semaphore(%arg18 : memref<!tpu.dma_semaphore, #tpu.memory_space<semaphore_mem>>)
        %add3A_1006 = arith.constant 1 : i32
        %add3A_1007 = arith.addi %while3A_908, %add3A_1006 : i32
        scf.yield %add3A_1007 : i32
      }
      %add3A_770 = arith.constant 3 : i32
      %add3A_771 = arith.addi %add3A_698, %add3A_770 : i32
      %min3A_772 = arith.minsi %add3A_771, %max3A_400 : i32
      %broadcast_in_dim3A_773 = vector.broadcast %min3A_772 : i32 to vector<16xi32>
      %gather3A_774 = tpu.vector_load_idx %arg12[%broadcast_in_dim3A_773] : memref<272xi32, #tpu.memory_space<vmem>>[vector<16xi32>], vector<16xi32>,
      %slice3A_775 = vector.extract_strided_slice %gather3A_774 {offsets = [0], sizes = [1], strides = [1]} : vector<16xi32> to vector<1xi32>
      %squeeze3A_776 = vector.extract %slice3A_775[0] : i32 from vector<1xi32>
      %jit3A_777 = arith.constant 0 : i32
      %jit3A_778 = arith.constant 7812 : i32
      %max3A_779 = arith.maxsi %jit3A_777, %squeeze3A_776 : i32
      %min3A_780 = arith.minsi %jit3A_778, %max3A_779 : i32
      %mul3A_781 = arith.constant 128 : i32
      %mul3A_782 = arith.muli %min3A_780, %mul3A_781 : i32
      %multiple_of3A_783 = tpu.assume_multiple %mul3A_782, 128 : i32
      %dma_start3A_784 = arith.constant 1 : i32
      %dma_start3A_785 = arith.constant 0 : i32
      %dma_start3A_786 = arith.constant 0 : i32
      %dma_start3A_787 = arith.constant 0 : i32
      %dma_start3A_788 = tpu.memref_slice %arg13[%dma_start3A_784, %dma_start3A_785, %dma_start3A_786, %dma_start3A_787] : memref<3x8x8x128xf32, #tpu.memory_space<vmem>> -> memref<1x8x8x128xf32, #tpu.memory_space<vmem>>
      %dma_start3A_789 = tpu.memref_squeeze %dma_start3A_788 : memref<1x8x8x128xf32, #tpu.memory_space<vmem>> -> memref<8x8x128xf32, #tpu.memory_space<vmem>>
      %dma_start3A_790 = arith.constant 0 : i32
      %dma_start3A_791 = arith.constant 0 : i32
      %dma_start3A_792 = tpu.memref_slice %arg3[%dma_start3A_790, %dma_start3A_791, %multiple_of3A_783] : memref<8x8x1000000xf32, #tpu.memory_space<hbm>> -> memref<8x8x128xf32, #tpu.memory_space<hbm>>
      %dma_start3A_793 = arith.constant 0 : i32
      %dma_start3A_794 = arith.constant 0 : i32
      %dma_start3A_795 = arith.constant 0 : i32
      %dma_start3A_796 = tpu.memref_slice %arg13[%dma_start3A_784, %dma_start3A_793, %dma_start3A_794, %dma_start3A_795] : memref<3x8x8x128xf32, #tpu.memory_space<vmem>> -> memref<1x8x8x128xf32, #tpu.memory_space<vmem>>
      %dma_start3A_797 = tpu.memref_squeeze %dma_start3A_796 : memref<1x8x8x128xf32, #tpu.memory_space<vmem>> -> memref<8x8x128xf32, #tpu.memory_space<vmem>>
      %dma_start3A_798 = arith.constant 0 : i32
      %dma_start3A_799 = arith.constant 0 : i32
      %dma_start3A_800 = tpu.memref_slice %arg3[%dma_start3A_798, %dma_start3A_799, %multiple_of3A_783] : memref<8x8x1000000xf32, #tpu.memory_space<hbm>> -> memref<8x8x128xf32, #tpu.memory_space<hbm>>
      tpu.enqueue_dma source(%dma_start3A_800 : memref<8x8x128xf32, #tpu.memory_space<hbm>>) target(%dma_start3A_797 : memref<8x8x128xf32, #tpu.memory_space<vmem>>) target_semaphore(%arg16 : memref<!tpu.dma_semaphore, #tpu.memory_space<semaphore_mem>>)
      %mul3A_801 = arith.constant 3 : i32
      %mul3A_802 = arith.muli %while3A_587, %mul3A_801 : i32
      %add3A_803 = arith.constant 2 : i32
      %add3A_804 = arith.addi %mul3A_802, %add3A_803 : i32
      %dma_wait3A_805 = arith.constant 2 : i32
      %dma_wait3A_806 = arith.constant 0 : i32
      %dma_wait3A_807 = arith.constant 0 : i32
      %dma_wait3A_808 = arith.constant 0 : i32
      %dma_wait3A_809 = tpu.memref_slice %arg13[%dma_wait3A_805, %dma_wait3A_806, %dma_wait3A_807, %dma_wait3A_808] : memref<3x8x8x128xf32, #tpu.memory_space<vmem>> -> memref<1x8x8x128xf32, #tpu.memory_space<vmem>>
      %dma_wait3A_810 = tpu.memref_squeeze %dma_wait3A_809 : memref<1x8x8x128xf32, #tpu.memory_space<vmem>> -> memref<8x8x128xf32, #tpu.memory_space<vmem>>
      %dma_wait3A_811 = arith.constant 0 : i32
      %dma_wait3A_812 = arith.constant 0 : i32
      %dma_wait3A_813 = arith.constant 0 : i32
      %dma_wait3A_814 = tpu.memref_slice %arg3[%dma_wait3A_811, %dma_wait3A_812, %dma_wait3A_813] : memref<8x8x1000000xf32, #tpu.memory_space<hbm>> -> memref<8x8x128xf32, #tpu.memory_space<hbm>>
      %dma_wait3A_815 = arith.constant 0 : i32
      %dma_wait3A_816 = arith.constant 0 : i32
      %dma_wait3A_817 = arith.constant 0 : i32
      %dma_wait3A_818 = tpu.memref_slice %arg13[%dma_wait3A_805, %dma_wait3A_815, %dma_wait3A_816, %dma_wait3A_817] : memref<3x8x8x128xf32, #tpu.memory_space<vmem>> -> memref<1x8x8x128xf32, #tpu.memory_space<vmem>>
      %dma_wait3A_819 = tpu.memref_squeeze %dma_wait3A_818 : memref<1x8x8x128xf32, #tpu.memory_space<vmem>> -> memref<8x8x128xf32, #tpu.memory_space<vmem>>
      %dma_wait3A_820 = arith.constant 0 : i32
      %dma_wait3A_821 = arith.constant 0 : i32
      %dma_wait3A_822 = arith.constant 0 : i32
      %dma_wait3A_823 = tpu.memref_slice %arg3[%dma_wait3A_820, %dma_wait3A_821, %dma_wait3A_822] : memref<8x8x1000000xf32, #tpu.memory_space<hbm>> -> memref<8x8x128xf32, #tpu.memory_space<hbm>>
      tpu.wait_dma2 semaphore(%arg17 : memref<!tpu.dma_semaphore, #tpu.memory_space<semaphore_mem>>) src(%dma_wait3A_823 : memref<8x8x128xf32, #tpu.memory_space<hbm>>) dst(%dma_wait3A_819 : memref<8x8x128xf32, #tpu.memory_space<vmem>>)
      %min3A_824 = arith.minsi %add3A_804, %max3A_400 : i32
      %broadcast_in_dim3A_825 = vector.broadcast %min3A_824 : i32 to vector<16xi32>
      %gather3A_826 = tpu.vector_load_idx %arg12[%broadcast_in_dim3A_825] : memref<272xi32, #tpu.memory_space<vmem>>[vector<16xi32>], vector<16xi32>,
      %broadcast_in_dim3A_827 = arith.constant 2 : i32
      %broadcast_in_dim3A_828 = vector.broadcast %broadcast_in_dim3A_827 : i32 to vector<16xi32>
      %slice3A_829 = vector.extract_strided_slice %gather3A_826 {offsets = [0], sizes = [1], strides = [1]} : vector<16xi32> to vector<1xi32>
      %squeeze3A_830 = vector.extract %slice3A_829[0] : i32 from vector<1xi32>
      %sub3A_831 = arith.constant 1 : i32
      %sub3A_832 = arith.subi %min3A_5, %sub3A_831 : i32
      %max3A_833 = arith.maxsi %mul3A_2, %squeeze3A_830 : i32
      %min3A_834 = arith.minsi %sub3A_832, %max3A_833 : i32
      %sub3A_835 = arith.subi %min3A_834, %mul3A_2 : i32
      %shift_right_arithmetic3A_836 = arith.constant 4 : i32
      %shift_right_arithmetic3A_837 = arith.shrsi %sub3A_835, %shift_right_arithmetic3A_836 : i32
      %broadcast_in_dim3A_838 = vector.broadcast %shift_right_arithmetic3A_837 : i32 to vector<16xi32>
      %gather3A_839 = tpu.vector_load_idx %arg10[%broadcast_in_dim3A_838] : memref<32xi32, #tpu.memory_space<vmem>>[vector<16xi32>], vector<16xi32>,
      %slice3A_840 = vector.extract_strided_slice %gather3A_839 {offsets = [0], sizes = [1], strides = [1]} : vector<16xi32> to vector<1xi32>
      %squeeze3A_841 = vector.extract %slice3A_840[0] : i32 from vector<1xi32>
      %add3A_842 = arith.constant 1 : i32
      %add3A_843 = arith.addi %shift_right_arithmetic3A_837, %add3A_842 : i32
      %broadcast_in_dim3A_844 = vector.broadcast %add3A_843 : i32 to vector<16xi32>
      %gather3A_845 = tpu.vector_load_idx %arg10[%broadcast_in_dim3A_844] : memref<32xi32, #tpu.memory_space<vmem>>[vector<16xi32>], vector<16xi32>,
      %slice3A_846 = vector.extract_strided_slice %gather3A_845 {offsets = [0], sizes = [1], strides = [1]} : vector<16xi32> to vector<1xi32>
      %squeeze3A_847 = vector.extract %slice3A_846[0] : i32 from vector<1xi32>
      %shift_right_arithmetic3A_848 = arith.constant 4 : i32
      %shift_right_arithmetic3A_849 = arith.shrsi %squeeze3A_841, %shift_right_arithmetic3A_848 : i32
      %add3A_850 = arith.constant 15 : i32
      %add3A_851 = arith.addi %squeeze3A_847, %add3A_850 : i32
      %shift_right_arithmetic3A_852 = arith.constant 4 : i32
      %shift_right_arithmetic3A_853 = arith.shrsi %add3A_851, %shift_right_arithmetic3A_852 : i32
      %while3A_854 = arith.constant 0 : i32
      %while3A_855 = arith.subi %shift_right_arithmetic3A_853, %shift_right_arithmetic3A_849 : i32
      %while3A_856 = arith.addi %shift_right_arithmetic3A_849, %while3A_855 : i32
      %while3A_857 = arith.constant 1 : i32
      %while3A_858 = arith.divsi %while3A_855, %while3A_857 : i32
      %while3A_859 = arith.muli %while3A_858, %while3A_857 : i32
      %while3A_860 = arith.addi %shift_right_arithmetic3A_849, %while3A_859 : i32
      %while3A_861 = arith.constant 1 : i32
      %while3A_862 = scf.for %while3A_907 = %shift_right_arithmetic3A_849 to %while3A_860 step %while3A_861 iter_args(%while3A_908 = %while3A_854) -> (i32)  : i32 {
        %mul3A_909 = arith.constant 16 : i32
        %mul3A_910 = arith.muli %while3A_907, %mul3A_909 : i32
        %get3A = arith.index_cast %mul3A_910 : i32 to index
        %get3A_911 = tpu.vector_load %arg7[%get3A] {strides = array<i32>} : memref<800xi32, #tpu.memory_space<vmem>>, vector<16xi32>,
        %eq3A_912 = arith.cmpi eq, %get3A_911, %gather3A_826 : vector<16xi32>
        %mul3A_913 = arith.constant 16 : i32
        %mul3A_914 = arith.muli %while3A_907, %mul3A_913 : i32
        %get3A_915 = arith.index_cast %mul3A_914 : i32 to index
        %get3A_916 = tpu.vector_load %arg8[%get3A_915] {strides = array<i32>} : memref<800xi32, #tpu.memory_space<vmem>>, vector<16xi32>,
        %swap3A_917 = arith.index_cast %while3A_908 : i32 to index
        %swap3A_918 = tpu.vector_load %arg9[%swap3A_917] masked %eq3A_912 {strides = array<i32>} : memref<128xi32, #tpu.memory_space<vmem>>, vector<16xi32>, vector<16xi1>
        tpu.vector_store %arg9[%swap3A_917], %get3A_916 masked %eq3A_912 {strides = array<i32>} : memref<128xi32, #tpu.memory_space<vmem>>, vector<16xi32>, vector<16xi1>
        %all_reduce_population_count3A = tpu.all_reduce %eq3A_912 {dim = 0 : i64, kind = #tpu.reduction_kind<sum>} : vector<16xi1> -> vector<16xi32>
        %slice3A_919 = vector.extract_strided_slice %all_reduce_population_count3A {offsets = [0], sizes = [1], strides = [1]} : vector<16xi32> to vector<1xi32>
        %squeeze3A_920 = vector.extract %slice3A_919[0] : i32 from vector<1xi32>
        %add3A_921 = arith.addi %while3A_908, %squeeze3A_920 : i32
        scf.yield %add3A_921 : i32
      }
      %while3A_863 = arith.constant 1 : i32
      %while3A_864 = scf.for %while3A_907 = %while3A_860 to %while3A_856 step %while3A_863 iter_args(%while3A_908 = %while3A_862) -> (i32)  : i32 {
        %mul3A_909 = arith.constant 16 : i32
        %mul3A_910 = arith.muli %while3A_907, %mul3A_909 : i32
        %get3A = arith.index_cast %mul3A_910 : i32 to index
        %get3A_911 = tpu.vector_load %arg7[%get3A] {strides = array<i32>} : memref<800xi32, #tpu.memory_space<vmem>>, vector<16xi32>,
        %eq3A_912 = arith.cmpi eq, %get3A_911, %gather3A_826 : vector<16xi32>
        %mul3A_913 = arith.constant 16 : i32
        %mul3A_914 = arith.muli %while3A_907, %mul3A_913 : i32
        %get3A_915 = arith.index_cast %mul3A_914 : i32 to index
        %get3A_916 = tpu.vector_load %arg8[%get3A_915] {strides = array<i32>} : memref<800xi32, #tpu.memory_space<vmem>>, vector<16xi32>,
        %swap3A_917 = arith.index_cast %while3A_908 : i32 to index
        %swap3A_918 = tpu.vector_load %arg9[%swap3A_917] masked %eq3A_912 {strides = array<i32>} : memref<128xi32, #tpu.memory_space<vmem>>, vector<16xi32>, vector<16xi1>
        tpu.vector_store %arg9[%swap3A_917], %get3A_916 masked %eq3A_912 {strides = array<i32>} : memref<128xi32, #tpu.memory_space<vmem>>, vector<16xi32>, vector<16xi1>
        %all_reduce_population_count3A = tpu.all_reduce %eq3A_912 {dim = 0 : i64, kind = #tpu.reduction_kind<sum>} : vector<16xi1> -> vector<16xi32>
        %slice3A_919 = vector.extract_strided_slice %all_reduce_population_count3A {offsets = [0], sizes = [1], strides = [1]} : vector<16xi32> to vector<1xi32>
        %squeeze3A_920 = vector.extract %slice3A_919[0] : i32 from vector<1xi32>
        %add3A_921 = arith.addi %while3A_908, %squeeze3A_920 : i32
        scf.yield %add3A_921 : i32
      }
      %while3A_865 = arith.constant 0 : i32
      %while3A_866 = arith.subi %while3A_864, %while3A_865 : i32
      %while3A_867 = arith.addi %while3A_865, %while3A_866 : i32
      %while3A_868 = arith.constant 1 : i32
      %while3A_869 = arith.divsi %while3A_866, %while3A_868 : i32
      %while3A_870 = arith.muli %while3A_869, %while3A_868 : i32
      %while3A_871 = arith.addi %while3A_865, %while3A_870 : i32
      %while3A_872 = arith.constant 1 : i32
      %while3A_873 = scf.for %while3A_907 = %while3A_865 to %while3A_871 step %while3A_872 iter_args(%while3A_908 = %while3A_769) -> (i32)  : i32 {
        %broadcast_in_dim3A_909 = vector.broadcast %while3A_907 : i32 to vector<16xi32>
        %gather3A_910 = tpu.vector_load_idx %arg9[%broadcast_in_dim3A_909] : memref<128xi32, #tpu.memory_space<vmem>>[vector<16xi32>], vector<16xi32>,
        %and3A_911 = arith.constant 127 : i32
        %and3A_912 = vector.broadcast %and3A_911 : i32 to vector<16xi32>
        %and3A_913 = arith.andi %gather3A_910, %and3A_912 : vector<16xi32>
        %slice3A_914 = vector.extract_strided_slice %gather3A_910 {offsets = [0], sizes = [1], strides = [1]} : vector<16xi32> to vector<1xi32>
        %squeeze3A_915 = vector.extract %slice3A_914[0] : i32 from vector<1xi32>
        %shift_right_arithmetic3A_916 = arith.constant 7 : i32
        %shift_right_arithmetic3A_917 = arith.shrsi %squeeze3A_915, %shift_right_arithmetic3A_916 : i32
        %jit3A_918 = arith.constant 0 : i32
        %jit3A_919 = arith.constant 16383 : i32
        %max3A_920 = arith.maxsi %jit3A_918, %shift_right_arithmetic3A_917 : i32
        %min3A_921 = arith.minsi %jit3A_919, %max3A_920 : i32
        %add3A_922 = arith.constant 0 : i32
        %add3A_923 = vector.broadcast %add3A_922 : i32 to vector<16xi32>
        %add3A_924 = arith.addi %add3A_923, %iota3A : vector<16xi32>
        %shift_right_arithmetic3A_925 = arith.constant 3 : i32
        %shift_right_arithmetic3A_926 = vector.broadcast %shift_right_arithmetic3A_925 : i32 to vector<16xi32>
        %shift_right_arithmetic3A_927 = arith.shrsi %add3A_924, %shift_right_arithmetic3A_926 : vector<16xi32>
        %add3A_928 = arith.constant 0 : i32
        %add3A_929 = vector.broadcast %add3A_928 : i32 to vector<16xi32>
        %add3A_930 = arith.addi %add3A_929, %iota3A : vector<16xi32>
        %and3A_931 = arith.constant 7 : i32
        %and3A_932 = vector.broadcast %and3A_931 : i32 to vector<16xi32>
        %and3A_933 = arith.andi %add3A_930, %and3A_932 : vector<16xi32>
        %gather3A_934 = tpu.vector_load_idx %arg13[%broadcast_in_dim3A_828, %shift_right_arithmetic3A_927, %and3A_933, %and3A_913] : memref<3x8x8x128xf32, #tpu.memory_space<vmem>>[vector<16xi32>, vector<16xi32>, vector<16xi32>, vector<16xi32>], vector<16xf32>,
        %swap3A_935 = arith.constant 0 : i32
        %swap3A_936 = arith.index_cast %while3A_908 : i32 to index
        %swap3A_937 = arith.index_cast %swap3A_935 : i32 to index
        %swap3A_938 = arith.constant 0 : index
        %swap3A_939 = tpu.vector_load %arg14[%swap3A_936, %swap3A_937, %swap3A_938] {strides = array<i32>} : memref<784x1x128xf32, #tpu.memory_space<vmem>>, vector<16xf32>,
        tpu.vector_store %arg14[%swap3A_936, %swap3A_937, %swap3A_938], %gather3A_934 {strides = array<i32>} : memref<784x1x128xf32, #tpu.memory_space<vmem>>, vector<16xf32>,
        %add3A_940 = arith.constant 16 : i32
        %add3A_941 = vector.broadcast %add3A_940 : i32 to vector<16xi32>
        %add3A_942 = arith.addi %add3A_941, %iota3A : vector<16xi32>
        %shift_right_arithmetic3A_943 = arith.constant 3 : i32
        %shift_right_arithmetic3A_944 = vector.broadcast %shift_right_arithmetic3A_943 : i32 to vector<16xi32>
        %shift_right_arithmetic3A_945 = arith.shrsi %add3A_942, %shift_right_arithmetic3A_944 : vector<16xi32>
        %add3A_946 = arith.constant 16 : i32
        %add3A_947 = vector.broadcast %add3A_946 : i32 to vector<16xi32>
        %add3A_948 = arith.addi %add3A_947, %iota3A : vector<16xi32>
        %and3A_949 = arith.constant 7 : i32
        %and3A_950 = vector.broadcast %and3A_949 : i32 to vector<16xi32>
        %and3A_951 = arith.andi %add3A_948, %and3A_950 : vector<16xi32>
        %gather3A_952 = tpu.vector_load_idx %arg13[%broadcast_in_dim3A_828, %shift_right_arithmetic3A_945, %and3A_951, %and3A_913] : memref<3x8x8x128xf32, #tpu.memory_space<vmem>>[vector<16xi32>, vector<16xi32>, vector<16xi32>, vector<16xi32>], vector<16xf32>,
        %swap3A_953 = arith.constant 0 : i32
        %swap3A_954 = arith.index_cast %while3A_908 : i32 to index
        %swap3A_955 = arith.index_cast %swap3A_953 : i32 to index
        %swap3A_956 = arith.constant 16 : index
        %swap3A_957 = tpu.vector_load %arg14[%swap3A_954, %swap3A_955, %swap3A_956] {strides = array<i32>} : memref<784x1x128xf32, #tpu.memory_space<vmem>>, vector<16xf32>,
        tpu.vector_store %arg14[%swap3A_954, %swap3A_955, %swap3A_956], %gather3A_952 {strides = array<i32>} : memref<784x1x128xf32, #tpu.memory_space<vmem>>, vector<16xf32>,
        %add3A_958 = arith.constant 32 : i32
        %add3A_959 = vector.broadcast %add3A_958 : i32 to vector<16xi32>
        %add3A_960 = arith.addi %add3A_959, %iota3A : vector<16xi32>
        %shift_right_arithmetic3A_961 = arith.constant 3 : i32
        %shift_right_arithmetic3A_962 = vector.broadcast %shift_right_arithmetic3A_961 : i32 to vector<16xi32>
        %shift_right_arithmetic3A_963 = arith.shrsi %add3A_960, %shift_right_arithmetic3A_962 : vector<16xi32>
        %add3A_964 = arith.constant 32 : i32
        %add3A_965 = vector.broadcast %add3A_964 : i32 to vector<16xi32>
        %add3A_966 = arith.addi %add3A_965, %iota3A : vector<16xi32>
        %and3A_967 = arith.constant 7 : i32
        %and3A_968 = vector.broadcast %and3A_967 : i32 to vector<16xi32>
        %and3A_969 = arith.andi %add3A_966, %and3A_968 : vector<16xi32>
        %gather3A_970 = tpu.vector_load_idx %arg13[%broadcast_in_dim3A_828, %shift_right_arithmetic3A_963, %and3A_969, %and3A_913] : memref<3x8x8x128xf32, #tpu.memory_space<vmem>>[vector<16xi32>, vector<16xi32>, vector<16xi32>, vector<16xi32>], vector<16xf32>,
        %swap3A_971 = arith.constant 0 : i32
        %swap3A_972 = arith.index_cast %while3A_908 : i32 to index
        %swap3A_973 = arith.index_cast %swap3A_971 : i32 to index
        %swap3A_974 = arith.constant 32 : index
        %swap3A_975 = tpu.vector_load %arg14[%swap3A_972, %swap3A_973, %swap3A_974] {strides = array<i32>} : memref<784x1x128xf32, #tpu.memory_space<vmem>>, vector<16xf32>,
        tpu.vector_store %arg14[%swap3A_972, %swap3A_973, %swap3A_974], %gather3A_970 {strides = array<i32>} : memref<784x1x128xf32, #tpu.memory_space<vmem>>, vector<16xf32>,
        %add3A_976 = arith.constant 48 : i32
        %add3A_977 = vector.broadcast %add3A_976 : i32 to vector<16xi32>
        %add3A_978 = arith.addi %add3A_977, %iota3A : vector<16xi32>
        %shift_right_arithmetic3A_979 = arith.constant 3 : i32
        %shift_right_arithmetic3A_980 = vector.broadcast %shift_right_arithmetic3A_979 : i32 to vector<16xi32>
        %shift_right_arithmetic3A_981 = arith.shrsi %add3A_978, %shift_right_arithmetic3A_980 : vector<16xi32>
        %add3A_982 = arith.constant 48 : i32
        %add3A_983 = vector.broadcast %add3A_982 : i32 to vector<16xi32>
        %add3A_984 = arith.addi %add3A_983, %iota3A : vector<16xi32>
        %and3A_985 = arith.constant 7 : i32
        %and3A_986 = vector.broadcast %and3A_985 : i32 to vector<16xi32>
        %and3A_987 = arith.andi %add3A_984, %and3A_986 : vector<16xi32>
        %gather3A_988 = tpu.vector_load_idx %arg13[%broadcast_in_dim3A_828, %shift_right_arithmetic3A_981, %and3A_987, %and3A_913] : memref<3x8x8x128xf32, #tpu.memory_space<vmem>>[vector<16xi32>, vector<16xi32>, vector<16xi32>, vector<16xi32>], vector<16xf32>,
        %swap3A_989 = arith.constant 0 : i32
        %swap3A_990 = arith.index_cast %while3A_908 : i32 to index
        %swap3A_991 = arith.index_cast %swap3A_989 : i32 to index
        %swap3A_992 = arith.constant 48 : index
        %swap3A_993 = tpu.vector_load %arg14[%swap3A_990, %swap3A_991, %swap3A_992] {strides = array<i32>} : memref<784x1x128xf32, #tpu.memory_space<vmem>>, vector<16xf32>,
        tpu.vector_store %arg14[%swap3A_990, %swap3A_991, %swap3A_992], %gather3A_988 {strides = array<i32>} : memref<784x1x128xf32, #tpu.memory_space<vmem>>, vector<16xf32>,
        %dma_start3A_994 = arith.constant 0 : i32
        %dma_start3A_995 = arith.constant 0 : i32
        %dma_start3A_996 = tpu.memref_slice %arg14[%while3A_908, %dma_start3A_994, %dma_start3A_995] : memref<784x1x128xf32, #tpu.memory_space<vmem>> -> memref<1x1x128xf32, #tpu.memory_space<vmem>>
        %dma_start3A_997 = arith.constant 0 : i32
        %dma_start3A_998 = arith.constant 0 : i32
        %dma_start3A_999 = tpu.memref_slice %arg4[%min3A_921, %dma_start3A_997, %dma_start3A_998] : memref<16384x1x128xf32, #tpu.memory_space<hbm>> -> memref<1x1x128xf32, #tpu.memory_space<hbm>>
        %dma_start3A_1000 = arith.constant 0 : i32
        %dma_start3A_1001 = arith.constant 0 : i32
        %dma_start3A_1002 = tpu.memref_slice %arg4[%min3A_921, %dma_start3A_1000, %dma_start3A_1001] : memref<16384x1x128xf32, #tpu.memory_space<hbm>> -> memref<1x1x128xf32, #tpu.memory_space<hbm>>
        %dma_start3A_1003 = arith.constant 0 : i32
        %dma_start3A_1004 = arith.constant 0 : i32
        %dma_start3A_1005 = tpu.memref_slice %arg14[%while3A_908, %dma_start3A_1003, %dma_start3A_1004] : memref<784x1x128xf32, #tpu.memory_space<vmem>> -> memref<1x1x128xf32, #tpu.memory_space<vmem>>
        tpu.enqueue_dma source(%dma_start3A_1005 : memref<1x1x128xf32, #tpu.memory_space<vmem>>) target(%dma_start3A_1002 : memref<1x1x128xf32, #tpu.memory_space<hbm>>) target_semaphore(%arg18 : memref<!tpu.dma_semaphore, #tpu.memory_space<semaphore_mem>>)
        %add3A_1006 = arith.constant 1 : i32
        %add3A_1007 = arith.addi %while3A_908, %add3A_1006 : i32
        scf.yield %add3A_1007 : i32
      }
      %while3A_874 = arith.constant 1 : i32
      %while3A_875 = scf.for %while3A_907 = %while3A_871 to %while3A_867 step %while3A_874 iter_args(%while3A_908 = %while3A_873) -> (i32)  : i32 {
        %broadcast_in_dim3A_909 = vector.broadcast %while3A_907 : i32 to vector<16xi32>
        %gather3A_910 = tpu.vector_load_idx %arg9[%broadcast_in_dim3A_909] : memref<128xi32, #tpu.memory_space<vmem>>[vector<16xi32>], vector<16xi32>,
        %and3A_911 = arith.constant 127 : i32
        %and3A_912 = vector.broadcast %and3A_911 : i32 to vector<16xi32>
        %and3A_913 = arith.andi %gather3A_910, %and3A_912 : vector<16xi32>
        %slice3A_914 = vector.extract_strided_slice %gather3A_910 {offsets = [0], sizes = [1], strides = [1]} : vector<16xi32> to vector<1xi32>
        %squeeze3A_915 = vector.extract %slice3A_914[0] : i32 from vector<1xi32>
        %shift_right_arithmetic3A_916 = arith.constant 7 : i32
        %shift_right_arithmetic3A_917 = arith.shrsi %squeeze3A_915, %shift_right_arithmetic3A_916 : i32
        %jit3A_918 = arith.constant 0 : i32
        %jit3A_919 = arith.constant 16383 : i32
        %max3A_920 = arith.maxsi %jit3A_918, %shift_right_arithmetic3A_917 : i32
        %min3A_921 = arith.minsi %jit3A_919, %max3A_920 : i32
        %add3A_922 = arith.constant 0 : i32
        %add3A_923 = vector.broadcast %add3A_922 : i32 to vector<16xi32>
        %add3A_924 = arith.addi %add3A_923, %iota3A : vector<16xi32>
        %shift_right_arithmetic3A_925 = arith.constant 3 : i32
        %shift_right_arithmetic3A_926 = vector.broadcast %shift_right_arithmetic3A_925 : i32 to vector<16xi32>
        %shift_right_arithmetic3A_927 = arith.shrsi %add3A_924, %shift_right_arithmetic3A_926 : vector<16xi32>
        %add3A_928 = arith.constant 0 : i32
        %add3A_929 = vector.broadcast %add3A_928 : i32 to vector<16xi32>
        %add3A_930 = arith.addi %add3A_929, %iota3A : vector<16xi32>
        %and3A_931 = arith.constant 7 : i32
        %and3A_932 = vector.broadcast %and3A_931 : i32 to vector<16xi32>
        %and3A_933 = arith.andi %add3A_930, %and3A_932 : vector<16xi32>
        %gather3A_934 = tpu.vector_load_idx %arg13[%broadcast_in_dim3A_828, %shift_right_arithmetic3A_927, %and3A_933, %and3A_913] : memref<3x8x8x128xf32, #tpu.memory_space<vmem>>[vector<16xi32>, vector<16xi32>, vector<16xi32>, vector<16xi32>], vector<16xf32>,
        %swap3A_935 = arith.constant 0 : i32
        %swap3A_936 = arith.index_cast %while3A_908 : i32 to index
        %swap3A_937 = arith.index_cast %swap3A_935 : i32 to index
        %swap3A_938 = arith.constant 0 : index
        %swap3A_939 = tpu.vector_load %arg14[%swap3A_936, %swap3A_937, %swap3A_938] {strides = array<i32>} : memref<784x1x128xf32, #tpu.memory_space<vmem>>, vector<16xf32>,
        tpu.vector_store %arg14[%swap3A_936, %swap3A_937, %swap3A_938], %gather3A_934 {strides = array<i32>} : memref<784x1x128xf32, #tpu.memory_space<vmem>>, vector<16xf32>,
        %add3A_940 = arith.constant 16 : i32
        %add3A_941 = vector.broadcast %add3A_940 : i32 to vector<16xi32>
        %add3A_942 = arith.addi %add3A_941, %iota3A : vector<16xi32>
        %shift_right_arithmetic3A_943 = arith.constant 3 : i32
        %shift_right_arithmetic3A_944 = vector.broadcast %shift_right_arithmetic3A_943 : i32 to vector<16xi32>
        %shift_right_arithmetic3A_945 = arith.shrsi %add3A_942, %shift_right_arithmetic3A_944 : vector<16xi32>
        %add3A_946 = arith.constant 16 : i32
        %add3A_947 = vector.broadcast %add3A_946 : i32 to vector<16xi32>
        %add3A_948 = arith.addi %add3A_947, %iota3A : vector<16xi32>
        %and3A_949 = arith.constant 7 : i32
        %and3A_950 = vector.broadcast %and3A_949 : i32 to vector<16xi32>
        %and3A_951 = arith.andi %add3A_948, %and3A_950 : vector<16xi32>
        %gather3A_952 = tpu.vector_load_idx %arg13[%broadcast_in_dim3A_828, %shift_right_arithmetic3A_945, %and3A_951, %and3A_913] : memref<3x8x8x128xf32, #tpu.memory_space<vmem>>[vector<16xi32>, vector<16xi32>, vector<16xi32>, vector<16xi32>], vector<16xf32>,
        %swap3A_953 = arith.constant 0 : i32
        %swap3A_954 = arith.index_cast %while3A_908 : i32 to index
        %swap3A_955 = arith.index_cast %swap3A_953 : i32 to index
        %swap3A_956 = arith.constant 16 : index
        %swap3A_957 = tpu.vector_load %arg14[%swap3A_954, %swap3A_955, %swap3A_956] {strides = array<i32>} : memref<784x1x128xf32, #tpu.memory_space<vmem>>, vector<16xf32>,
        tpu.vector_store %arg14[%swap3A_954, %swap3A_955, %swap3A_956], %gather3A_952 {strides = array<i32>} : memref<784x1x128xf32, #tpu.memory_space<vmem>>, vector<16xf32>,
        %add3A_958 = arith.constant 32 : i32
        %add3A_959 = vector.broadcast %add3A_958 : i32 to vector<16xi32>
        %add3A_960 = arith.addi %add3A_959, %iota3A : vector<16xi32>
        %shift_right_arithmetic3A_961 = arith.constant 3 : i32
        %shift_right_arithmetic3A_962 = vector.broadcast %shift_right_arithmetic3A_961 : i32 to vector<16xi32>
        %shift_right_arithmetic3A_963 = arith.shrsi %add3A_960, %shift_right_arithmetic3A_962 : vector<16xi32>
        %add3A_964 = arith.constant 32 : i32
        %add3A_965 = vector.broadcast %add3A_964 : i32 to vector<16xi32>
        %add3A_966 = arith.addi %add3A_965, %iota3A : vector<16xi32>
        %and3A_967 = arith.constant 7 : i32
        %and3A_968 = vector.broadcast %and3A_967 : i32 to vector<16xi32>
        %and3A_969 = arith.andi %add3A_966, %and3A_968 : vector<16xi32>
        %gather3A_970 = tpu.vector_load_idx %arg13[%broadcast_in_dim3A_828, %shift_right_arithmetic3A_963, %and3A_969, %and3A_913] : memref<3x8x8x128xf32, #tpu.memory_space<vmem>>[vector<16xi32>, vector<16xi32>, vector<16xi32>, vector<16xi32>], vector<16xf32>,
        %swap3A_971 = arith.constant 0 : i32
        %swap3A_972 = arith.index_cast %while3A_908 : i32 to index
        %swap3A_973 = arith.index_cast %swap3A_971 : i32 to index
        %swap3A_974 = arith.constant 32 : index
        %swap3A_975 = tpu.vector_load %arg14[%swap3A_972, %swap3A_973, %swap3A_974] {strides = array<i32>} : memref<784x1x128xf32, #tpu.memory_space<vmem>>, vector<16xf32>,
        tpu.vector_store %arg14[%swap3A_972, %swap3A_973, %swap3A_974], %gather3A_970 {strides = array<i32>} : memref<784x1x128xf32, #tpu.memory_space<vmem>>, vector<16xf32>,
        %add3A_976 = arith.constant 48 : i32
        %add3A_977 = vector.broadcast %add3A_976 : i32 to vector<16xi32>
        %add3A_978 = arith.addi %add3A_977, %iota3A : vector<16xi32>
        %shift_right_arithmetic3A_979 = arith.constant 3 : i32
        %shift_right_arithmetic3A_980 = vector.broadcast %shift_right_arithmetic3A_979 : i32 to vector<16xi32>
        %shift_right_arithmetic3A_981 = arith.shrsi %add3A_978, %shift_right_arithmetic3A_980 : vector<16xi32>
        %add3A_982 = arith.constant 48 : i32
        %add3A_983 = vector.broadcast %add3A_982 : i32 to vector<16xi32>
        %add3A_984 = arith.addi %add3A_983, %iota3A : vector<16xi32>
        %and3A_985 = arith.constant 7 : i32
        %and3A_986 = vector.broadcast %and3A_985 : i32 to vector<16xi32>
        %and3A_987 = arith.andi %add3A_984, %and3A_986 : vector<16xi32>
        %gather3A_988 = tpu.vector_load_idx %arg13[%broadcast_in_dim3A_828, %shift_right_arithmetic3A_981, %and3A_987, %and3A_913] : memref<3x8x8x128xf32, #tpu.memory_space<vmem>>[vector<16xi32>, vector<16xi32>, vector<16xi32>, vector<16xi32>], vector<16xf32>,
        %swap3A_989 = arith.constant 0 : i32
        %swap3A_990 = arith.index_cast %while3A_908 : i32 to index
        %swap3A_991 = arith.index_cast %swap3A_989 : i32 to index
        %swap3A_992 = arith.constant 48 : index
        %swap3A_993 = tpu.vector_load %arg14[%swap3A_990, %swap3A_991, %swap3A_992] {strides = array<i32>} : memref<784x1x128xf32, #tpu.memory_space<vmem>>, vector<16xf32>,
        tpu.vector_store %arg14[%swap3A_990, %swap3A_991, %swap3A_992], %gather3A_988 {strides = array<i32>} : memref<784x1x128xf32, #tpu.memory_space<vmem>>, vector<16xf32>,
        %dma_start3A_994 = arith.constant 0 : i32
        %dma_start3A_995 = arith.constant 0 : i32
        %dma_start3A_996 = tpu.memref_slice %arg14[%while3A_908, %dma_start3A_994, %dma_start3A_995] : memref<784x1x128xf32, #tpu.memory_space<vmem>> -> memref<1x1x128xf32, #tpu.memory_space<vmem>>
        %dma_start3A_997 = arith.constant 0 : i32
        %dma_start3A_998 = arith.constant 0 : i32
        %dma_start3A_999 = tpu.memref_slice %arg4[%min3A_921, %dma_start3A_997, %dma_start3A_998] : memref<16384x1x128xf32, #tpu.memory_space<hbm>> -> memref<1x1x128xf32, #tpu.memory_space<hbm>>
        %dma_start3A_1000 = arith.constant 0 : i32
        %dma_start3A_1001 = arith.constant 0 : i32
        %dma_start3A_1002 = tpu.memref_slice %arg4[%min3A_921, %dma_start3A_1000, %dma_start3A_1001] : memref<16384x1x128xf32, #tpu.memory_space<hbm>> -> memref<1x1x128xf32, #tpu.memory_space<hbm>>
        %dma_start3A_1003 = arith.constant 0 : i32
        %dma_start3A_1004 = arith.constant 0 : i32
        %dma_start3A_1005 = tpu.memref_slice %arg14[%while3A_908, %dma_start3A_1003, %dma_start3A_1004] : memref<784x1x128xf32, #tpu.memory_space<vmem>> -> memref<1x1x128xf32, #tpu.memory_space<vmem>>
        tpu.enqueue_dma source(%dma_start3A_1005 : memref<1x1x128xf32, #tpu.memory_space<vmem>>) target(%dma_start3A_1002 : memref<1x1x128xf32, #tpu.memory_space<hbm>>) target_semaphore(%arg18 : memref<!tpu.dma_semaphore, #tpu.memory_space<semaphore_mem>>)
        %add3A_1006 = arith.constant 1 : i32
        %add3A_1007 = arith.addi %while3A_908, %add3A_1006 : i32
        scf.yield %add3A_1007 : i32
      }
      %add3A_876 = arith.constant 3 : i32
      %add3A_877 = arith.addi %add3A_804, %add3A_876 : i32
      %min3A_878 = arith.minsi %add3A_877, %max3A_400 : i32
      %broadcast_in_dim3A_879 = vector.broadcast %min3A_878 : i32 to vector<16xi32>
      %gather3A_880 = tpu.vector_load_idx %arg12[%broadcast_in_dim3A_879] : memref<272xi32, #tpu.memory_space<vmem>>[vector<16xi32>], vector<16xi32>,
      %slice3A_881 = vector.extract_strided_slice %gather3A_880 {offsets = [0], sizes = [1], strides = [1]} : vector<16xi32> to vector<1xi32>
      %squeeze3A_882 = vector.extract %slice3A_881[0] : i32 from vector<1xi32>
      %jit3A_883 = arith.constant 0 : i32
      %jit3A_884 = arith.constant 7812 : i32
      %max3A_885 = arith.maxsi %jit3A_883, %squeeze3A_882 : i32
      %min3A_886 = arith.minsi %jit3A_884, %max3A_885 : i32
      %mul3A_887 = arith.constant 128 : i32
      %mul3A_888 = arith.muli %min3A_886, %mul3A_887 : i32
      %multiple_of3A_889 = tpu.assume_multiple %mul3A_888, 128 : i32
      %dma_start3A_890 = arith.constant 2 : i32
      %dma_start3A_891 = arith.constant 0 : i32
      %dma_start3A_892 = arith.constant 0 : i32
      %dma_start3A_893 = arith.constant 0 : i32
      %dma_start3A_894 = tpu.memref_slice %arg13[%dma_start3A_890, %dma_start3A_891, %dma_start3A_892, %dma_start3A_893] : memref<3x8x8x128xf32, #tpu.memory_space<vmem>> -> memref<1x8x8x128xf32, #tpu.memory_space<vmem>>
      %dma_start3A_895 = tpu.memref_squeeze %dma_start3A_894 : memref<1x8x8x128xf32, #tpu.memory_space<vmem>> -> memref<8x8x128xf32, #tpu.memory_space<vmem>>
      %dma_start3A_896 = arith.constant 0 : i32
      %dma_start3A_897 = arith.constant 0 : i32
      %dma_start3A_898 = tpu.memref_slice %arg3[%dma_start3A_896, %dma_start3A_897, %multiple_of3A_889] : memref<8x8x1000000xf32, #tpu.memory_space<hbm>> -> memref<8x8x128xf32, #tpu.memory_space<hbm>>
      %dma_start3A_899 = arith.constant 0 : i32
      %dma_start3A_900 = arith.constant 0 : i32
      %dma_start3A_901 = arith.constant 0 : i32
      %dma_start3A_902 = tpu.memref_slice %arg13[%dma_start3A_890, %dma_start3A_899, %dma_start3A_900, %dma_start3A_901] : memref<3x8x8x128xf32, #tpu.memory_space<vmem>> -> memref<1x8x8x128xf32, #tpu.memory_space<vmem>>
      %dma_start3A_903 = tpu.memref_squeeze %dma_start3A_902 : memref<1x8x8x128xf32, #tpu.memory_space<vmem>> -> memref<8x8x128xf32, #tpu.memory_space<vmem>>
      %dma_start3A_904 = arith.constant 0 : i32
      %dma_start3A_905 = arith.constant 0 : i32
      %dma_start3A_906 = tpu.memref_slice %arg3[%dma_start3A_904, %dma_start3A_905, %multiple_of3A_889] : memref<8x8x1000000xf32, #tpu.memory_space<hbm>> -> memref<8x8x128xf32, #tpu.memory_space<hbm>>
      tpu.enqueue_dma source(%dma_start3A_906 : memref<8x8x128xf32, #tpu.memory_space<hbm>>) target(%dma_start3A_903 : memref<8x8x128xf32, #tpu.memory_space<vmem>>) target_semaphore(%arg17 : memref<!tpu.dma_semaphore, #tpu.memory_space<semaphore_mem>>)
      scf.yield %while3A_875 : i32
    }
    %dma_wait3A = arith.constant 0 : i32
    %dma_wait3A_521 = arith.constant 0 : i32
    %dma_wait3A_522 = arith.constant 0 : i32
    %dma_wait3A_523 = arith.constant 0 : i32
    %dma_wait3A_524 = tpu.memref_slice %arg13[%dma_wait3A, %dma_wait3A_521, %dma_wait3A_522, %dma_wait3A_523] : memref<3x8x8x128xf32, #tpu.memory_space<vmem>> -> memref<1x8x8x128xf32, #tpu.memory_space<vmem>>
    %dma_wait3A_525 = tpu.memref_squeeze %dma_wait3A_524 : memref<1x8x8x128xf32, #tpu.memory_space<vmem>> -> memref<8x8x128xf32, #tpu.memory_space<vmem>>
    %dma_wait3A_526 = arith.constant 0 : i32
    %dma_wait3A_527 = arith.constant 0 : i32
    %dma_wait3A_528 = arith.constant 0 : i32
    %dma_wait3A_529 = tpu.memref_slice %arg3[%dma_wait3A_526, %dma_wait3A_527, %dma_wait3A_528] : memref<8x8x1000000xf32, #tpu.memory_space<hbm>> -> memref<8x8x128xf32, #tpu.memory_space<hbm>>
    %dma_wait3A_530 = arith.constant 0 : i32
    %dma_wait3A_531 = arith.constant 0 : i32
    %dma_wait3A_532 = arith.constant 0 : i32
    %dma_wait3A_533 = tpu.memref_slice %arg13[%dma_wait3A, %dma_wait3A_530, %dma_wait3A_531, %dma_wait3A_532] : memref<3x8x8x128xf32, #tpu.memory_space<vmem>> -> memref<1x8x8x128xf32, #tpu.memory_space<vmem>>
    %dma_wait3A_534 = tpu.memref_squeeze %dma_wait3A_533 : memref<1x8x8x128xf32, #tpu.memory_space<vmem>> -> memref<8x8x128xf32, #tpu.memory_space<vmem>>
    %dma_wait3A_535 = arith.constant 0 : i32
    %dma_wait3A_536 = arith.constant 0 : i32
    %dma_wait3A_537 = arith.constant 0 : i32
    %dma_wait3A_538 = tpu.memref_slice %arg3[%dma_wait3A_535, %dma_wait3A_536, %dma_wait3A_537] : memref<8x8x1000000xf32, #tpu.memory_space<hbm>> -> memref<8x8x128xf32, #tpu.memory_space<hbm>>
    tpu.wait_dma2 semaphore(%arg15 : memref<!tpu.dma_semaphore, #tpu.memory_space<semaphore_mem>>) src(%dma_wait3A_538 : memref<8x8x128xf32, #tpu.memory_space<hbm>>) dst(%dma_wait3A_534 : memref<8x8x128xf32, #tpu.memory_space<vmem>>)
    %dma_wait3A_539 = arith.constant 1 : i32
    %dma_wait3A_540 = arith.constant 0 : i32
    %dma_wait3A_541 = arith.constant 0 : i32
    %dma_wait3A_542 = arith.constant 0 : i32
    %dma_wait3A_543 = tpu.memref_slice %arg13[%dma_wait3A_539, %dma_wait3A_540, %dma_wait3A_541, %dma_wait3A_542] : memref<3x8x8x128xf32, #tpu.memory_space<vmem>> -> memref<1x8x8x128xf32, #tpu.memory_space<vmem>>
    %dma_wait3A_544 = tpu.memref_squeeze %dma_wait3A_543 : memref<1x8x8x128xf32, #tpu.memory_space<vmem>> -> memref<8x8x128xf32, #tpu.memory_space<vmem>>
    %dma_wait3A_545 = arith.constant 0 : i32
    %dma_wait3A_546 = arith.constant 0 : i32
    %dma_wait3A_547 = arith.constant 0 : i32
    %dma_wait3A_548 = tpu.memref_slice %arg3[%dma_wait3A_545, %dma_wait3A_546, %dma_wait3A_547] : memref<8x8x1000000xf32, #tpu.memory_space<hbm>> -> memref<8x8x128xf32, #tpu.memory_space<hbm>>
    %dma_wait3A_549 = arith.constant 0 : i32
    %dma_wait3A_550 = arith.constant 0 : i32
    %dma_wait3A_551 = arith.constant 0 : i32
    %dma_wait3A_552 = tpu.memref_slice %arg13[%dma_wait3A_539, %dma_wait3A_549, %dma_wait3A_550, %dma_wait3A_551] : memref<3x8x8x128xf32, #tpu.memory_space<vmem>> -> memref<1x8x8x128xf32, #tpu.memory_space<vmem>>
    %dma_wait3A_553 = tpu.memref_squeeze %dma_wait3A_552 : memref<1x8x8x128xf32, #tpu.memory_space<vmem>> -> memref<8x8x128xf32, #tpu.memory_space<vmem>>
    %dma_wait3A_554 = arith.constant 0 : i32
    %dma_wait3A_555 = arith.constant 0 : i32
    %dma_wait3A_556 = arith.constant 0 : i32
    %dma_wait3A_557 = tpu.memref_slice %arg3[%dma_wait3A_554, %dma_wait3A_555, %dma_wait3A_556] : memref<8x8x1000000xf32, #tpu.memory_space<hbm>> -> memref<8x8x128xf32, #tpu.memory_space<hbm>>
    tpu.wait_dma2 semaphore(%arg16 : memref<!tpu.dma_semaphore, #tpu.memory_space<semaphore_mem>>) src(%dma_wait3A_557 : memref<8x8x128xf32, #tpu.memory_space<hbm>>) dst(%dma_wait3A_553 : memref<8x8x128xf32, #tpu.memory_space<vmem>>)
    %dma_wait3A_558 = arith.constant 2 : i32
    %dma_wait3A_559 = arith.constant 0 : i32
    %dma_wait3A_560 = arith.constant 0 : i32
    %dma_wait3A_561 = arith.constant 0 : i32
    %dma_wait3A_562 = tpu.memref_slice %arg13[%dma_wait3A_558, %dma_wait3A_559, %dma_wait3A_560, %dma_wait3A_561] : memref<3x8x8x128xf32, #tpu.memory_space<vmem>> -> memref<1x8x8x128xf32, #tpu.memory_space<vmem>>
    %dma_wait3A_563 = tpu.memref_squeeze %dma_wait3A_562 : memref<1x8x8x128xf32, #tpu.memory_space<vmem>> -> memref<8x8x128xf32, #tpu.memory_space<vmem>>
    %dma_wait3A_564 = arith.constant 0 : i32
    %dma_wait3A_565 = arith.constant 0 : i32
    %dma_wait3A_566 = arith.constant 0 : i32
    %dma_wait3A_567 = tpu.memref_slice %arg3[%dma_wait3A_564, %dma_wait3A_565, %dma_wait3A_566] : memref<8x8x1000000xf32, #tpu.memory_space<hbm>> -> memref<8x8x128xf32, #tpu.memory_space<hbm>>
    %dma_wait3A_568 = arith.constant 0 : i32
    %dma_wait3A_569 = arith.constant 0 : i32
    %dma_wait3A_570 = arith.constant 0 : i32
    %dma_wait3A_571 = tpu.memref_slice %arg13[%dma_wait3A_558, %dma_wait3A_568, %dma_wait3A_569, %dma_wait3A_570] : memref<3x8x8x128xf32, #tpu.memory_space<vmem>> -> memref<1x8x8x128xf32, #tpu.memory_space<vmem>>
    %dma_wait3A_572 = tpu.memref_squeeze %dma_wait3A_571 : memref<1x8x8x128xf32, #tpu.memory_space<vmem>> -> memref<8x8x128xf32, #tpu.memory_space<vmem>>
    %dma_wait3A_573 = arith.constant 0 : i32
    %dma_wait3A_574 = arith.constant 0 : i32
    %dma_wait3A_575 = arith.constant 0 : i32
    %dma_wait3A_576 = tpu.memref_slice %arg3[%dma_wait3A_573, %dma_wait3A_574, %dma_wait3A_575] : memref<8x8x1000000xf32, #tpu.memory_space<hbm>> -> memref<8x8x128xf32, #tpu.memory_space<hbm>>
    tpu.wait_dma2 semaphore(%arg17 : memref<!tpu.dma_semaphore, #tpu.memory_space<semaphore_mem>>) src(%dma_wait3A_576 : memref<8x8x128xf32, #tpu.memory_space<hbm>>) dst(%dma_wait3A_572 : memref<8x8x128xf32, #tpu.memory_space<vmem>>)
    %while3A_577 = arith.constant 0 : i32
    %while3A_578 = arith.constant 0 : i32
    %while3A_579 = arith.subi %while3A_520, %while3A_578 : i32
    %while3A_580 = arith.addi %while3A_578, %while3A_579 : i32
    %while3A_581 = arith.constant 1 : i32
    %while3A_582 = arith.divsi %while3A_579, %while3A_581 : i32
    %while3A_583 = arith.muli %while3A_582, %while3A_581 : i32
    %while3A_584 = arith.addi %while3A_578, %while3A_583 : i32
    %while3A_585 = arith.constant 1 : i32
    scf.for %while3A_587 = %while3A_578 to %while3A_584 step %while3A_585  : i32 {
      %dma_wait3A_588 = arith.constant 0 : i32
      %dma_wait3A_589 = arith.constant 0 : i32
      %dma_wait3A_590 = arith.constant 0 : i32
      %dma_wait3A_591 = tpu.memref_slice %arg14[%dma_wait3A_588, %dma_wait3A_589, %dma_wait3A_590] : memref<784x1x128xf32, #tpu.memory_space<vmem>> -> memref<1x1x128xf32, #tpu.memory_space<vmem>>
      %dma_wait3A_592 = arith.constant 0 : i32
      %dma_wait3A_593 = arith.constant 0 : i32
      %dma_wait3A_594 = arith.constant 0 : i32
      %dma_wait3A_595 = tpu.memref_slice %arg4[%dma_wait3A_592, %dma_wait3A_593, %dma_wait3A_594] : memref<16384x1x128xf32, #tpu.memory_space<hbm>> -> memref<1x1x128xf32, #tpu.memory_space<hbm>>
      %dma_wait3A_596 = arith.constant 0 : i32
      %dma_wait3A_597 = arith.constant 0 : i32
      %dma_wait3A_598 = arith.constant 0 : i32
      %dma_wait3A_599 = tpu.memref_slice %arg14[%dma_wait3A_596, %dma_wait3A_597, %dma_wait3A_598] : memref<784x1x128xf32, #tpu.memory_space<vmem>> -> memref<1x1x128xf32, #tpu.memory_space<vmem>>
      %dma_wait3A_600 = arith.constant 0 : i32
      %dma_wait3A_601 = arith.constant 0 : i32
      %dma_wait3A_602 = arith.constant 0 : i32
      %dma_wait3A_603 = tpu.memref_slice %arg4[%dma_wait3A_600, %dma_wait3A_601, %dma_wait3A_602] : memref<16384x1x128xf32, #tpu.memory_space<hbm>> -> memref<1x1x128xf32, #tpu.memory_space<hbm>>
      tpu.wait_dma2 semaphore(%arg18 : memref<!tpu.dma_semaphore, #tpu.memory_space<semaphore_mem>>) src(%dma_wait3A_603 : memref<1x1x128xf32, #tpu.memory_space<hbm>>) dst(%dma_wait3A_599 : memref<1x1x128xf32, #tpu.memory_space<vmem>>)
    }
    %while3A_586 = arith.constant 1 : i32
    scf.for %while3A_587 = %while3A_584 to %while3A_580 step %while3A_586  : i32 {
      %dma_wait3A_588 = arith.constant 0 : i32
      %dma_wait3A_589 = arith.constant 0 : i32
      %dma_wait3A_590 = arith.constant 0 : i32
      %dma_wait3A_591 = tpu.memref_slice %arg14[%dma_wait3A_588, %dma_wait3A_589, %dma_wait3A_590] : memref<784x1x128xf32, #tpu.memory_space<vmem>> -> memref<1x1x128xf32, #tpu.memory_space<vmem>>
      %dma_wait3A_592 = arith.constant 0 : i32
      %dma_wait3A_593 = arith.constant 0 : i32
      %dma_wait3A_594 = arith.constant 0 : i32
      %dma_wait3A_595 = tpu.memref_slice %arg4[%dma_wait3A_592, %dma_wait3A_593, %dma_wait3A_594] : memref<16384x1x128xf32, #tpu.memory_space<hbm>> -> memref<1x1x128xf32, #tpu.memory_space<hbm>>
      %dma_wait3A_596 = arith.constant 0 : i32
      %dma_wait3A_597 = arith.constant 0 : i32
      %dma_wait3A_598 = arith.constant 0 : i32
      %dma_wait3A_599 = tpu.memref_slice %arg14[%dma_wait3A_596, %dma_wait3A_597, %dma_wait3A_598] : memref<784x1x128xf32, #tpu.memory_space<vmem>> -> memref<1x1x128xf32, #tpu.memory_space<vmem>>
      %dma_wait3A_600 = arith.constant 0 : i32
      %dma_wait3A_601 = arith.constant 0 : i32
      %dma_wait3A_602 = arith.constant 0 : i32
      %dma_wait3A_603 = tpu.memref_slice %arg4[%dma_wait3A_600, %dma_wait3A_601, %dma_wait3A_602] : memref<16384x1x128xf32, #tpu.memory_space<hbm>> -> memref<1x1x128xf32, #tpu.memory_space<hbm>>
      tpu.wait_dma2 semaphore(%arg18 : memref<!tpu.dma_semaphore, #tpu.memory_space<semaphore_mem>>) src(%dma_wait3A_603 : memref<1x1x128xf32, #tpu.memory_space<hbm>>) dst(%dma_wait3A_599 : memref<1x1x128xf32, #tpu.memory_space<vmem>>)
    }
    return
  }
}

</mosaic_0001>

<sc_bundles>
// kernel: kernel.3.cloned.1.call-start
scs
__scs_entry_jumppad:
0x0: {  	(pc) =	sbr.rel $0x88, $3  }
0x1: {  	(tag) =	ssettag $0x0;
	lr =	simm.s32 $0x1  }
0x2: {  	[smem:$0x3F9F] =	sst lr;
	_ =	strace $0xD0000000  }
0x3: {  	_ = 	snop  }
0x4: {  	_ = 	snop  }
0x5: {  	_ = 	snop  }
0x6: {  	_ = 	snop  }
0x7: {  	_ = 	snop  }
__scs_overlays_trampoline_lowered:
0x8: {  	[smem:$0x3FAE] =	sst s0  }
0x9: {  	[smem:$0x3FAF] =	sst s1  }
0xa: {  	[smem:$0x3FB0] =	sst s2  }
0xb: {  	[smem:$0x3FB1] =	sst s3  }
0xc: {  	[smem:$0x3FB2] =	sst s4  }
0xd: {  	[smem:$0x3FB3] =	sst s5  }
0xe: {  	[smem:$0x3FB4] =	sst s6  }
0xf: {  	[smem:$0x3FB5] =	sst s7  }
0x10: {  	[smem:$0x3FB6] =	sst s8  }
0x11: {  	[smem:$0x3FB7] =	sst s9;
	s0 =	simm.s32 @!p0 $0x0  }
0x12: {  	s1 =	sld [smem:$0x3F9D];
	s0 =	simm.s32 @p0 $0x1  }
0x13: {  	[smem:$0x3FB8] =	sst s0;
	s0 =	simm.s32 @!p1 $0x0  }
0x14: {  	s2 =	sld [smem:$0x3F9C];
	s0 =	simm.s32 @p1 $0x1  }
0x15: {  	[smem:$0x3FB9] =	sst s0;
	s0 =	simm.s32 @!p2 $0x0  }
0x16: {  	s3 =	sld [smem:$0x3FDB];
	s0 =	simm.s32 @p2 $0x1  }
0x17: {  	s4 =	simm.s32 $0x1BF5;
	[smem:$0x3FBB] =	sst s0  }
0x18: {  	s0 =	sld [smem:$0x3F9E];
	_ =	swait.ge [sflag:s4], $0x0  }
0x19: {  	s7 =	sld [smem:$0x3F9F]  }
0x1a: {  	s8 =	sadd.s32 $0xFFFFE003, lr  }
0x1b: {  	s9 =	sadd.s32 $0xFFFFFEF7, lr;
	s5 =	simm.s32 $0xFFFFFFFF;
	p2 =	slt.u32 s8, $0xFFFFF086  }
0x1c: {  	p1 =	slt.u32 s9, $0xF7A;
	s5 =	simm.s32 @!p2 $0x0  }
0x1d: {  	s5 =	simm.s32 @p1 $0x1;
	p0 =	seq.s32 s7, s2  }
0x1e: {  	s7 =	smul.u32 @!p0 $0xF7A, s2;
	p2 =	seq.s32 @!p0 s5, $0x0  }
0x1f: {  	s9 =	smul.u32 $0xF7A, s1;
	s8 =	simm.s32 @!p0 $0x1BF5;
	p2 =	por !p2, p0  }
0x20: {  	[sflag:s8] =	ssyncset.s32 @!p0 $0xFFFFF086;
	s6 =	sadd.s32 @!p0 s3, s7;
	s7 =	simm.s32 @!p0 $0x108  }
0x21: {  	s3 =	sadd.s32 s3, s9;
	s6 =	sadd.s32 @!p0 $0x88, s6;
	s7 =	simm.s32 @p2 $0x1082  }
0x22: {  	[simem:s7], [sflag:s8] =	dma.local @!p0 [hbm:s6], $0xF7A  }
0x23: {  	s9 =	sor.u32 $0xD0000000, s2;
	s6 =	simm.s32 $0x108;
	_ =	swait.ge @!p0 [sflag:s8], $0x0  }
0x24: {  	s3 =	sadd.s32 $0x88, s3;
	s6 =	simm.s32 @!p1 $0x1082;
	[sflag:s4] =	ssyncset.s32 $0xFFFFF086  }
0x25: {  	[simem:s6], [sflag:s4] =	dma.local [hbm:s3], $0xF7A  }
0x26: {  	[smem:$0x3F9F] =	sst s1;
	(tag) =	ssettag s2;
	_ =	strace s9  }
0x27: {  	s1 =	sld [smem:$0x3FAF]  }
0x28: {  	s2 =	sld [smem:$0x3FB0]  }
0x29: {  	s4 =	sld [smem:$0x3FB2]  }
0x2a: {  	p0 =	seq.s32 s5, $0x0;
	s5 =	sld [smem:$0x3FB3]  }
0x2b: {  	s6 =	sld [smem:$0x3FB4]  }
0x2c: {  	s7 =	sld [smem:$0x3FB5]  }
0x2d: {  	s3 =	simm.s32 $0x108;
	s8 =	sld [smem:$0x3FB6]  }
0x2e: {  	s3 =	simm.s32 @!p0 $0x1082;
	s9 =	sld [smem:$0x3FB7]  }
0x2f: {  	lr =	sadd.s32 s0, s3;
	s0 =	sld [smem:$0x3FAE]  }
0x30: {  	s3 =	sld [smem:$0x3FB1]  }
0x31: {  	[smem:$0x3FBA] =	sst s10  }
0x32: {  	s10 =	sld [smem:$0x3FB8];
	_ =	sdelay $0x3  }
0x33: {  	p0 =	seq.s32 s10, $0x1;
	s10 =	sld [smem:$0x3FBA];
	_ =	sdelay $0x3  }
0x34: {  	[smem:$0x3FBA] =	sst s10  }
0x35: {  	s10 =	sld [smem:$0x3FB9];
	_ =	sdelay $0x3  }
0x36: {  	p1 =	seq.s32 s10, $0x1;
	s10 =	sld [smem:$0x3FBA];
	_ =	sdelay $0x3  }
0x37: {  	[smem:$0x3FBA] =	sst s10  }
0x38: {  	s10 =	sld [smem:$0x3FBB]  }
0x39: {  	_ = 	snop;
	(pc) =	sbr.ind lr, $3  }
0x3a: {  	_ = 	snop  }
0x3b: {  	_ = 	snop  }
0x3c: {  	p2 =	seq.s32 s10, $0x1;
	s10 =	sld [smem:$0x3FBA]  }
0x3d: {  	_ =	shalt  }
0x3e: {  	_ =	shalt  }
0x3f: {  	_ =	shalt  }
0x40: {  	_ =	shalt  }
0x41: {  	_ =	shalt  }
0x42: {  	_ =	shalt  }
0x43: {  	_ =	shalt  }
0x44: {  	_ =	shalt  }
0x45: {  	_ =	shalt  }
0x46: {  	_ =	shalt  }
0x47: {  	_ =	shalt  }
0x48: {  	_ =	shalt  }
0x49: {  	_ =	shalt  }
0x4a: {  	_ =	shalt  }
0x4b: {  	_ =	shalt  }
0x4c: {  	_ =	shalt  }
0x4d: {  	_ =	shalt  }
0x4e: {  	_ =	shalt  }
0x4f: {  	_ =	shalt  }
0x50: {  	_ =	shalt  }
0x51: {  	_ =	shalt  }
0x52: {  	_ =	shalt  }
0x53: {  	_ =	shalt  }
0x54: {  	_ =	shalt  }
0x55: {  	_ =	shalt  }
0x56: {  	_ =	shalt  }
0x57: {  	_ =	shalt  }
0x58: {  	_ =	shalt  }
0x59: {  	_ =	shalt  }
0x5a: {  	_ =	shalt  }
0x5b: {  	_ =	shalt  }
0x5c: {  	_ =	shalt  }
0x5d: {  	_ =	shalt  }
0x5e: {  	_ =	shalt  }
0x5f: {  	_ =	shalt  }
0x60: {  	_ =	shalt  }
0x61: {  	_ =	shalt  }
0x62: {  	_ =	shalt  }
0x63: {  	_ =	shalt  }
0x64: {  	_ =	shalt  }
0x65: {  	_ =	shalt  }
0x66: {  	_ =	shalt  }
0x67: {  	_ =	shalt  }
0x68: {  	_ =	shalt  }
0x69: {  	_ =	shalt  }
0x6a: {  	_ =	shalt  }
0x6b: {  	_ =	shalt  }
0x6c: {  	_ =	shalt  }
0x6d: {  	_ =	shalt  }
0x6e: {  	_ =	shalt  }
0x6f: {  	_ =	shalt  }
0x70: {  	_ =	shalt  }
0x71: {  	_ =	shalt  }
0x72: {  	_ =	shalt  }
0x73: {  	_ =	shalt  }
0x74: {  	_ =	shalt  }
0x75: {  	_ =	shalt  }
0x76: {  	_ =	shalt  }
0x77: {  	_ =	shalt  }
0x78: {  	_ =	shalt  }
0x79: {  	_ =	shalt  }
0x7a: {  	_ =	shalt  }
0x7b: {  	_ =	shalt  }
0x7c: {  	_ =	shalt  }
0x7d: {  	_ =	shalt  }
0x7e: {  	_ =	shalt  }
0x7f: {  	_ =	shalt  }
0x80: {  	_ =	shalt  }
0x81: {  	_ =	shalt  }
0x82: {  	_ =	shalt  }
0x83: {  	_ =	shalt  }
0x84: {  	_ =	shalt  }
0x85: {  	_ =	shalt  }
0x86: {  	_ =	shalt  }
0x87: {  	_ =	shalt  }
.Lfunc_end0:
.L_simem_size_0:
called_computation_lowered:
.L_overlay_start_0:
0x88: {  	s2 =	sld [smem:$0x3FD9]  }
0x89: {  	s3 =	sld [smem:$0x3FFE];
	_ =	sdelay $0x1  }
0x8a: {  	s1 =	srdreg.scid  }
0x8b: {  	s0 =	sand.u32 $0x1, s1  }
0x8c: {  	s17 =	sshll.u32 s0, $0xA;
	s2 =	sadd.s32 s3, s2  }
0x8d: {  	s2 =	sadd.s32 s2, s17  }
0x8e: {  	[smem:$0x3FC6] =	sst s2  }
0x8f: {  	_ = 	snop  }
0x90: {  	s2 =	sld [smem:$0x3FC8]  }
0x91: {  	s18 =	sld [smem:$0x3FD0];
	(tm) =	ssettm $0x1  }
0x92: {  	s4 =	sld [smem:$0x3FFB];
	_ =	sdelay $0x3  }
0x93: {  	_ =	strace s4  }
0x94: {  	s4 =	sld [smem:$0x3FFC];
	_ =	sdelay $0x3  }
0x95: {  	_ =	strace s4  }
0x96: {  	s4 =	sld [smem:$0x3FFD];
	_ =	sdelay $0x3  }
0x97: {  	_ =	strace s4  }
0x98: {  	_ =	strace $0x8FFFFFFF  }
0x99: {  	s19 =	sld [smem:$0x3FDB];
	_ =	sdelay $0x1  }
0x9a: {  	s5 =	simm.s32 $_scs_section_size  }
0x9b: {  	s6 =	simm.s32 $_size__tile_overlayer_lowered;
	s7 =	simm.s32 $_tile_overlayer_lowered  }
0x9c: {  	s22 =	simm.s32 $0x1BFF;
	s21 =	sshll.u32 s7, $0x1;
	s4 =	sadd.s32 s5, s19  }
0x9d: {  	s8 =	simm.s32 $0x0;
	s20 =	sshll.u32 s6, $0x1;
	s6 =	sadd.s32 s21, s4  }
0x9e: {  	[timem:s8], [sflag:s22] =	dma.local [hbm:s6], s20  }
0x9f: {  	_ =	swait.ge [sflag:s22], s20  }
0xa0: {  	s5 =	ssub.s32 $0x0, s20;
	[sflag:s22] =	ssyncset.done $0x0  }
0xa1: {  	[sflag:s22] =	ssyncadd.s32 s5;
	_ =	sdelay $0x1  }
0xa2: {  	s23 =	simm.s32 $0x1B8B  }
0xa3: {  	_ =	swait.ge [sflag:s23], $0x1  }
0xa4: {  	[sflag:s23] =	ssyncset.done $0x0  }
0xa5: {  	s25 =	simm.s32 $0x1B8E;
	s24 =	sld [smem:$0x3FFE];
	[sflag:s23] =	ssyncadd.s32 $0xFFFFFFFF  }
0xa6: {  	s26 =	simm.s32 $execute0_lowered;
	[smem:$0x3FD2] =	sst s25  }
0xa7: {  	s6 =	sshll.u32 s26, $0x1;
	_ =	strace $0x80000046;
	[dreg:$0x1] =	wrdreg $0xFFFFFFFF  }
0xa8: {  	s28 =	simm.s32 $_size_execute0_lowered;
	s4 =	sadd.s32 s4, s6;
	[dreg:$0x0] =	wrdreg $0x0  }
0xa9: {  	s6 =	sshll.u32 s28, $0x1;
	[dreg:$0x2] =	wrdreg s4  }
0xaa: {  	[dreg:$0x3] =	wrdreg s6  }
0xab: {  	[dreg:$0x4] =	wrdreg $0xC0  }
0xac: {  	_ =	task [dreg:s8], $0x5FFFF  }
0xad: {  	[dreg:$0x1] =	wrdreg $0xFFFFFFFF  }
0xae: {  	[dreg:$0x0] =	wrdreg $0x60  }
0xaf: {  	[dreg:$0x2] =	wrdreg s18  }
0xb0: {  	[dreg:$0x3] =	wrdreg s2  }
0xb1: {  	[dreg:$0x4] =	wrdreg s24  }
0xb2: {  	[dreg:$0x5] =	wrdreg $0x9  }
0xb3: {  	_ =	task.clear_ibuf [dreg:s8], $0x6FFFF;
	_ =	strace $0x90000046  }
0xb4: {  	s29 =	simm.s32 $0x9;
	_ =	strace $0x80000048  }
0xb5: {  	_ =	swait.ge [sflag:s29], $0x1  }
0xb6: {  	[sflag:s29] =	ssyncadd.s32 $0xFFFFFFFF  }
0xb7: {  	_ =	strace $0x90000048  }
0xb8: {  	_ =	sfence  }
0xb9: {  	s30 =	sld [smem:$0x0];
	_ =	sdelay $0x2  }
0xba: {  	s31 =	sshll.u32 s1, $0xD;
	s1 =	sshrl.u32 s1, $0x2  }
0xbb: {  	s3 =	sand.u32 $0x4000, s31;
	s1 =	sadd.s32 s1, s30  }
0xbc: {  	s0 =	sor.u32 s3, s0;
	s1 =	sshll.u32 s1, $0x11  }
0xbd: {  	s0 =	sor.u32 s1, s0  }
0xbe: {  	s0 =	sadd.s32 $0x8F2B, s0  }
0xbf: {  	[sflag:s0] =	ssyncadd.remote.s32 $0x1  }
0xc0: {  	_ =	sfence.sel $0xFFFF  }
0xc1: {  	[dreg:$0x0] =	wrdreg $0xFFFFFFFF;
	(pc) =	sbr.abs _section_cstart, $3  }
0xc2: {  	[dreg:$0x1] =	wrdreg $0xFFFFFFFF  }
0xc3: {  	_ =	task.clear_ibuf [dreg:s8], $0x2FFFF;
	_ =	strace $0x9FFFFFFF  }
0xc4: {  	(tm) =	ssettm $0x7FFFFFFF  }
0xc5: {  	_ =	shalt  }
tec
execute0_lowered:
.L_overlay_start_1:
0x0: {  	(tag) =	ssettag $0x1  }
0x1: {  	s0 =	srdreg.scid  }
0x2: {  	s7 =	stileid.u32;
	s4 =	rddreg [dreg:$0x1]  }
0x3: {  	s6 =	rddreg [dreg:$0x2];
	s5 =	simm.s32 $0x0;
	s12 =	simm.s32 $0xF00  }
0x4: {  	v2 =	vlaneseq.u32;
	v3 =	vimm.s32 $0x0;
	s13 =	simm.s32 $0x1000;
	s14 =	simm.s32 $0x400;
	s15 =	simm.s32 $0x7A1400  }
0x5: {  	v5 =	vimm.s32 $0x1;
	vm1 =	vcmask $0xB08;
	vm2 =	vcmask $0xF0C;
	s16 =	simm.s32 $0x1180;
	s17 =	simm.s32 $0x1;
	s18 =	simm.s32 $0x3180  }
0x6: {  	vm3 =	vcmask $0x1310;
	vm4 =	vcmask $0x1714;
	vm5 =	vcmask $0x1B18;
	s19 =	simm.s32 $0x5180;
	s0 =	sand.u32 $0x1, s0;
	s1 =	sshll.u32 s7, $0x1  }
0x7: {  	vm6 =	vcmask $0x1F1C;
	vm7 =	vcmask $0x2320;
	vm8 =	vcmask $0x2724;
	s20 =	simm.s32 $0xE80;
	s8 =	smul.u32 $0x1EA, s7;
	s1 =	sor.u32 s0, s1  }
0x8: {  	vm9 =	vcmask $0x2B28;
	vm10 =	vcmask $0x2F2C;
	s21 =	simm.s32 $0xE00;
	s22 =	simm.s32 $0x2;
	v4 =	vmul.u32 $0x80, v2;
	s1 =	smul.u32 $0xF5, s1  }
0x9: {  	vm11 =	vcmask $0x3330;
	vm12 =	vcmask $0x3734;
	vm13 =	vcmask $0x3B38;
	s23 =	simm.s32 $0x3;
	s29 =	ssub.s32 $0x2, s0;
	s0 =	smul.u32 $0xF5, s0  }
.Ltmp0:
0xa: {  	vm14 =	vcmask $0x3B00;
	v6 =	vimm.s32 $0xFFFFFFFF;
	s24 =	simm.s32 $0x4;
	v7 =	vor.u32 $0x800, v4;
	s2 =	smin.u32 s1, $0x1D90;
	(pc) =	sbr.rel .LBB2_1-.Ltmp0, $4  }
0xb: {  	s25 =	simm.s32 $0x0;
	s30 =	sshrl.u32 s29, $0x1;
	v8 =	vor.u32 $0x1000, v4;
	v9 =	vor.u32 $0x1800, v4;
	v10 =	vor.u32 $0x2000, v4;
	s3 =	sadd.s32 $0xF5, s2  }
0xc: {  	[smem:$0x7FF] =	sst s5;
	v11 =	vor.u32 $0x2800, v4;
	v12 =	vor.u32 $0x3000, v4;
	s0 =	sadd.s32 s0, s8;
	v1 =	vmov s3;
	s3 =	ssub.s32 s29, s30  }
0xd: {  	_ =	strace $0x80000047;
	v13 =	vor.u32 $0x3800, v4;
	v14 =	vor.u32 $0x4000, v4;
	v15 =	vor.u32 $0x4800, v4;
	[dreg:$0x5] =	wrdreg s0;
	s31 =	smax.u32 s3, $0x1  }
0xe: {  	s6 =	sadd.s32 $0x400, s6;
	v16 =	vor.u32 $0x5000, v4;
	v17 =	vor.u32 $0x5800, v4;
	v0 =	vmov s1;
	s7 =	sadd.s32 $0xF4, s2;
	[dreg:$0x4] =	wrdreg s31  }
.LBB2_138:
0xf: {  	[sflag:s24] =	ssyncadd.s32 $0xFFFFFF80  }
.LBB2_139:
0x10: {  	s25 =	sadd.s32 $0x1, s25;
	s0 =	rddreg [dreg:$0x4]  }
0x11: {  	p0 =	sne.s32 s25, s0  }
.Ltmp1:
0x12: {  	_ = 	snop;
	(pc) =	sbr.rel @!p0 .LBB2_140-.Ltmp1, $1  }
0x13: {  	_ =	sdelay $0x3  }
.LBB2_1:
0x14: {  	s0 =	rddreg [dreg:$0x0];
	s2 =	simm.s32 $0x7180;
	s28 =	simm.s32 $0x5  }
0x15: {  	[tilespmem:s2], [sflag:$0x5] =	stream.linear.gather [hbm4b:s0+s5], $0x4000, $0x38;
	[tilespmem:$0x1F980] =	vst v63  }
0x16: {  	_ =	swait.ge [sflag:s28], $0x4000  }
0x17: {  	[sflag:s28] =	ssyncset.done $0x0  }
0x18: {  	[sflag:s28] =	ssyncadd.s32 $0xFFFFC000  }
0x19: {  	[tilespmem:$0xF00] =	vst v3  }
0x1a: {  	[tilespmem:$0xF10] =	vst v3  }
0x1b: {  	[tilespmem:$0xF20] =	vst v3  }
0x1c: {  	[tilespmem:$0xF30] =	vst v3  }
0x1d: {  	[tilespmem:$0xF40] =	vst v3  }
0x1e: {  	[tilespmem:$0xF50] =	vst v3  }
0x1f: {  	[tilespmem:$0xF60] =	vst v3  }
0x20: {  	[tilespmem:$0xF70] =	vst v3  }
0x21: {  	[tilespmem:$0xF80] =	vst v3  }
0x22: {  	[tilespmem:$0xF90] =	vst v3  }
0x23: {  	[tilespmem:$0xFA0] =	vst v3  }
0x24: {  	[tilespmem:$0xFB0] =	vst v3  }
0x25: {  	[tilespmem:$0xFC0] =	vst v3  }
0x26: {  	[tilespmem:$0xFD0] =	vst v3  }
0x27: {  	[tilespmem:$0xFE0] =	vst v3  }
0x28: {  	s29 =	sand.u32 $0x3FF0, s5;
	[tilespmem:$0xFF0] =	vst v3  }
0x29: {  	v18 =	vld [tilespmem:s29+$0x7180];
	_ =	sdelay $0x4  }
0x2a: {  	v19 =	vshra.s32 v18, $0x7  }
0x2b: {  	vm15 =	vge.s32 v19, v0;
	vm0 =	vlt.s32 v19, v1;
	v20 =	vsub.s32 v19, v0  }
0x2c: {  	vm0 =	vmand vm15, vm0;
	vm15 =	vgt.s32 v20, $0x0  }
0x2d: {  	v20 =	vnsel vm15, $0x0, v20;
	v21 =	vmpcnt.ones.xlane vm0  }
0x2e: {  	v22 =	vmov s5;
	v20 =	vmin.u32 v20, $0xFF  }
0x2f: {  	v22 =	vshll.u32 v22, $0x7;
	(v2sf) =	vpush v21, $0x0  }
0x30: {  	v18 =	vand.u32 $0x7F, v18;
	v21 =	vor.u32 v4, v22  }
0x31: {  	[tilespmem:s5+$0x0] =	vst.msk vm0, v19;
	v18 =	vor.u32 v21, v18  }
0x32: {  	s30 =	simm.s32 $0x10;
	[tilespmem:s5+$0x380] =	vst.msk vm0, v18  }
0x33: {  	s31 =	sand.u32 $0x3FF0, s30;
	[tilespmem:v20+s12+$0x0] =	vst.idx.msk vm0, v5  }
0x34: {  	v19 =	vld [tilespmem:s31+$0x7180];
	_ =	sdelay $0x4  }
0x35: {  	v18 =	vshra.s32 v19, $0x7  }
0x36: {  	vm0 =	vge.s32 v18, v0;
	vm15 =	vlt.s32 v18, v1  }
0x37: {  	v20 =	vsub.s32 v18, v0;
	vm15 =	vmand vm0, vm15  }
0x38: {  	v21 =	vmov s30;
	vm0 =	vgt.s32 v20, $0x0;
	v22 =	vmpcnt.ones.xlane vm15  }
0x39: {  	v21 =	vshll.u32 v21, $0x7;
	v20 =	vnsel vm0, $0x0, v20  }
0x3a: {  	s0 =	simm.s32 $0x20;
	s2 =	simm.s32 $0x0;
	v19 =	vand.u32 $0x7F, v19;
	v20 =	vmin.u32 v20, $0xFF;
	(v2sf) =	vpush v22, $0x0;
	s3 =	spop (v2sf)  }
.LBB2_2:
0x3b: {  	p0 =	sne.s32 s0, $0x3FF0  }
0x3c: {  	v21 =	vor.u32 v4, v21;
	s2 =	sadd.s32 s2, s3;
	s3 =	smov.u32 s0;
	s0 =	sadd.s32 $0x10, s0  }
0x3d: {  	v19 =	vor.u32 v21, v19;
	[tilespmem:s2+$0x0] =	vst.msk vm15, v18  }
0x3e: {  	[tilespmem:s2+$0x380] =	vst.msk vm15, v19  }
0x3f: {  	s8 =	sand.u32 $0x3FF0, s3;
	[tilespmem:v20+s12+$0x0] =	vst.idx.msk vm15, v5  }
0x40: {  	v19 =	vld [tilespmem:s8+$0x7180];
	_ =	sdelay $0x4  }
0x41: {  	v18 =	vshra.s32 v19, $0x7;
	v19 =	vand.u32 $0x7F, v19  }
.Ltmp2:
0x42: {  	vm0 =	vge.s32 v18, v0;
	vm15 =	vlt.s32 v18, v1;
	v20 =	vsub.s32 v18, v0;
	(pc) =	sbr.rel @p0 .LBB2_2-.Ltmp2, $4  }
0x43: {  	vm15 =	vmand vm0, vm15;
	vm0 =	vgt.s32 v20, $0x0  }
0x44: {  	v20 =	vnsel vm0, $0x0, v20;
	v22 =	vmpcnt.ones.xlane vm15  }
0x45: {  	v21 =	vmov s3;
	v20 =	vmin.u32 v20, $0xFF  }
0x46: {  	v21 =	vshll.u32 v21, $0x7;
	(v2sf) =	vpush v22, $0x0;
	s3 =	spop (v2sf)  }
0x47: {  	_ =	sdelay $0xd  }
0x48: {  	s0 =	sadd.s32 s2, s3;
	s30 =	spop (v2sf)  }
0x49: {  	v21 =	vor.u32 v4, v21;
	s2 =	sadd.s32 s0, s30  }
0x4a: {  	v19 =	vor.u32 v21, v19;
	[tilespmem:s0+$0x0] =	vst.msk vm15, v18;
	s31 =	sadd.s32 $0xF, s2  }
0x4b: {  	[tilespmem:s0+$0x380] =	vst.msk vm15, v19;
	s0 =	sshra.s32 s31, $0x4  }
0x4c: {  	p0 =	slt.s32 s0, $0x1  }
.Ltmp3:
0x4d: {  	_ = 	snop;
	(pc) =	sbr.rel @p0 .LBB2_4-.Ltmp3, $3  }
0x4e: {  	_ =	sdelay $0x1  }
0x4f: {  	[tilespmem:v20+s12+$0x0] =	vst.idx.msk vm15, v5  }
0x50: {  	s26 =	simm.s32 $0x0;
	[tilespmem:s2+$0x0] =	vst v6;
	s2 =	simm.s32 $0x380  }
0x51: {  	p0 =	sne.s32 s0, $0x1  }
.Ltmp4:
0x52: {  	_ = 	snop;
	(pc) =	sbr.rel @!p0 .LBB2_6-.Ltmp4, $2  }
0x53: {  	_ =	sdelay $0x2  }
0x54: {  	v18 =	vld [tilespmem:s26+$0x0];
	s3 =	sadd.s32 $0xFFFFFFFF, s0;
	p1 =	por $0x0, $0x0  }
0x55: {  	_ =	sdelay $0x3  }
0x56: {  	v20 =	vsub.s32 v18, v0  }
0x57: {  	vm15 =	vgt.s32 v18, $0xFFFFFFFF;
	vm0 =	vlt.u32 v20, $0x10  }
0x58: {  	vm0 =	vmand vm15, vm0  }
0x59: {  	v20 =	vmpcnt.ones.xlane vm0;
	_ =	sdelay $0x1  }
0x5a: {  	v19 =	vld [tilespmem:s2+$0x0];
	(v2sf) =	vpush v20, $0x0  }
0x5b: {  	p2 =	sne.s32 s3, $0x1  }
.Ltmp5:
0x5c: {  	_ = 	snop;
	(pc) =	sbr.rel @!p2 .LBB2_8-.Ltmp5, $4  }
0x5d: {  	_ = 	snop  }
0x5e: {  	[tilespmem:s26+$0x700] =	vst.msk vm0, v18  }
0x5f: {  	s10 =	sadd.s32 $0x10, s26;
	s28 =	sadd.s32 $0xFFFFFFFF, s3;
	[tilespmem:s26+$0xA80] =	vst.msk vm0, v19  }
0x60: {  	p0 =	por $0x1, $0x1;
	s3 =	simm.s32 $0x380;
	s8 =	simm.s32 $0x0;
	v18 =	vld [tilespmem:s10+$0x0]  }
.LBB2_9:
0x61: {  	p2 =	sne.s32 s28, $0x1;
	_ =	sdelay $0x3  }
0x62: {  	v19 =	vsub.s32 v18, v0  }
0x63: {  	s3 =	sadd.s32 $0x10, s3;
	vm15 =	vgt.s32 v18, $0xFFFFFFFF;
	vm0 =	vlt.u32 v19, $0x10  }
0x64: {  	vm0 =	vmand vm15, vm0;
	v19 =	vld [tilespmem:s3+$0x0]  }
0x65: {  	v20 =	vmpcnt.ones.xlane vm0  }
0x66: {  	s11 =	spop (v2sf)  }
0x67: {  	(v2sf) =	vpush v20, $0x0;
	s8 =	sadd.s32 s8, s11  }
0x68: {  	[tilespmem:s8+$0x700] =	vst.msk vm0, v18  }
.Ltmp6:
0x69: {  	[tilespmem:s8+$0xA80] =	vst.msk vm0, v19;
	(pc) =	sbr.rel @p2 .LBB2_9-.Ltmp6, $3  }
0x6a: {  	_ =	sdelay $0x1  }
0x6b: {  	s10 =	sadd.s32 $0x10, s10  }
0x6c: {  	s28 =	sadd.s32 $0xFFFFFFFF, s28;
	v18 =	vld [tilespmem:s10+$0x0]  }
.LBB2_10:
0x6d: {  	_ =	sdelay $0x3  }
0x6e: {  	v19 =	vsub.s32 v18, v0  }
0x6f: {  	vm15 =	vgt.s32 v18, $0xFFFFFFFF;
	vm0 =	vlt.u32 v19, $0x10  }
0x70: {  	vm0 =	vmand vm15, vm0  }
0x71: {  	v19 =	vmpcnt.ones.xlane vm0;
	_ =	sdelay $0x1  }
0x72: {  	(v2sf) =	vpush v19, $0x0;
	_ =	sdelay $0x8  }
0x73: {  	s3 =	sadd.s32 @p0 $0x10, s3  }
0x74: {  	s2 =	smov.u32 @p0 s3  }
0x75: {  	v19 =	vld [tilespmem:s2+$0x0];
	s2 =	spop @p0 (v2sf)  }
0x76: {  	s3 =	simm.s32 $0x0;
	s2 =	sadd.s32 @p0 s8, s2  }
0x77: {  	s3 =	smov.u32 @p0 s2;
	p0 =	sne.s32 s0, $0x1  }
.Ltmp7:
0x78: {  	_ = 	snop;
	(pc) =	sbr.rel @!p0 .LBB2_11-.Ltmp7, $4  }
0x79: {  	s31 =	spop (v2sf)  }
0x7a: {  	[tilespmem:s3+$0x700] =	vst.msk vm0, v18;
	s30 =	sadd.s32 s3, s31  }
0x7b: {  	[tilespmem:s3+$0xA80] =	vst.msk vm0, v19;
	vm0 =	vcmask $0x704;
	s3 =	simm.s32 $0x0;
	v18 =	vmov s30  }
0x7c: {  	s29 =	simm.s32 $0x380;
	s28 =	sadd.s32 $0xFFFFFFFF, s0;
	v19 =	vld [tilespmem:s3+$0x0];
	v18 =	vnsel vm0, $0x0, v18  }
0x7d: {  	_ =	sdelay $0x3  }
0x7e: {  	v20 =	vsub.s32 v19, v0  }
0x7f: {  	v20 =	vand.u32 $0xFFFFFFF0, v20  }
0x80: {  	vm15 =	vgt.s32 v19, $0xFFFFFFFF;
	vm0 =	veq.s32 v20, $0x10  }
0x81: {  	vm0 =	vmand vm15, vm0  }
0x82: {  	v20 =	vmpcnt.ones.xlane vm0  }
0x83: {  	v21 =	vld [tilespmem:s29+$0x0]  }
0x84: {  	p2 =	sne.s32 s28, $0x1;
	(v2sf) =	vpush v20, $0x0  }
.Ltmp8:
0x85: {  	_ = 	snop;
	(pc) =	sbr.rel @!p2 .LBB2_13-.Ltmp8, $4  }
0x86: {  	_ = 	snop  }
0x87: {  	[tilespmem:s30+$0x700] =	vst.msk vm0, v19  }
0x88: {  	s8 =	simm.s32 $0x10;
	s10 =	sadd.s32 $0xFFFFFFFF, s28;
	[tilespmem:s30+$0xA80] =	vst.msk vm0, v21  }
0x89: {  	p1 =	por $0x1, $0x1;
	s2 =	simm.s32 $0x380;
	s0 =	smov.u32 s30;
	v19 =	vld [tilespmem:s8+$0x0]  }
.LBB2_14:
0x8a: {  	p2 =	sne.s32 s10, $0x1;
	_ =	sdelay $0x3  }
0x8b: {  	v20 =	vsub.s32 v19, v0  }
0x8c: {  	v20 =	vand.u32 $0xFFFFFFF0, v20  }
0x8d: {  	s2 =	sadd.s32 $0x10, s2;
	vm15 =	vgt.s32 v19, $0xFFFFFFFF;
	vm0 =	veq.s32 v20, $0x10  }
0x8e: {  	vm0 =	vmand vm15, vm0;
	v20 =	vld [tilespmem:s2+$0x0]  }
0x8f: {  	v21 =	vmpcnt.ones.xlane vm0  }
0x90: {  	s11 =	spop (v2sf)  }
0x91: {  	(v2sf) =	vpush v21, $0x0;
	s0 =	sadd.s32 s0, s11  }
.Ltmp9:
0x92: {  	[tilespmem:s0+$0x700] =	vst.msk vm0, v19;
	(pc) =	sbr.rel @p2 .LBB2_14-.Ltmp9, $3  }
0x93: {  	[tilespmem:s0+$0xA80] =	vst.msk vm0, v20;
	_ =	sdelay $0x1  }
0x94: {  	s8 =	sadd.s32 $0x10, s8  }
0x95: {  	s10 =	sadd.s32 $0xFFFFFFFF, s10;
	v19 =	vld [tilespmem:s8+$0x0]  }
.LBB2_15:
0x96: {  	_ =	sdelay $0x3  }
0x97: {  	v20 =	vsub.s32 v19, v0  }
0x98: {  	v20 =	vand.u32 $0xFFFFFFF0, v20  }
0x99: {  	vm15 =	vgt.s32 v19, $0xFFFFFFFF;
	vm0 =	veq.s32 v20, $0x10  }
0x9a: {  	vm0 =	vmand vm15, vm0  }
0x9b: {  	v20 =	vmpcnt.ones.xlane vm0;
	_ =	sdelay $0x1  }
0x9c: {  	(v2sf) =	vpush v20, $0x0;
	_ =	sdelay $0x9  }
0x9d: {  	s2 =	sadd.s32 @p1 $0x10, s2;
	s8 =	simm.s32 $0x380  }
0x9e: {  	s8 =	smov.u32 @p1 s2  }
0x9f: {  	v20 =	vld [tilespmem:s8+$0x0]  }
0xa0: {  	s2 =	spop @p1 (v2sf)  }
.Ltmp10:
0xa1: {  	s0 =	sadd.s32 @p1 s0, s2;
	(pc) =	sbr.rel @!p0 .LBB2_16-.Ltmp10, $4  }
0xa2: {  	s30 =	smov.u32 @p1 s0;
	s31 =	spop (v2sf)  }
0xa3: {  	[tilespmem:s30+$0x700] =	vst.msk vm0, v19;
	s0 =	sadd.s32 s30, s31  }
0xa4: {  	[tilespmem:s30+$0xA80] =	vst.msk vm0, v20;
	v19 =	vmov s0  }
0xa5: {  	p1 =	por $0x0, $0x0;
	v20 =	vld [tilespmem:s3+$0x0];
	v19 =	vnsel vm1, $0x0, v19  }
0xa6: {  	_ =	sdelay $0x3  }
0xa7: {  	v21 =	vsub.s32 v20, v0  }
0xa8: {  	v21 =	vand.u32 $0xFFFFFFF0, v21  }
0xa9: {  	vm15 =	vgt.s32 v20, $0xFFFFFFFF;
	vm0 =	veq.s32 v21, $0x20  }
0xaa: {  	vm0 =	vmand vm15, vm0  }
0xab: {  	v21 =	vmpcnt.ones.xlane vm0  }
0xac: {  	v22 =	vld [tilespmem:s29+$0x0]  }
0xad: {  	p3 =	sne.s32 s28, $0x1;
	(v2sf) =	vpush v21, $0x0  }
.Ltmp11:
0xae: {  	_ = 	snop;
	(pc) =	sbr.rel @!p3 .LBB2_18-.Ltmp11, $4  }
0xaf: {  	_ = 	snop  }
0xb0: {  	[tilespmem:s0+$0x700] =	vst.msk vm0, v20  }
0xb1: {  	s8 =	simm.s32 $0x10;
	s10 =	sadd.s32 $0xFFFFFFFF, s28;
	[tilespmem:s0+$0xA80] =	vst.msk vm0, v22  }
0xb2: {  	p2 =	por $0x1, $0x1;
	s2 =	simm.s32 $0x380;
	s3 =	smov.u32 s0;
	v20 =	vld [tilespmem:s8+$0x0]  }
.LBB2_19:
0xb3: {  	p3 =	sne.s32 s10, $0x1;
	_ =	sdelay $0x3  }
0xb4: {  	v21 =	vsub.s32 v20, v0  }
0xb5: {  	v21 =	vand.u32 $0xFFFFFFF0, v21  }
0xb6: {  	s2 =	sadd.s32 $0x10, s2;
	vm15 =	vgt.s32 v20, $0xFFFFFFFF;
	vm0 =	veq.s32 v21, $0x20  }
0xb7: {  	vm0 =	vmand vm15, vm0;
	v21 =	vld [tilespmem:s2+$0x0]  }
0xb8: {  	v22 =	vmpcnt.ones.xlane vm0  }
0xb9: {  	s11 =	spop (v2sf)  }
0xba: {  	(v2sf) =	vpush v22, $0x0;
	s3 =	sadd.s32 s3, s11  }
.Ltmp12:
0xbb: {  	[tilespmem:s3+$0x700] =	vst.msk vm0, v20;
	(pc) =	sbr.rel @p3 .LBB2_19-.Ltmp12, $3  }
0xbc: {  	[tilespmem:s3+$0xA80] =	vst.msk vm0, v21;
	_ =	sdelay $0x1  }
0xbd: {  	s8 =	sadd.s32 $0x10, s8  }
0xbe: {  	s10 =	sadd.s32 $0xFFFFFFFF, s10;
	v20 =	vld [tilespmem:s8+$0x0]  }
.LBB2_20:
0xbf: {  	_ =	sdelay $0x3  }
0xc0: {  	v21 =	vsub.s32 v20, v0  }
0xc1: {  	v21 =	vand.u32 $0xFFFFFFF0, v21  }
0xc2: {  	vm15 =	vgt.s32 v20, $0xFFFFFFFF;
	vm0 =	veq.s32 v21, $0x20  }
0xc3: {  	vm0 =	vmand vm15, vm0  }
0xc4: {  	v21 =	vmpcnt.ones.xlane vm0;
	_ =	sdelay $0x1  }
0xc5: {  	(v2sf) =	vpush v21, $0x0;
	_ =	sdelay $0x9  }
0xc6: {  	s2 =	sadd.s32 @p2 $0x10, s2  }
0xc7: {  	s29 =	smov.u32 @p2 s2  }
0xc8: {  	v21 =	vld [tilespmem:s29+$0x0]  }
0xc9: {  	s2 =	spop @p2 (v2sf)  }
.Ltmp13:
0xca: {  	s2 =	sadd.s32 @p2 s3, s2;
	(pc) =	sbr.rel @!p0 .LBB2_21-.Ltmp13, $4  }
0xcb: {  	s0 =	smov.u32 @p2 s2;
	s31 =	spop (v2sf)  }
0xcc: {  	[tilespmem:s0+$0x700] =	vst.msk vm0, v20;
	s3 =	sadd.s32 s0, s31  }
0xcd: {  	[tilespmem:s0+$0xA80] =	vst.msk vm0, v21;
	s0 =	simm.s32 $0x0;
	v20 =	vmov s3  }
0xce: {  	s29 =	simm.s32 $0x380;
	v21 =	vld [tilespmem:s0+$0x0];
	v20 =	vnsel vm2, $0x0, v20  }
0xcf: {  	_ =	sdelay $0x3  }
0xd0: {  	v22 =	vsub.s32 v21, v0  }
0xd1: {  	v22 =	vand.u32 $0xFFFFFFF0, v22  }
0xd2: {  	vm15 =	vgt.s32 v21, $0xFFFFFFFF;
	vm0 =	veq.s32 v22, $0x30  }
0xd3: {  	vm0 =	vmand vm15, vm0  }
0xd4: {  	v22 =	vmpcnt.ones.xlane vm0  }
0xd5: {  	v23 =	vld [tilespmem:s29+$0x0]  }
0xd6: {  	p2 =	sne.s32 s28, $0x1;
	(v2sf) =	vpush v22, $0x0  }
.Ltmp14:
0xd7: {  	_ = 	snop;
	(pc) =	sbr.rel @!p2 .LBB2_23-.Ltmp14, $4  }
0xd8: {  	_ = 	snop  }
0xd9: {  	[tilespmem:s3+$0x700] =	vst.msk vm0, v21  }
0xda: {  	s10 =	simm.s32 $0x10;
	s30 =	sadd.s32 $0xFFFFFFFF, s28;
	[tilespmem:s3+$0xA80] =	vst.msk vm0, v23  }
0xdb: {  	p1 =	por $0x1, $0x1;
	s8 =	simm.s32 $0x380;
	s2 =	smov.u32 s3;
	v21 =	vld [tilespmem:s10+$0x0]  }
.LBB2_24:
0xdc: {  	p2 =	sne.s32 s30, $0x1;
	_ =	sdelay $0x3  }
0xdd: {  	v22 =	vsub.s32 v21, v0  }
0xde: {  	v22 =	vand.u32 $0xFFFFFFF0, v22  }
0xdf: {  	s8 =	sadd.s32 $0x10, s8;
	vm15 =	vgt.s32 v21, $0xFFFFFFFF;
	vm0 =	veq.s32 v22, $0x30  }
0xe0: {  	vm0 =	vmand vm15, vm0;
	v22 =	vld [tilespmem:s8+$0x0]  }
0xe1: {  	v23 =	vmpcnt.ones.xlane vm0  }
0xe2: {  	s11 =	spop (v2sf)  }
0xe3: {  	(v2sf) =	vpush v23, $0x0;
	s2 =	sadd.s32 s2, s11  }
.Ltmp15:
0xe4: {  	[tilespmem:s2+$0x700] =	vst.msk vm0, v21;
	(pc) =	sbr.rel @p2 .LBB2_24-.Ltmp15, $3  }
0xe5: {  	[tilespmem:s2+$0xA80] =	vst.msk vm0, v22;
	_ =	sdelay $0x1  }
0xe6: {  	s10 =	sadd.s32 $0x10, s10  }
0xe7: {  	s30 =	sadd.s32 $0xFFFFFFFF, s30;
	v21 =	vld [tilespmem:s10+$0x0]  }
.LBB2_25:
0xe8: {  	_ =	sdelay $0x3  }
0xe9: {  	v22 =	vsub.s32 v21, v0  }
0xea: {  	v22 =	vand.u32 $0xFFFFFFF0, v22  }
0xeb: {  	vm15 =	vgt.s32 v21, $0xFFFFFFFF;
	vm0 =	veq.s32 v22, $0x30  }
0xec: {  	vm0 =	vmand vm15, vm0  }
0xed: {  	v22 =	vmpcnt.ones.xlane vm0;
	_ =	sdelay $0x1  }
0xee: {  	(v2sf) =	vpush v22, $0x0;
	_ =	sdelay $0x9  }
0xef: {  	s8 =	sadd.s32 @p1 $0x10, s8;
	s10 =	simm.s32 $0x380  }
0xf0: {  	s10 =	smov.u32 @p1 s8  }
0xf1: {  	v22 =	vld [tilespmem:s10+$0x0]  }
0xf2: {  	s8 =	spop @p1 (v2sf)  }
.Ltmp16:
0xf3: {  	s2 =	sadd.s32 @p1 s2, s8;
	(pc) =	sbr.rel @!p0 .LBB2_26-.Ltmp16, $4  }
0xf4: {  	s3 =	smov.u32 @p1 s2;
	s31 =	spop (v2sf)  }
0xf5: {  	[tilespmem:s3+$0x700] =	vst.msk vm0, v21;
	s30 =	sadd.s32 s3, s31  }
0xf6: {  	[tilespmem:s3+$0xA80] =	vst.msk vm0, v22;
	v21 =	vmov s30  }
0xf7: {  	p1 =	por $0x0, $0x0;
	v22 =	vld [tilespmem:s0+$0x0];
	v21 =	vnsel vm3, $0x0, v21  }
0xf8: {  	_ =	sdelay $0x3  }
0xf9: {  	v23 =	vsub.s32 v22, v0  }
0xfa: {  	v23 =	vand.u32 $0xFFFFFFF0, v23  }
0xfb: {  	vm15 =	vgt.s32 v22, $0xFFFFFFFF;
	vm0 =	veq.s32 v23, $0x40  }
0xfc: {  	vm0 =	vmand vm15, vm0  }
0xfd: {  	v23 =	vmpcnt.ones.xlane vm0  }
0xfe: {  	v24 =	vld [tilespmem:s29+$0x0]  }
0xff: {  	p3 =	sne.s32 s28, $0x1;
	(v2sf) =	vpush v23, $0x0  }
.Ltmp17:
0x100: {  	_ = 	snop;
	(pc) =	sbr.rel @!p3 .LBB2_28-.Ltmp17, $4  }
0x101: {  	_ = 	snop  }
0x102: {  	[tilespmem:s30+$0x700] =	vst.msk vm0, v22  }
0x103: {  	s3 =	simm.s32 $0x10;
	s8 =	sadd.s32 $0xFFFFFFFF, s28;
	[tilespmem:s30+$0xA80] =	vst.msk vm0, v24  }
0x104: {  	p2 =	por $0x1, $0x1;
	s0 =	simm.s32 $0x380;
	s2 =	smov.u32 s30;
	v22 =	vld [tilespmem:s3+$0x0]  }
.LBB2_29:
0x105: {  	p3 =	sne.s32 s8, $0x1;
	_ =	sdelay $0x3  }
0x106: {  	v23 =	vsub.s32 v22, v0  }
0x107: {  	v23 =	vand.u32 $0xFFFFFFF0, v23  }
0x108: {  	s0 =	sadd.s32 $0x10, s0;
	vm15 =	vgt.s32 v22, $0xFFFFFFFF;
	vm0 =	veq.s32 v23, $0x40  }
0x109: {  	vm0 =	vmand vm15, vm0;
	v23 =	vld [tilespmem:s0+$0x0]  }
0x10a: {  	v24 =	vmpcnt.ones.xlane vm0  }
0x10b: {  	s10 =	spop (v2sf)  }
0x10c: {  	(v2sf) =	vpush v24, $0x0;
	s2 =	sadd.s32 s2, s10  }
.Ltmp18:
0x10d: {  	[tilespmem:s2+$0x700] =	vst.msk vm0, v22;
	(pc) =	sbr.rel @p3 .LBB2_29-.Ltmp18, $3  }
0x10e: {  	[tilespmem:s2+$0xA80] =	vst.msk vm0, v23;
	_ =	sdelay $0x1  }
0x10f: {  	s3 =	sadd.s32 $0x10, s3  }
0x110: {  	s8 =	sadd.s32 $0xFFFFFFFF, s8;
	v22 =	vld [tilespmem:s3+$0x0]  }
.LBB2_30:
0x111: {  	_ =	sdelay $0x3  }
0x112: {  	v23 =	vsub.s32 v22, v0  }
0x113: {  	v23 =	vand.u32 $0xFFFFFFF0, v23  }
0x114: {  	vm15 =	vgt.s32 v22, $0xFFFFFFFF;
	vm0 =	veq.s32 v23, $0x40  }
0x115: {  	vm0 =	vmand vm15, vm0  }
0x116: {  	v23 =	vmpcnt.ones.xlane vm0;
	_ =	sdelay $0x1  }
0x117: {  	(v2sf) =	vpush v23, $0x0;
	_ =	sdelay $0x9  }
0x118: {  	s0 =	sadd.s32 @p2 $0x10, s0  }
0x119: {  	s29 =	smov.u32 @p2 s0  }
0x11a: {  	v23 =	vld [tilespmem:s29+$0x0]  }
0x11b: {  	s0 =	spop @p2 (v2sf)  }
.Ltmp19:
0x11c: {  	s0 =	sadd.s32 @p2 s2, s0;
	(pc) =	sbr.rel @!p0 .LBB2_31-.Ltmp19, $4  }
0x11d: {  	s30 =	smov.u32 @p2 s0;
	s31 =	spop (v2sf)  }
0x11e: {  	[tilespmem:s30+$0x700] =	vst.msk vm0, v22;
	s3 =	sadd.s32 s30, s31  }
0x11f: {  	s0 =	simm.s32 $0x0;
	[tilespmem:s30+$0xA80] =	vst.msk vm0, v23;
	v22 =	vmov s3  }
0x120: {  	s29 =	simm.s32 $0x380;
	v23 =	vld [tilespmem:s0+$0x0];
	v22 =	vnsel vm4, $0x0, v22  }
0x121: {  	_ =	sdelay $0x3  }
0x122: {  	v24 =	vsub.s32 v23, v0  }
0x123: {  	v24 =	vand.u32 $0xFFFFFFF0, v24  }
0x124: {  	vm15 =	vgt.s32 v23, $0xFFFFFFFF;
	vm0 =	veq.s32 v24, $0x50  }
0x125: {  	vm0 =	vmand vm15, vm0  }
0x126: {  	v63 =	vmpcnt.ones.xlane vm0  }
0x127: {  	v25 =	vld [tilespmem:s29+$0x0]  }
0x128: {  	p2 =	sne.s32 s28, $0x1;
	(v2sf) =	vpush v63, $0x0  }
.Ltmp20:
0x129: {  	_ = 	snop;
	(pc) =	sbr.rel @!p2 .LBB2_33-.Ltmp20, $4  }
0x12a: {  	_ = 	snop  }
0x12b: {  	[tilespmem:s3+$0x700] =	vst.msk vm0, v23  }
0x12c: {  	s10 =	simm.s32 $0x10;
	s30 =	sadd.s32 $0xFFFFFFFF, s28;
	[tilespmem:s3+$0xA80] =	vst.msk vm0, v25  }
0x12d: {  	p1 =	por $0x1, $0x1;
	s8 =	simm.s32 $0x380;
	s2 =	smov.u32 s3;
	v23 =	vld [tilespmem:s10+$0x0]  }
.LBB2_34:
0x12e: {  	p2 =	sne.s32 s30, $0x1;
	_ =	sdelay $0x3  }
0x12f: {  	v24 =	vsub.s32 v23, v0  }
0x130: {  	v24 =	vand.u32 $0xFFFFFFF0, v24  }
0x131: {  	s8 =	sadd.s32 $0x10, s8;
	vm15 =	vgt.s32 v23, $0xFFFFFFFF;
	vm0 =	veq.s32 v24, $0x50  }
0x132: {  	vm0 =	vmand vm15, vm0;
	v24 =	vld [tilespmem:s8+$0x0]  }
0x133: {  	v25 =	vmpcnt.ones.xlane vm0  }
0x134: {  	s11 =	spop (v2sf)  }
0x135: {  	(v2sf) =	vpush v25, $0x0;
	s2 =	sadd.s32 s2, s11  }
.Ltmp21:
0x136: {  	[tilespmem:s2+$0x700] =	vst.msk vm0, v23;
	(pc) =	sbr.rel @p2 .LBB2_34-.Ltmp21, $3  }
0x137: {  	[tilespmem:s2+$0xA80] =	vst.msk vm0, v24;
	_ =	sdelay $0x1  }
0x138: {  	s10 =	sadd.s32 $0x10, s10  }
0x139: {  	s30 =	sadd.s32 $0xFFFFFFFF, s30;
	v23 =	vld [tilespmem:s10+$0x0]  }
.LBB2_35:
0x13a: {  	_ =	sdelay $0x3  }
0x13b: {  	v24 =	vsub.s32 v23, v0  }
0x13c: {  	v24 =	vand.u32 $0xFFFFFFF0, v24  }
0x13d: {  	vm15 =	vgt.s32 v23, $0xFFFFFFFF;
	vm0 =	veq.s32 v24, $0x50  }
0x13e: {  	vm0 =	vmand vm15, vm0  }
0x13f: {  	v24 =	vmpcnt.ones.xlane vm0;
	_ =	sdelay $0x1  }
0x140: {  	(v2sf) =	vpush v24, $0x0;
	_ =	sdelay $0x9  }
0x141: {  	s8 =	sadd.s32 @p1 $0x10, s8;
	s10 =	simm.s32 $0x380  }
0x142: {  	s10 =	smov.u32 @p1 s8  }
0x143: {  	v24 =	vld [tilespmem:s10+$0x0]  }
0x144: {  	s8 =	spop @p1 (v2sf)  }
.Ltmp22:
0x145: {  	s2 =	sadd.s32 @p1 s2, s8;
	(pc) =	sbr.rel @!p0 .LBB2_36-.Ltmp22, $4  }
0x146: {  	s3 =	smov.u32 @p1 s2;
	s31 =	spop (v2sf)  }
0x147: {  	[tilespmem:s3+$0x700] =	vst.msk vm0, v23;
	s30 =	sadd.s32 s3, s31  }
0x148: {  	[tilespmem:s3+$0xA80] =	vst.msk vm0, v24;
	v23 =	vmov s30  }
0x149: {  	p1 =	por $0x0, $0x0;
	v24 =	vld [tilespmem:s0+$0x0];
	v23 =	vnsel vm5, $0x0, v23  }
0x14a: {  	_ =	sdelay $0x3  }
0x14b: {  	v25 =	vsub.s32 v24, v0  }
0x14c: {  	v25 =	vand.u32 $0xFFFFFFF0, v25  }
0x14d: {  	vm15 =	vgt.s32 v24, $0xFFFFFFFF;
	vm0 =	veq.s32 v25, $0x60  }
0x14e: {  	vm0 =	vmand vm15, vm0  }
0x14f: {  	v25 =	vmpcnt.ones.xlane vm0  }
0x150: {  	v26 =	vld [tilespmem:s29+$0x0]  }
0x151: {  	p3 =	sne.s32 s28, $0x1;
	(v2sf) =	vpush v25, $0x0  }
.Ltmp23:
0x152: {  	_ = 	snop;
	(pc) =	sbr.rel @!p3 .LBB2_38-.Ltmp23, $4  }
0x153: {  	_ = 	snop  }
0x154: {  	[tilespmem:s30+$0x700] =	vst.msk vm0, v24  }
0x155: {  	s3 =	simm.s32 $0x10;
	s8 =	sadd.s32 $0xFFFFFFFF, s28;
	[tilespmem:s30+$0xA80] =	vst.msk vm0, v26  }
0x156: {  	p2 =	por $0x1, $0x1;
	s0 =	simm.s32 $0x380;
	s2 =	smov.u32 s30;
	v24 =	vld [tilespmem:s3+$0x0]  }
.LBB2_39:
0x157: {  	p3 =	sne.s32 s8, $0x1;
	_ =	sdelay $0x3  }
0x158: {  	v25 =	vsub.s32 v24, v0  }
0x159: {  	v25 =	vand.u32 $0xFFFFFFF0, v25  }
0x15a: {  	s0 =	sadd.s32 $0x10, s0;
	vm15 =	vgt.s32 v24, $0xFFFFFFFF;
	vm0 =	veq.s32 v25, $0x60  }
0x15b: {  	vm0 =	vmand vm15, vm0;
	v25 =	vld [tilespmem:s0+$0x0]  }
0x15c: {  	v26 =	vmpcnt.ones.xlane vm0  }
0x15d: {  	s10 =	spop (v2sf)  }
0x15e: {  	(v2sf) =	vpush v26, $0x0;
	s2 =	sadd.s32 s2, s10  }
.Ltmp24:
0x15f: {  	[tilespmem:s2+$0x700] =	vst.msk vm0, v24;
	(pc) =	sbr.rel @p3 .LBB2_39-.Ltmp24, $3  }
0x160: {  	[tilespmem:s2+$0xA80] =	vst.msk vm0, v25;
	_ =	sdelay $0x1  }
0x161: {  	s3 =	sadd.s32 $0x10, s3  }
0x162: {  	s8 =	sadd.s32 $0xFFFFFFFF, s8;
	v24 =	vld [tilespmem:s3+$0x0]  }
.LBB2_40:
0x163: {  	_ =	sdelay $0x3  }
0x164: {  	v25 =	vsub.s32 v24, v0  }
0x165: {  	v25 =	vand.u32 $0xFFFFFFF0, v25  }
0x166: {  	vm15 =	vgt.s32 v24, $0xFFFFFFFF;
	vm0 =	veq.s32 v25, $0x60  }
0x167: {  	vm0 =	vmand vm15, vm0  }
0x168: {  	v25 =	vmpcnt.ones.xlane vm0;
	_ =	sdelay $0x1  }
0x169: {  	(v2sf) =	vpush v25, $0x0;
	_ =	sdelay $0x9  }
0x16a: {  	s0 =	sadd.s32 @p2 $0x10, s0  }
0x16b: {  	s29 =	smov.u32 @p2 s0  }
0x16c: {  	v25 =	vld [tilespmem:s29+$0x0]  }
0x16d: {  	s0 =	spop @p2 (v2sf)  }
.Ltmp25:
0x16e: {  	s0 =	sadd.s32 @p2 s2, s0;
	(pc) =	sbr.rel @!p0 .LBB2_41-.Ltmp25, $4  }
0x16f: {  	s30 =	smov.u32 @p2 s0;
	s31 =	spop (v2sf)  }
0x170: {  	[tilespmem:s30+$0x700] =	vst.msk vm0, v24;
	s3 =	sadd.s32 s30, s31  }
0x171: {  	s0 =	simm.s32 $0x0;
	[tilespmem:s30+$0xA80] =	vst.msk vm0, v25;
	v24 =	vmov s3  }
0x172: {  	s29 =	simm.s32 $0x380;
	v25 =	vld [tilespmem:s0+$0x0];
	v24 =	vnsel vm6, $0x0, v24  }
0x173: {  	_ =	sdelay $0x3  }
0x174: {  	v26 =	vsub.s32 v25, v0  }
0x175: {  	v26 =	vand.u32 $0xFFFFFFF0, v26  }
0x176: {  	vm15 =	vgt.s32 v25, $0xFFFFFFFF;
	vm0 =	veq.s32 v26, $0x70  }
0x177: {  	vm0 =	vmand vm15, vm0  }
0x178: {  	v26 =	vmpcnt.ones.xlane vm0  }
0x179: {  	v27 =	vld [tilespmem:s29+$0x0]  }
0x17a: {  	p2 =	sne.s32 s28, $0x1;
	(v2sf) =	vpush v26, $0x0  }
.Ltmp26:
0x17b: {  	_ = 	snop;
	(pc) =	sbr.rel @!p2 .LBB2_43-.Ltmp26, $4  }
0x17c: {  	_ = 	snop  }
0x17d: {  	[tilespmem:s3+$0x700] =	vst.msk vm0, v25  }
0x17e: {  	s10 =	simm.s32 $0x10;
	s30 =	sadd.s32 $0xFFFFFFFF, s28;
	[tilespmem:s3+$0xA80] =	vst.msk vm0, v27  }
0x17f: {  	p1 =	por $0x1, $0x1;
	s8 =	simm.s32 $0x380;
	s2 =	smov.u32 s3;
	v25 =	vld [tilespmem:s10+$0x0]  }
.LBB2_44:
0x180: {  	p2 =	sne.s32 s30, $0x1;
	_ =	sdelay $0x3  }
0x181: {  	v26 =	vsub.s32 v25, v0  }
0x182: {  	v26 =	vand.u32 $0xFFFFFFF0, v26  }
0x183: {  	s8 =	sadd.s32 $0x10, s8;
	vm15 =	vgt.s32 v25, $0xFFFFFFFF;
	vm0 =	veq.s32 v26, $0x70  }
0x184: {  	vm0 =	vmand vm15, vm0;
	v26 =	vld [tilespmem:s8+$0x0]  }
0x185: {  	v27 =	vmpcnt.ones.xlane vm0  }
0x186: {  	s11 =	spop (v2sf)  }
0x187: {  	(v2sf) =	vpush v27, $0x0;
	s2 =	sadd.s32 s2, s11  }
.Ltmp27:
0x188: {  	[tilespmem:s2+$0x700] =	vst.msk vm0, v25;
	(pc) =	sbr.rel @p2 .LBB2_44-.Ltmp27, $3  }
0x189: {  	[tilespmem:s2+$0xA80] =	vst.msk vm0, v26;
	_ =	sdelay $0x1  }
0x18a: {  	s10 =	sadd.s32 $0x10, s10  }
0x18b: {  	s30 =	sadd.s32 $0xFFFFFFFF, s30;
	v25 =	vld [tilespmem:s10+$0x0]  }
.LBB2_45:
0x18c: {  	_ =	sdelay $0x3  }
0x18d: {  	v26 =	vsub.s32 v25, v0  }
0x18e: {  	v26 =	vand.u32 $0xFFFFFFF0, v26  }
0x18f: {  	vm15 =	vgt.s32 v25, $0xFFFFFFFF;
	vm0 =	veq.s32 v26, $0x70  }
0x190: {  	vm0 =	vmand vm15, vm0  }
0x191: {  	v26 =	vmpcnt.ones.xlane vm0;
	_ =	sdelay $0x1  }
0x192: {  	(v2sf) =	vpush v26, $0x0;
	_ =	sdelay $0x9  }
0x193: {  	s8 =	sadd.s32 @p1 $0x10, s8;
	s10 =	simm.s32 $0x380  }
0x194: {  	s10 =	smov.u32 @p1 s8  }
0x195: {  	v26 =	vld [tilespmem:s10+$0x0]  }
0x196: {  	s8 =	spop @p1 (v2sf)  }
.Ltmp28:
0x197: {  	s2 =	sadd.s32 @p1 s2, s8;
	(pc) =	sbr.rel @!p0 .LBB2_46-.Ltmp28, $4  }
0x198: {  	s3 =	smov.u32 @p1 s2;
	s31 =	spop (v2sf)  }
0x199: {  	[tilespmem:s3+$0x700] =	vst.msk vm0, v25;
	s30 =	sadd.s32 s3, s31  }
0x19a: {  	[tilespmem:s3+$0xA80] =	vst.msk vm0, v26;
	v25 =	vmov s30  }
0x19b: {  	p1 =	por $0x0, $0x0;
	v26 =	vld [tilespmem:s0+$0x0];
	v25 =	vnsel vm7, $0x0, v25  }
0x19c: {  	_ =	sdelay $0x3  }
0x19d: {  	v27 =	vsub.s32 v26, v0  }
0x19e: {  	v27 =	vand.u32 $0xFFFFFFF0, v27  }
0x19f: {  	vm15 =	vgt.s32 v26, $0xFFFFFFFF;
	vm0 =	veq.s32 v27, $0x80  }
0x1a0: {  	vm0 =	vmand vm15, vm0  }
0x1a1: {  	v27 =	vmpcnt.ones.xlane vm0  }
0x1a2: {  	v28 =	vld [tilespmem:s29+$0x0]  }
0x1a3: {  	p3 =	sne.s32 s28, $0x1;
	(v2sf) =	vpush v27, $0x0  }
.Ltmp29:
0x1a4: {  	_ = 	snop;
	(pc) =	sbr.rel @!p3 .LBB2_48-.Ltmp29, $4  }
0x1a5: {  	_ = 	snop  }
0x1a6: {  	[tilespmem:s30+$0x700] =	vst.msk vm0, v26  }
0x1a7: {  	s3 =	simm.s32 $0x10;
	s8 =	sadd.s32 $0xFFFFFFFF, s28;
	[tilespmem:s30+$0xA80] =	vst.msk vm0, v28  }
0x1a8: {  	p2 =	por $0x1, $0x1;
	s0 =	simm.s32 $0x380;
	s2 =	smov.u32 s30;
	v26 =	vld [tilespmem:s3+$0x0]  }
.LBB2_49:
0x1a9: {  	p3 =	sne.s32 s8, $0x1;
	_ =	sdelay $0x3  }
0x1aa: {  	v27 =	vsub.s32 v26, v0  }
0x1ab: {  	v27 =	vand.u32 $0xFFFFFFF0, v27  }
0x1ac: {  	s0 =	sadd.s32 $0x10, s0;
	vm15 =	vgt.s32 v26, $0xFFFFFFFF;
	vm0 =	veq.s32 v27, $0x80  }
0x1ad: {  	vm0 =	vmand vm15, vm0;
	v27 =	vld [tilespmem:s0+$0x0]  }
0x1ae: {  	v28 =	vmpcnt.ones.xlane vm0  }
0x1af: {  	s10 =	spop (v2sf)  }
0x1b0: {  	(v2sf) =	vpush v28, $0x0;
	s2 =	sadd.s32 s2, s10  }
.Ltmp30:
0x1b1: {  	[tilespmem:s2+$0x700] =	vst.msk vm0, v26;
	(pc) =	sbr.rel @p3 .LBB2_49-.Ltmp30, $3  }
0x1b2: {  	[tilespmem:s2+$0xA80] =	vst.msk vm0, v27;
	_ =	sdelay $0x1  }
0x1b3: {  	s3 =	sadd.s32 $0x10, s3  }
0x1b4: {  	s8 =	sadd.s32 $0xFFFFFFFF, s8;
	v26 =	vld [tilespmem:s3+$0x0]  }
.LBB2_50:
0x1b5: {  	_ =	sdelay $0x3  }
0x1b6: {  	v27 =	vsub.s32 v26, v0  }
0x1b7: {  	v27 =	vand.u32 $0xFFFFFFF0, v27  }
0x1b8: {  	vm15 =	vgt.s32 v26, $0xFFFFFFFF;
	vm0 =	veq.s32 v27, $0x80  }
0x1b9: {  	vm0 =	vmand vm15, vm0  }
0x1ba: {  	v27 =	vmpcnt.ones.xlane vm0;
	_ =	sdelay $0x1  }
0x1bb: {  	(v2sf) =	vpush v27, $0x0;
	_ =	sdelay $0x9  }
0x1bc: {  	s0 =	sadd.s32 @p2 $0x10, s0  }
0x1bd: {  	s29 =	smov.u32 @p2 s0  }
0x1be: {  	v27 =	vld [tilespmem:s29+$0x0]  }
0x1bf: {  	s0 =	spop @p2 (v2sf)  }
.Ltmp31:
0x1c0: {  	s0 =	sadd.s32 @p2 s2, s0;
	(pc) =	sbr.rel @!p0 .LBB2_51-.Ltmp31, $4  }
0x1c1: {  	s30 =	smov.u32 @p2 s0;
	s31 =	spop (v2sf)  }
0x1c2: {  	[tilespmem:s30+$0x700] =	vst.msk vm0, v26;
	s3 =	sadd.s32 s30, s31  }
0x1c3: {  	s0 =	simm.s32 $0x0;
	[tilespmem:s30+$0xA80] =	vst.msk vm0, v27;
	v26 =	vmov s3  }
0x1c4: {  	s29 =	simm.s32 $0x380;
	v27 =	vld [tilespmem:s0+$0x0];
	v26 =	vnsel vm8, $0x0, v26  }
0x1c5: {  	_ =	sdelay $0x3  }
0x1c6: {  	v28 =	vsub.s32 v27, v0  }
0x1c7: {  	v28 =	vand.u32 $0xFFFFFFF0, v28  }
0x1c8: {  	vm15 =	vgt.s32 v27, $0xFFFFFFFF;
	vm0 =	veq.s32 v28, $0x90  }
0x1c9: {  	vm0 =	vmand vm15, vm0  }
0x1ca: {  	v28 =	vmpcnt.ones.xlane vm0  }
0x1cb: {  	v29 =	vld [tilespmem:s29+$0x0]  }
0x1cc: {  	p2 =	sne.s32 s28, $0x1;
	(v2sf) =	vpush v28, $0x0  }
.Ltmp32:
0x1cd: {  	_ = 	snop;
	(pc) =	sbr.rel @!p2 .LBB2_53-.Ltmp32, $4  }
0x1ce: {  	_ = 	snop  }
0x1cf: {  	[tilespmem:s3+$0x700] =	vst.msk vm0, v27  }
0x1d0: {  	s10 =	simm.s32 $0x10;
	s30 =	sadd.s32 $0xFFFFFFFF, s28;
	[tilespmem:s3+$0xA80] =	vst.msk vm0, v29  }
0x1d1: {  	p1 =	por $0x1, $0x1;
	s8 =	simm.s32 $0x380;
	s2 =	smov.u32 s3;
	v27 =	vld [tilespmem:s10+$0x0]  }
.LBB2_54:
0x1d2: {  	p2 =	sne.s32 s30, $0x1;
	_ =	sdelay $0x3  }
0x1d3: {  	v28 =	vsub.s32 v27, v0  }
0x1d4: {  	v28 =	vand.u32 $0xFFFFFFF0, v28  }
0x1d5: {  	s8 =	sadd.s32 $0x10, s8;
	vm15 =	vgt.s32 v27, $0xFFFFFFFF;
	vm0 =	veq.s32 v28, $0x90  }
0x1d6: {  	vm0 =	vmand vm15, vm0;
	v28 =	vld [tilespmem:s8+$0x0]  }
0x1d7: {  	v29 =	vmpcnt.ones.xlane vm0  }
0x1d8: {  	s11 =	spop (v2sf)  }
0x1d9: {  	(v2sf) =	vpush v29, $0x0;
	s2 =	sadd.s32 s2, s11  }
.Ltmp33:
0x1da: {  	[tilespmem:s2+$0x700] =	vst.msk vm0, v27;
	(pc) =	sbr.rel @p2 .LBB2_54-.Ltmp33, $3  }
0x1db: {  	[tilespmem:s2+$0xA80] =	vst.msk vm0, v28;
	_ =	sdelay $0x1  }
0x1dc: {  	s10 =	sadd.s32 $0x10, s10  }
0x1dd: {  	s30 =	sadd.s32 $0xFFFFFFFF, s30;
	v27 =	vld [tilespmem:s10+$0x0]  }
.LBB2_55:
0x1de: {  	_ =	sdelay $0x3  }
0x1df: {  	v28 =	vsub.s32 v27, v0  }
0x1e0: {  	v28 =	vand.u32 $0xFFFFFFF0, v28  }
0x1e1: {  	vm15 =	vgt.s32 v27, $0xFFFFFFFF;
	vm0 =	veq.s32 v28, $0x90  }
0x1e2: {  	vm0 =	vmand vm15, vm0  }
0x1e3: {  	v28 =	vmpcnt.ones.xlane vm0;
	_ =	sdelay $0x1  }
0x1e4: {  	(v2sf) =	vpush v28, $0x0;
	_ =	sdelay $0x9  }
0x1e5: {  	s8 =	sadd.s32 @p1 $0x10, s8;
	s10 =	simm.s32 $0x380  }
0x1e6: {  	s10 =	smov.u32 @p1 s8  }
0x1e7: {  	v28 =	vld [tilespmem:s10+$0x0]  }
0x1e8: {  	s8 =	spop @p1 (v2sf)  }
.Ltmp34:
0x1e9: {  	s2 =	sadd.s32 @p1 s2, s8;
	(pc) =	sbr.rel @!p0 .LBB2_56-.Ltmp34, $4  }
0x1ea: {  	s3 =	smov.u32 @p1 s2;
	s31 =	spop (v2sf)  }
0x1eb: {  	[tilespmem:s3+$0x700] =	vst.msk vm0, v27;
	s30 =	sadd.s32 s3, s31  }
0x1ec: {  	[tilespmem:s3+$0xA80] =	vst.msk vm0, v28;
	v27 =	vmov s30  }
0x1ed: {  	p1 =	por $0x0, $0x0;
	v28 =	vld [tilespmem:s0+$0x0];
	v27 =	vnsel vm9, $0x0, v27  }
0x1ee: {  	_ =	sdelay $0x3  }
0x1ef: {  	v29 =	vsub.s32 v28, v0  }
0x1f0: {  	v29 =	vand.u32 $0xFFFFFFF0, v29  }
0x1f1: {  	vm15 =	vgt.s32 v28, $0xFFFFFFFF;
	vm0 =	veq.s32 v29, $0xA0  }
0x1f2: {  	vm0 =	vmand vm15, vm0  }
0x1f3: {  	v29 =	vmpcnt.ones.xlane vm0  }
0x1f4: {  	v30 =	vld [tilespmem:s29+$0x0]  }
0x1f5: {  	p3 =	sne.s32 s28, $0x1;
	(v2sf) =	vpush v29, $0x0  }
.Ltmp35:
0x1f6: {  	_ = 	snop;
	(pc) =	sbr.rel @!p3 .LBB2_58-.Ltmp35, $4  }
0x1f7: {  	_ = 	snop  }
0x1f8: {  	[tilespmem:s30+$0x700] =	vst.msk vm0, v28  }
0x1f9: {  	s3 =	simm.s32 $0x10;
	s8 =	sadd.s32 $0xFFFFFFFF, s28;
	[tilespmem:s30+$0xA80] =	vst.msk vm0, v30  }
0x1fa: {  	p2 =	por $0x1, $0x1;
	s0 =	simm.s32 $0x380;
	s2 =	smov.u32 s30;
	v28 =	vld [tilespmem:s3+$0x0]  }
.LBB2_59:
0x1fb: {  	p3 =	sne.s32 s8, $0x1;
	_ =	sdelay $0x3  }
0x1fc: {  	v29 =	vsub.s32 v28, v0  }
0x1fd: {  	v29 =	vand.u32 $0xFFFFFFF0, v29  }
0x1fe: {  	s0 =	sadd.s32 $0x10, s0;
	vm15 =	vgt.s32 v28, $0xFFFFFFFF;
	vm0 =	veq.s32 v29, $0xA0  }
0x1ff: {  	vm0 =	vmand vm15, vm0;
	v29 =	vld [tilespmem:s0+$0x0]  }
0x200: {  	v30 =	vmpcnt.ones.xlane vm0  }
0x201: {  	s10 =	spop (v2sf)  }
0x202: {  	(v2sf) =	vpush v30, $0x0;
	s2 =	sadd.s32 s2, s10  }
.Ltmp36:
0x203: {  	[tilespmem:s2+$0x700] =	vst.msk vm0, v28;
	(pc) =	sbr.rel @p3 .LBB2_59-.Ltmp36, $3  }
0x204: {  	[tilespmem:s2+$0xA80] =	vst.msk vm0, v29;
	_ =	sdelay $0x1  }
0x205: {  	s3 =	sadd.s32 $0x10, s3  }
0x206: {  	s8 =	sadd.s32 $0xFFFFFFFF, s8;
	v28 =	vld [tilespmem:s3+$0x0]  }
.LBB2_60:
0x207: {  	_ =	sdelay $0x3  }
0x208: {  	v29 =	vsub.s32 v28, v0  }
0x209: {  	v29 =	vand.u32 $0xFFFFFFF0, v29  }
0x20a: {  	vm15 =	vgt.s32 v28, $0xFFFFFFFF;
	vm0 =	veq.s32 v29, $0xA0  }
0x20b: {  	vm0 =	vmand vm15, vm0  }
0x20c: {  	v29 =	vmpcnt.ones.xlane vm0;
	_ =	sdelay $0x1  }
0x20d: {  	(v2sf) =	vpush v29, $0x0;
	_ =	sdelay $0x9  }
0x20e: {  	s0 =	sadd.s32 @p2 $0x10, s0  }
0x20f: {  	s29 =	smov.u32 @p2 s0  }
0x210: {  	v29 =	vld [tilespmem:s29+$0x0]  }
0x211: {  	s0 =	spop @p2 (v2sf)  }
.Ltmp37:
0x212: {  	s0 =	sadd.s32 @p2 s2, s0;
	(pc) =	sbr.rel @!p0 .LBB2_61-.Ltmp37, $4  }
0x213: {  	s30 =	smov.u32 @p2 s0;
	s31 =	spop (v2sf)  }
0x214: {  	[tilespmem:s30+$0x700] =	vst.msk vm0, v28;
	s3 =	sadd.s32 s30, s31  }
0x215: {  	s0 =	simm.s32 $0x0;
	[tilespmem:s30+$0xA80] =	vst.msk vm0, v29;
	v28 =	vmov s3  }
0x216: {  	s29 =	simm.s32 $0x380;
	v29 =	vld [tilespmem:s0+$0x0];
	v28 =	vnsel vm10, $0x0, v28  }
0x217: {  	_ =	sdelay $0x3  }
0x218: {  	v30 =	vsub.s32 v29, v0  }
0x219: {  	v30 =	vand.u32 $0xFFFFFFF0, v30  }
0x21a: {  	vm15 =	vgt.s32 v29, $0xFFFFFFFF;
	vm0 =	veq.s32 v30, $0xB0  }
0x21b: {  	vm0 =	vmand vm15, vm0  }
0x21c: {  	v30 =	vmpcnt.ones.xlane vm0  }
0x21d: {  	v31 =	vld [tilespmem:s29+$0x0]  }
0x21e: {  	p2 =	sne.s32 s28, $0x1;
	(v2sf) =	vpush v30, $0x0  }
.Ltmp38:
0x21f: {  	_ = 	snop;
	(pc) =	sbr.rel @!p2 .LBB2_63-.Ltmp38, $4  }
0x220: {  	_ = 	snop  }
0x221: {  	[tilespmem:s3+$0x700] =	vst.msk vm0, v29  }
0x222: {  	s10 =	simm.s32 $0x10;
	s30 =	sadd.s32 $0xFFFFFFFF, s28;
	[tilespmem:s3+$0xA80] =	vst.msk vm0, v31  }
0x223: {  	p1 =	por $0x1, $0x1;
	s8 =	simm.s32 $0x380;
	s2 =	smov.u32 s3;
	v29 =	vld [tilespmem:s10+$0x0]  }
.LBB2_64:
0x224: {  	p2 =	sne.s32 s30, $0x1;
	_ =	sdelay $0x3  }
0x225: {  	v30 =	vsub.s32 v29, v0  }
0x226: {  	v30 =	vand.u32 $0xFFFFFFF0, v30  }
0x227: {  	s8 =	sadd.s32 $0x10, s8;
	vm15 =	vgt.s32 v29, $0xFFFFFFFF;
	vm0 =	veq.s32 v30, $0xB0  }
0x228: {  	vm0 =	vmand vm15, vm0;
	v30 =	vld [tilespmem:s8+$0x0]  }
0x229: {  	v31 =	vmpcnt.ones.xlane vm0  }
0x22a: {  	s11 =	spop (v2sf)  }
0x22b: {  	(v2sf) =	vpush v31, $0x0;
	s2 =	sadd.s32 s2, s11  }
.Ltmp39:
0x22c: {  	[tilespmem:s2+$0x700] =	vst.msk vm0, v29;
	(pc) =	sbr.rel @p2 .LBB2_64-.Ltmp39, $3  }
0x22d: {  	[tilespmem:s2+$0xA80] =	vst.msk vm0, v30;
	_ =	sdelay $0x1  }
0x22e: {  	s10 =	sadd.s32 $0x10, s10  }
0x22f: {  	s30 =	sadd.s32 $0xFFFFFFFF, s30;
	v29 =	vld [tilespmem:s10+$0x0]  }
.LBB2_65:
0x230: {  	_ =	sdelay $0x3  }
0x231: {  	v30 =	vsub.s32 v29, v0  }
0x232: {  	v30 =	vand.u32 $0xFFFFFFF0, v30  }
0x233: {  	vm15 =	vgt.s32 v29, $0xFFFFFFFF;
	vm0 =	veq.s32 v30, $0xB0  }
0x234: {  	vm0 =	vmand vm15, vm0  }
0x235: {  	v30 =	vmpcnt.ones.xlane vm0;
	_ =	sdelay $0x1  }
0x236: {  	(v2sf) =	vpush v30, $0x0;
	_ =	sdelay $0x9  }
0x237: {  	s8 =	sadd.s32 @p1 $0x10, s8;
	s10 =	simm.s32 $0x380  }
0x238: {  	s10 =	smov.u32 @p1 s8  }
0x239: {  	v30 =	vld [tilespmem:s10+$0x0]  }
0x23a: {  	s8 =	spop @p1 (v2sf)  }
.Ltmp40:
0x23b: {  	s2 =	sadd.s32 @p1 s2, s8;
	(pc) =	sbr.rel @!p0 .LBB2_66-.Ltmp40, $4  }
0x23c: {  	s3 =	smov.u32 @p1 s2;
	s31 =	spop (v2sf)  }
0x23d: {  	[tilespmem:s3+$0x700] =	vst.msk vm0, v29;
	s30 =	sadd.s32 s3, s31  }
0x23e: {  	[tilespmem:s3+$0xA80] =	vst.msk vm0, v30;
	v29 =	vmov s30  }
0x23f: {  	p1 =	por $0x0, $0x0;
	v30 =	vld [tilespmem:s0+$0x0];
	v29 =	vnsel vm11, $0x0, v29  }
0x240: {  	_ =	sdelay $0x3  }
0x241: {  	v31 =	vsub.s32 v30, v0  }
0x242: {  	v31 =	vand.u32 $0xFFFFFFF0, v31  }
0x243: {  	vm15 =	vgt.s32 v30, $0xFFFFFFFF;
	vm0 =	veq.s32 v31, $0xC0  }
0x244: {  	vm0 =	vmand vm15, vm0  }
0x245: {  	v31 =	vmpcnt.ones.xlane vm0  }
0x246: {  	v32 =	vld [tilespmem:s29+$0x0]  }
0x247: {  	p3 =	sne.s32 s28, $0x1;
	(v2sf) =	vpush v31, $0x0  }
.Ltmp41:
0x248: {  	_ = 	snop;
	(pc) =	sbr.rel @!p3 .LBB2_68-.Ltmp41, $4  }
0x249: {  	_ = 	snop  }
0x24a: {  	[tilespmem:s30+$0x700] =	vst.msk vm0, v30  }
0x24b: {  	s3 =	simm.s32 $0x10;
	s8 =	sadd.s32 $0xFFFFFFFF, s28;
	[tilespmem:s30+$0xA80] =	vst.msk vm0, v32  }
0x24c: {  	p2 =	por $0x1, $0x1;
	s0 =	simm.s32 $0x380;
	s2 =	smov.u32 s30;
	v30 =	vld [tilespmem:s3+$0x0]  }
.LBB2_69:
0x24d: {  	p3 =	sne.s32 s8, $0x1;
	_ =	sdelay $0x3  }
0x24e: {  	v31 =	vsub.s32 v30, v0  }
0x24f: {  	v31 =	vand.u32 $0xFFFFFFF0, v31  }
0x250: {  	s0 =	sadd.s32 $0x10, s0;
	vm15 =	vgt.s32 v30, $0xFFFFFFFF;
	vm0 =	veq.s32 v31, $0xC0  }
0x251: {  	vm0 =	vmand vm15, vm0;
	v31 =	vld [tilespmem:s0+$0x0]  }
0x252: {  	v32 =	vmpcnt.ones.xlane vm0  }
0x253: {  	s10 =	spop (v2sf)  }
0x254: {  	(v2sf) =	vpush v32, $0x0;
	s2 =	sadd.s32 s2, s10  }
.Ltmp42:
0x255: {  	[tilespmem:s2+$0x700] =	vst.msk vm0, v30;
	(pc) =	sbr.rel @p3 .LBB2_69-.Ltmp42, $3  }
0x256: {  	[tilespmem:s2+$0xA80] =	vst.msk vm0, v31;
	_ =	sdelay $0x1  }
0x257: {  	s3 =	sadd.s32 $0x10, s3  }
0x258: {  	s8 =	sadd.s32 $0xFFFFFFFF, s8;
	v30 =	vld [tilespmem:s3+$0x0]  }
.LBB2_70:
0x259: {  	_ =	sdelay $0x3  }
0x25a: {  	v31 =	vsub.s32 v30, v0  }
0x25b: {  	v31 =	vand.u32 $0xFFFFFFF0, v31  }
0x25c: {  	vm15 =	vgt.s32 v30, $0xFFFFFFFF;
	vm0 =	veq.s32 v31, $0xC0  }
0x25d: {  	vm0 =	vmand vm15, vm0  }
0x25e: {  	v31 =	vmpcnt.ones.xlane vm0;
	_ =	sdelay $0x1  }
0x25f: {  	(v2sf) =	vpush v31, $0x0;
	_ =	sdelay $0x9  }
0x260: {  	s0 =	sadd.s32 @p2 $0x10, s0  }
0x261: {  	s29 =	smov.u32 @p2 s0  }
0x262: {  	v31 =	vld [tilespmem:s29+$0x0]  }
0x263: {  	s0 =	spop @p2 (v2sf)  }
.Ltmp43:
0x264: {  	s0 =	sadd.s32 @p2 s2, s0;
	(pc) =	sbr.rel @!p0 .LBB2_71-.Ltmp43, $4  }
0x265: {  	s30 =	smov.u32 @p2 s0;
	s31 =	spop (v2sf)  }
0x266: {  	[tilespmem:s30+$0x700] =	vst.msk vm0, v30;
	s3 =	sadd.s32 s30, s31  }
0x267: {  	s0 =	simm.s32 $0x0;
	[tilespmem:s30+$0xA80] =	vst.msk vm0, v31;
	v30 =	vmov s3  }
0x268: {  	s29 =	simm.s32 $0x380;
	v31 =	vld [tilespmem:s0+$0x0];
	v30 =	vnsel vm12, $0x0, v30  }
0x269: {  	_ =	sdelay $0x3  }
0x26a: {  	v32 =	vsub.s32 v31, v0  }
0x26b: {  	v32 =	vand.u32 $0xFFFFFFF0, v32  }
0x26c: {  	vm15 =	vgt.s32 v31, $0xFFFFFFFF;
	vm0 =	veq.s32 v32, $0xD0  }
0x26d: {  	vm0 =	vmand vm15, vm0  }
0x26e: {  	v63 =	vmpcnt.ones.xlane vm0  }
0x26f: {  	v33 =	vld [tilespmem:s29+$0x0]  }
0x270: {  	p2 =	sne.s32 s28, $0x1;
	(v2sf) =	vpush v63, $0x0  }
.Ltmp44:
0x271: {  	_ = 	snop;
	(pc) =	sbr.rel @!p2 .LBB2_73-.Ltmp44, $4  }
0x272: {  	_ = 	snop  }
0x273: {  	[tilespmem:s3+$0x700] =	vst.msk vm0, v31  }
0x274: {  	s10 =	simm.s32 $0x10;
	s30 =	sadd.s32 $0xFFFFFFFF, s28;
	[tilespmem:s3+$0xA80] =	vst.msk vm0, v33  }
0x275: {  	p1 =	por $0x1, $0x1;
	s8 =	simm.s32 $0x380;
	s2 =	smov.u32 s3;
	v31 =	vld [tilespmem:s10+$0x0]  }
.LBB2_74:
0x276: {  	p2 =	sne.s32 s30, $0x1;
	_ =	sdelay $0x3  }
0x277: {  	v32 =	vsub.s32 v31, v0  }
0x278: {  	v32 =	vand.u32 $0xFFFFFFF0, v32  }
0x279: {  	s8 =	sadd.s32 $0x10, s8;
	vm15 =	vgt.s32 v31, $0xFFFFFFFF;
	vm0 =	veq.s32 v32, $0xD0  }
0x27a: {  	vm0 =	vmand vm15, vm0;
	v32 =	vld [tilespmem:s8+$0x0]  }
0x27b: {  	v33 =	vmpcnt.ones.xlane vm0  }
0x27c: {  	s11 =	spop (v2sf)  }
0x27d: {  	(v2sf) =	vpush v33, $0x0;
	s2 =	sadd.s32 s2, s11  }
.Ltmp45:
0x27e: {  	[tilespmem:s2+$0x700] =	vst.msk vm0, v31;
	(pc) =	sbr.rel @p2 .LBB2_74-.Ltmp45, $3  }
0x27f: {  	[tilespmem:s2+$0xA80] =	vst.msk vm0, v32;
	_ =	sdelay $0x1  }
0x280: {  	s10 =	sadd.s32 $0x10, s10  }
0x281: {  	s30 =	sadd.s32 $0xFFFFFFFF, s30;
	v31 =	vld [tilespmem:s10+$0x0]  }
.LBB2_75:
0x282: {  	_ =	sdelay $0x3  }
0x283: {  	v32 =	vsub.s32 v31, v0  }
0x284: {  	v32 =	vand.u32 $0xFFFFFFF0, v32  }
0x285: {  	vm15 =	vgt.s32 v31, $0xFFFFFFFF;
	vm0 =	veq.s32 v32, $0xD0  }
0x286: {  	vm0 =	vmand vm15, vm0  }
0x287: {  	v62 =	vmpcnt.ones.xlane vm0;
	_ =	sdelay $0x1  }
0x288: {  	(v2sf) =	vpush v62, $0x0;
	_ =	sdelay $0x9  }
0x289: {  	s8 =	sadd.s32 @p1 $0x10, s8;
	s10 =	simm.s32 $0x380  }
0x28a: {  	s10 =	smov.u32 @p1 s8  }
0x28b: {  	v63 =	vld [tilespmem:s10+$0x0]  }
0x28c: {  	s8 =	spop @p1 (v2sf)  }
.Ltmp46:
0x28d: {  	s2 =	sadd.s32 @p1 s2, s8;
	(pc) =	sbr.rel @!p0 .LBB2_76-.Ltmp46, $4  }
0x28e: {  	s3 =	smov.u32 @p1 s2;
	s31 =	spop (v2sf)  }
0x28f: {  	[tilespmem:s3+$0x700] =	vst.msk vm0, v31;
	s30 =	sadd.s32 s3, s31  }
0x290: {  	[tilespmem:s3+$0xA80] =	vst.msk vm0, v63;
	v31 =	vmov s30  }
0x291: {  	p1 =	por $0x0, $0x0;
	v32 =	vld [tilespmem:s0+$0x0];
	v31 =	vnsel vm13, $0x0, v31  }
0x292: {  	_ =	sdelay $0x3  }
0x293: {  	v33 =	vsub.s32 v32, v0  }
0x294: {  	v33 =	vand.u32 $0xFFFFFFF0, v33  }
0x295: {  	vm15 =	vgt.s32 v32, $0xFFFFFFFF;
	vm0 =	veq.s32 v33, $0xE0  }
0x296: {  	vm0 =	vmand vm15, vm0  }
0x297: {  	v63 =	vmpcnt.ones.xlane vm0  }
0x298: {  	v34 =	vld [tilespmem:s29+$0x0]  }
0x299: {  	p3 =	sne.s32 s28, $0x1;
	(v2sf) =	vpush v63, $0x0  }
.Ltmp47:
0x29a: {  	_ = 	snop;
	(pc) =	sbr.rel @!p3 .LBB2_78-.Ltmp47, $4  }
0x29b: {  	_ = 	snop  }
0x29c: {  	[tilespmem:s30+$0x700] =	vst.msk vm0, v32  }
0x29d: {  	s3 =	simm.s32 $0x10;
	s8 =	sadd.s32 $0xFFFFFFFF, s28;
	[tilespmem:s30+$0xA80] =	vst.msk vm0, v34  }
0x29e: {  	p2 =	por $0x1, $0x1;
	s0 =	simm.s32 $0x380;
	s2 =	smov.u32 s30;
	v32 =	vld [tilespmem:s3+$0x0]  }
.LBB2_79:
0x29f: {  	p3 =	sne.s32 s8, $0x1;
	_ =	sdelay $0x3  }
0x2a0: {  	v33 =	vsub.s32 v32, v0  }
0x2a1: {  	v33 =	vand.u32 $0xFFFFFFF0, v33  }
0x2a2: {  	s0 =	sadd.s32 $0x10, s0;
	vm15 =	vgt.s32 v32, $0xFFFFFFFF;
	vm0 =	veq.s32 v33, $0xE0  }
0x2a3: {  	vm0 =	vmand vm15, vm0;
	v33 =	vld [tilespmem:s0+$0x0]  }
0x2a4: {  	v34 =	vmpcnt.ones.xlane vm0  }
0x2a5: {  	s10 =	spop (v2sf)  }
0x2a6: {  	(v2sf) =	vpush v34, $0x0;
	s2 =	sadd.s32 s2, s10  }
.Ltmp48:
0x2a7: {  	[tilespmem:s2+$0x700] =	vst.msk vm0, v32;
	(pc) =	sbr.rel @p3 .LBB2_79-.Ltmp48, $3  }
0x2a8: {  	[tilespmem:s2+$0xA80] =	vst.msk vm0, v33;
	_ =	sdelay $0x1  }
0x2a9: {  	s3 =	sadd.s32 $0x10, s3  }
0x2aa: {  	s8 =	sadd.s32 $0xFFFFFFFF, s8;
	v32 =	vld [tilespmem:s3+$0x0]  }
.LBB2_80:
0x2ab: {  	_ =	sdelay $0x3  }
0x2ac: {  	v33 =	vsub.s32 v32, v0  }
0x2ad: {  	v33 =	vand.u32 $0xFFFFFFF0, v33  }
0x2ae: {  	vm15 =	vgt.s32 v32, $0xFFFFFFFF;
	vm0 =	veq.s32 v33, $0xE0  }
0x2af: {  	vm0 =	vmand vm15, vm0  }
0x2b0: {  	v61 =	vmpcnt.ones.xlane vm0;
	_ =	sdelay $0x1  }
0x2b1: {  	(v2sf) =	vpush v61, $0x0;
	_ =	sdelay $0x9  }
0x2b2: {  	s0 =	sadd.s32 @p2 $0x10, s0  }
0x2b3: {  	s29 =	smov.u32 @p2 s0  }
0x2b4: {  	v62 =	vld [tilespmem:s29+$0x0]  }
0x2b5: {  	s0 =	spop @p2 (v2sf)  }
.Ltmp49:
0x2b6: {  	s0 =	sadd.s32 @p2 s2, s0;
	(pc) =	sbr.rel @!p0 .LBB2_81-.Ltmp49, $4  }
0x2b7: {  	s30 =	smov.u32 @p2 s0;
	s29 =	spop (v2sf)  }
0x2b8: {  	[tilespmem:s30+$0x700] =	vst.msk vm0, v32;
	s0 =	sadd.s32 s30, s29  }
0x2b9: {  	s31 =	simm.s32 $0x0;
	[tilespmem:s30+$0xA80] =	vst.msk vm0, v62;
	v63 =	vmov s0  }
0x2ba: {  	s3 =	simm.s32 $0x380;
	v33 =	vld [tilespmem:s31+$0x0];
	v32 =	vsel vm14, $0x0, v63  }
0x2bb: {  	_ =	sdelay $0x3  }
0x2bc: {  	v34 =	vsub.s32 v33, v0  }
0x2bd: {  	v34 =	vand.u32 $0xFFFFFFF0, v34  }
0x2be: {  	vm15 =	vgt.s32 v33, $0xFFFFFFFF;
	vm0 =	veq.s32 v34, $0xF0  }
0x2bf: {  	vm0 =	vmand vm15, vm0  }
0x2c0: {  	v63 =	vmpcnt.ones.xlane vm0  }
0x2c1: {  	v35 =	vld [tilespmem:s3+$0x0]  }
0x2c2: {  	p0 =	sne.s32 s28, $0x1;
	(v2sf) =	vpush v63, $0x0  }
.Ltmp50:
0x2c3: {  	_ = 	snop;
	(pc) =	sbr.rel @!p0 .LBB2_83-.Ltmp50, $4  }
0x2c4: {  	_ = 	snop  }
0x2c5: {  	[tilespmem:s0+$0x700] =	vst.msk vm0, v33  }
0x2c6: {  	s10 =	simm.s32 $0x10;
	s28 =	sadd.s32 $0xFFFFFFFF, s28;
	[tilespmem:s0+$0xA80] =	vst.msk vm0, v35  }
0x2c7: {  	p1 =	por $0x1, $0x1;
	s8 =	simm.s32 $0x380;
	s2 =	smov.u32 s0;
	v33 =	vld [tilespmem:s10+$0x0]  }
.LBB2_84:
0x2c8: {  	p0 =	sne.s32 s28, $0x1;
	_ =	sdelay $0x3  }
0x2c9: {  	v34 =	vsub.s32 v33, v0  }
0x2ca: {  	v34 =	vand.u32 $0xFFFFFFF0, v34  }
0x2cb: {  	s8 =	sadd.s32 $0x10, s8;
	vm15 =	vgt.s32 v33, $0xFFFFFFFF;
	vm0 =	veq.s32 v34, $0xF0  }
0x2cc: {  	vm0 =	vmand vm15, vm0;
	v34 =	vld [tilespmem:s8+$0x0]  }
0x2cd: {  	v35 =	vmpcnt.ones.xlane vm0  }
0x2ce: {  	s11 =	spop (v2sf)  }
0x2cf: {  	(v2sf) =	vpush v35, $0x0;
	s2 =	sadd.s32 s2, s11  }
.Ltmp51:
0x2d0: {  	[tilespmem:s2+$0x700] =	vst.msk vm0, v33;
	(pc) =	sbr.rel @p0 .LBB2_84-.Ltmp51, $3  }
0x2d1: {  	[tilespmem:s2+$0xA80] =	vst.msk vm0, v34;
	_ =	sdelay $0x1  }
0x2d2: {  	s10 =	sadd.s32 $0x10, s10  }
0x2d3: {  	s28 =	sadd.s32 $0xFFFFFFFF, s28;
	v33 =	vld [tilespmem:s10+$0x0]  }
.LBB2_85:
0x2d4: {  	_ =	sdelay $0x3  }
0x2d5: {  	v34 =	vsub.s32 v33, v0  }
0x2d6: {  	v34 =	vand.u32 $0xFFFFFFF0, v34  }
0x2d7: {  	vm15 =	vgt.s32 v33, $0xFFFFFFFF;
	vm0 =	veq.s32 v34, $0xF0  }
0x2d8: {  	vm0 =	vmand vm15, vm0  }
0x2d9: {  	v63 =	vmpcnt.ones.xlane vm0;
	_ =	sdelay $0x1  }
0x2da: {  	(v2sf) =	vpush v63, $0x0;
	_ =	sdelay $0x2  }
0x2db: {  	v18 =	vor.u32 v18, v19  }
0x2dc: {  	v18 =	vor.u32 v20, v18  }
0x2dd: {  	v18 =	vor.u32 v21, v18  }
0x2de: {  	v18 =	vor.u32 v22, v18  }
0x2df: {  	v18 =	vor.u32 v23, v18  }
0x2e0: {  	v18 =	vor.u32 v24, v18  }
0x2e1: {  	s8 =	sadd.s32 @p1 $0x10, s8;
	v18 =	vor.u32 v25, v18  }
0x2e2: {  	s3 =	smov.u32 @p1 s8;
	v18 =	vor.u32 v26, v18  }
0x2e3: {  	v19 =	vld [tilespmem:s3+$0x0];
	v18 =	vor.u32 v27, v18  }
.Ltmp52:
0x2e4: {  	s3 =	spop @p1 (v2sf);
	v18 =	vor.u32 v28, v18;
	(pc) =	sbr.rel .LBB2_86-.Ltmp52, $4  }
0x2e5: {  	s2 =	sadd.s32 @p1 s2, s3;
	v18 =	vor.u32 v29, v18  }
0x2e6: {  	s0 =	smov.u32 @p1 s2;
	v18 =	vor.u32 v30, v18  }
0x2e7: {  	[tilespmem:s0+$0x700] =	vst.msk vm0, v33;
	v18 =	vor.u32 v31, v18;
	s31 =	spop (v2sf)  }
0x2e8: {  	[tilespmem:s0+$0xA80] =	vst.msk vm0, v19;
	v18 =	vor.u32 v32, v18;
	s0 =	sadd.s32 s0, s31  }
.LBB2_4:
0x2e9: {  	v18 =	vimm.s32 $0x0;
	s0 =	simm.s32 $0x0  }
.LBB2_86:
0x2ea: {  	[tilespmem:$0xE80] =	vst v18;
	v18 =	vmov s0  }
0x2eb: {  	[tilespmem:$0xE90] =	vst v18  }
0x2ec: {  	s31 =	simm.s32 $0x0;
	[tilespmem:s0+$0x700] =	vst v6  }
0x2ed: {  	v18 =	vld [tilespmem:s31+$0xF00];
	_ =	sdelay $0x4  }
0x2ee: {  	vm0 =	vgt.s32 v18, $0x0  }
0x2ef: {  	v18 =	vmpcnt.ones.xlane vm0;
	_ =	sdelay $0x1  }
0x2f0: {  	(v2sf) =	vpush v18, $0x0;
	_ =	sdelay $0x4  }
0x2f1: {  	s0 =	rddreg [dreg:$0x5]  }
0x2f2: {  	v19 =	vadd.s32 s0, v2  }
0x2f3: {  	s3 =	simm.s32 $0x10;
	s2 =	simm.s32 $0x80;
	[tilespmem:s26+$0x1000] =	vst.msk vm0, v19  }
.LBB2_87:
0x2f4: {  	p0 =	sne.s32 s2, $0x3C0;
	v18 =	vld [tilespmem:s3+$0xF00];
	_ =	sdelay $0x4  }
0x2f5: {  	vm0 =	vgt.s32 v18, $0x0  }
0x2f6: {  	v18 =	vmpcnt.ones.xlane vm0  }
0x2f7: {  	s0 =	sadd.s32 $0x10, s0;
	s3 =	spop (v2sf)  }
0x2f8: {  	v19 =	vadd.s32 s0, v2;
	(v2sf) =	vpush v18, $0x0;
	s26 =	sadd.s32 s26, s3  }
0x2f9: {  	[tilespmem:s26+$0x1000] =	vst.msk vm0, v19;
	_ =	sdelay $0x1  }
.Ltmp53:
0x2fa: {  	(pc) =	sbr.rel @p0 .LBB2_87-.Ltmp53, $2  }
0x2fb: {  	_ =	sdelay $0x2  }
0x2fc: {  	s3 =	sshra.s32 s2, $0x2;
	s2 =	sadd.s32 $0x40, s2  }
0x2fd: {  	_ =	sdelay $0x2  }
0x2fe: {  	v18 =	vld [tilespmem:s3+$0xF00];
	_ =	sdelay $0x3  }
0x2ff: {  	s0 =	sadd.s32 $0x10, s0;
	s2 =	spop (v2sf)  }
0x300: {  	vm0 =	vgt.s32 v18, $0x0;
	v18 =	vadd.s32 s0, v2;
	s8 =	sadd.s32 s26, s2  }
0x301: {  	[tilespmem:s8+$0x1000] =	vst.msk vm0, v18  }
0x302: {  	v18 =	vmpcnt.ones.xlane vm0;
	v19 =	vld.msk [tilespmem:s13+$0x0], $0xffff;
	_ =	sdelay $0x1  }
0x303: {  	(v2sf) =	vpush v18, $0x0;
	_ =	sdelay $0x2  }
0x304: {  	(v2sf) =	vpush v19, $0x0;
	_ =	sdelay $0xb  }
0x305: {  	s9 =	spop (v2sf)  }
0x306: {  	s0 =	sadd.s32 s8, s9  }
0x307: {  	s26 =	sadd.s32 $0xFFFFFFFF, s0  }
0x308: {  	s3 =	simm.s32 $0x1;
	p0 =	sgt.s32 s26, $0x0;
	s2 =	spop (v2sf)  }
0x309: {  	s3 =	simm.s32 @!p0 $0x0;
	p1 =	sgt.s32 s2, $0x0  }
0x30a: {  	v18 =	vmov s3;
	s2 =	simm.s32 @!p1 $0x0  }
0x30b: {  	s2 =	smin.u32 s2, $0x1E84  }
0x30c: {  	s2 =	sshll.u32 s2, $0x7  }
0x30d: {  	s2 =	sadd.s32 s4, s2  }
0x30e: {  	[tilespmem:s16], [sflag:$0x1] =	stream.strided.gather [hbm4b:s2+s14], $0x2000, s15, s14, $0x38;
	[tilespmem:$0x1F980] =	vst v63  }
0x30f: {  	v18 =	vld.idx.msk [tilespmem:v18+s13+$0x0], $0xffff;
	_ =	sdelay $0x4  }
0x310: {  	(v2sf) =	vpush v18, $0x0;
	_ =	sdelay $0xe  }
0x311: {  	s26 =	simm.s32 @!p0 $0x0;
	s2 =	spop (v2sf)  }
0x312: {  	s10 =	smin.u32 s26, $0x2;
	p0 =	sgt.s32 s2, $0x0  }
0x313: {  	v18 =	vmov s10;
	s2 =	simm.s32 @!p0 $0x0  }
0x314: {  	s2 =	smin.u32 s2, $0x1E84  }
0x315: {  	s2 =	sshll.u32 s2, $0x7  }
0x316: {  	s2 =	sadd.s32 s4, s2  }
0x317: {  	[tilespmem:s18], [sflag:$0x2] =	stream.strided.gather [hbm4b:s2+s14], $0x2000, s15, s14, $0x38;
	[tilespmem:$0x1F980] =	vst v63  }
0x318: {  	v18 =	vld.idx.msk [tilespmem:v18+s13+$0x0], $0xffff;
	_ =	sdelay $0x4  }
0x319: {  	(v2sf) =	vpush v18, $0x0;
	_ =	sdelay $0xe  }
0x31a: {  	s11 =	sadd.s32 $0x2, s0;
	s2 =	spop (v2sf)  }
0x31b: {  	s8 =	smulhi.u32 $0x55555556, s11;
	s10 =	sshra.s32 s11, $0x1F;
	p0 =	sgt.s32 s2, $0x0  }
0x31c: {  	s10 =	smul.u32 $0x55555556, s10;
	s2 =	simm.s32 @!p0 $0x0  }
0x31d: {  	s2 =	smin.u32 s2, $0x1E84  }
0x31e: {  	s31 =	sadd.s32 s10, s8;
	s2 =	sshll.u32 s2, $0x7  }
0x31f: {  	s8 =	sshrl.u32 s31, $0x1F;
	s2 =	sadd.s32 s4, s2  }
0x320: {  	[tilespmem:s19], [sflag:$0x3] =	stream.strided.gather [hbm4b:s2+s14], $0x2000, s15, s14, $0x38;
	[tilespmem:$0x1F980] =	vst v63  }
0x321: {  	s2 =	sadd.s32 s8, s31  }
0x322: {  	s8 =	smul.u32 $0xFFFFFFFD, s2  }
0x323: {  	s0 =	ssub.s32 $0xFFFFFFFE, s0  }
0x324: {  	p5 =	slt.s32 s11, $0x1;
	p6 =	sne.s32 s8, s0  }
0x325: {  	p0 =	por !p5, !p6  }
0x326: {  	s0 =	simm.s32 $0x1;
	p0 =	por !p0, !p0  }
0x327: {  	s0 =	simm.s32 @!p0 $0x0  }
0x328: {  	s29 =	ssub.s32 s2, s0  }
0x329: {  	p0 =	slt.s32 s29, $0x1  }
.Ltmp54:
0x32a: {  	_ = 	snop;
	(pc) =	sbr.rel @!p0 .LBB2_89-.Ltmp54, $2  }
0x32b: {  	_ =	sdelay $0x2  }
0x32c: {  	s28 =	simm.s32 $0x0;
	s30 =	simm.s32 $0x0  }
.LBB2_135:
0x32d: {  	_ =	swait.ge [sflag:s17], $0x2000  }
0x32e: {  	[sflag:s17] =	ssyncset.done $0x0  }
0x32f: {  	[sflag:s17] =	ssyncadd.s32 $0xFFFFE000  }
0x330: {  	p0 =	slt.s32 s28, $0x1;
	_ =	swait.ge [sflag:s22], $0x2000  }
.Ltmp55:
0x331: {  	[sflag:s22] =	ssyncset.done $0x0;
	(pc) =	sbr.rel @p0 .LBB2_139-.Ltmp55, $4  }
0x332: {  	[sflag:s22] =	ssyncadd.s32 $0xFFFFE000  }
0x333: {  	_ =	swait.ge [sflag:s23], $0x2000  }
0x334: {  	[sflag:s23] =	ssyncset.done $0x0  }
0x335: {  	[sflag:s23] =	ssyncadd.s32 $0xFFFFE000  }
0x336: {  	p0 =	sne.s32 s28, $0x1  }
.Ltmp56:
0x337: {  	_ = 	snop;
	(pc) =	sbr.rel @!p0 .LBB2_138-.Ltmp56, $3  }
0x338: {  	_ =	sdelay $0x1  }
0x339: {  	_ =	swait.ge [sflag:s24], $0x80  }
0x33a: {  	s0 =	sadd.s32 $0xFFFFFFFF, s28;
	[sflag:s24] =	ssyncset.done $0x0  }
.LBB2_137:
0x33b: {  	p0 =	sne.s32 s0, $0x1;
	s0 =	sadd.s32 $0xFFFFFFFF, s0;
	[sflag:s24] =	ssyncadd.s32 $0xFFFFFF80  }
.Ltmp57:
0x33c: {  	(pc) =	sbr.rel @p0 .LBB2_137-.Ltmp57, $3  }
0x33d: {  	_ =	sdelay $0x1  }
0x33e: {  	_ =	swait.ge [sflag:s24], $0x80  }
0x33f: {  	[sflag:s24] =	ssyncset.done $0x0  }
.Ltmp58:
0x340: {  	_ = 	snop;
	(pc) =	sbr.rel .LBB2_138-.Ltmp58, $1  }
0x341: {  	_ =	sdelay $0x3  }
.LBB2_124:
0x342: {  	_ = 	snop  }
.LBB2_133:
0x343: {  	_ =	sdelay $0x2  }
0x344: {  	[hbm4b:s11+s5] =	stream.linear.scatter @p0 [tilespmem:s0], [sflag:$0x4], $0x80, $0x38;
	[tilespmem:$0x1F980] =	vst v63  }
0x345: {  	v18 =	vld.idx.msk [tilespmem:v18+s21+$0x0], $0xffff;
	_ =	sdelay $0x4  }
0x346: {  	v19 =	vand.u32 $0x7F, v18  }
0x347: {  	v20 =	vor.u32 v14, v19;
	_ =	sdelay $0x4  }
0x348: {  	v20 =	vld.idx.msk [tilespmem:v20+s16+$0x0], $0xffff  }
0x349: {  	v21 =	vor.u32 v15, v19  }
0x34a: {  	(v2sf) =	vpush v18, $0x0;
	_ =	sdelay $0x2  }
0x34b: {  	[tilespmem:s3+$0x0] =	vst v20  }
0x34c: {  	v18 =	vld.idx.msk [tilespmem:v21+s16+$0x0], $0xffff  }
0x34d: {  	v63 =	vor.u32 v16, v19;
	_ =	sdelay $0x3  }
0x34e: {  	[tilespmem:s3+$0x10] =	vst v18  }
0x34f: {  	v18 =	vld.idx.msk [tilespmem:v63+s16+$0x0], $0xffff  }
0x350: {  	v19 =	vor.u32 v17, v19;
	_ =	sdelay $0x3  }
0x351: {  	s11 =	spop (v2sf);
	[tilespmem:s3+$0x20] =	vst v18  }
0x352: {  	s0 =	sshra.s32 s11, $0x7;
	v18 =	vld.idx.msk [tilespmem:v19+s16+$0x0], $0xffff  }
0x353: {  	p0 =	sgt.s32 s0, $0x0  }
0x354: {  	s0 =	simm.s32 @!p0 $0x0  }
0x355: {  	s0 =	smin.u32 s0, $0x3FFF  }
0x356: {  	s0 =	sshll.u32 s0, $0x4  }
0x357: {  	s28 =	sadd.s32 s8, s28;
	s0 =	sadd.s32 s6, s0;
	[tilespmem:s3+$0x30] =	vst v18  }
0x358: {  	[hbm4b:s0+s5] =	stream.linear.scatter [tilespmem:s3], [sflag:$0x4], $0x80, $0x38;
	[tilespmem:$0x1F980] =	vst v63  }
.LBB2_134:
0x359: {  	s0 =	sadd.s32 $0x5, s31  }
0x35a: {  	s2 =	smov.u32 s26;
	p0 =	slt.s32 s0, s26  }
0x35b: {  	s2 =	smov.u32 @p0 s0  }
0x35c: {  	v18 =	vmov s2;
	_ =	sdelay $0x4  }
0x35d: {  	v18 =	vld.idx.msk [tilespmem:v18+s13+$0x0], $0xffff;
	_ =	sdelay $0x4  }
0x35e: {  	(v2sf) =	vpush v18, $0x0;
	_ =	sdelay $0xe  }
0x35f: {  	s0 =	spop (v2sf)  }
0x360: {  	s30 =	sadd.s32 $0x1, s30;
	p0 =	sgt.s32 s0, $0x0  }
0x361: {  	s0 =	simm.s32 @!p0 $0x0;
	p0 =	sne.s32 s30, s29  }
.Ltmp59:
0x362: {  	_ = 	snop;
	(pc) =	sbr.rel @!p0 .LBB2_135-.Ltmp59, $4  }
0x363: {  	s0 =	smin.u32 s0, $0x1E84  }
0x364: {  	s0 =	sshll.u32 s0, $0x7  }
0x365: {  	s0 =	sadd.s32 s4, s0  }
0x366: {  	[tilespmem:s19], [sflag:$0x3] =	stream.strided.gather [hbm4b:s0+s14], $0x2000, s15, s14, $0x38;
	[tilespmem:$0x1F980] =	vst v63  }
.LBB2_89:
0x367: {  	s31 =	smul.u32 $0x3, s30;
	_ =	sdelay $0x1  }
0x368: {  	s0 =	smov.u32 s26;
	p0 =	slt.s32 s31, s26  }
0x369: {  	s0 =	smov.u32 @p0 s31  }
0x36a: {  	v18 =	vmov s0;
	_ =	sdelay $0x1  }
0x36b: {  	_ =	swait.ge [sflag:s17], $0x2000  }
0x36c: {  	[sflag:s17] =	ssyncset.done $0x0  }
0x36d: {  	[sflag:s17] =	ssyncadd.s32 $0xFFFFE000  }
0x36e: {  	v18 =	vld.idx.msk [tilespmem:v18+s13+$0x0], $0xffff;
	_ =	sdelay $0x4  }
0x36f: {  	(v2sf) =	vpush v18, $0x0;
	_ =	sdelay $0xe  }
0x370: {  	s0 =	spop (v2sf)  }
0x371: {  	p0 =	sgt.s32 s1, s0  }
0x372: {  	s0 =	smov.u32 @p0 s1  }
0x373: {  	s0 =	smin.u32 s7, s0  }
0x374: {  	s0 =	ssub.s32 s0, s1  }
0x375: {  	s0 =	sshra.s32 s0, $0x4  }
0x376: {  	v19 =	vmov s0;
	s0 =	sadd.s32 $0x1, s0  }
0x377: {  	v20 =	vmov s0;
	_ =	sdelay $0x3  }
0x378: {  	v19 =	vld.idx.msk [tilespmem:v19+s20+$0x0], $0xffff  }
0x379: {  	v20 =	vld.idx.msk [tilespmem:v20+s20+$0x0], $0xffff;
	_ =	sdelay $0x3  }
0x37a: {  	(v2sf) =	vpush v19, $0x0  }
0x37b: {  	(v2sf) =	vpush v20, $0x0;
	_ =	sdelay $0xd  }
0x37c: {  	s11 =	spop (v2sf)  }
0x37d: {  	s2 =	spop (v2sf)  }
0x37e: {  	s2 =	sadd.s32 $0xF, s2  }
0x37f: {  	s0 =	sshra.s32 s11, $0x4;
	s2 =	sshra.s32 s2, $0x4  }
0x380: {  	p0 =	sle.s32 s2, s0  }
.Ltmp60:
0x381: {  	_ = 	snop;
	(pc) =	sbr.rel @p0 .LBB2_104-.Ltmp60, $1  }
0x382: {  	_ =	sdelay $0x3  }
0x383: {  	s8 =	ssub.s32 s2, s0  }
0x384: {  	p1 =	seq.s32 s8, $0x1  }
.Ltmp61:
0x385: {  	_ = 	snop;
	(pc) =	sbr.rel @p1 .LBB2_91-.Ltmp61, $4  }
0x386: {  	s3 =	sshll.u32 s0, $0x6  }
0x387: {  	s11 =	sshra.s32 s3, $0x2  }
0x388: {  	s0 =	simm.s32 $0x0;
	s3 =	sadd.s32 $0x700, s11  }
0x389: {  	p0 =	por $0x0, $0x0;
	s8 =	sadd.s32 $0xFFFFFFFF, s8;
	s2 =	sadd.s32 $0xA80, s11;
	v19 =	vld [tilespmem:s3+$0x0]  }
0x38a: {  	_ =	sdelay $0x3  }
0x38b: {  	vm0 =	veq.s32 v19, v18  }
0x38c: {  	v19 =	vmpcnt.ones.xlane vm0;
	_ =	sdelay $0x1  }
0x38d: {  	(v2sf) =	vpush v19, $0x0;
	_ =	sdelay $0x1  }
0x38e: {  	v20 =	vld [tilespmem:s2+$0x0]  }
0x38f: {  	p1 =	seq.s32 s8, $0x1  }
.Ltmp62:
0x390: {  	_ = 	snop;
	(pc) =	sbr.rel @p1 .LBB2_96-.Ltmp62, $3  }
0x391: {  	_ =	sdelay $0x1  }
0x392: {  	s10 =	sadd.s32 $0x10, s3;
	s11 =	sadd.s32 $0xFFFFFFFF, s8;
	[tilespmem:s0+$0xE00] =	vst.msk vm0, v20  }
0x393: {  	p0 =	por $0x1, $0x1;
	s3 =	smov.u32 s2;
	s8 =	simm.s32 $0x0;
	v19 =	vld [tilespmem:s10+$0x0]  }
.LBB2_97:
0x394: {  	p1 =	seq.s32 s11, $0x1;
	_ =	sdelay $0x1  }
0x395: {  	s3 =	sadd.s32 $0x10, s3  }
0x396: {  	v20 =	vld [tilespmem:s3+$0x0]  }
0x397: {  	vm0 =	veq.s32 v19, v18  }
0x398: {  	v19 =	vmpcnt.ones.xlane vm0  }
0x399: {  	s9 =	spop (v2sf)  }
0x39a: {  	(v2sf) =	vpush v19, $0x0;
	s8 =	sadd.s32 s8, s9  }
0x39b: {  	[tilespmem:s8+$0xE00] =	vst.msk vm0, v20;
	_ =	sdelay $0x2  }
.Ltmp63:
0x39c: {  	(pc) =	sbr.rel @!p1 .LBB2_97-.Ltmp63, $3  }
0x39d: {  	_ =	sdelay $0x1  }
0x39e: {  	s10 =	sadd.s32 $0x10, s10  }
0x39f: {  	s11 =	sadd.s32 $0xFFFFFFFF, s11;
	v19 =	vld [tilespmem:s10+$0x0]  }
.LBB2_98:
0x3a0: {  	_ =	sdelay $0x3  }
0x3a1: {  	vm0 =	veq.s32 v19, v18  }
0x3a2: {  	v18 =	vmpcnt.ones.xlane vm0;
	_ =	sdelay $0x1  }
0x3a3: {  	(v2sf) =	vpush v18, $0x0;
	_ =	sdelay $0x8  }
0x3a4: {  	s3 =	sadd.s32 @p0 $0x10, s3  }
0x3a5: {  	s2 =	smov.u32 @p0 s3  }
0x3a6: {  	v18 =	vld [tilespmem:s2+$0x0];
	_ =	sdelay $0x1  }
0x3a7: {  	s2 =	spop @p0 (v2sf)  }
0x3a8: {  	s2 =	sadd.s32 @p0 s8, s2  }
0x3a9: {  	s0 =	smov.u32 @p0 s2;
	s11 =	spop (v2sf)  }
0x3aa: {  	[tilespmem:s0+$0xE00] =	vst.msk vm0, v18;
	s0 =	sadd.s32 s0, s11  }
0x3ab: {  	p0 =	slt.s32 s0, $0x1  }
.Ltmp64:
0x3ac: {  	_ = 	snop;
	(pc) =	sbr.rel @p0 .LBB2_104-.Ltmp64, $1  }
0x3ad: {  	_ =	sdelay $0x3  }
0x3ae: {  	p1 =	sne.s32 s0, $0x1  }
.Ltmp65:
0x3af: {  	_ = 	snop;
	(pc) =	sbr.rel @!p1 .LBB2_94-.Ltmp65, $4  }
0x3b0: {  	_ = 	snop  }
0x3b1: {  	s2 =	sshll.u32 s28, $0x9  }
0x3b2: {  	s11 =	simm.s32 $0x0;
	s2 =	sshra.s32 s2, $0x2  }
0x3b3: {  	s8 =	simm.s32 $0x1;
	p0 =	por $0x0, $0x0;
	v18 =	vmov s11;
	s10 =	sadd.s32 $0x7180, s2  }
0x3b4: {  	_ =	sdelay $0x3  }
0x3b5: {  	v18 =	vld.idx.msk [tilespmem:v18+s21+$0x0], $0xffff;
	_ =	sdelay $0x4  }
0x3b6: {  	v19 =	vand.u32 $0x7F, v18  }
0x3b7: {  	v20 =	vor.u32 v4, v19;
	_ =	sdelay $0x4  }
0x3b8: {  	v20 =	vld.idx.msk [tilespmem:v20+s16+$0x0], $0xffff  }
0x3b9: {  	v21 =	vor.u32 v7, v19  }
0x3ba: {  	(v2sf) =	vpush v18, $0x0;
	_ =	sdelay $0x2  }
0x3bb: {  	[tilespmem:s10+$0x0] =	vst v20  }
0x3bc: {  	v18 =	vld.idx.msk [tilespmem:v21+s16+$0x0], $0xffff  }
0x3bd: {  	v20 =	vor.u32 v8, v19;
	_ =	sdelay $0x3  }
0x3be: {  	[tilespmem:s10+$0x10] =	vst v18  }
0x3bf: {  	v18 =	vld.idx.msk [tilespmem:v20+s16+$0x0], $0xffff  }
0x3c0: {  	v19 =	vor.u32 v9, v19;
	_ =	sdelay $0x3  }
0x3c1: {  	s2 =	spop (v2sf);
	[tilespmem:s10+$0x20] =	vst v18  }
0x3c2: {  	p1 =	sne.s32 s0, $0x2;
	s2 =	sshra.s32 s2, $0x7;
	v19 =	vld.idx.msk [tilespmem:v19+s16+$0x0], $0xffff  }
.Ltmp66:
0x3c3: {  	p0 =	sgt.s32 s2, $0x0;
	(pc) =	sbr.rel @!p1 .LBB2_100-.Ltmp66, $4  }
0x3c4: {  	s2 =	simm.s32 @!p0 $0x0;
	v18 =	vmov s8  }
0x3c5: {  	s3 =	smin.u32 s2, $0x3FFF  }
0x3c6: {  	p0 =	por $0x1, $0x1;
	s3 =	sshll.u32 s3, $0x4  }
0x3c7: {  	s2 =	simm.s32 $0x2;
	s11 =	sadd.s32 s6, s3;
	s3 =	sadd.s32 $0x80, s10;
	[tilespmem:s10+$0x30] =	vst v19  }
.LBB2_101:
0x3c8: {  	[hbm4b:s11+s5] =	stream.linear.scatter [tilespmem:s10], [sflag:$0x4], $0x80, $0x38;
	[tilespmem:$0x1F980] =	vst v63  }
0x3c9: {  	s8 =	smov.u32 s2;
	s2 =	sadd.s32 $0x1, s2;
	s10 =	smov.u32 s3;
	v18 =	vld.idx.msk [tilespmem:v18+s21+$0x0], $0xffff  }
0x3ca: {  	p1 =	sne.s32 s0, s2;
	_ =	sdelay $0x4  }
0x3cb: {  	v19 =	vand.u32 $0x7F, v18;
	(v2sf) =	vpush v18, $0x0  }
0x3cc: {  	v18 =	vor.u32 v4, v19;
	_ =	sdelay $0x4  }
0x3cd: {  	v18 =	vld.idx.msk [tilespmem:v18+s16+$0x0], $0xffff;
	_ =	sdelay $0x1  }
0x3ce: {  	v20 =	vor.u32 v7, v19;
	_ =	sdelay $0x3  }
0x3cf: {  	[tilespmem:s3+$0x0] =	vst v18  }
0x3d0: {  	v18 =	vld.idx.msk [tilespmem:v20+s16+$0x0], $0xffff;
	_ =	sdelay $0x1  }
0x3d1: {  	v20 =	vor.u32 v8, v19;
	s9 =	spop (v2sf)  }
0x3d2: {  	s9 =	sshra.s32 s9, $0x7  }
0x3d3: {  	p2 =	sgt.s32 s9, $0x0  }
0x3d4: {  	s9 =	simm.s32 @!p2 $0x0  }
0x3d5: {  	[tilespmem:s3+$0x10] =	vst v18;
	s9 =	smin.u32 s9, $0x3FFF  }
0x3d6: {  	v18 =	vld.idx.msk [tilespmem:v20+s16+$0x0], $0xffff;
	s9 =	sshll.u32 s9, $0x4;
	_ =	sdelay $0x1  }
0x3d7: {  	v19 =	vor.u32 v9, v19;
	_ =	sdelay $0x3  }
0x3d8: {  	[tilespmem:s3+$0x20] =	vst v18  }
0x3d9: {  	v19 =	vld.idx.msk [tilespmem:v19+s16+$0x0], $0xffff;
	_ =	sdelay $0x1  }
.Ltmp67:
0x3da: {  	(pc) =	sbr.rel @p1 .LBB2_101-.Ltmp67, $2  }
0x3db: {  	v18 =	vmov s8;
	_ =	sdelay $0x2  }
0x3dc: {  	s11 =	sadd.s32 s6, s9;
	s3 =	sadd.s32 $0x80, s3;
	[tilespmem:s10+$0x30] =	vst v19  }
0x3dd: {  	s0 =	smov.u32 s10;
	s8 =	smov.u32 s2;
	s10 =	smov.u32 s3  }
.LBB2_103:
0x3de: {  	_ =	sdelay $0x2  }
0x3df: {  	[hbm4b:s11+s5] =	stream.linear.scatter @p0 [tilespmem:s0], [sflag:$0x4], $0x80, $0x38;
	[tilespmem:$0x1F980] =	vst v63  }
0x3e0: {  	v18 =	vld.idx.msk [tilespmem:v18+s21+$0x0], $0xffff;
	_ =	sdelay $0x4  }
0x3e1: {  	v19 =	vand.u32 $0x7F, v18  }
0x3e2: {  	v20 =	vor.u32 v4, v19;
	_ =	sdelay $0x4  }
0x3e3: {  	v20 =	vld.idx.msk [tilespmem:v20+s16+$0x0], $0xffff  }
0x3e4: {  	v21 =	vor.u32 v7, v19  }
0x3e5: {  	(v2sf) =	vpush v18, $0x0;
	_ =	sdelay $0x2  }
0x3e6: {  	[tilespmem:s10+$0x0] =	vst v20  }
0x3e7: {  	v18 =	vld.idx.msk [tilespmem:v21+s16+$0x0], $0xffff  }
0x3e8: {  	v63 =	vor.u32 v8, v19;
	_ =	sdelay $0x3  }
0x3e9: {  	[tilespmem:s10+$0x10] =	vst v18  }
0x3ea: {  	v18 =	vld.idx.msk [tilespmem:v63+s16+$0x0], $0xffff  }
0x3eb: {  	v19 =	vor.u32 v9, v19;
	_ =	sdelay $0x3  }
0x3ec: {  	s11 =	spop (v2sf);
	[tilespmem:s10+$0x20] =	vst v18  }
0x3ed: {  	s0 =	sshra.s32 s11, $0x7;
	v18 =	vld.idx.msk [tilespmem:v19+s16+$0x0], $0xffff  }
0x3ee: {  	p0 =	sgt.s32 s0, $0x0  }
0x3ef: {  	s0 =	simm.s32 @!p0 $0x0  }
0x3f0: {  	s0 =	smin.u32 s0, $0x3FFF  }
0x3f1: {  	s0 =	sshll.u32 s0, $0x4  }
0x3f2: {  	s28 =	sadd.s32 s8, s28;
	s0 =	sadd.s32 s6, s0;
	[tilespmem:s10+$0x30] =	vst v18  }
0x3f3: {  	[hbm4b:s0+s5] =	stream.linear.scatter [tilespmem:s10], [sflag:$0x4], $0x80, $0x38;
	[tilespmem:$0x1F980] =	vst v63  }
.LBB2_104:
0x3f4: {  	s0 =	sadd.s32 $0x3, s31  }
0x3f5: {  	s2 =	smov.u32 s26;
	p0 =	slt.s32 s0, s26  }
0x3f6: {  	s2 =	smov.u32 @p0 s0  }
0x3f7: {  	v18 =	vmov s2;
	_ =	sdelay $0x4  }
0x3f8: {  	v18 =	vld.idx.msk [tilespmem:v18+s13+$0x0], $0xffff;
	_ =	sdelay $0x4  }
0x3f9: {  	(v2sf) =	vpush v18, $0x0;
	_ =	sdelay $0xe  }
0x3fa: {  	s0 =	spop (v2sf)  }
0x3fb: {  	p0 =	sgt.s32 s0, $0x0  }
0x3fc: {  	s2 =	sadd.s32 $0x1, s31;
	s0 =	simm.s32 @!p0 $0x0  }
0x3fd: {  	s3 =	smov.u32 s26;
	p0 =	slt.s32 s2, s26;
	s0 =	smin.u32 s0, $0x1E84  }
0x3fe: {  	s3 =	smov.u32 @p0 s2;
	s0 =	sshll.u32 s0, $0x7  }
0x3ff: {  	v18 =	vmov s3;
	s0 =	sadd.s32 s4, s0  }
0x400: {  	[tilespmem:s16], [sflag:$0x1] =	stream.strided.gather [hbm4b:s0+s14], $0x2000, s15, s14, $0x38;
	[tilespmem:$0x1F980] =	vst v63  }
0x401: {  	_ =	swait.ge [sflag:s22], $0x2000  }
0x402: {  	[sflag:s22] =	ssyncset.done $0x0  }
0x403: {  	[sflag:s22] =	ssyncadd.s32 $0xFFFFE000  }
0x404: {  	v18 =	vld.idx.msk [tilespmem:v18+s13+$0x0], $0xffff;
	_ =	sdelay $0x4  }
0x405: {  	(v2sf) =	vpush v18, $0x0;
	_ =	sdelay $0xe  }
0x406: {  	s0 =	spop (v2sf)  }
0x407: {  	p0 =	sgt.s32 s1, s0  }
0x408: {  	s0 =	smov.u32 @p0 s1  }
0x409: {  	s0 =	smin.u32 s7, s0  }
0x40a: {  	s0 =	ssub.s32 s0, s1  }
0x40b: {  	s0 =	sshra.s32 s0, $0x4  }
0x40c: {  	v19 =	vmov s0;
	s0 =	sadd.s32 $0x1, s0  }
0x40d: {  	v20 =	vmov s0;
	_ =	sdelay $0x3  }
0x40e: {  	v19 =	vld.idx.msk [tilespmem:v19+s20+$0x0], $0xffff  }
0x40f: {  	v20 =	vld.idx.msk [tilespmem:v20+s20+$0x0], $0xffff;
	_ =	sdelay $0x3  }
0x410: {  	(v2sf) =	vpush v19, $0x0  }
0x411: {  	(v2sf) =	vpush v20, $0x0;
	_ =	sdelay $0xd  }
0x412: {  	s10 =	spop (v2sf)  }
0x413: {  	s11 =	spop (v2sf)  }
0x414: {  	s2 =	sadd.s32 $0xF, s11  }
0x415: {  	s0 =	sshra.s32 s10, $0x4;
	s2 =	sshra.s32 s2, $0x4  }
0x416: {  	p0 =	sle.s32 s2, s0  }
.Ltmp68:
0x417: {  	_ = 	snop;
	(pc) =	sbr.rel @p0 .LBB2_119-.Ltmp68, $1  }
0x418: {  	_ =	sdelay $0x3  }
0x419: {  	s8 =	ssub.s32 s2, s0  }
0x41a: {  	p1 =	seq.s32 s8, $0x1  }
.Ltmp69:
0x41b: {  	_ = 	snop;
	(pc) =	sbr.rel @p1 .LBB2_106-.Ltmp69, $4  }
0x41c: {  	s3 =	sshll.u32 s0, $0x6  }
0x41d: {  	s11 =	sshra.s32 s3, $0x2  }
0x41e: {  	s0 =	simm.s32 $0x0;
	s3 =	sadd.s32 $0x700, s11  }
0x41f: {  	p0 =	por $0x0, $0x0;
	s8 =	sadd.s32 $0xFFFFFFFF, s8;
	s2 =	sadd.s32 $0xA80, s11;
	v19 =	vld [tilespmem:s3+$0x0]  }
0x420: {  	_ =	sdelay $0x3  }
0x421: {  	vm0 =	veq.s32 v19, v18  }
0x422: {  	v19 =	vmpcnt.ones.xlane vm0;
	_ =	sdelay $0x1  }
0x423: {  	(v2sf) =	vpush v19, $0x0;
	_ =	sdelay $0x1  }
0x424: {  	v20 =	vld [tilespmem:s2+$0x0]  }
0x425: {  	p1 =	seq.s32 s8, $0x1  }
.Ltmp70:
0x426: {  	_ = 	snop;
	(pc) =	sbr.rel @p1 .LBB2_111-.Ltmp70, $3  }
0x427: {  	_ =	sdelay $0x1  }
0x428: {  	s10 =	sadd.s32 $0x10, s3;
	s11 =	sadd.s32 $0xFFFFFFFF, s8;
	[tilespmem:s0+$0xE00] =	vst.msk vm0, v20  }
0x429: {  	p0 =	por $0x1, $0x1;
	s3 =	smov.u32 s2;
	s8 =	simm.s32 $0x0;
	v19 =	vld [tilespmem:s10+$0x0]  }
.LBB2_112:
0x42a: {  	p1 =	seq.s32 s11, $0x1;
	_ =	sdelay $0x1  }
0x42b: {  	s3 =	sadd.s32 $0x10, s3  }
0x42c: {  	v20 =	vld [tilespmem:s3+$0x0]  }
0x42d: {  	vm0 =	veq.s32 v19, v18  }
0x42e: {  	v19 =	vmpcnt.ones.xlane vm0  }
0x42f: {  	s9 =	spop (v2sf)  }
0x430: {  	(v2sf) =	vpush v19, $0x0;
	s8 =	sadd.s32 s8, s9  }
0x431: {  	[tilespmem:s8+$0xE00] =	vst.msk vm0, v20;
	_ =	sdelay $0x2  }
.Ltmp71:
0x432: {  	(pc) =	sbr.rel @!p1 .LBB2_112-.Ltmp71, $3  }
0x433: {  	_ =	sdelay $0x1  }
0x434: {  	s10 =	sadd.s32 $0x10, s10  }
0x435: {  	s11 =	sadd.s32 $0xFFFFFFFF, s11;
	v19 =	vld [tilespmem:s10+$0x0]  }
.LBB2_113:
0x436: {  	_ =	sdelay $0x3  }
0x437: {  	vm0 =	veq.s32 v19, v18  }
0x438: {  	v18 =	vmpcnt.ones.xlane vm0;
	_ =	sdelay $0x1  }
0x439: {  	(v2sf) =	vpush v18, $0x0;
	_ =	sdelay $0x8  }
0x43a: {  	s3 =	sadd.s32 @p0 $0x10, s3  }
0x43b: {  	s2 =	smov.u32 @p0 s3  }
0x43c: {  	v18 =	vld [tilespmem:s2+$0x0];
	_ =	sdelay $0x1  }
0x43d: {  	s2 =	spop @p0 (v2sf)  }
0x43e: {  	s2 =	sadd.s32 @p0 s8, s2  }
0x43f: {  	s0 =	smov.u32 @p0 s2;
	s11 =	spop (v2sf)  }
0x440: {  	[tilespmem:s0+$0xE00] =	vst.msk vm0, v18;
	s0 =	sadd.s32 s0, s11  }
0x441: {  	p0 =	slt.s32 s0, $0x1  }
.Ltmp72:
0x442: {  	_ = 	snop;
	(pc) =	sbr.rel @p0 .LBB2_119-.Ltmp72, $1  }
0x443: {  	_ =	sdelay $0x3  }
0x444: {  	p1 =	sne.s32 s0, $0x1  }
.Ltmp73:
0x445: {  	_ = 	snop;
	(pc) =	sbr.rel @!p1 .LBB2_109-.Ltmp73, $4  }
0x446: {  	_ = 	snop  }
0x447: {  	s2 =	sshll.u32 s28, $0x9  }
0x448: {  	s11 =	simm.s32 $0x0;
	s2 =	sshra.s32 s2, $0x2  }
0x449: {  	s8 =	simm.s32 $0x1;
	p0 =	por $0x0, $0x0;
	v18 =	vmov s11;
	s3 =	sadd.s32 $0x7180, s2  }
0x44a: {  	_ =	sdelay $0x3  }
0x44b: {  	v18 =	vld.idx.msk [tilespmem:v18+s21+$0x0], $0xffff;
	_ =	sdelay $0x4  }
0x44c: {  	v19 =	vand.u32 $0x7F, v18  }
0x44d: {  	v20 =	vor.u32 v10, v19;
	_ =	sdelay $0x4  }
0x44e: {  	v20 =	vld.idx.msk [tilespmem:v20+s16+$0x0], $0xffff  }
0x44f: {  	v21 =	vor.u32 v11, v19  }
0x450: {  	(v2sf) =	vpush v18, $0x0;
	_ =	sdelay $0x2  }
0x451: {  	[tilespmem:s3+$0x0] =	vst v20  }
0x452: {  	v18 =	vld.idx.msk [tilespmem:v21+s16+$0x0], $0xffff  }
0x453: {  	v20 =	vor.u32 v12, v19;
	_ =	sdelay $0x3  }
0x454: {  	[tilespmem:s3+$0x10] =	vst v18  }
0x455: {  	v18 =	vld.idx.msk [tilespmem:v20+s16+$0x0], $0xffff  }
0x456: {  	v19 =	vor.u32 v13, v19;
	_ =	sdelay $0x3  }
0x457: {  	s2 =	spop (v2sf);
	[tilespmem:s3+$0x20] =	vst v18  }
0x458: {  	p1 =	sne.s32 s0, $0x2;
	s2 =	sshra.s32 s2, $0x7;
	v19 =	vld.idx.msk [tilespmem:v19+s16+$0x0], $0xffff  }
.Ltmp74:
0x459: {  	p0 =	sgt.s32 s2, $0x0;
	(pc) =	sbr.rel @!p1 .LBB2_115-.Ltmp74, $4  }
0x45a: {  	s2 =	simm.s32 @!p0 $0x0;
	v18 =	vmov s8  }
0x45b: {  	s9 =	smin.u32 s2, $0x3FFF  }
0x45c: {  	s10 =	sadd.s32 $0x80, s3;
	s9 =	sshll.u32 s9, $0x4  }
0x45d: {  	p0 =	por $0x1, $0x1;
	s2 =	simm.s32 $0x2;
	s11 =	sadd.s32 s6, s9;
	[tilespmem:s3+$0x30] =	vst v19  }
.LBB2_116:
0x45e: {  	[hbm4b:s11+s5] =	stream.linear.scatter [tilespmem:s3], [sflag:$0x4], $0x80, $0x38;
	[tilespmem:$0x1F980] =	vst v63  }
0x45f: {  	s8 =	smov.u32 s2;
	s2 =	sadd.s32 $0x1, s2;
	s3 =	smov.u32 s10;
	v18 =	vld.idx.msk [tilespmem:v18+s21+$0x0], $0xffff  }
0x460: {  	p1 =	sne.s32 s0, s2;
	_ =	sdelay $0x4  }
0x461: {  	v19 =	vand.u32 $0x7F, v18;
	(v2sf) =	vpush v18, $0x0  }
0x462: {  	v18 =	vor.u32 v10, v19;
	_ =	sdelay $0x4  }
0x463: {  	v18 =	vld.idx.msk [tilespmem:v18+s16+$0x0], $0xffff;
	_ =	sdelay $0x1  }
0x464: {  	v20 =	vor.u32 v11, v19;
	_ =	sdelay $0x3  }
0x465: {  	[tilespmem:s10+$0x0] =	vst v18  }
0x466: {  	v18 =	vld.idx.msk [tilespmem:v20+s16+$0x0], $0xffff;
	_ =	sdelay $0x1  }
0x467: {  	v20 =	vor.u32 v12, v19;
	s9 =	spop (v2sf)  }
0x468: {  	s9 =	sshra.s32 s9, $0x7  }
0x469: {  	p2 =	sgt.s32 s9, $0x0  }
0x46a: {  	s9 =	simm.s32 @!p2 $0x0  }
0x46b: {  	[tilespmem:s10+$0x10] =	vst v18;
	s9 =	smin.u32 s9, $0x3FFF  }
0x46c: {  	v18 =	vld.idx.msk [tilespmem:v20+s16+$0x0], $0xffff;
	s9 =	sshll.u32 s9, $0x4;
	_ =	sdelay $0x1  }
0x46d: {  	v19 =	vor.u32 v13, v19;
	_ =	sdelay $0x3  }
0x46e: {  	[tilespmem:s10+$0x20] =	vst v18  }
0x46f: {  	v19 =	vld.idx.msk [tilespmem:v19+s16+$0x0], $0xffff;
	_ =	sdelay $0x1  }
.Ltmp75:
0x470: {  	(pc) =	sbr.rel @p1 .LBB2_116-.Ltmp75, $2  }
0x471: {  	v18 =	vmov s8;
	_ =	sdelay $0x2  }
0x472: {  	s11 =	sadd.s32 s6, s9;
	s10 =	sadd.s32 $0x80, s10;
	[tilespmem:s3+$0x30] =	vst v19  }
0x473: {  	s0 =	smov.u32 s3;
	s8 =	smov.u32 s2;
	s3 =	smov.u32 s10  }
.LBB2_118:
0x474: {  	_ =	sdelay $0x2  }
0x475: {  	[hbm4b:s11+s5] =	stream.linear.scatter @p0 [tilespmem:s0], [sflag:$0x4], $0x80, $0x38;
	[tilespmem:$0x1F980] =	vst v63  }
0x476: {  	v18 =	vld.idx.msk [tilespmem:v18+s21+$0x0], $0xffff;
	_ =	sdelay $0x4  }
0x477: {  	v19 =	vand.u32 $0x7F, v18  }
0x478: {  	v20 =	vor.u32 v10, v19;
	_ =	sdelay $0x4  }
0x479: {  	v20 =	vld.idx.msk [tilespmem:v20+s16+$0x0], $0xffff  }
0x47a: {  	v21 =	vor.u32 v11, v19  }
0x47b: {  	(v2sf) =	vpush v18, $0x0;
	_ =	sdelay $0x2  }
0x47c: {  	[tilespmem:s3+$0x0] =	vst v20  }
0x47d: {  	v18 =	vld.idx.msk [tilespmem:v21+s16+$0x0], $0xffff  }
0x47e: {  	v63 =	vor.u32 v12, v19;
	_ =	sdelay $0x3  }
0x47f: {  	[tilespmem:s3+$0x10] =	vst v18  }
0x480: {  	v18 =	vld.idx.msk [tilespmem:v63+s16+$0x0], $0xffff  }
0x481: {  	v19 =	vor.u32 v13, v19;
	_ =	sdelay $0x3  }
0x482: {  	s11 =	spop (v2sf);
	[tilespmem:s3+$0x20] =	vst v18  }
0x483: {  	s0 =	sshra.s32 s11, $0x7;
	v18 =	vld.idx.msk [tilespmem:v19+s16+$0x0], $0xffff  }
0x484: {  	p0 =	sgt.s32 s0, $0x0  }
0x485: {  	s0 =	simm.s32 @!p0 $0x0  }
0x486: {  	s0 =	smin.u32 s0, $0x3FFF  }
0x487: {  	s0 =	sshll.u32 s0, $0x4  }
0x488: {  	s28 =	sadd.s32 s8, s28;
	s0 =	sadd.s32 s6, s0;
	[tilespmem:s3+$0x30] =	vst v18  }
0x489: {  	[hbm4b:s0+s5] =	stream.linear.scatter [tilespmem:s3], [sflag:$0x4], $0x80, $0x38;
	[tilespmem:$0x1F980] =	vst v63  }
.LBB2_119:
0x48a: {  	s0 =	sadd.s32 $0x4, s31  }
0x48b: {  	s2 =	smov.u32 s26;
	p0 =	slt.s32 s0, s26  }
0x48c: {  	s2 =	smov.u32 @p0 s0  }
0x48d: {  	v18 =	vmov s2;
	_ =	sdelay $0x4  }
0x48e: {  	v18 =	vld.idx.msk [tilespmem:v18+s13+$0x0], $0xffff;
	_ =	sdelay $0x4  }
0x48f: {  	(v2sf) =	vpush v18, $0x0;
	_ =	sdelay $0xe  }
0x490: {  	s0 =	spop (v2sf)  }
0x491: {  	p0 =	sgt.s32 s0, $0x0  }
0x492: {  	s2 =	sadd.s32 $0x2, s31;
	s0 =	simm.s32 @!p0 $0x0  }
0x493: {  	s3 =	smov.u32 s26;
	p0 =	slt.s32 s2, s26;
	s0 =	smin.u32 s0, $0x1E84  }
0x494: {  	s3 =	smov.u32 @p0 s2;
	s0 =	sshll.u32 s0, $0x7  }
0x495: {  	v18 =	vmov s3;
	s0 =	sadd.s32 s4, s0  }
0x496: {  	[tilespmem:s18], [sflag:$0x2] =	stream.strided.gather [hbm4b:s0+s14], $0x2000, s15, s14, $0x38;
	[tilespmem:$0x1F980] =	vst v63  }
0x497: {  	_ =	swait.ge [sflag:s23], $0x2000  }
0x498: {  	[sflag:s23] =	ssyncset.done $0x0  }
0x499: {  	[sflag:s23] =	ssyncadd.s32 $0xFFFFE000  }
0x49a: {  	v18 =	vld.idx.msk [tilespmem:v18+s13+$0x0], $0xffff;
	_ =	sdelay $0x4  }
0x49b: {  	(v2sf) =	vpush v18, $0x0;
	_ =	sdelay $0xe  }
0x49c: {  	s0 =	spop (v2sf)  }
0x49d: {  	p0 =	sgt.s32 s1, s0  }
0x49e: {  	s0 =	smov.u32 @p0 s1  }
0x49f: {  	s0 =	smin.u32 s7, s0  }
0x4a0: {  	s0 =	ssub.s32 s0, s1  }
0x4a1: {  	s0 =	sshra.s32 s0, $0x4  }
0x4a2: {  	v19 =	vmov s0;
	s0 =	sadd.s32 $0x1, s0  }
0x4a3: {  	v20 =	vmov s0;
	_ =	sdelay $0x3  }
0x4a4: {  	v19 =	vld.idx.msk [tilespmem:v19+s20+$0x0], $0xffff  }
0x4a5: {  	v20 =	vld.idx.msk [tilespmem:v20+s20+$0x0], $0xffff;
	_ =	sdelay $0x3  }
0x4a6: {  	(v2sf) =	vpush v19, $0x0  }
0x4a7: {  	(v2sf) =	vpush v20, $0x0;
	_ =	sdelay $0xd  }
0x4a8: {  	s10 =	spop (v2sf)  }
0x4a9: {  	s11 =	spop (v2sf)  }
0x4aa: {  	s2 =	sadd.s32 $0xF, s11  }
0x4ab: {  	s0 =	sshra.s32 s10, $0x4;
	s2 =	sshra.s32 s2, $0x4  }
0x4ac: {  	p0 =	sle.s32 s2, s0  }
.Ltmp76:
0x4ad: {  	_ = 	snop;
	(pc) =	sbr.rel @p0 .LBB2_134-.Ltmp76, $1  }
0x4ae: {  	_ =	sdelay $0x3  }
0x4af: {  	s8 =	ssub.s32 s2, s0  }
0x4b0: {  	p1 =	seq.s32 s8, $0x1  }
.Ltmp77:
0x4b1: {  	_ = 	snop;
	(pc) =	sbr.rel @p1 .LBB2_121-.Ltmp77, $4  }
0x4b2: {  	s3 =	sshll.u32 s0, $0x6  }
0x4b3: {  	s11 =	sshra.s32 s3, $0x2  }
0x4b4: {  	s0 =	simm.s32 $0x0;
	s3 =	sadd.s32 $0x700, s11  }
0x4b5: {  	p0 =	por $0x0, $0x0;
	s8 =	sadd.s32 $0xFFFFFFFF, s8;
	s2 =	sadd.s32 $0xA80, s11;
	v19 =	vld [tilespmem:s3+$0x0]  }
0x4b6: {  	_ =	sdelay $0x3  }
0x4b7: {  	vm0 =	veq.s32 v19, v18  }
0x4b8: {  	v19 =	vmpcnt.ones.xlane vm0;
	_ =	sdelay $0x1  }
0x4b9: {  	(v2sf) =	vpush v19, $0x0;
	_ =	sdelay $0x1  }
0x4ba: {  	v20 =	vld [tilespmem:s2+$0x0]  }
0x4bb: {  	p1 =	seq.s32 s8, $0x1  }
.Ltmp78:
0x4bc: {  	_ = 	snop;
	(pc) =	sbr.rel @p1 .LBB2_126-.Ltmp78, $3  }
0x4bd: {  	_ =	sdelay $0x1  }
0x4be: {  	s10 =	sadd.s32 $0x10, s3;
	s11 =	sadd.s32 $0xFFFFFFFF, s8;
	[tilespmem:s0+$0xE00] =	vst.msk vm0, v20  }
0x4bf: {  	p0 =	por $0x1, $0x1;
	s3 =	smov.u32 s2;
	s8 =	simm.s32 $0x0;
	v19 =	vld [tilespmem:s10+$0x0]  }
.LBB2_127:
0x4c0: {  	p1 =	seq.s32 s11, $0x1;
	_ =	sdelay $0x1  }
0x4c1: {  	s3 =	sadd.s32 $0x10, s3  }
0x4c2: {  	v20 =	vld [tilespmem:s3+$0x0]  }
0x4c3: {  	vm0 =	veq.s32 v19, v18  }
0x4c4: {  	v19 =	vmpcnt.ones.xlane vm0  }
0x4c5: {  	s9 =	spop (v2sf)  }
0x4c6: {  	(v2sf) =	vpush v19, $0x0;
	s8 =	sadd.s32 s8, s9  }
0x4c7: {  	[tilespmem:s8+$0xE00] =	vst.msk vm0, v20;
	_ =	sdelay $0x2  }
.Ltmp79:
0x4c8: {  	(pc) =	sbr.rel @!p1 .LBB2_127-.Ltmp79, $3  }
0x4c9: {  	_ =	sdelay $0x1  }
0x4ca: {  	s10 =	sadd.s32 $0x10, s10  }
0x4cb: {  	s11 =	sadd.s32 $0xFFFFFFFF, s11;
	v19 =	vld [tilespmem:s10+$0x0]  }
.LBB2_128:
0x4cc: {  	_ =	sdelay $0x3  }
0x4cd: {  	vm0 =	veq.s32 v19, v18  }
0x4ce: {  	v18 =	vmpcnt.ones.xlane vm0;
	_ =	sdelay $0x1  }
0x4cf: {  	(v2sf) =	vpush v18, $0x0;
	_ =	sdelay $0x8  }
0x4d0: {  	s3 =	sadd.s32 @p0 $0x10, s3  }
0x4d1: {  	s2 =	smov.u32 @p0 s3  }
0x4d2: {  	v18 =	vld [tilespmem:s2+$0x0];
	_ =	sdelay $0x1  }
0x4d3: {  	s2 =	spop @p0 (v2sf)  }
0x4d4: {  	s2 =	sadd.s32 @p0 s8, s2  }
0x4d5: {  	s0 =	smov.u32 @p0 s2;
	s11 =	spop (v2sf)  }
0x4d6: {  	[tilespmem:s0+$0xE00] =	vst.msk vm0, v18;
	s0 =	sadd.s32 s0, s11  }
0x4d7: {  	p0 =	slt.s32 s0, $0x1  }
.Ltmp80:
0x4d8: {  	_ = 	snop;
	(pc) =	sbr.rel @p0 .LBB2_134-.Ltmp80, $1  }
0x4d9: {  	_ =	sdelay $0x3  }
0x4da: {  	p1 =	sne.s32 s0, $0x1  }
.Ltmp81:
0x4db: {  	_ = 	snop;
	(pc) =	sbr.rel @!p1 .LBB2_124-.Ltmp81, $4  }
0x4dc: {  	_ = 	snop  }
0x4dd: {  	s2 =	sshll.u32 s28, $0x9  }
0x4de: {  	s11 =	simm.s32 $0x0;
	s2 =	sshra.s32 s2, $0x2  }
0x4df: {  	s8 =	simm.s32 $0x1;
	p0 =	por $0x0, $0x0;
	v18 =	vmov s11;
	s3 =	sadd.s32 $0x7180, s2  }
0x4e0: {  	_ =	sdelay $0x3  }
0x4e1: {  	v18 =	vld.idx.msk [tilespmem:v18+s21+$0x0], $0xffff;
	_ =	sdelay $0x4  }
0x4e2: {  	v19 =	vand.u32 $0x7F, v18  }
0x4e3: {  	v20 =	vor.u32 v14, v19;
	_ =	sdelay $0x4  }
0x4e4: {  	v20 =	vld.idx.msk [tilespmem:v20+s16+$0x0], $0xffff  }
0x4e5: {  	v21 =	vor.u32 v15, v19  }
0x4e6: {  	(v2sf) =	vpush v18, $0x0;
	_ =	sdelay $0x2  }
0x4e7: {  	[tilespmem:s3+$0x0] =	vst v20  }
0x4e8: {  	v18 =	vld.idx.msk [tilespmem:v21+s16+$0x0], $0xffff  }
0x4e9: {  	v20 =	vor.u32 v16, v19;
	_ =	sdelay $0x3  }
0x4ea: {  	[tilespmem:s3+$0x10] =	vst v18  }
0x4eb: {  	v18 =	vld.idx.msk [tilespmem:v20+s16+$0x0], $0xffff  }
0x4ec: {  	v19 =	vor.u32 v17, v19;
	_ =	sdelay $0x3  }
0x4ed: {  	s2 =	spop (v2sf);
	[tilespmem:s3+$0x20] =	vst v18  }
0x4ee: {  	p1 =	sne.s32 s0, $0x2;
	s2 =	sshra.s32 s2, $0x7;
	v19 =	vld.idx.msk [tilespmem:v19+s16+$0x0], $0xffff  }
.Ltmp82:
0x4ef: {  	p0 =	sgt.s32 s2, $0x0;
	(pc) =	sbr.rel @!p1 .LBB2_130-.Ltmp82, $4  }
0x4f0: {  	s2 =	simm.s32 @!p0 $0x0;
	v18 =	vmov s8  }
0x4f1: {  	s9 =	smin.u32 s2, $0x3FFF  }
0x4f2: {  	s10 =	sadd.s32 $0x80, s3;
	s9 =	sshll.u32 s9, $0x4  }
0x4f3: {  	p0 =	por $0x1, $0x1;
	s2 =	simm.s32 $0x2;
	s11 =	sadd.s32 s6, s9;
	[tilespmem:s3+$0x30] =	vst v19  }
.LBB2_131:
0x4f4: {  	[hbm4b:s11+s5] =	stream.linear.scatter [tilespmem:s3], [sflag:$0x4], $0x80, $0x38;
	[tilespmem:$0x1F980] =	vst v63  }
0x4f5: {  	s8 =	smov.u32 s2;
	s2 =	sadd.s32 $0x1, s2;
	s3 =	smov.u32 s10;
	v18 =	vld.idx.msk [tilespmem:v18+s21+$0x0], $0xffff  }
0x4f6: {  	p1 =	sne.s32 s0, s2;
	_ =	sdelay $0x4  }
0x4f7: {  	v19 =	vand.u32 $0x7F, v18;
	(v2sf) =	vpush v18, $0x0  }
0x4f8: {  	v18 =	vor.u32 v14, v19;
	_ =	sdelay $0x4  }
0x4f9: {  	v18 =	vld.idx.msk [tilespmem:v18+s16+$0x0], $0xffff;
	_ =	sdelay $0x1  }
0x4fa: {  	v20 =	vor.u32 v15, v19;
	_ =	sdelay $0x3  }
0x4fb: {  	[tilespmem:s10+$0x0] =	vst v18  }
0x4fc: {  	v18 =	vld.idx.msk [tilespmem:v20+s16+$0x0], $0xffff;
	_ =	sdelay $0x1  }
0x4fd: {  	v20 =	vor.u32 v16, v19;
	s9 =	spop (v2sf)  }
0x4fe: {  	s9 =	sshra.s32 s9, $0x7  }
0x4ff: {  	p2 =	sgt.s32 s9, $0x0  }
0x500: {  	s9 =	simm.s32 @!p2 $0x0  }
0x501: {  	[tilespmem:s10+$0x10] =	vst v18;
	s9 =	smin.u32 s9, $0x3FFF  }
0x502: {  	v18 =	vld.idx.msk [tilespmem:v20+s16+$0x0], $0xffff;
	s9 =	sshll.u32 s9, $0x4;
	_ =	sdelay $0x1  }
0x503: {  	v19 =	vor.u32 v17, v19;
	_ =	sdelay $0x3  }
0x504: {  	[tilespmem:s10+$0x20] =	vst v18  }
0x505: {  	v19 =	vld.idx.msk [tilespmem:v19+s16+$0x0], $0xffff;
	_ =	sdelay $0x1  }
.Ltmp83:
0x506: {  	(pc) =	sbr.rel @p1 .LBB2_131-.Ltmp83, $2  }
0x507: {  	v18 =	vmov s8;
	_ =	sdelay $0x2  }
0x508: {  	s11 =	sadd.s32 s6, s9;
	s10 =	sadd.s32 $0x80, s10;
	[tilespmem:s3+$0x30] =	vst v19  }
.Ltmp84:
0x509: {  	(pc) =	sbr.rel .LBB2_133-.Ltmp84, $2  }
0x50a: {  	_ =	sdelay $0x2  }
0x50b: {  	s0 =	smov.u32 s3;
	s8 =	smov.u32 s2;
	s3 =	smov.u32 s10  }
.LBB2_91:
.Ltmp85:
0x50c: {  	(pc) =	sbr.rel .LBB2_98-.Ltmp85, $2  }
0x50d: {  	_ =	sdelay $0x2  }
0x50e: {  	s3 =	smov.u32 s2;
	s8 =	simm.s32 $0x0  }
.LBB2_106:
.Ltmp86:
0x50f: {  	(pc) =	sbr.rel .LBB2_113-.Ltmp86, $2  }
0x510: {  	_ =	sdelay $0x2  }
0x511: {  	s3 =	smov.u32 s2;
	s8 =	simm.s32 $0x0  }
.LBB2_121:
.Ltmp87:
0x512: {  	(pc) =	sbr.rel .LBB2_128-.Ltmp87, $2  }
0x513: {  	_ =	sdelay $0x2  }
0x514: {  	s3 =	smov.u32 s2;
	s8 =	simm.s32 $0x0  }
.LBB2_96:
.Ltmp88:
0x515: {  	(pc) =	sbr.rel .LBB2_98-.Ltmp88, $2  }
0x516: {  	_ =	sdelay $0x2  }
0x517: {  	s3 =	smov.u32 s2;
	s8 =	simm.s32 $0x0  }
.LBB2_111:
.Ltmp89:
0x518: {  	(pc) =	sbr.rel .LBB2_113-.Ltmp89, $2  }
0x519: {  	_ =	sdelay $0x2  }
0x51a: {  	s3 =	smov.u32 s2;
	s8 =	simm.s32 $0x0  }
.LBB2_126:
.Ltmp90:
0x51b: {  	(pc) =	sbr.rel .LBB2_128-.Ltmp90, $2  }
0x51c: {  	_ =	sdelay $0x2  }
0x51d: {  	s3 =	smov.u32 s2;
	s8 =	simm.s32 $0x0  }
.LBB2_94:
.Ltmp91:
0x51e: {  	(pc) =	sbr.rel .LBB2_103-.Ltmp91, $2  }
0x51f: {  	_ =	sdelay $0x2  }
0x520: {  	_ = 	snop  }
.LBB2_109:
.Ltmp92:
0x521: {  	(pc) =	sbr.rel .LBB2_118-.Ltmp92, $2  }
0x522: {  	_ =	sdelay $0x2  }
0x523: {  	_ = 	snop  }
.LBB2_100:
.Ltmp93:
0x524: {  	(pc) =	sbr.rel .LBB2_103-.Ltmp93, $2  }
0x525: {  	_ =	sdelay $0x2  }
0x526: {  	s0 =	smov.u32 s10;
	s8 =	simm.s32 $0x2;
	s10 =	smov.u32 s3  }
.LBB2_115:
.Ltmp94:
0x527: {  	(pc) =	sbr.rel .LBB2_118-.Ltmp94, $2  }
0x528: {  	_ =	sdelay $0x2  }
0x529: {  	s0 =	smov.u32 s3;
	s8 =	simm.s32 $0x2;
	s3 =	smov.u32 s10  }
.LBB2_130:
.Ltmp95:
0x52a: {  	(pc) =	sbr.rel .LBB2_133-.Ltmp95, $2  }
0x52b: {  	_ =	sdelay $0x2  }
0x52c: {  	s0 =	smov.u32 s3;
	s8 =	simm.s32 $0x2;
	s3 =	smov.u32 s10  }
.LBB2_6:
.Ltmp96:
0x52d: {  	(pc) =	sbr.rel .LBB2_10-.Ltmp96, $2  }
0x52e: {  	_ =	sdelay $0x2  }
0x52f: {  	s3 =	simm.s32 $0x380;
	s8 =	simm.s32 $0x0;
	p0 =	por $0x0, $0x0  }
.LBB2_11:
.Ltmp97:
0x530: {  	(pc) =	sbr.rel .LBB2_15-.Ltmp97, $2  }
0x531: {  	_ =	sdelay $0x2  }
0x532: {  	s2 =	simm.s32 $0x380;
	s0 =	smov.u32 s30  }
.LBB2_16:
.Ltmp98:
0x533: {  	(pc) =	sbr.rel .LBB2_20-.Ltmp98, $2  }
0x534: {  	_ =	sdelay $0x2  }
0x535: {  	s2 =	simm.s32 $0x380;
	s3 =	smov.u32 s0;
	p2 =	por $0x0, $0x0  }
.LBB2_21:
.Ltmp99:
0x536: {  	(pc) =	sbr.rel .LBB2_25-.Ltmp99, $2  }
0x537: {  	_ =	sdelay $0x2  }
0x538: {  	s8 =	simm.s32 $0x380;
	s2 =	smov.u32 s3  }
.LBB2_26:
.Ltmp100:
0x539: {  	(pc) =	sbr.rel .LBB2_30-.Ltmp100, $2  }
0x53a: {  	_ =	sdelay $0x2  }
0x53b: {  	s0 =	simm.s32 $0x380;
	s2 =	smov.u32 s30;
	p2 =	por $0x0, $0x0  }
.LBB2_31:
.Ltmp101:
0x53c: {  	(pc) =	sbr.rel .LBB2_35-.Ltmp101, $2  }
0x53d: {  	_ =	sdelay $0x2  }
0x53e: {  	s8 =	simm.s32 $0x380;
	s2 =	smov.u32 s3  }
.LBB2_36:
.Ltmp102:
0x53f: {  	(pc) =	sbr.rel .LBB2_40-.Ltmp102, $2  }
0x540: {  	_ =	sdelay $0x2  }
0x541: {  	s0 =	simm.s32 $0x380;
	s2 =	smov.u32 s30;
	p2 =	por $0x0, $0x0  }
.LBB2_41:
.Ltmp103:
0x542: {  	(pc) =	sbr.rel .LBB2_45-.Ltmp103, $2  }
0x543: {  	_ =	sdelay $0x2  }
0x544: {  	s8 =	simm.s32 $0x380;
	s2 =	smov.u32 s3  }
.LBB2_46:
.Ltmp104:
0x545: {  	(pc) =	sbr.rel .LBB2_50-.Ltmp104, $2  }
0x546: {  	_ =	sdelay $0x2  }
0x547: {  	s0 =	simm.s32 $0x380;
	s2 =	smov.u32 s30;
	p2 =	por $0x0, $0x0  }
.LBB2_51:
.Ltmp105:
0x548: {  	(pc) =	sbr.rel .LBB2_55-.Ltmp105, $2  }
0x549: {  	_ =	sdelay $0x2  }
0x54a: {  	s8 =	simm.s32 $0x380;
	s2 =	smov.u32 s3  }
.LBB2_56:
.Ltmp106:
0x54b: {  	(pc) =	sbr.rel .LBB2_60-.Ltmp106, $2  }
0x54c: {  	_ =	sdelay $0x2  }
0x54d: {  	s0 =	simm.s32 $0x380;
	s2 =	smov.u32 s30;
	p2 =	por $0x0, $0x0  }
.LBB2_61:
.Ltmp107:
0x54e: {  	(pc) =	sbr.rel .LBB2_65-.Ltmp107, $2  }
0x54f: {  	_ =	sdelay $0x2  }
0x550: {  	s8 =	simm.s32 $0x380;
	s2 =	smov.u32 s3  }
.LBB2_66:
.Ltmp108:
0x551: {  	(pc) =	sbr.rel .LBB2_70-.Ltmp108, $2  }
0x552: {  	_ =	sdelay $0x2  }
0x553: {  	s0 =	simm.s32 $0x380;
	s2 =	smov.u32 s30;
	p2 =	por $0x0, $0x0  }
.LBB2_71:
.Ltmp109:
0x554: {  	(pc) =	sbr.rel .LBB2_75-.Ltmp109, $2  }
0x555: {  	_ =	sdelay $0x2  }
0x556: {  	s8 =	simm.s32 $0x380;
	s2 =	smov.u32 s3  }
.LBB2_76:
.Ltmp110:
0x557: {  	(pc) =	sbr.rel .LBB2_80-.Ltmp110, $2  }
0x558: {  	_ =	sdelay $0x2  }
0x559: {  	s0 =	simm.s32 $0x380;
	s2 =	smov.u32 s30;
	p2 =	por $0x0, $0x0  }
.LBB2_81:
.Ltmp111:
0x55a: {  	(pc) =	sbr.rel .LBB2_85-.Ltmp111, $2  }
0x55b: {  	_ =	sdelay $0x2  }
0x55c: {  	s8 =	simm.s32 $0x380;
	s2 =	smov.u32 s0  }
.LBB2_8:
.Ltmp112:
0x55d: {  	(pc) =	sbr.rel .LBB2_10-.Ltmp112, $2  }
0x55e: {  	_ =	sdelay $0x2  }
0x55f: {  	s3 =	simm.s32 $0x380;
	s8 =	simm.s32 $0x0  }
.LBB2_13:
.Ltmp113:
0x560: {  	(pc) =	sbr.rel .LBB2_15-.Ltmp113, $2  }
0x561: {  	_ =	sdelay $0x2  }
0x562: {  	s2 =	simm.s32 $0x380;
	s0 =	smov.u32 s30  }
.LBB2_18:
.Ltmp114:
0x563: {  	(pc) =	sbr.rel .LBB2_20-.Ltmp114, $2  }
0x564: {  	_ =	sdelay $0x2  }
0x565: {  	s2 =	simm.s32 $0x380;
	s3 =	smov.u32 s0  }
.LBB2_23:
.Ltmp115:
0x566: {  	(pc) =	sbr.rel .LBB2_25-.Ltmp115, $2  }
0x567: {  	_ =	sdelay $0x2  }
0x568: {  	s8 =	simm.s32 $0x380;
	s2 =	smov.u32 s3  }
.LBB2_28:
.Ltmp116:
0x569: {  	(pc) =	sbr.rel .LBB2_30-.Ltmp116, $2  }
0x56a: {  	_ =	sdelay $0x2  }
0x56b: {  	s0 =	simm.s32 $0x380;
	s2 =	smov.u32 s30  }
.LBB2_33:
.Ltmp117:
0x56c: {  	(pc) =	sbr.rel .LBB2_35-.Ltmp117, $2  }
0x56d: {  	_ =	sdelay $0x2  }
0x56e: {  	s8 =	simm.s32 $0x380;
	s2 =	smov.u32 s3  }
.LBB2_38:
.Ltmp118:
0x56f: {  	(pc) =	sbr.rel .LBB2_40-.Ltmp118, $2  }
0x570: {  	_ =	sdelay $0x2  }
0x571: {  	s0 =	simm.s32 $0x380;
	s2 =	smov.u32 s30  }
.LBB2_43:
.Ltmp119:
0x572: {  	(pc) =	sbr.rel .LBB2_45-.Ltmp119, $2  }
0x573: {  	_ =	sdelay $0x2  }
0x574: {  	s8 =	simm.s32 $0x380;
	s2 =	smov.u32 s3  }
.LBB2_48:
.Ltmp120:
0x575: {  	(pc) =	sbr.rel .LBB2_50-.Ltmp120, $2  }
0x576: {  	_ =	sdelay $0x2  }
0x577: {  	s0 =	simm.s32 $0x380;
	s2 =	smov.u32 s30  }
.LBB2_53:
.Ltmp121:
0x578: {  	(pc) =	sbr.rel .LBB2_55-.Ltmp121, $2  }
0x579: {  	_ =	sdelay $0x2  }
0x57a: {  	s8 =	simm.s32 $0x380;
	s2 =	smov.u32 s3  }
.LBB2_58:
.Ltmp122:
0x57b: {  	(pc) =	sbr.rel .LBB2_60-.Ltmp122, $2  }
0x57c: {  	_ =	sdelay $0x2  }
0x57d: {  	s0 =	simm.s32 $0x380;
	s2 =	smov.u32 s30  }
.LBB2_63:
.Ltmp123:
0x57e: {  	(pc) =	sbr.rel .LBB2_65-.Ltmp123, $2  }
0x57f: {  	_ =	sdelay $0x2  }
0x580: {  	s8 =	simm.s32 $0x380;
	s2 =	smov.u32 s3  }
.LBB2_68:
.Ltmp124:
0x581: {  	(pc) =	sbr.rel .LBB2_70-.Ltmp124, $2  }
0x582: {  	_ =	sdelay $0x2  }
0x583: {  	s0 =	simm.s32 $0x380;
	s2 =	smov.u32 s30  }
.LBB2_73:
.Ltmp125:
0x584: {  	(pc) =	sbr.rel .LBB2_75-.Ltmp125, $2  }
0x585: {  	_ =	sdelay $0x2  }
0x586: {  	s8 =	simm.s32 $0x380;
	s2 =	smov.u32 s3  }
.LBB2_78:
.Ltmp126:
0x587: {  	(pc) =	sbr.rel .LBB2_80-.Ltmp126, $2  }
0x588: {  	_ =	sdelay $0x2  }
0x589: {  	s0 =	simm.s32 $0x380;
	s2 =	smov.u32 s30  }
.LBB2_83:
.Ltmp127:
0x58a: {  	(pc) =	sbr.rel .LBB2_85-.Ltmp127, $2  }
0x58b: {  	_ =	sdelay $0x2  }
0x58c: {  	s8 =	simm.s32 $0x380;
	s2 =	smov.u32 s0  }
.LBB2_140:
0x58d: {  	_ =	sfence.sel $0x180000  }
0x58e: {  	[bflag:$0x0] =	sbarrier.arrive $0xFFFF  }
0x58f: {  	_ =	strace $0x90000047  }
0x590: {  	s0 =	stileid.u32;
	[bflag:$0x2] =	sbarrier.arrive $0xFFFF  }
0x591: {  	p0 =	sne.s32 s0, $0x0;
	s0 =	rddreg [dreg:$0x3]  }
0x592: {  	s0 =	sadd.s32 @!p0 $0x100000, s0  }
0x593: {  	[sflag:s0] =	ssyncadd.tile.s32 @!p0 $0x1;
	_ =	shalt  }
.Lfunc_end2:
_tile_overlayer_lowered:
.L_overlay_start_2:
0x594: {  	(tag) =	ssettag $0x2  }
0x595: {  	s0 =	rddreg [dreg:$0x0];
	s2 =	stileid.u32  }
0x596: {  	s1 =	rddreg [dreg:$0x1];
	p0 =	sne.s32 s2, $0x0  }
0x597: {  	s3 =	rddreg [dreg:$0x2];
	[bflag:$0x3] =	sbarrier.arrive $0xFFFF;
	s2 =	simm.s32 @!p0 $0x1C05  }
0x598: {  	[timem:s3], [sflag:s2] =	dma.local @!p0 [hbm:s0], s1  }
0x599: {  	s0 =	simm.s32 @!p0 $0x5  }
0x59a: {  	_ =	swait.ge @!p0 [sflag:s0], s1  }
0x59b: {  	s1 =	ssub.s32 @!p0 $0x0, s1;
	[sflag:s0] =	ssyncset.done @!p0 $0x0  }
0x59c: {  	[sflag:s0] =	ssyncadd.s32 @!p0 s1  }
0x59d: {  	[bflag:$0x3] =	sbarrier.arrive $0xFFFF  }
0x59e: {  	_ =	shalt  }

</sc_bundles>
